<compile_context>
chip_gen: v7x
topology: tpu7x:2x2x1
jax: 0.10.2.dev20260603
libtpu: 0.0.44.dev20260713+nightly
codegen_flags: <defaults>
</compile_context>

<pallas_src>
import functools

import jax
import jax.numpy as jnp
from jax import lax
from jax.experimental import pallas as pl
from jax.experimental.pallas import tpu as pltpu
from jax.experimental.pallas import tpu_sc as plsc

B = 4096
S = 50
V = 100000
D = 128
T = B * S
L = 16
NC = 2
NS = 16
NW = NC * NS
TPW = T // NW
C = 128
NCHUNK = TPW // C

_mesh = plsc.VectorSubcoreMesh(core_axis_name="c", subcore_axis_name="s")

_DNUMS = lax.GatherDimensionNumbers(
    offset_dims=(), collapsed_slice_dims=(0,), start_index_map=(0,))


@functools.partial(
    pl.kernel,
    mesh=_mesh,
    out_type=jax.ShapeDtypeStruct((T, 2 * D), jnp.float32),
    scratch_types=[
        pltpu.VMEM((C,), jnp.int32),
        pltpu.VMEM((C,), jnp.float32),
        pltpu.VMEM((C, D), jnp.float32),
        pltpu.VMEM((C, D), jnp.float32),
        pltpu.SemaphoreType.DMA,
    ],
)
def _emb_lookup(idx_hbm, mask_hbm, glove_hbm, fast_hbm, out_hbm,
                idxb, mb, gb, fb, sem):
    wid = lax.axis_index("s") * NC + lax.axis_index("c")
    wbase = wid * TPW

    def chunk_body(c, carry):
        base = wbase + c * C
        pltpu.sync_copy(idx_hbm.at[pl.ds(base, C)], idxb)
        pltpu.sync_copy(mask_hbm.at[pl.ds(base, C)], mb)
        cg = pltpu.async_copy(glove_hbm.at[idxb], gb, sem)
        cf = pltpu.async_copy(fast_hbm.at[idxb], fb, sem)
        cg.wait()
        cf.wait()

        def group_body(g, rcarry):
            mvec = mb[pl.ds(g * L, L)]
            for j in range(L):
                m = lax.gather(
                    mvec,
                    jnp.full((L, 1), j, jnp.int32),
                    _DNUMS,
                    (1,),
                    mode=lax.GatherScatterMode.PROMISE_IN_BOUNDS,
                )
                i = g * L + j
                for k in range(D // L):
                    sl = pl.ds(k * L, L)
                    gb[i, sl] = gb[i, sl] * m
                    fb[i, sl] = fb[i, sl] * m
            return rcarry

        lax.fori_loop(0, C // L, group_body, 0)

        wg = pltpu.async_copy(gb, out_hbm.at[pl.ds(base, C), pl.ds(0, D)], sem)
        wf = pltpu.async_copy(fb, out_hbm.at[pl.ds(base, C), pl.ds(D, D)], sem)
        wg.wait()
        wf.wait()
        return carry

    lax.fori_loop(0, NCHUNK, chunk_body, 0)


def kernel(inputs, mask, glove_table, fasttext_table):
    idx = inputs.reshape(T)
    m = mask.reshape(T)
    out = _emb_lookup(idx, m, glove_table, fasttext_table)
    return out.reshape(B, S, 2 * D)

# --- scband reference (transcript-rebuilt; emitter-appended) ---
"""Pipeline reference for scband-glove-fasttext-47751446397316 (READ-ONLY COPY).

The authoritative reference and input builder live on the scoring server;
editing this copy changes nothing except your own understanding.
"""

import jax, jax.numpy as jnp
import numpy as np

VOCAB = 100000
GLOVE_DIM = 128
FASTTEXT_DIM = 128
BATCH = 4096
SEQ = 50

def setup_inputs(seed: int = 0) -> dict:
    key = jax.random.key(seed)
    k1, k2, k3 = jax.random.split(key, 3)
    inputs = jax.random.randint(k1, (BATCH, SEQ), 0, VOCAB, dtype=jnp.int64 if jax.config.jax_enable_x64 else jnp.int32).astype(jnp.int32)
    mask = jnp.ones((BATCH, SEQ), dtype=jnp.float32)
    glove_table = jax.random.normal(k2, (VOCAB, GLOVE_DIM), dtype=jnp.float32)
    fasttext_table = jax.random.normal(k3, (VOCAB, FASTTEXT_DIM), dtype=jnp.float32)
    return {"inputs": inputs, "mask": mask, "glove_table": glove_table, "fasttext_table": fasttext_table}

def reference(inputs, mask, glove_table, fasttext_table):
    # Original layer: per word, fetch glove vector and fasttext vector,
    # concatenate along feature axis, then multiply by expanded mask.
    glove_vecs = jnp.take(glove_table, inputs, axis=0)        # [B, S, GLOVE_DIM]
    fasttext_vecs = jnp.take(fasttext_table, inputs, axis=0)  # [B, S, FASTTEXT_DIM]
    out = jnp.concatenate((glove_vecs, fasttext_vecs), axis=-1)  # [B, S, GLOVE_DIM+FASTTEXT_DIM]
    return jnp.expand_dims(mask, axis=-1) * out

if __name__ == "__main__":
    import jax
    _d = setup_inputs()
    print(jax.jit(kernel)(*tuple(_d.values())))

</pallas_src>

<mosaic_0001>
#map = affine_map<(d0, d1) -> (0)>
#map1 = affine_map<(d0, d1) -> (0, 0)>
module attributes {stable_mosaic.version = 14 : i64} {
  func.func @_emb_lookup(%arg0: i32, %arg1: i32, %arg2: memref<204800xi32, #tpu.memory_space<hbm>>, %arg3: memref<204800xf32, #tpu.memory_space<hbm>>, %arg4: memref<100000x128xf32, #tpu.memory_space<hbm>>, %arg5: memref<100000x128xf32, #tpu.memory_space<hbm>>, %arg6: memref<204800x256xf32, #tpu.memory_space<hbm>>, %arg7: memref<128xi32, #tpu.memory_space<vmem>>, %arg8: memref<128xf32, #tpu.memory_space<vmem>>, %arg9: memref<128x128xf32, #tpu.memory_space<vmem>>, %arg10: memref<128x128xf32, #tpu.memory_space<vmem>>, %arg11: memref<!tpu.dma_semaphore, #tpu.memory_space<semaphore_mem>>) attributes {dimension_semantics = [#tpu.dimension_semantics<core_parallel>, #tpu.dimension_semantics<subcore_parallel>], iteration_bounds = array<i64: 2, 16>, scalar_prefetch = 0 : i64, scratch_operands = 5 : i64, tpu.core_type = #tpu.core_type<sc_vector_subcore>, window_params = [{transform_indices = #map}, {transform_indices = #map}, {transform_indices = #map1}, {transform_indices = #map1}, {transform_indices = #map1}]} {
    %mul3A = arith.constant 2 : i32
    %mul3A_0 = arith.muli %arg1, %mul3A : i32
    %add3A = arith.addi %mul3A_0, %arg0 : i32
    %mul3A_1 = arith.constant 6400 : i32
    %mul3A_2 = arith.muli %add3A, %mul3A_1 : i32
    %scan3A = arith.constant 0 : i32
    %scan3A_3 = arith.constant 0 : i32
    %scan3A_4 = arith.constant 50 : i32
    %scan3A_5 = arith.addi %scan3A_3, %scan3A_4 : i32
    %scan3A_6 = arith.constant 1 : i32
    scf.for %scan3A_8 = %scan3A_3 to %scan3A_5 step %scan3A_6  : i32 {
      %mul3A_9 = arith.constant 128 : i32
      %mul3A_10 = arith.muli %scan3A_8, %mul3A_9 : i32
      %add3A_11 = arith.addi %mul3A_2, %mul3A_10 : i32
      "tpu.region"() ({
        %run_scoped3A = tpu.sem_alloc : memref<!tpu.dma_semaphore, #tpu.memory_space<semaphore_mem>>
        %dma_start3A_44 = tpu.memref_slice %arg2[%add3A_11] : memref<204800xi32, #tpu.memory_space<hbm>> -> memref<128xi32, #tpu.memory_space<hbm>>
        %dma_start3A_45 = tpu.memref_slice %arg2[%add3A_11] : memref<204800xi32, #tpu.memory_space<hbm>> -> memref<128xi32, #tpu.memory_space<hbm>>
        tpu.enqueue_dma source(%dma_start3A_45 : memref<128xi32, #tpu.memory_space<hbm>>) target(%arg7 : memref<128xi32, #tpu.memory_space<vmem>>) target_semaphore(%run_scoped3A : memref<!tpu.dma_semaphore, #tpu.memory_space<semaphore_mem>>)
        %dma_wait3A_46 = tpu.memref_slice %arg2[%add3A_11] : memref<204800xi32, #tpu.memory_space<hbm>> -> memref<128xi32, #tpu.memory_space<hbm>>
        %dma_wait3A_47 = tpu.memref_slice %arg2[%add3A_11] : memref<204800xi32, #tpu.memory_space<hbm>> -> memref<128xi32, #tpu.memory_space<hbm>>
        tpu.wait_dma2 semaphore(%run_scoped3A : memref<!tpu.dma_semaphore, #tpu.memory_space<semaphore_mem>>) src(%dma_wait3A_47 : memref<128xi32, #tpu.memory_space<hbm>>) dst(%arg7 : memref<128xi32, #tpu.memory_space<vmem>>)
        tpu.yield
      }) : () -> ()
      "tpu.region"() ({
        %run_scoped3A = tpu.sem_alloc : memref<!tpu.dma_semaphore, #tpu.memory_space<semaphore_mem>>
        %dma_start3A_44 = tpu.memref_slice %arg3[%add3A_11] : memref<204800xf32, #tpu.memory_space<hbm>> -> memref<128xf32, #tpu.memory_space<hbm>>
        %dma_start3A_45 = tpu.memref_slice %arg3[%add3A_11] : memref<204800xf32, #tpu.memory_space<hbm>> -> memref<128xf32, #tpu.memory_space<hbm>>
        tpu.enqueue_dma source(%dma_start3A_45 : memref<128xf32, #tpu.memory_space<hbm>>) target(%arg8 : memref<128xf32, #tpu.memory_space<vmem>>) target_semaphore(%run_scoped3A : memref<!tpu.dma_semaphore, #tpu.memory_space<semaphore_mem>>)
        %dma_wait3A_46 = tpu.memref_slice %arg3[%add3A_11] : memref<204800xf32, #tpu.memory_space<hbm>> -> memref<128xf32, #tpu.memory_space<hbm>>
        %dma_wait3A_47 = tpu.memref_slice %arg3[%add3A_11] : memref<204800xf32, #tpu.memory_space<hbm>> -> memref<128xf32, #tpu.memory_space<hbm>>
        tpu.wait_dma2 semaphore(%run_scoped3A : memref<!tpu.dma_semaphore, #tpu.memory_space<semaphore_mem>>) src(%dma_wait3A_47 : memref<128xf32, #tpu.memory_space<hbm>>) dst(%arg8 : memref<128xf32, #tpu.memory_space<vmem>>)
        tpu.yield
      }) : () -> ()
      %dma_start3A = arith.constant 0 : i32
      %dma_start3A_12 = arith.constant 0 : i32
      %dma_start3A_13 = tpu.memref_slice %arg4[%dma_start3A, %dma_start3A_12] : memref<100000x128xf32, #tpu.memory_space<hbm>> -> memref<100000x128xf32, #tpu.memory_space<hbm>>
      tpu.enqueue_indirect_dma source(%dma_start3A_13 : memref<100000x128xf32, #tpu.memory_space<hbm>>) target(%arg9 : memref<128x128xf32, #tpu.memory_space<vmem>>) offsets(%arg7 : memref<128xi32, #tpu.memory_space<vmem>>) semaphore(%arg11 : memref<!tpu.dma_semaphore, #tpu.memory_space<semaphore_mem>>)
      %dma_start3A_14 = arith.constant 0 : i32
      %dma_start3A_15 = arith.constant 0 : i32
      %dma_start3A_16 = tpu.memref_slice %arg5[%dma_start3A_14, %dma_start3A_15] : memref<100000x128xf32, #tpu.memory_space<hbm>> -> memref<100000x128xf32, #tpu.memory_space<hbm>>
      tpu.enqueue_indirect_dma source(%dma_start3A_16 : memref<100000x128xf32, #tpu.memory_space<hbm>>) target(%arg10 : memref<128x128xf32, #tpu.memory_space<vmem>>) offsets(%arg7 : memref<128xi32, #tpu.memory_space<vmem>>) semaphore(%arg11 : memref<!tpu.dma_semaphore, #tpu.memory_space<semaphore_mem>>)
      %dma_wait3A = arith.constant 0 : i32
      %dma_wait3A_17 = arith.constant 0 : i32
      %dma_wait3A_18 = tpu.memref_slice %arg4[%dma_wait3A, %dma_wait3A_17] : memref<100000x128xf32, #tpu.memory_space<hbm>> -> memref<100000x128xf32, #tpu.memory_space<hbm>>
      tpu.wait_indirect_dma semaphore(%arg11 : memref<!tpu.dma_semaphore, #tpu.memory_space<semaphore_mem>>) src(%dma_wait3A_18 : memref<100000x128xf32, #tpu.memory_space<hbm>>) dst(%arg9 : memref<128x128xf32, #tpu.memory_space<vmem>>)
      %dma_wait3A_19 = arith.constant 0 : i32
      %dma_wait3A_20 = arith.constant 0 : i32
      %dma_wait3A_21 = tpu.memref_slice %arg5[%dma_wait3A_19, %dma_wait3A_20] : memref<100000x128xf32, #tpu.memory_space<hbm>> -> memref<100000x128xf32, #tpu.memory_space<hbm>>
      tpu.wait_indirect_dma semaphore(%arg11 : memref<!tpu.dma_semaphore, #tpu.memory_space<semaphore_mem>>) src(%dma_wait3A_21 : memref<100000x128xf32, #tpu.memory_space<hbm>>) dst(%arg10 : memref<128x128xf32, #tpu.memory_space<vmem>>)
      %scan3A_22 = arith.constant 0 : i32
      %scan3A_23 = arith.constant 0 : i32
      %scan3A_24 = arith.constant 8 : i32
      %scan3A_25 = arith.addi %scan3A_23, %scan3A_24 : i32
      %scan3A_26 = arith.constant 1 : i32
      scf.for %scan3A_44 = %scan3A_23 to %scan3A_25 step %scan3A_26  : i32 {
        %mul3A_45 = arith.constant 16 : i32
        %mul3A_46 = arith.muli %scan3A_44, %mul3A_45 : i32
        %get3A = arith.index_cast %mul3A_46 : i32 to index
        %get3A_47 = tpu.vector_load %arg8[%get3A] {strides = array<i32>} : memref<128xf32, #tpu.memory_space<vmem>>, vector<16xf32>,
        %get3A_48 = vector.shape_cast %get3A_47 : vector<16xf32> to vector<16xf32>
        %broadcast_in_dim3A = arith.constant 0 : i32
        %broadcast_in_dim3A_49 = vector.broadcast %broadcast_in_dim3A : i32 to vector<16x1xi32>
        %gather3A = vector.shape_cast %broadcast_in_dim3A_49 : vector<16x1xi32> to vector<16xi32>
        %gather3A_50 = tpu.dynamic_gather %get3A_48[%gather3A] in [0] : vector<16xf32>, vector<16xi32> -> vector<16xf32>
        %mul3A_51 = arith.constant 16 : i32
        %mul3A_52 = arith.muli %scan3A_44, %mul3A_51 : i32
        %add3A_53 = arith.constant 0 : i32
        %add3A_54 = arith.addi %mul3A_52, %add3A_53 : i32
        %get3A_55 = arith.index_cast %add3A_54 : i32 to index
        %get3A_56 = arith.constant 0 : index
        %get3A_57 = tpu.vector_load %arg9[%get3A_55, %get3A_56] {strides = array<i32>} : memref<128x128xf32, #tpu.memory_space<vmem>>, vector<1x16xf32>,
        %get3A_58 = vector.shape_cast %get3A_57 : vector<1x16xf32> to vector<16xf32>
        %mul3A_59 = arith.mulf %get3A_58, %gather3A_50 : vector<16xf32>
        %swap3A = arith.index_cast %add3A_54 : i32 to index
        %swap3A_60 = arith.constant 0 : index
        %swap3A_61 = tpu.vector_load %arg9[%swap3A, %swap3A_60] {strides = array<i32>} : memref<128x128xf32, #tpu.memory_space<vmem>>, vector<1x16xf32>,
        %swap3A_62 = vector.shape_cast %swap3A_61 : vector<1x16xf32> to vector<16xf32>
        %swap3A_63 = vector.shape_cast %mul3A_59 : vector<16xf32> to vector<1x16xf32>
        tpu.vector_store %arg9[%swap3A, %swap3A_60], %swap3A_63 {strides = array<i32>} : memref<128x128xf32, #tpu.memory_space<vmem>>, vector<1x16xf32>,
        %get3A_64 = arith.index_cast %add3A_54 : i32 to index
        %get3A_65 = arith.constant 0 : index
        %get3A_66 = tpu.vector_load %arg10[%get3A_64, %get3A_65] {strides = array<i32>} : memref<128x128xf32, #tpu.memory_space<vmem>>, vector<1x16xf32>,
        %get3A_67 = vector.shape_cast %get3A_66 : vector<1x16xf32> to vector<16xf32>
        %mul3A_68 = arith.mulf %get3A_67, %gather3A_50 : vector<16xf32>
        %swap3A_69 = arith.index_cast %add3A_54 : i32 to index
        %swap3A_70 = arith.constant 0 : index
        %swap3A_71 = tpu.vector_load %arg10[%swap3A_69, %swap3A_70] {strides = array<i32>} : memref<128x128xf32, #tpu.memory_space<vmem>>, vector<1x16xf32>,
        %swap3A_72 = vector.shape_cast %swap3A_71 : vector<1x16xf32> to vector<16xf32>
        %swap3A_73 = vector.shape_cast %mul3A_68 : vector<16xf32> to vector<1x16xf32>
        tpu.vector_store %arg10[%swap3A_69, %swap3A_70], %swap3A_73 {strides = array<i32>} : memref<128x128xf32, #tpu.memory_space<vmem>>, vector<1x16xf32>,
        %get3A_74 = arith.index_cast %add3A_54 : i32 to index
        %get3A_75 = arith.constant 16 : index
        %get3A_76 = tpu.vector_load %arg9[%get3A_74, %get3A_75] {strides = array<i32>} : memref<128x128xf32, #tpu.memory_space<vmem>>, vector<1x16xf32>,
        %get3A_77 = vector.shape_cast %get3A_76 : vector<1x16xf32> to vector<16xf32>
        %mul3A_78 = arith.mulf %get3A_77, %gather3A_50 : vector<16xf32>
        %swap3A_79 = arith.index_cast %add3A_54 : i32 to index
        %swap3A_80 = arith.constant 16 : index
        %swap3A_81 = tpu.vector_load %arg9[%swap3A_79, %swap3A_80] {strides = array<i32>} : memref<128x128xf32, #tpu.memory_space<vmem>>, vector<1x16xf32>,
        %swap3A_82 = vector.shape_cast %swap3A_81 : vector<1x16xf32> to vector<16xf32>
        %swap3A_83 = vector.shape_cast %mul3A_78 : vector<16xf32> to vector<1x16xf32>
        tpu.vector_store %arg9[%swap3A_79, %swap3A_80], %swap3A_83 {strides = array<i32>} : memref<128x128xf32, #tpu.memory_space<vmem>>, vector<1x16xf32>,
        %get3A_84 = arith.index_cast %add3A_54 : i32 to index
        %get3A_85 = arith.constant 16 : index
        %get3A_86 = tpu.vector_load %arg10[%get3A_84, %get3A_85] {strides = array<i32>} : memref<128x128xf32, #tpu.memory_space<vmem>>, vector<1x16xf32>,
        %get3A_87 = vector.shape_cast %get3A_86 : vector<1x16xf32> to vector<16xf32>
        %mul3A_88 = arith.mulf %get3A_87, %gather3A_50 : vector<16xf32>
        %swap3A_89 = arith.index_cast %add3A_54 : i32 to index
        %swap3A_90 = arith.constant 16 : index
        %swap3A_91 = tpu.vector_load %arg10[%swap3A_89, %swap3A_90] {strides = array<i32>} : memref<128x128xf32, #tpu.memory_space<vmem>>, vector<1x16xf32>,
        %swap3A_92 = vector.shape_cast %swap3A_91 : vector<1x16xf32> to vector<16xf32>
        %swap3A_93 = vector.shape_cast %mul3A_88 : vector<16xf32> to vector<1x16xf32>
        tpu.vector_store %arg10[%swap3A_89, %swap3A_90], %swap3A_93 {strides = array<i32>} : memref<128x128xf32, #tpu.memory_space<vmem>>, vector<1x16xf32>,
        %get3A_94 = arith.index_cast %add3A_54 : i32 to index
        %get3A_95 = arith.constant 32 : index
        %get3A_96 = tpu.vector_load %arg9[%get3A_94, %get3A_95] {strides = array<i32>} : memref<128x128xf32, #tpu.memory_space<vmem>>, vector<1x16xf32>,
        %get3A_97 = vector.shape_cast %get3A_96 : vector<1x16xf32> to vector<16xf32>
        %mul3A_98 = arith.mulf %get3A_97, %gather3A_50 : vector<16xf32>
        %swap3A_99 = arith.index_cast %add3A_54 : i32 to index
        %swap3A_100 = arith.constant 32 : index
        %swap3A_101 = tpu.vector_load %arg9[%swap3A_99, %swap3A_100] {strides = array<i32>} : memref<128x128xf32, #tpu.memory_space<vmem>>, vector<1x16xf32>,
        %swap3A_102 = vector.shape_cast %swap3A_101 : vector<1x16xf32> to vector<16xf32>
        %swap3A_103 = vector.shape_cast %mul3A_98 : vector<16xf32> to vector<1x16xf32>
        tpu.vector_store %arg9[%swap3A_99, %swap3A_100], %swap3A_103 {strides = array<i32>} : memref<128x128xf32, #tpu.memory_space<vmem>>, vector<1x16xf32>,
        %get3A_104 = arith.index_cast %add3A_54 : i32 to index
        %get3A_105 = arith.constant 32 : index
        %get3A_106 = tpu.vector_load %arg10[%get3A_104, %get3A_105] {strides = array<i32>} : memref<128x128xf32, #tpu.memory_space<vmem>>, vector<1x16xf32>,
        %get3A_107 = vector.shape_cast %get3A_106 : vector<1x16xf32> to vector<16xf32>
        %mul3A_108 = arith.mulf %get3A_107, %gather3A_50 : vector<16xf32>
        %swap3A_109 = arith.index_cast %add3A_54 : i32 to index
        %swap3A_110 = arith.constant 32 : index
        %swap3A_111 = tpu.vector_load %arg10[%swap3A_109, %swap3A_110] {strides = array<i32>} : memref<128x128xf32, #tpu.memory_space<vmem>>, vector<1x16xf32>,
        %swap3A_112 = vector.shape_cast %swap3A_111 : vector<1x16xf32> to vector<16xf32>
        %swap3A_113 = vector.shape_cast %mul3A_108 : vector<16xf32> to vector<1x16xf32>
        tpu.vector_store %arg10[%swap3A_109, %swap3A_110], %swap3A_113 {strides = array<i32>} : memref<128x128xf32, #tpu.memory_space<vmem>>, vector<1x16xf32>,
        %get3A_114 = arith.index_cast %add3A_54 : i32 to index
        %get3A_115 = arith.constant 48 : index
        %get3A_116 = tpu.vector_load %arg9[%get3A_114, %get3A_115] {strides = array<i32>} : memref<128x128xf32, #tpu.memory_space<vmem>>, vector<1x16xf32>,
        %get3A_117 = vector.shape_cast %get3A_116 : vector<1x16xf32> to vector<16xf32>
        %mul3A_118 = arith.mulf %get3A_117, %gather3A_50 : vector<16xf32>
        %swap3A_119 = arith.index_cast %add3A_54 : i32 to index
        %swap3A_120 = arith.constant 48 : index
        %swap3A_121 = tpu.vector_load %arg9[%swap3A_119, %swap3A_120] {strides = array<i32>} : memref<128x128xf32, #tpu.memory_space<vmem>>, vector<1x16xf32>,
        %swap3A_122 = vector.shape_cast %swap3A_121 : vector<1x16xf32> to vector<16xf32>
        %swap3A_123 = vector.shape_cast %mul3A_118 : vector<16xf32> to vector<1x16xf32>
        tpu.vector_store %arg9[%swap3A_119, %swap3A_120], %swap3A_123 {strides = array<i32>} : memref<128x128xf32, #tpu.memory_space<vmem>>, vector<1x16xf32>,
        %get3A_124 = arith.index_cast %add3A_54 : i32 to index
        %get3A_125 = arith.constant 48 : index
        %get3A_126 = tpu.vector_load %arg10[%get3A_124, %get3A_125] {strides = array<i32>} : memref<128x128xf32, #tpu.memory_space<vmem>>, vector<1x16xf32>,
        %get3A_127 = vector.shape_cast %get3A_126 : vector<1x16xf32> to vector<16xf32>
        %mul3A_128 = arith.mulf %get3A_127, %gather3A_50 : vector<16xf32>
        %swap3A_129 = arith.index_cast %add3A_54 : i32 to index
        %swap3A_130 = arith.constant 48 : index
        %swap3A_131 = tpu.vector_load %arg10[%swap3A_129, %swap3A_130] {strides = array<i32>} : memref<128x128xf32, #tpu.memory_space<vmem>>, vector<1x16xf32>,
        %swap3A_132 = vector.shape_cast %swap3A_131 : vector<1x16xf32> to vector<16xf32>
        %swap3A_133 = vector.shape_cast %mul3A_128 : vector<16xf32> to vector<1x16xf32>
        tpu.vector_store %arg10[%swap3A_129, %swap3A_130], %swap3A_133 {strides = array<i32>} : memref<128x128xf32, #tpu.memory_space<vmem>>, vector<1x16xf32>,
        %get3A_134 = arith.index_cast %add3A_54 : i32 to index
        %get3A_135 = arith.constant 64 : index
        %get3A_136 = tpu.vector_load %arg9[%get3A_134, %get3A_135] {strides = array<i32>} : memref<128x128xf32, #tpu.memory_space<vmem>>, vector<1x16xf32>,
        %get3A_137 = vector.shape_cast %get3A_136 : vector<1x16xf32> to vector<16xf32>
        %mul3A_138 = arith.mulf %get3A_137, %gather3A_50 : vector<16xf32>
        %swap3A_139 = arith.index_cast %add3A_54 : i32 to index
        %swap3A_140 = arith.constant 64 : index
        %swap3A_141 = tpu.vector_load %arg9[%swap3A_139, %swap3A_140] {strides = array<i32>} : memref<128x128xf32, #tpu.memory_space<vmem>>, vector<1x16xf32>,
        %swap3A_142 = vector.shape_cast %swap3A_141 : vector<1x16xf32> to vector<16xf32>
        %swap3A_143 = vector.shape_cast %mul3A_138 : vector<16xf32> to vector<1x16xf32>
        tpu.vector_store %arg9[%swap3A_139, %swap3A_140], %swap3A_143 {strides = array<i32>} : memref<128x128xf32, #tpu.memory_space<vmem>>, vector<1x16xf32>,
        %get3A_144 = arith.index_cast %add3A_54 : i32 to index
        %get3A_145 = arith.constant 64 : index
        %get3A_146 = tpu.vector_load %arg10[%get3A_144, %get3A_145] {strides = array<i32>} : memref<128x128xf32, #tpu.memory_space<vmem>>, vector<1x16xf32>,
        %get3A_147 = vector.shape_cast %get3A_146 : vector<1x16xf32> to vector<16xf32>
        %mul3A_148 = arith.mulf %get3A_147, %gather3A_50 : vector<16xf32>
        %swap3A_149 = arith.index_cast %add3A_54 : i32 to index
        %swap3A_150 = arith.constant 64 : index
        %swap3A_151 = tpu.vector_load %arg10[%swap3A_149, %swap3A_150] {strides = array<i32>} : memref<128x128xf32, #tpu.memory_space<vmem>>, vector<1x16xf32>,
        %swap3A_152 = vector.shape_cast %swap3A_151 : vector<1x16xf32> to vector<16xf32>
        %swap3A_153 = vector.shape_cast %mul3A_148 : vector<16xf32> to vector<1x16xf32>
        tpu.vector_store %arg10[%swap3A_149, %swap3A_150], %swap3A_153 {strides = array<i32>} : memref<128x128xf32, #tpu.memory_space<vmem>>, vector<1x16xf32>,
        %get3A_154 = arith.index_cast %add3A_54 : i32 to index
        %get3A_155 = arith.constant 80 : index
        %get3A_156 = tpu.vector_load %arg9[%get3A_154, %get3A_155] {strides = array<i32>} : memref<128x128xf32, #tpu.memory_space<vmem>>, vector<1x16xf32>,
        %get3A_157 = vector.shape_cast %get3A_156 : vector<1x16xf32> to vector<16xf32>
        %mul3A_158 = arith.mulf %get3A_157, %gather3A_50 : vector<16xf32>
        %swap3A_159 = arith.index_cast %add3A_54 : i32 to index
        %swap3A_160 = arith.constant 80 : index
        %swap3A_161 = tpu.vector_load %arg9[%swap3A_159, %swap3A_160] {strides = array<i32>} : memref<128x128xf32, #tpu.memory_space<vmem>>, vector<1x16xf32>,
        %swap3A_162 = vector.shape_cast %swap3A_161 : vector<1x16xf32> to vector<16xf32>
        %swap3A_163 = vector.shape_cast %mul3A_158 : vector<16xf32> to vector<1x16xf32>
        tpu.vector_store %arg9[%swap3A_159, %swap3A_160], %swap3A_163 {strides = array<i32>} : memref<128x128xf32, #tpu.memory_space<vmem>>, vector<1x16xf32>,
        %get3A_164 = arith.index_cast %add3A_54 : i32 to index
        %get3A_165 = arith.constant 80 : index
        %get3A_166 = tpu.vector_load %arg10[%get3A_164, %get3A_165] {strides = array<i32>} : memref<128x128xf32, #tpu.memory_space<vmem>>, vector<1x16xf32>,
        %get3A_167 = vector.shape_cast %get3A_166 : vector<1x16xf32> to vector<16xf32>
        %mul3A_168 = arith.mulf %get3A_167, %gather3A_50 : vector<16xf32>
        %swap3A_169 = arith.index_cast %add3A_54 : i32 to index
        %swap3A_170 = arith.constant 80 : index
        %swap3A_171 = tpu.vector_load %arg10[%swap3A_169, %swap3A_170] {strides = array<i32>} : memref<128x128xf32, #tpu.memory_space<vmem>>, vector<1x16xf32>,
        %swap3A_172 = vector.shape_cast %swap3A_171 : vector<1x16xf32> to vector<16xf32>
        %swap3A_173 = vector.shape_cast %mul3A_168 : vector<16xf32> to vector<1x16xf32>
        tpu.vector_store %arg10[%swap3A_169, %swap3A_170], %swap3A_173 {strides = array<i32>} : memref<128x128xf32, #tpu.memory_space<vmem>>, vector<1x16xf32>,
        %get3A_174 = arith.index_cast %add3A_54 : i32 to index
        %get3A_175 = arith.constant 96 : index
        %get3A_176 = tpu.vector_load %arg9[%get3A_174, %get3A_175] {strides = array<i32>} : memref<128x128xf32, #tpu.memory_space<vmem>>, vector<1x16xf32>,
        %get3A_177 = vector.shape_cast %get3A_176 : vector<1x16xf32> to vector<16xf32>
        %mul3A_178 = arith.mulf %get3A_177, %gather3A_50 : vector<16xf32>
        %swap3A_179 = arith.index_cast %add3A_54 : i32 to index
        %swap3A_180 = arith.constant 96 : index
        %swap3A_181 = tpu.vector_load %arg9[%swap3A_179, %swap3A_180] {strides = array<i32>} : memref<128x128xf32, #tpu.memory_space<vmem>>, vector<1x16xf32>,
        %swap3A_182 = vector.shape_cast %swap3A_181 : vector<1x16xf32> to vector<16xf32>
        %swap3A_183 = vector.shape_cast %mul3A_178 : vector<16xf32> to vector<1x16xf32>
        tpu.vector_store %arg9[%swap3A_179, %swap3A_180], %swap3A_183 {strides = array<i32>} : memref<128x128xf32, #tpu.memory_space<vmem>>, vector<1x16xf32>,
        %get3A_184 = arith.index_cast %add3A_54 : i32 to index
        %get3A_185 = arith.constant 96 : index
        %get3A_186 = tpu.vector_load %arg10[%get3A_184, %get3A_185] {strides = array<i32>} : memref<128x128xf32, #tpu.memory_space<vmem>>, vector<1x16xf32>,
        %get3A_187 = vector.shape_cast %get3A_186 : vector<1x16xf32> to vector<16xf32>
        %mul3A_188 = arith.mulf %get3A_187, %gather3A_50 : vector<16xf32>
        %swap3A_189 = arith.index_cast %add3A_54 : i32 to index
        %swap3A_190 = arith.constant 96 : index
        %swap3A_191 = tpu.vector_load %arg10[%swap3A_189, %swap3A_190] {strides = array<i32>} : memref<128x128xf32, #tpu.memory_space<vmem>>, vector<1x16xf32>,
        %swap3A_192 = vector.shape_cast %swap3A_191 : vector<1x16xf32> to vector<16xf32>
        %swap3A_193 = vector.shape_cast %mul3A_188 : vector<16xf32> to vector<1x16xf32>
        tpu.vector_store %arg10[%swap3A_189, %swap3A_190], %swap3A_193 {strides = array<i32>} : memref<128x128xf32, #tpu.memory_space<vmem>>, vector<1x16xf32>,
        %get3A_194 = arith.index_cast %add3A_54 : i32 to index
        %get3A_195 = arith.constant 112 : index
        %get3A_196 = tpu.vector_load %arg9[%get3A_194, %get3A_195] {strides = array<i32>} : memref<128x128xf32, #tpu.memory_space<vmem>>, vector<1x16xf32>,
        %get3A_197 = vector.shape_cast %get3A_196 : vector<1x16xf32> to vector<16xf32>
        %mul3A_198 = arith.mulf %get3A_197, %gather3A_50 : vector<16xf32>
        %swap3A_199 = arith.index_cast %add3A_54 : i32 to index
        %swap3A_200 = arith.constant 112 : index
        %swap3A_201 = tpu.vector_load %arg9[%swap3A_199, %swap3A_200] {strides = array<i32>} : memref<128x128xf32, #tpu.memory_space<vmem>>, vector<1x16xf32>,
        %swap3A_202 = vector.shape_cast %swap3A_201 : vector<1x16xf32> to vector<16xf32>
        %swap3A_203 = vector.shape_cast %mul3A_198 : vector<16xf32> to vector<1x16xf32>
        tpu.vector_store %arg9[%swap3A_199, %swap3A_200], %swap3A_203 {strides = array<i32>} : memref<128x128xf32, #tpu.memory_space<vmem>>, vector<1x16xf32>,
        %get3A_204 = arith.index_cast %add3A_54 : i32 to index
        %get3A_205 = arith.constant 112 : index
        %get3A_206 = tpu.vector_load %arg10[%get3A_204, %get3A_205] {strides = array<i32>} : memref<128x128xf32, #tpu.memory_space<vmem>>, vector<1x16xf32>,
        %get3A_207 = vector.shape_cast %get3A_206 : vector<1x16xf32> to vector<16xf32>
        %mul3A_208 = arith.mulf %get3A_207, %gather3A_50 : vector<16xf32>
        %swap3A_209 = arith.index_cast %add3A_54 : i32 to index
        %swap3A_210 = arith.constant 112 : index
        %swap3A_211 = tpu.vector_load %arg10[%swap3A_209, %swap3A_210] {strides = array<i32>} : memref<128x128xf32, #tpu.memory_space<vmem>>, vector<1x16xf32>,
        %swap3A_212 = vector.shape_cast %swap3A_211 : vector<1x16xf32> to vector<16xf32>
        %swap3A_213 = vector.shape_cast %mul3A_208 : vector<16xf32> to vector<1x16xf32>
        tpu.vector_store %arg10[%swap3A_209, %swap3A_210], %swap3A_213 {strides = array<i32>} : memref<128x128xf32, #tpu.memory_space<vmem>>, vector<1x16xf32>,
        %broadcast_in_dim3A_214 = arith.constant 1 : i32
        %broadcast_in_dim3A_215 = vector.broadcast %broadcast_in_dim3A_214 : i32 to vector<16x1xi32>
        %gather3A_216 = vector.shape_cast %broadcast_in_dim3A_215 : vector<16x1xi32> to vector<16xi32>
        %gather3A_217 = tpu.dynamic_gather %get3A_48[%gather3A_216] in [0] : vector<16xf32>, vector<16xi32> -> vector<16xf32>
        %mul3A_218 = arith.constant 16 : i32
        %mul3A_219 = arith.muli %scan3A_44, %mul3A_218 : i32
        %add3A_220 = arith.constant 1 : i32
        %add3A_221 = arith.addi %mul3A_219, %add3A_220 : i32
        %get3A_222 = arith.index_cast %add3A_221 : i32 to index
        %get3A_223 = arith.constant 0 : index
        %get3A_224 = tpu.vector_load %arg9[%get3A_222, %get3A_223] {strides = array<i32>} : memref<128x128xf32, #tpu.memory_space<vmem>>, vector<1x16xf32>,
        %get3A_225 = vector.shape_cast %get3A_224 : vector<1x16xf32> to vector<16xf32>
        %mul3A_226 = arith.mulf %get3A_225, %gather3A_217 : vector<16xf32>
        %swap3A_227 = arith.index_cast %add3A_221 : i32 to index
        %swap3A_228 = arith.constant 0 : index
        %swap3A_229 = tpu.vector_load %arg9[%swap3A_227, %swap3A_228] {strides = array<i32>} : memref<128x128xf32, #tpu.memory_space<vmem>>, vector<1x16xf32>,
        %swap3A_230 = vector.shape_cast %swap3A_229 : vector<1x16xf32> to vector<16xf32>
        %swap3A_231 = vector.shape_cast %mul3A_226 : vector<16xf32> to vector<1x16xf32>
        tpu.vector_store %arg9[%swap3A_227, %swap3A_228], %swap3A_231 {strides = array<i32>} : memref<128x128xf32, #tpu.memory_space<vmem>>, vector<1x16xf32>,
        %get3A_232 = arith.index_cast %add3A_221 : i32 to index
        %get3A_233 = arith.constant 0 : index
        %get3A_234 = tpu.vector_load %arg10[%get3A_232, %get3A_233] {strides = array<i32>} : memref<128x128xf32, #tpu.memory_space<vmem>>, vector<1x16xf32>,
        %get3A_235 = vector.shape_cast %get3A_234 : vector<1x16xf32> to vector<16xf32>
        %mul3A_236 = arith.mulf %get3A_235, %gather3A_217 : vector<16xf32>
        %swap3A_237 = arith.index_cast %add3A_221 : i32 to index
        %swap3A_238 = arith.constant 0 : index
        %swap3A_239 = tpu.vector_load %arg10[%swap3A_237, %swap3A_238] {strides = array<i32>} : memref<128x128xf32, #tpu.memory_space<vmem>>, vector<1x16xf32>,
        %swap3A_240 = vector.shape_cast %swap3A_239 : vector<1x16xf32> to vector<16xf32>
        %swap3A_241 = vector.shape_cast %mul3A_236 : vector<16xf32> to vector<1x16xf32>
        tpu.vector_store %arg10[%swap3A_237, %swap3A_238], %swap3A_241 {strides = array<i32>} : memref<128x128xf32, #tpu.memory_space<vmem>>, vector<1x16xf32>,
        %get3A_242 = arith.index_cast %add3A_221 : i32 to index
        %get3A_243 = arith.constant 16 : index
        %get3A_244 = tpu.vector_load %arg9[%get3A_242, %get3A_243] {strides = array<i32>} : memref<128x128xf32, #tpu.memory_space<vmem>>, vector<1x16xf32>,
        %get3A_245 = vector.shape_cast %get3A_244 : vector<1x16xf32> to vector<16xf32>
        %mul3A_246 = arith.mulf %get3A_245, %gather3A_217 : vector<16xf32>
        %swap3A_247 = arith.index_cast %add3A_221 : i32 to index
        %swap3A_248 = arith.constant 16 : index
        %swap3A_249 = tpu.vector_load %arg9[%swap3A_247, %swap3A_248] {strides = array<i32>} : memref<128x128xf32, #tpu.memory_space<vmem>>, vector<1x16xf32>,
        %swap3A_250 = vector.shape_cast %swap3A_249 : vector<1x16xf32> to vector<16xf32>
        %swap3A_251 = vector.shape_cast %mul3A_246 : vector<16xf32> to vector<1x16xf32>
        tpu.vector_store %arg9[%swap3A_247, %swap3A_248], %swap3A_251 {strides = array<i32>} : memref<128x128xf32, #tpu.memory_space<vmem>>, vector<1x16xf32>,
        %get3A_252 = arith.index_cast %add3A_221 : i32 to index
        %get3A_253 = arith.constant 16 : index
        %get3A_254 = tpu.vector_load %arg10[%get3A_252, %get3A_253] {strides = array<i32>} : memref<128x128xf32, #tpu.memory_space<vmem>>, vector<1x16xf32>,
        %get3A_255 = vector.shape_cast %get3A_254 : vector<1x16xf32> to vector<16xf32>
        %mul3A_256 = arith.mulf %get3A_255, %gather3A_217 : vector<16xf32>
        %swap3A_257 = arith.index_cast %add3A_221 : i32 to index
        %swap3A_258 = arith.constant 16 : index
        %swap3A_259 = tpu.vector_load %arg10[%swap3A_257, %swap3A_258] {strides = array<i32>} : memref<128x128xf32, #tpu.memory_space<vmem>>, vector<1x16xf32>,
        %swap3A_260 = vector.shape_cast %swap3A_259 : vector<1x16xf32> to vector<16xf32>
        %swap3A_261 = vector.shape_cast %mul3A_256 : vector<16xf32> to vector<1x16xf32>
        tpu.vector_store %arg10[%swap3A_257, %swap3A_258], %swap3A_261 {strides = array<i32>} : memref<128x128xf32, #tpu.memory_space<vmem>>, vector<1x16xf32>,
        %get3A_262 = arith.index_cast %add3A_221 : i32 to index
        %get3A_263 = arith.constant 32 : index
        %get3A_264 = tpu.vector_load %arg9[%get3A_262, %get3A_263] {strides = array<i32>} : memref<128x128xf32, #tpu.memory_space<vmem>>, vector<1x16xf32>,
        %get3A_265 = vector.shape_cast %get3A_264 : vector<1x16xf32> to vector<16xf32>
        %mul3A_266 = arith.mulf %get3A_265, %gather3A_217 : vector<16xf32>
        %swap3A_267 = arith.index_cast %add3A_221 : i32 to index
        %swap3A_268 = arith.constant 32 : index
        %swap3A_269 = tpu.vector_load %arg9[%swap3A_267, %swap3A_268] {strides = array<i32>} : memref<128x128xf32, #tpu.memory_space<vmem>>, vector<1x16xf32>,
        %swap3A_270 = vector.shape_cast %swap3A_269 : vector<1x16xf32> to vector<16xf32>
        %swap3A_271 = vector.shape_cast %mul3A_266 : vector<16xf32> to vector<1x16xf32>
        tpu.vector_store %arg9[%swap3A_267, %swap3A_268], %swap3A_271 {strides = array<i32>} : memref<128x128xf32, #tpu.memory_space<vmem>>, vector<1x16xf32>,
        %get3A_272 = arith.index_cast %add3A_221 : i32 to index
        %get3A_273 = arith.constant 32 : index
        %get3A_274 = tpu.vector_load %arg10[%get3A_272, %get3A_273] {strides = array<i32>} : memref<128x128xf32, #tpu.memory_space<vmem>>, vector<1x16xf32>,
        %get3A_275 = vector.shape_cast %get3A_274 : vector<1x16xf32> to vector<16xf32>
        %mul3A_276 = arith.mulf %get3A_275, %gather3A_217 : vector<16xf32>
        %swap3A_277 = arith.index_cast %add3A_221 : i32 to index
        %swap3A_278 = arith.constant 32 : index
        %swap3A_279 = tpu.vector_load %arg10[%swap3A_277, %swap3A_278] {strides = array<i32>} : memref<128x128xf32, #tpu.memory_space<vmem>>, vector<1x16xf32>,
        %swap3A_280 = vector.shape_cast %swap3A_279 : vector<1x16xf32> to vector<16xf32>
        %swap3A_281 = vector.shape_cast %mul3A_276 : vector<16xf32> to vector<1x16xf32>
        tpu.vector_store %arg10[%swap3A_277, %swap3A_278], %swap3A_281 {strides = array<i32>} : memref<128x128xf32, #tpu.memory_space<vmem>>, vector<1x16xf32>,
        %get3A_282 = arith.index_cast %add3A_221 : i32 to index
        %get3A_283 = arith.constant 48 : index
        %get3A_284 = tpu.vector_load %arg9[%get3A_282, %get3A_283] {strides = array<i32>} : memref<128x128xf32, #tpu.memory_space<vmem>>, vector<1x16xf32>,
        %get3A_285 = vector.shape_cast %get3A_284 : vector<1x16xf32> to vector<16xf32>
        %mul3A_286 = arith.mulf %get3A_285, %gather3A_217 : vector<16xf32>
        %swap3A_287 = arith.index_cast %add3A_221 : i32 to index
        %swap3A_288 = arith.constant 48 : index
        %swap3A_289 = tpu.vector_load %arg9[%swap3A_287, %swap3A_288] {strides = array<i32>} : memref<128x128xf32, #tpu.memory_space<vmem>>, vector<1x16xf32>,
        %swap3A_290 = vector.shape_cast %swap3A_289 : vector<1x16xf32> to vector<16xf32>
        %swap3A_291 = vector.shape_cast %mul3A_286 : vector<16xf32> to vector<1x16xf32>
        tpu.vector_store %arg9[%swap3A_287, %swap3A_288], %swap3A_291 {strides = array<i32>} : memref<128x128xf32, #tpu.memory_space<vmem>>, vector<1x16xf32>,
        %get3A_292 = arith.index_cast %add3A_221 : i32 to index
        %get3A_293 = arith.constant 48 : index
        %get3A_294 = tpu.vector_load %arg10[%get3A_292, %get3A_293] {strides = array<i32>} : memref<128x128xf32, #tpu.memory_space<vmem>>, vector<1x16xf32>,
        %get3A_295 = vector.shape_cast %get3A_294 : vector<1x16xf32> to vector<16xf32>
        %mul3A_296 = arith.mulf %get3A_295, %gather3A_217 : vector<16xf32>
        %swap3A_297 = arith.index_cast %add3A_221 : i32 to index
        %swap3A_298 = arith.constant 48 : index
        %swap3A_299 = tpu.vector_load %arg10[%swap3A_297, %swap3A_298] {strides = array<i32>} : memref<128x128xf32, #tpu.memory_space<vmem>>, vector<1x16xf32>,
        %swap3A_300 = vector.shape_cast %swap3A_299 : vector<1x16xf32> to vector<16xf32>
        %swap3A_301 = vector.shape_cast %mul3A_296 : vector<16xf32> to vector<1x16xf32>
        tpu.vector_store %arg10[%swap3A_297, %swap3A_298], %swap3A_301 {strides = array<i32>} : memref<128x128xf32, #tpu.memory_space<vmem>>, vector<1x16xf32>,
        %get3A_302 = arith.index_cast %add3A_221 : i32 to index
        %get3A_303 = arith.constant 64 : index
        %get3A_304 = tpu.vector_load %arg9[%get3A_302, %get3A_303] {strides = array<i32>} : memref<128x128xf32, #tpu.memory_space<vmem>>, vector<1x16xf32>,
        %get3A_305 = vector.shape_cast %get3A_304 : vector<1x16xf32> to vector<16xf32>
        %mul3A_306 = arith.mulf %get3A_305, %gather3A_217 : vector<16xf32>
        %swap3A_307 = arith.index_cast %add3A_221 : i32 to index
        %swap3A_308 = arith.constant 64 : index
        %swap3A_309 = tpu.vector_load %arg9[%swap3A_307, %swap3A_308] {strides = array<i32>} : memref<128x128xf32, #tpu.memory_space<vmem>>, vector<1x16xf32>,
        %swap3A_310 = vector.shape_cast %swap3A_309 : vector<1x16xf32> to vector<16xf32>
        %swap3A_311 = vector.shape_cast %mul3A_306 : vector<16xf32> to vector<1x16xf32>
        tpu.vector_store %arg9[%swap3A_307, %swap3A_308], %swap3A_311 {strides = array<i32>} : memref<128x128xf32, #tpu.memory_space<vmem>>, vector<1x16xf32>,
        %get3A_312 = arith.index_cast %add3A_221 : i32 to index
        %get3A_313 = arith.constant 64 : index
        %get3A_314 = tpu.vector_load %arg10[%get3A_312, %get3A_313] {strides = array<i32>} : memref<128x128xf32, #tpu.memory_space<vmem>>, vector<1x16xf32>,
        %get3A_315 = vector.shape_cast %get3A_314 : vector<1x16xf32> to vector<16xf32>
        %mul3A_316 = arith.mulf %get3A_315, %gather3A_217 : vector<16xf32>
        %swap3A_317 = arith.index_cast %add3A_221 : i32 to index
        %swap3A_318 = arith.constant 64 : index
        %swap3A_319 = tpu.vector_load %arg10[%swap3A_317, %swap3A_318] {strides = array<i32>} : memref<128x128xf32, #tpu.memory_space<vmem>>, vector<1x16xf32>,
        %swap3A_320 = vector.shape_cast %swap3A_319 : vector<1x16xf32> to vector<16xf32>
        %swap3A_321 = vector.shape_cast %mul3A_316 : vector<16xf32> to vector<1x16xf32>
        tpu.vector_store %arg10[%swap3A_317, %swap3A_318], %swap3A_321 {strides = array<i32>} : memref<128x128xf32, #tpu.memory_space<vmem>>, vector<1x16xf32>,
        %get3A_322 = arith.index_cast %add3A_221 : i32 to index
        %get3A_323 = arith.constant 80 : index
        %get3A_324 = tpu.vector_load %arg9[%get3A_322, %get3A_323] {strides = array<i32>} : memref<128x128xf32, #tpu.memory_space<vmem>>, vector<1x16xf32>,
        %get3A_325 = vector.shape_cast %get3A_324 : vector<1x16xf32> to vector<16xf32>
        %mul3A_326 = arith.mulf %get3A_325, %gather3A_217 : vector<16xf32>
        %swap3A_327 = arith.index_cast %add3A_221 : i32 to index
        %swap3A_328 = arith.constant 80 : index
        %swap3A_329 = tpu.vector_load %arg9[%swap3A_327, %swap3A_328] {strides = array<i32>} : memref<128x128xf32, #tpu.memory_space<vmem>>, vector<1x16xf32>,
        %swap3A_330 = vector.shape_cast %swap3A_329 : vector<1x16xf32> to vector<16xf32>
        %swap3A_331 = vector.shape_cast %mul3A_326 : vector<16xf32> to vector<1x16xf32>
        tpu.vector_store %arg9[%swap3A_327, %swap3A_328], %swap3A_331 {strides = array<i32>} : memref<128x128xf32, #tpu.memory_space<vmem>>, vector<1x16xf32>,
        %get3A_332 = arith.index_cast %add3A_221 : i32 to index
        %get3A_333 = arith.constant 80 : index
        %get3A_334 = tpu.vector_load %arg10[%get3A_332, %get3A_333] {strides = array<i32>} : memref<128x128xf32, #tpu.memory_space<vmem>>, vector<1x16xf32>,
        %get3A_335 = vector.shape_cast %get3A_334 : vector<1x16xf32> to vector<16xf32>
        %mul3A_336 = arith.mulf %get3A_335, %gather3A_217 : vector<16xf32>
        %swap3A_337 = arith.index_cast %add3A_221 : i32 to index
        %swap3A_338 = arith.constant 80 : index
        %swap3A_339 = tpu.vector_load %arg10[%swap3A_337, %swap3A_338] {strides = array<i32>} : memref<128x128xf32, #tpu.memory_space<vmem>>, vector<1x16xf32>,
        %swap3A_340 = vector.shape_cast %swap3A_339 : vector<1x16xf32> to vector<16xf32>
        %swap3A_341 = vector.shape_cast %mul3A_336 : vector<16xf32> to vector<1x16xf32>
        tpu.vector_store %arg10[%swap3A_337, %swap3A_338], %swap3A_341 {strides = array<i32>} : memref<128x128xf32, #tpu.memory_space<vmem>>, vector<1x16xf32>,
        %get3A_342 = arith.index_cast %add3A_221 : i32 to index
        %get3A_343 = arith.constant 96 : index
        %get3A_344 = tpu.vector_load %arg9[%get3A_342, %get3A_343] {strides = array<i32>} : memref<128x128xf32, #tpu.memory_space<vmem>>, vector<1x16xf32>,
        %get3A_345 = vector.shape_cast %get3A_344 : vector<1x16xf32> to vector<16xf32>
        %mul3A_346 = arith.mulf %get3A_345, %gather3A_217 : vector<16xf32>
        %swap3A_347 = arith.index_cast %add3A_221 : i32 to index
        %swap3A_348 = arith.constant 96 : index
        %swap3A_349 = tpu.vector_load %arg9[%swap3A_347, %swap3A_348] {strides = array<i32>} : memref<128x128xf32, #tpu.memory_space<vmem>>, vector<1x16xf32>,
        %swap3A_350 = vector.shape_cast %swap3A_349 : vector<1x16xf32> to vector<16xf32>
        %swap3A_351 = vector.shape_cast %mul3A_346 : vector<16xf32> to vector<1x16xf32>
        tpu.vector_store %arg9[%swap3A_347, %swap3A_348], %swap3A_351 {strides = array<i32>} : memref<128x128xf32, #tpu.memory_space<vmem>>, vector<1x16xf32>,
        %get3A_352 = arith.index_cast %add3A_221 : i32 to index
        %get3A_353 = arith.constant 96 : index
        %get3A_354 = tpu.vector_load %arg10[%get3A_352, %get3A_353] {strides = array<i32>} : memref<128x128xf32, #tpu.memory_space<vmem>>, vector<1x16xf32>,
        %get3A_355 = vector.shape_cast %get3A_354 : vector<1x16xf32> to vector<16xf32>
        %mul3A_356 = arith.mulf %get3A_355, %gather3A_217 : vector<16xf32>
        %swap3A_357 = arith.index_cast %add3A_221 : i32 to index
        %swap3A_358 = arith.constant 96 : index
        %swap3A_359 = tpu.vector_load %arg10[%swap3A_357, %swap3A_358] {strides = array<i32>} : memref<128x128xf32, #tpu.memory_space<vmem>>, vector<1x16xf32>,
        %swap3A_360 = vector.shape_cast %swap3A_359 : vector<1x16xf32> to vector<16xf32>
        %swap3A_361 = vector.shape_cast %mul3A_356 : vector<16xf32> to vector<1x16xf32>
        tpu.vector_store %arg10[%swap3A_357, %swap3A_358], %swap3A_361 {strides = array<i32>} : memref<128x128xf32, #tpu.memory_space<vmem>>, vector<1x16xf32>,
        %get3A_362 = arith.index_cast %add3A_221 : i32 to index
        %get3A_363 = arith.constant 112 : index
        %get3A_364 = tpu.vector_load %arg9[%get3A_362, %get3A_363] {strides = array<i32>} : memref<128x128xf32, #tpu.memory_space<vmem>>, vector<1x16xf32>,
        %get3A_365 = vector.shape_cast %get3A_364 : vector<1x16xf32> to vector<16xf32>
        %mul3A_366 = arith.mulf %get3A_365, %gather3A_217 : vector<16xf32>
        %swap3A_367 = arith.index_cast %add3A_221 : i32 to index
        %swap3A_368 = arith.constant 112 : index
        %swap3A_369 = tpu.vector_load %arg9[%swap3A_367, %swap3A_368] {strides = array<i32>} : memref<128x128xf32, #tpu.memory_space<vmem>>, vector<1x16xf32>,
        %swap3A_370 = vector.shape_cast %swap3A_369 : vector<1x16xf32> to vector<16xf32>
        %swap3A_371 = vector.shape_cast %mul3A_366 : vector<16xf32> to vector<1x16xf32>
        tpu.vector_store %arg9[%swap3A_367, %swap3A_368], %swap3A_371 {strides = array<i32>} : memref<128x128xf32, #tpu.memory_space<vmem>>, vector<1x16xf32>,
        %get3A_372 = arith.index_cast %add3A_221 : i32 to index
        %get3A_373 = arith.constant 112 : index
        %get3A_374 = tpu.vector_load %arg10[%get3A_372, %get3A_373] {strides = array<i32>} : memref<128x128xf32, #tpu.memory_space<vmem>>, vector<1x16xf32>,
        %get3A_375 = vector.shape_cast %get3A_374 : vector<1x16xf32> to vector<16xf32>
        %mul3A_376 = arith.mulf %get3A_375, %gather3A_217 : vector<16xf32>
        %swap3A_377 = arith.index_cast %add3A_221 : i32 to index
        %swap3A_378 = arith.constant 112 : index
        %swap3A_379 = tpu.vector_load %arg10[%swap3A_377, %swap3A_378] {strides = array<i32>} : memref<128x128xf32, #tpu.memory_space<vmem>>, vector<1x16xf32>,
        %swap3A_380 = vector.shape_cast %swap3A_379 : vector<1x16xf32> to vector<16xf32>
        %swap3A_381 = vector.shape_cast %mul3A_376 : vector<16xf32> to vector<1x16xf32>
        tpu.vector_store %arg10[%swap3A_377, %swap3A_378], %swap3A_381 {strides = array<i32>} : memref<128x128xf32, #tpu.memory_space<vmem>>, vector<1x16xf32>,
        %broadcast_in_dim3A_382 = arith.constant 2 : i32
        %broadcast_in_dim3A_383 = vector.broadcast %broadcast_in_dim3A_382 : i32 to vector<16x1xi32>
        %gather3A_384 = vector.shape_cast %broadcast_in_dim3A_383 : vector<16x1xi32> to vector<16xi32>
        %gather3A_385 = tpu.dynamic_gather %get3A_48[%gather3A_384] in [0] : vector<16xf32>, vector<16xi32> -> vector<16xf32>
        %mul3A_386 = arith.constant 16 : i32
        %mul3A_387 = arith.muli %scan3A_44, %mul3A_386 : i32
        %add3A_388 = arith.constant 2 : i32
        %add3A_389 = arith.addi %mul3A_387, %add3A_388 : i32
        %get3A_390 = arith.index_cast %add3A_389 : i32 to index
        %get3A_391 = arith.constant 0 : index
        %get3A_392 = tpu.vector_load %arg9[%get3A_390, %get3A_391] {strides = array<i32>} : memref<128x128xf32, #tpu.memory_space<vmem>>, vector<1x16xf32>,
        %get3A_393 = vector.shape_cast %get3A_392 : vector<1x16xf32> to vector<16xf32>
        %mul3A_394 = arith.mulf %get3A_393, %gather3A_385 : vector<16xf32>
        %swap3A_395 = arith.index_cast %add3A_389 : i32 to index
        %swap3A_396 = arith.constant 0 : index
        %swap3A_397 = tpu.vector_load %arg9[%swap3A_395, %swap3A_396] {strides = array<i32>} : memref<128x128xf32, #tpu.memory_space<vmem>>, vector<1x16xf32>,
        %swap3A_398 = vector.shape_cast %swap3A_397 : vector<1x16xf32> to vector<16xf32>
        %swap3A_399 = vector.shape_cast %mul3A_394 : vector<16xf32> to vector<1x16xf32>
        tpu.vector_store %arg9[%swap3A_395, %swap3A_396], %swap3A_399 {strides = array<i32>} : memref<128x128xf32, #tpu.memory_space<vmem>>, vector<1x16xf32>,
        %get3A_400 = arith.index_cast %add3A_389 : i32 to index
        %get3A_401 = arith.constant 0 : index
        %get3A_402 = tpu.vector_load %arg10[%get3A_400, %get3A_401] {strides = array<i32>} : memref<128x128xf32, #tpu.memory_space<vmem>>, vector<1x16xf32>,
        %get3A_403 = vector.shape_cast %get3A_402 : vector<1x16xf32> to vector<16xf32>
        %mul3A_404 = arith.mulf %get3A_403, %gather3A_385 : vector<16xf32>
        %swap3A_405 = arith.index_cast %add3A_389 : i32 to index
        %swap3A_406 = arith.constant 0 : index
        %swap3A_407 = tpu.vector_load %arg10[%swap3A_405, %swap3A_406] {strides = array<i32>} : memref<128x128xf32, #tpu.memory_space<vmem>>, vector<1x16xf32>,
        %swap3A_408 = vector.shape_cast %swap3A_407 : vector<1x16xf32> to vector<16xf32>
        %swap3A_409 = vector.shape_cast %mul3A_404 : vector<16xf32> to vector<1x16xf32>
        tpu.vector_store %arg10[%swap3A_405, %swap3A_406], %swap3A_409 {strides = array<i32>} : memref<128x128xf32, #tpu.memory_space<vmem>>, vector<1x16xf32>,
        %get3A_410 = arith.index_cast %add3A_389 : i32 to index
        %get3A_411 = arith.constant 16 : index
        %get3A_412 = tpu.vector_load %arg9[%get3A_410, %get3A_411] {strides = array<i32>} : memref<128x128xf32, #tpu.memory_space<vmem>>, vector<1x16xf32>,
        %get3A_413 = vector.shape_cast %get3A_412 : vector<1x16xf32> to vector<16xf32>
        %mul3A_414 = arith.mulf %get3A_413, %gather3A_385 : vector<16xf32>
        %swap3A_415 = arith.index_cast %add3A_389 : i32 to index
        %swap3A_416 = arith.constant 16 : index
        %swap3A_417 = tpu.vector_load %arg9[%swap3A_415, %swap3A_416] {strides = array<i32>} : memref<128x128xf32, #tpu.memory_space<vmem>>, vector<1x16xf32>,
        %swap3A_418 = vector.shape_cast %swap3A_417 : vector<1x16xf32> to vector<16xf32>
        %swap3A_419 = vector.shape_cast %mul3A_414 : vector<16xf32> to vector<1x16xf32>
        tpu.vector_store %arg9[%swap3A_415, %swap3A_416], %swap3A_419 {strides = array<i32>} : memref<128x128xf32, #tpu.memory_space<vmem>>, vector<1x16xf32>,
        %get3A_420 = arith.index_cast %add3A_389 : i32 to index
        %get3A_421 = arith.constant 16 : index
        %get3A_422 = tpu.vector_load %arg10[%get3A_420, %get3A_421] {strides = array<i32>} : memref<128x128xf32, #tpu.memory_space<vmem>>, vector<1x16xf32>,
        %get3A_423 = vector.shape_cast %get3A_422 : vector<1x16xf32> to vector<16xf32>
        %mul3A_424 = arith.mulf %get3A_423, %gather3A_385 : vector<16xf32>
        %swap3A_425 = arith.index_cast %add3A_389 : i32 to index
        %swap3A_426 = arith.constant 16 : index
        %swap3A_427 = tpu.vector_load %arg10[%swap3A_425, %swap3A_426] {strides = array<i32>} : memref<128x128xf32, #tpu.memory_space<vmem>>, vector<1x16xf32>,
        %swap3A_428 = vector.shape_cast %swap3A_427 : vector<1x16xf32> to vector<16xf32>
        %swap3A_429 = vector.shape_cast %mul3A_424 : vector<16xf32> to vector<1x16xf32>
        tpu.vector_store %arg10[%swap3A_425, %swap3A_426], %swap3A_429 {strides = array<i32>} : memref<128x128xf32, #tpu.memory_space<vmem>>, vector<1x16xf32>,
        %get3A_430 = arith.index_cast %add3A_389 : i32 to index
        %get3A_431 = arith.constant 32 : index
        %get3A_432 = tpu.vector_load %arg9[%get3A_430, %get3A_431] {strides = array<i32>} : memref<128x128xf32, #tpu.memory_space<vmem>>, vector<1x16xf32>,
        %get3A_433 = vector.shape_cast %get3A_432 : vector<1x16xf32> to vector<16xf32>
        %mul3A_434 = arith.mulf %get3A_433, %gather3A_385 : vector<16xf32>
        %swap3A_435 = arith.index_cast %add3A_389 : i32 to index
        %swap3A_436 = arith.constant 32 : index
        %swap3A_437 = tpu.vector_load %arg9[%swap3A_435, %swap3A_436] {strides = array<i32>} : memref<128x128xf32, #tpu.memory_space<vmem>>, vector<1x16xf32>,
        %swap3A_438 = vector.shape_cast %swap3A_437 : vector<1x16xf32> to vector<16xf32>
        %swap3A_439 = vector.shape_cast %mul3A_434 : vector<16xf32> to vector<1x16xf32>
        tpu.vector_store %arg9[%swap3A_435, %swap3A_436], %swap3A_439 {strides = array<i32>} : memref<128x128xf32, #tpu.memory_space<vmem>>, vector<1x16xf32>,
        %get3A_440 = arith.index_cast %add3A_389 : i32 to index
        %get3A_441 = arith.constant 32 : index
        %get3A_442 = tpu.vector_load %arg10[%get3A_440, %get3A_441] {strides = array<i32>} : memref<128x128xf32, #tpu.memory_space<vmem>>, vector<1x16xf32>,
        %get3A_443 = vector.shape_cast %get3A_442 : vector<1x16xf32> to vector<16xf32>
        %mul3A_444 = arith.mulf %get3A_443, %gather3A_385 : vector<16xf32>
        %swap3A_445 = arith.index_cast %add3A_389 : i32 to index
        %swap3A_446 = arith.constant 32 : index
        %swap3A_447 = tpu.vector_load %arg10[%swap3A_445, %swap3A_446] {strides = array<i32>} : memref<128x128xf32, #tpu.memory_space<vmem>>, vector<1x16xf32>,
        %swap3A_448 = vector.shape_cast %swap3A_447 : vector<1x16xf32> to vector<16xf32>
        %swap3A_449 = vector.shape_cast %mul3A_444 : vector<16xf32> to vector<1x16xf32>
        tpu.vector_store %arg10[%swap3A_445, %swap3A_446], %swap3A_449 {strides = array<i32>} : memref<128x128xf32, #tpu.memory_space<vmem>>, vector<1x16xf32>,
        %get3A_450 = arith.index_cast %add3A_389 : i32 to index
        %get3A_451 = arith.constant 48 : index
        %get3A_452 = tpu.vector_load %arg9[%get3A_450, %get3A_451] {strides = array<i32>} : memref<128x128xf32, #tpu.memory_space<vmem>>, vector<1x16xf32>,
        %get3A_453 = vector.shape_cast %get3A_452 : vector<1x16xf32> to vector<16xf32>
        %mul3A_454 = arith.mulf %get3A_453, %gather3A_385 : vector<16xf32>
        %swap3A_455 = arith.index_cast %add3A_389 : i32 to index
        %swap3A_456 = arith.constant 48 : index
        %swap3A_457 = tpu.vector_load %arg9[%swap3A_455, %swap3A_456] {strides = array<i32>} : memref<128x128xf32, #tpu.memory_space<vmem>>, vector<1x16xf32>,
        %swap3A_458 = vector.shape_cast %swap3A_457 : vector<1x16xf32> to vector<16xf32>
        %swap3A_459 = vector.shape_cast %mul3A_454 : vector<16xf32> to vector<1x16xf32>
        tpu.vector_store %arg9[%swap3A_455, %swap3A_456], %swap3A_459 {strides = array<i32>} : memref<128x128xf32, #tpu.memory_space<vmem>>, vector<1x16xf32>,
        %get3A_460 = arith.index_cast %add3A_389 : i32 to index
        %get3A_461 = arith.constant 48 : index
        %get3A_462 = tpu.vector_load %arg10[%get3A_460, %get3A_461] {strides = array<i32>} : memref<128x128xf32, #tpu.memory_space<vmem>>, vector<1x16xf32>,
        %get3A_463 = vector.shape_cast %get3A_462 : vector<1x16xf32> to vector<16xf32>
        %mul3A_464 = arith.mulf %get3A_463, %gather3A_385 : vector<16xf32>
        %swap3A_465 = arith.index_cast %add3A_389 : i32 to index
        %swap3A_466 = arith.constant 48 : index
        %swap3A_467 = tpu.vector_load %arg10[%swap3A_465, %swap3A_466] {strides = array<i32>} : memref<128x128xf32, #tpu.memory_space<vmem>>, vector<1x16xf32>,
        %swap3A_468 = vector.shape_cast %swap3A_467 : vector<1x16xf32> to vector<16xf32>
        %swap3A_469 = vector.shape_cast %mul3A_464 : vector<16xf32> to vector<1x16xf32>
        tpu.vector_store %arg10[%swap3A_465, %swap3A_466], %swap3A_469 {strides = array<i32>} : memref<128x128xf32, #tpu.memory_space<vmem>>, vector<1x16xf32>,
        %get3A_470 = arith.index_cast %add3A_389 : i32 to index
        %get3A_471 = arith.constant 64 : index
        %get3A_472 = tpu.vector_load %arg9[%get3A_470, %get3A_471] {strides = array<i32>} : memref<128x128xf32, #tpu.memory_space<vmem>>, vector<1x16xf32>,
        %get3A_473 = vector.shape_cast %get3A_472 : vector<1x16xf32> to vector<16xf32>
        %mul3A_474 = arith.mulf %get3A_473, %gather3A_385 : vector<16xf32>
        %swap3A_475 = arith.index_cast %add3A_389 : i32 to index
        %swap3A_476 = arith.constant 64 : index
        %swap3A_477 = tpu.vector_load %arg9[%swap3A_475, %swap3A_476] {strides = array<i32>} : memref<128x128xf32, #tpu.memory_space<vmem>>, vector<1x16xf32>,
        %swap3A_478 = vector.shape_cast %swap3A_477 : vector<1x16xf32> to vector<16xf32>
        %swap3A_479 = vector.shape_cast %mul3A_474 : vector<16xf32> to vector<1x16xf32>
        tpu.vector_store %arg9[%swap3A_475, %swap3A_476], %swap3A_479 {strides = array<i32>} : memref<128x128xf32, #tpu.memory_space<vmem>>, vector<1x16xf32>,
        %get3A_480 = arith.index_cast %add3A_389 : i32 to index
        %get3A_481 = arith.constant 64 : index
        %get3A_482 = tpu.vector_load %arg10[%get3A_480, %get3A_481] {strides = array<i32>} : memref<128x128xf32, #tpu.memory_space<vmem>>, vector<1x16xf32>,
        %get3A_483 = vector.shape_cast %get3A_482 : vector<1x16xf32> to vector<16xf32>
        %mul3A_484 = arith.mulf %get3A_483, %gather3A_385 : vector<16xf32>
        %swap3A_485 = arith.index_cast %add3A_389 : i32 to index
        %swap3A_486 = arith.constant 64 : index
        %swap3A_487 = tpu.vector_load %arg10[%swap3A_485, %swap3A_486] {strides = array<i32>} : memref<128x128xf32, #tpu.memory_space<vmem>>, vector<1x16xf32>,
        %swap3A_488 = vector.shape_cast %swap3A_487 : vector<1x16xf32> to vector<16xf32>
        %swap3A_489 = vector.shape_cast %mul3A_484 : vector<16xf32> to vector<1x16xf32>
        tpu.vector_store %arg10[%swap3A_485, %swap3A_486], %swap3A_489 {strides = array<i32>} : memref<128x128xf32, #tpu.memory_space<vmem>>, vector<1x16xf32>,
        %get3A_490 = arith.index_cast %add3A_389 : i32 to index
        %get3A_491 = arith.constant 80 : index
        %get3A_492 = tpu.vector_load %arg9[%get3A_490, %get3A_491] {strides = array<i32>} : memref<128x128xf32, #tpu.memory_space<vmem>>, vector<1x16xf32>,
        %get3A_493 = vector.shape_cast %get3A_492 : vector<1x16xf32> to vector<16xf32>
        %mul3A_494 = arith.mulf %get3A_493, %gather3A_385 : vector<16xf32>
        %swap3A_495 = arith.index_cast %add3A_389 : i32 to index
        %swap3A_496 = arith.constant 80 : index
        %swap3A_497 = tpu.vector_load %arg9[%swap3A_495, %swap3A_496] {strides = array<i32>} : memref<128x128xf32, #tpu.memory_space<vmem>>, vector<1x16xf32>,
        %swap3A_498 = vector.shape_cast %swap3A_497 : vector<1x16xf32> to vector<16xf32>
        %swap3A_499 = vector.shape_cast %mul3A_494 : vector<16xf32> to vector<1x16xf32>
        tpu.vector_store %arg9[%swap3A_495, %swap3A_496], %swap3A_499 {strides = array<i32>} : memref<128x128xf32, #tpu.memory_space<vmem>>, vector<1x16xf32>,
        %get3A_500 = arith.index_cast %add3A_389 : i32 to index
        %get3A_501 = arith.constant 80 : index
        %get3A_502 = tpu.vector_load %arg10[%get3A_500, %get3A_501] {strides = array<i32>} : memref<128x128xf32, #tpu.memory_space<vmem>>, vector<1x16xf32>,
        %get3A_503 = vector.shape_cast %get3A_502 : vector<1x16xf32> to vector<16xf32>
        %mul3A_504 = arith.mulf %get3A_503, %gather3A_385 : vector<16xf32>
        %swap3A_505 = arith.index_cast %add3A_389 : i32 to index
        %swap3A_506 = arith.constant 80 : index
        %swap3A_507 = tpu.vector_load %arg10[%swap3A_505, %swap3A_506] {strides = array<i32>} : memref<128x128xf32, #tpu.memory_space<vmem>>, vector<1x16xf32>,
        %swap3A_508 = vector.shape_cast %swap3A_507 : vector<1x16xf32> to vector<16xf32>
        %swap3A_509 = vector.shape_cast %mul3A_504 : vector<16xf32> to vector<1x16xf32>
        tpu.vector_store %arg10[%swap3A_505, %swap3A_506], %swap3A_509 {strides = array<i32>} : memref<128x128xf32, #tpu.memory_space<vmem>>, vector<1x16xf32>,
        %get3A_510 = arith.index_cast %add3A_389 : i32 to index
        %get3A_511 = arith.constant 96 : index
        %get3A_512 = tpu.vector_load %arg9[%get3A_510, %get3A_511] {strides = array<i32>} : memref<128x128xf32, #tpu.memory_space<vmem>>, vector<1x16xf32>,
        %get3A_513 = vector.shape_cast %get3A_512 : vector<1x16xf32> to vector<16xf32>
        %mul3A_514 = arith.mulf %get3A_513, %gather3A_385 : vector<16xf32>
        %swap3A_515 = arith.index_cast %add3A_389 : i32 to index
        %swap3A_516 = arith.constant 96 : index
        %swap3A_517 = tpu.vector_load %arg9[%swap3A_515, %swap3A_516] {strides = array<i32>} : memref<128x128xf32, #tpu.memory_space<vmem>>, vector<1x16xf32>,
        %swap3A_518 = vector.shape_cast %swap3A_517 : vector<1x16xf32> to vector<16xf32>
        %swap3A_519 = vector.shape_cast %mul3A_514 : vector<16xf32> to vector<1x16xf32>
        tpu.vector_store %arg9[%swap3A_515, %swap3A_516], %swap3A_519 {strides = array<i32>} : memref<128x128xf32, #tpu.memory_space<vmem>>, vector<1x16xf32>,
        %get3A_520 = arith.index_cast %add3A_389 : i32 to index
        %get3A_521 = arith.constant 96 : index
        %get3A_522 = tpu.vector_load %arg10[%get3A_520, %get3A_521] {strides = array<i32>} : memref<128x128xf32, #tpu.memory_space<vmem>>, vector<1x16xf32>,
        %get3A_523 = vector.shape_cast %get3A_522 : vector<1x16xf32> to vector<16xf32>
        %mul3A_524 = arith.mulf %get3A_523, %gather3A_385 : vector<16xf32>
        %swap3A_525 = arith.index_cast %add3A_389 : i32 to index
        %swap3A_526 = arith.constant 96 : index
        %swap3A_527 = tpu.vector_load %arg10[%swap3A_525, %swap3A_526] {strides = array<i32>} : memref<128x128xf32, #tpu.memory_space<vmem>>, vector<1x16xf32>,
        %swap3A_528 = vector.shape_cast %swap3A_527 : vector<1x16xf32> to vector<16xf32>
        %swap3A_529 = vector.shape_cast %mul3A_524 : vector<16xf32> to vector<1x16xf32>
        tpu.vector_store %arg10[%swap3A_525, %swap3A_526], %swap3A_529 {strides = array<i32>} : memref<128x128xf32, #tpu.memory_space<vmem>>, vector<1x16xf32>,
        %get3A_530 = arith.index_cast %add3A_389 : i32 to index
        %get3A_531 = arith.constant 112 : index
        %get3A_532 = tpu.vector_load %arg9[%get3A_530, %get3A_531] {strides = array<i32>} : memref<128x128xf32, #tpu.memory_space<vmem>>, vector<1x16xf32>,
        %get3A_533 = vector.shape_cast %get3A_532 : vector<1x16xf32> to vector<16xf32>
        %mul3A_534 = arith.mulf %get3A_533, %gather3A_385 : vector<16xf32>
        %swap3A_535 = arith.index_cast %add3A_389 : i32 to index
        %swap3A_536 = arith.constant 112 : index
        %swap3A_537 = tpu.vector_load %arg9[%swap3A_535, %swap3A_536] {strides = array<i32>} : memref<128x128xf32, #tpu.memory_space<vmem>>, vector<1x16xf32>,
        %swap3A_538 = vector.shape_cast %swap3A_537 : vector<1x16xf32> to vector<16xf32>
        %swap3A_539 = vector.shape_cast %mul3A_534 : vector<16xf32> to vector<1x16xf32>
        tpu.vector_store %arg9[%swap3A_535, %swap3A_536], %swap3A_539 {strides = array<i32>} : memref<128x128xf32, #tpu.memory_space<vmem>>, vector<1x16xf32>,
        %get3A_540 = arith.index_cast %add3A_389 : i32 to index
        %get3A_541 = arith.constant 112 : index
        %get3A_542 = tpu.vector_load %arg10[%get3A_540, %get3A_541] {strides = array<i32>} : memref<128x128xf32, #tpu.memory_space<vmem>>, vector<1x16xf32>,
        %get3A_543 = vector.shape_cast %get3A_542 : vector<1x16xf32> to vector<16xf32>
        %mul3A_544 = arith.mulf %get3A_543, %gather3A_385 : vector<16xf32>
        %swap3A_545 = arith.index_cast %add3A_389 : i32 to index
        %swap3A_546 = arith.constant 112 : index
        %swap3A_547 = tpu.vector_load %arg10[%swap3A_545, %swap3A_546] {strides = array<i32>} : memref<128x128xf32, #tpu.memory_space<vmem>>, vector<1x16xf32>,
        %swap3A_548 = vector.shape_cast %swap3A_547 : vector<1x16xf32> to vector<16xf32>
        %swap3A_549 = vector.shape_cast %mul3A_544 : vector<16xf32> to vector<1x16xf32>
        tpu.vector_store %arg10[%swap3A_545, %swap3A_546], %swap3A_549 {strides = array<i32>} : memref<128x128xf32, #tpu.memory_space<vmem>>, vector<1x16xf32>,
        %broadcast_in_dim3A_550 = arith.constant 3 : i32
        %broadcast_in_dim3A_551 = vector.broadcast %broadcast_in_dim3A_550 : i32 to vector<16x1xi32>
        %gather3A_552 = vector.shape_cast %broadcast_in_dim3A_551 : vector<16x1xi32> to vector<16xi32>
        %gather3A_553 = tpu.dynamic_gather %get3A_48[%gather3A_552] in [0] : vector<16xf32>, vector<16xi32> -> vector<16xf32>
        %mul3A_554 = arith.constant 16 : i32
        %mul3A_555 = arith.muli %scan3A_44, %mul3A_554 : i32
        %add3A_556 = arith.constant 3 : i32
        %add3A_557 = arith.addi %mul3A_555, %add3A_556 : i32
        %get3A_558 = arith.index_cast %add3A_557 : i32 to index
        %get3A_559 = arith.constant 0 : index
        %get3A_560 = tpu.vector_load %arg9[%get3A_558, %get3A_559] {strides = array<i32>} : memref<128x128xf32, #tpu.memory_space<vmem>>, vector<1x16xf32>,
        %get3A_561 = vector.shape_cast %get3A_560 : vector<1x16xf32> to vector<16xf32>
        %mul3A_562 = arith.mulf %get3A_561, %gather3A_553 : vector<16xf32>
        %swap3A_563 = arith.index_cast %add3A_557 : i32 to index
        %swap3A_564 = arith.constant 0 : index
        %swap3A_565 = tpu.vector_load %arg9[%swap3A_563, %swap3A_564] {strides = array<i32>} : memref<128x128xf32, #tpu.memory_space<vmem>>, vector<1x16xf32>,
        %swap3A_566 = vector.shape_cast %swap3A_565 : vector<1x16xf32> to vector<16xf32>
        %swap3A_567 = vector.shape_cast %mul3A_562 : vector<16xf32> to vector<1x16xf32>
        tpu.vector_store %arg9[%swap3A_563, %swap3A_564], %swap3A_567 {strides = array<i32>} : memref<128x128xf32, #tpu.memory_space<vmem>>, vector<1x16xf32>,
        %get3A_568 = arith.index_cast %add3A_557 : i32 to index
        %get3A_569 = arith.constant 0 : index
        %get3A_570 = tpu.vector_load %arg10[%get3A_568, %get3A_569] {strides = array<i32>} : memref<128x128xf32, #tpu.memory_space<vmem>>, vector<1x16xf32>,
        %get3A_571 = vector.shape_cast %get3A_570 : vector<1x16xf32> to vector<16xf32>
        %mul3A_572 = arith.mulf %get3A_571, %gather3A_553 : vector<16xf32>
        %swap3A_573 = arith.index_cast %add3A_557 : i32 to index
        %swap3A_574 = arith.constant 0 : index
        %swap3A_575 = tpu.vector_load %arg10[%swap3A_573, %swap3A_574] {strides = array<i32>} : memref<128x128xf32, #tpu.memory_space<vmem>>, vector<1x16xf32>,
        %swap3A_576 = vector.shape_cast %swap3A_575 : vector<1x16xf32> to vector<16xf32>
        %swap3A_577 = vector.shape_cast %mul3A_572 : vector<16xf32> to vector<1x16xf32>
        tpu.vector_store %arg10[%swap3A_573, %swap3A_574], %swap3A_577 {strides = array<i32>} : memref<128x128xf32, #tpu.memory_space<vmem>>, vector<1x16xf32>,
        %get3A_578 = arith.index_cast %add3A_557 : i32 to index
        %get3A_579 = arith.constant 16 : index
        %get3A_580 = tpu.vector_load %arg9[%get3A_578, %get3A_579] {strides = array<i32>} : memref<128x128xf32, #tpu.memory_space<vmem>>, vector<1x16xf32>,
        %get3A_581 = vector.shape_cast %get3A_580 : vector<1x16xf32> to vector<16xf32>
        %mul3A_582 = arith.mulf %get3A_581, %gather3A_553 : vector<16xf32>
        %swap3A_583 = arith.index_cast %add3A_557 : i32 to index
        %swap3A_584 = arith.constant 16 : index
        %swap3A_585 = tpu.vector_load %arg9[%swap3A_583, %swap3A_584] {strides = array<i32>} : memref<128x128xf32, #tpu.memory_space<vmem>>, vector<1x16xf32>,
        %swap3A_586 = vector.shape_cast %swap3A_585 : vector<1x16xf32> to vector<16xf32>
        %swap3A_587 = vector.shape_cast %mul3A_582 : vector<16xf32> to vector<1x16xf32>
        tpu.vector_store %arg9[%swap3A_583, %swap3A_584], %swap3A_587 {strides = array<i32>} : memref<128x128xf32, #tpu.memory_space<vmem>>, vector<1x16xf32>,
        %get3A_588 = arith.index_cast %add3A_557 : i32 to index
        %get3A_589 = arith.constant 16 : index
        %get3A_590 = tpu.vector_load %arg10[%get3A_588, %get3A_589] {strides = array<i32>} : memref<128x128xf32, #tpu.memory_space<vmem>>, vector<1x16xf32>,
        %get3A_591 = vector.shape_cast %get3A_590 : vector<1x16xf32> to vector<16xf32>
        %mul3A_592 = arith.mulf %get3A_591, %gather3A_553 : vector<16xf32>
        %swap3A_593 = arith.index_cast %add3A_557 : i32 to index
        %swap3A_594 = arith.constant 16 : index
        %swap3A_595 = tpu.vector_load %arg10[%swap3A_593, %swap3A_594] {strides = array<i32>} : memref<128x128xf32, #tpu.memory_space<vmem>>, vector<1x16xf32>,
        %swap3A_596 = vector.shape_cast %swap3A_595 : vector<1x16xf32> to vector<16xf32>
        %swap3A_597 = vector.shape_cast %mul3A_592 : vector<16xf32> to vector<1x16xf32>
        tpu.vector_store %arg10[%swap3A_593, %swap3A_594], %swap3A_597 {strides = array<i32>} : memref<128x128xf32, #tpu.memory_space<vmem>>, vector<1x16xf32>,
        %get3A_598 = arith.index_cast %add3A_557 : i32 to index
        %get3A_599 = arith.constant 32 : index
        %get3A_600 = tpu.vector_load %arg9[%get3A_598, %get3A_599] {strides = array<i32>} : memref<128x128xf32, #tpu.memory_space<vmem>>, vector<1x16xf32>,
        %get3A_601 = vector.shape_cast %get3A_600 : vector<1x16xf32> to vector<16xf32>
        %mul3A_602 = arith.mulf %get3A_601, %gather3A_553 : vector<16xf32>
        %swap3A_603 = arith.index_cast %add3A_557 : i32 to index
        %swap3A_604 = arith.constant 32 : index
        %swap3A_605 = tpu.vector_load %arg9[%swap3A_603, %swap3A_604] {strides = array<i32>} : memref<128x128xf32, #tpu.memory_space<vmem>>, vector<1x16xf32>,
        %swap3A_606 = vector.shape_cast %swap3A_605 : vector<1x16xf32> to vector<16xf32>
        %swap3A_607 = vector.shape_cast %mul3A_602 : vector<16xf32> to vector<1x16xf32>
        tpu.vector_store %arg9[%swap3A_603, %swap3A_604], %swap3A_607 {strides = array<i32>} : memref<128x128xf32, #tpu.memory_space<vmem>>, vector<1x16xf32>,
        %get3A_608 = arith.index_cast %add3A_557 : i32 to index
        %get3A_609 = arith.constant 32 : index
        %get3A_610 = tpu.vector_load %arg10[%get3A_608, %get3A_609] {strides = array<i32>} : memref<128x128xf32, #tpu.memory_space<vmem>>, vector<1x16xf32>,
        %get3A_611 = vector.shape_cast %get3A_610 : vector<1x16xf32> to vector<16xf32>
        %mul3A_612 = arith.mulf %get3A_611, %gather3A_553 : vector<16xf32>
        %swap3A_613 = arith.index_cast %add3A_557 : i32 to index
        %swap3A_614 = arith.constant 32 : index
        %swap3A_615 = tpu.vector_load %arg10[%swap3A_613, %swap3A_614] {strides = array<i32>} : memref<128x128xf32, #tpu.memory_space<vmem>>, vector<1x16xf32>,
        %swap3A_616 = vector.shape_cast %swap3A_615 : vector<1x16xf32> to vector<16xf32>
        %swap3A_617 = vector.shape_cast %mul3A_612 : vector<16xf32> to vector<1x16xf32>
        tpu.vector_store %arg10[%swap3A_613, %swap3A_614], %swap3A_617 {strides = array<i32>} : memref<128x128xf32, #tpu.memory_space<vmem>>, vector<1x16xf32>,
        %get3A_618 = arith.index_cast %add3A_557 : i32 to index
        %get3A_619 = arith.constant 48 : index
        %get3A_620 = tpu.vector_load %arg9[%get3A_618, %get3A_619] {strides = array<i32>} : memref<128x128xf32, #tpu.memory_space<vmem>>, vector<1x16xf32>,
        %get3A_621 = vector.shape_cast %get3A_620 : vector<1x16xf32> to vector<16xf32>
        %mul3A_622 = arith.mulf %get3A_621, %gather3A_553 : vector<16xf32>
        %swap3A_623 = arith.index_cast %add3A_557 : i32 to index
        %swap3A_624 = arith.constant 48 : index
        %swap3A_625 = tpu.vector_load %arg9[%swap3A_623, %swap3A_624] {strides = array<i32>} : memref<128x128xf32, #tpu.memory_space<vmem>>, vector<1x16xf32>,
        %swap3A_626 = vector.shape_cast %swap3A_625 : vector<1x16xf32> to vector<16xf32>
        %swap3A_627 = vector.shape_cast %mul3A_622 : vector<16xf32> to vector<1x16xf32>
        tpu.vector_store %arg9[%swap3A_623, %swap3A_624], %swap3A_627 {strides = array<i32>} : memref<128x128xf32, #tpu.memory_space<vmem>>, vector<1x16xf32>,
        %get3A_628 = arith.index_cast %add3A_557 : i32 to index
        %get3A_629 = arith.constant 48 : index
        %get3A_630 = tpu.vector_load %arg10[%get3A_628, %get3A_629] {strides = array<i32>} : memref<128x128xf32, #tpu.memory_space<vmem>>, vector<1x16xf32>,
        %get3A_631 = vector.shape_cast %get3A_630 : vector<1x16xf32> to vector<16xf32>
        %mul3A_632 = arith.mulf %get3A_631, %gather3A_553 : vector<16xf32>
        %swap3A_633 = arith.index_cast %add3A_557 : i32 to index
        %swap3A_634 = arith.constant 48 : index
        %swap3A_635 = tpu.vector_load %arg10[%swap3A_633, %swap3A_634] {strides = array<i32>} : memref<128x128xf32, #tpu.memory_space<vmem>>, vector<1x16xf32>,
        %swap3A_636 = vector.shape_cast %swap3A_635 : vector<1x16xf32> to vector<16xf32>
        %swap3A_637 = vector.shape_cast %mul3A_632 : vector<16xf32> to vector<1x16xf32>
        tpu.vector_store %arg10[%swap3A_633, %swap3A_634], %swap3A_637 {strides = array<i32>} : memref<128x128xf32, #tpu.memory_space<vmem>>, vector<1x16xf32>,
        %get3A_638 = arith.index_cast %add3A_557 : i32 to index
        %get3A_639 = arith.constant 64 : index
        %get3A_640 = tpu.vector_load %arg9[%get3A_638, %get3A_639] {strides = array<i32>} : memref<128x128xf32, #tpu.memory_space<vmem>>, vector<1x16xf32>,
        %get3A_641 = vector.shape_cast %get3A_640 : vector<1x16xf32> to vector<16xf32>
        %mul3A_642 = arith.mulf %get3A_641, %gather3A_553 : vector<16xf32>
        %swap3A_643 = arith.index_cast %add3A_557 : i32 to index
        %swap3A_644 = arith.constant 64 : index
        %swap3A_645 = tpu.vector_load %arg9[%swap3A_643, %swap3A_644] {strides = array<i32>} : memref<128x128xf32, #tpu.memory_space<vmem>>, vector<1x16xf32>,
        %swap3A_646 = vector.shape_cast %swap3A_645 : vector<1x16xf32> to vector<16xf32>
        %swap3A_647 = vector.shape_cast %mul3A_642 : vector<16xf32> to vector<1x16xf32>
        tpu.vector_store %arg9[%swap3A_643, %swap3A_644], %swap3A_647 {strides = array<i32>} : memref<128x128xf32, #tpu.memory_space<vmem>>, vector<1x16xf32>,
        %get3A_648 = arith.index_cast %add3A_557 : i32 to index
        %get3A_649 = arith.constant 64 : index
        %get3A_650 = tpu.vector_load %arg10[%get3A_648, %get3A_649] {strides = array<i32>} : memref<128x128xf32, #tpu.memory_space<vmem>>, vector<1x16xf32>,
        %get3A_651 = vector.shape_cast %get3A_650 : vector<1x16xf32> to vector<16xf32>
        %mul3A_652 = arith.mulf %get3A_651, %gather3A_553 : vector<16xf32>
        %swap3A_653 = arith.index_cast %add3A_557 : i32 to index
        %swap3A_654 = arith.constant 64 : index
        %swap3A_655 = tpu.vector_load %arg10[%swap3A_653, %swap3A_654] {strides = array<i32>} : memref<128x128xf32, #tpu.memory_space<vmem>>, vector<1x16xf32>,
        %swap3A_656 = vector.shape_cast %swap3A_655 : vector<1x16xf32> to vector<16xf32>
        %swap3A_657 = vector.shape_cast %mul3A_652 : vector<16xf32> to vector<1x16xf32>
        tpu.vector_store %arg10[%swap3A_653, %swap3A_654], %swap3A_657 {strides = array<i32>} : memref<128x128xf32, #tpu.memory_space<vmem>>, vector<1x16xf32>,
        %get3A_658 = arith.index_cast %add3A_557 : i32 to index
        %get3A_659 = arith.constant 80 : index
        %get3A_660 = tpu.vector_load %arg9[%get3A_658, %get3A_659] {strides = array<i32>} : memref<128x128xf32, #tpu.memory_space<vmem>>, vector<1x16xf32>,
        %get3A_661 = vector.shape_cast %get3A_660 : vector<1x16xf32> to vector<16xf32>
        %mul3A_662 = arith.mulf %get3A_661, %gather3A_553 : vector<16xf32>
        %swap3A_663 = arith.index_cast %add3A_557 : i32 to index
        %swap3A_664 = arith.constant 80 : index
        %swap3A_665 = tpu.vector_load %arg9[%swap3A_663, %swap3A_664] {strides = array<i32>} : memref<128x128xf32, #tpu.memory_space<vmem>>, vector<1x16xf32>,
        %swap3A_666 = vector.shape_cast %swap3A_665 : vector<1x16xf32> to vector<16xf32>
        %swap3A_667 = vector.shape_cast %mul3A_662 : vector<16xf32> to vector<1x16xf32>
        tpu.vector_store %arg9[%swap3A_663, %swap3A_664], %swap3A_667 {strides = array<i32>} : memref<128x128xf32, #tpu.memory_space<vmem>>, vector<1x16xf32>,
        %get3A_668 = arith.index_cast %add3A_557 : i32 to index
        %get3A_669 = arith.constant 80 : index
        %get3A_670 = tpu.vector_load %arg10[%get3A_668, %get3A_669] {strides = array<i32>} : memref<128x128xf32, #tpu.memory_space<vmem>>, vector<1x16xf32>,
        %get3A_671 = vector.shape_cast %get3A_670 : vector<1x16xf32> to vector<16xf32>
        %mul3A_672 = arith.mulf %get3A_671, %gather3A_553 : vector<16xf32>
        %swap3A_673 = arith.index_cast %add3A_557 : i32 to index
        %swap3A_674 = arith.constant 80 : index
        %swap3A_675 = tpu.vector_load %arg10[%swap3A_673, %swap3A_674] {strides = array<i32>} : memref<128x128xf32, #tpu.memory_space<vmem>>, vector<1x16xf32>,
        %swap3A_676 = vector.shape_cast %swap3A_675 : vector<1x16xf32> to vector<16xf32>
        %swap3A_677 = vector.shape_cast %mul3A_672 : vector<16xf32> to vector<1x16xf32>
        tpu.vector_store %arg10[%swap3A_673, %swap3A_674], %swap3A_677 {strides = array<i32>} : memref<128x128xf32, #tpu.memory_space<vmem>>, vector<1x16xf32>,
        %get3A_678 = arith.index_cast %add3A_557 : i32 to index
        %get3A_679 = arith.constant 96 : index
        %get3A_680 = tpu.vector_load %arg9[%get3A_678, %get3A_679] {strides = array<i32>} : memref<128x128xf32, #tpu.memory_space<vmem>>, vector<1x16xf32>,
        %get3A_681 = vector.shape_cast %get3A_680 : vector<1x16xf32> to vector<16xf32>
        %mul3A_682 = arith.mulf %get3A_681, %gather3A_553 : vector<16xf32>
        %swap3A_683 = arith.index_cast %add3A_557 : i32 to index
        %swap3A_684 = arith.constant 96 : index
        %swap3A_685 = tpu.vector_load %arg9[%swap3A_683, %swap3A_684] {strides = array<i32>} : memref<128x128xf32, #tpu.memory_space<vmem>>, vector<1x16xf32>,
        %swap3A_686 = vector.shape_cast %swap3A_685 : vector<1x16xf32> to vector<16xf32>
        %swap3A_687 = vector.shape_cast %mul3A_682 : vector<16xf32> to vector<1x16xf32>
        tpu.vector_store %arg9[%swap3A_683, %swap3A_684], %swap3A_687 {strides = array<i32>} : memref<128x128xf32, #tpu.memory_space<vmem>>, vector<1x16xf32>,
        %get3A_688 = arith.index_cast %add3A_557 : i32 to index
        %get3A_689 = arith.constant 96 : index
        %get3A_690 = tpu.vector_load %arg10[%get3A_688, %get3A_689] {strides = array<i32>} : memref<128x128xf32, #tpu.memory_space<vmem>>, vector<1x16xf32>,
        %get3A_691 = vector.shape_cast %get3A_690 : vector<1x16xf32> to vector<16xf32>
        %mul3A_692 = arith.mulf %get3A_691, %gather3A_553 : vector<16xf32>
        %swap3A_693 = arith.index_cast %add3A_557 : i32 to index
        %swap3A_694 = arith.constant 96 : index
        %swap3A_695 = tpu.vector_load %arg10[%swap3A_693, %swap3A_694] {strides = array<i32>} : memref<128x128xf32, #tpu.memory_space<vmem>>, vector<1x16xf32>,
        %swap3A_696 = vector.shape_cast %swap3A_695 : vector<1x16xf32> to vector<16xf32>
        %swap3A_697 = vector.shape_cast %mul3A_692 : vector<16xf32> to vector<1x16xf32>
        tpu.vector_store %arg10[%swap3A_693, %swap3A_694], %swap3A_697 {strides = array<i32>} : memref<128x128xf32, #tpu.memory_space<vmem>>, vector<1x16xf32>,
        %get3A_698 = arith.index_cast %add3A_557 : i32 to index
        %get3A_699 = arith.constant 112 : index
        %get3A_700 = tpu.vector_load %arg9[%get3A_698, %get3A_699] {strides = array<i32>} : memref<128x128xf32, #tpu.memory_space<vmem>>, vector<1x16xf32>,
        %get3A_701 = vector.shape_cast %get3A_700 : vector<1x16xf32> to vector<16xf32>
        %mul3A_702 = arith.mulf %get3A_701, %gather3A_553 : vector<16xf32>
        %swap3A_703 = arith.index_cast %add3A_557 : i32 to index
        %swap3A_704 = arith.constant 112 : index
        %swap3A_705 = tpu.vector_load %arg9[%swap3A_703, %swap3A_704] {strides = array<i32>} : memref<128x128xf32, #tpu.memory_space<vmem>>, vector<1x16xf32>,
        %swap3A_706 = vector.shape_cast %swap3A_705 : vector<1x16xf32> to vector<16xf32>
        %swap3A_707 = vector.shape_cast %mul3A_702 : vector<16xf32> to vector<1x16xf32>
        tpu.vector_store %arg9[%swap3A_703, %swap3A_704], %swap3A_707 {strides = array<i32>} : memref<128x128xf32, #tpu.memory_space<vmem>>, vector<1x16xf32>,
        %get3A_708 = arith.index_cast %add3A_557 : i32 to index
        %get3A_709 = arith.constant 112 : index
        %get3A_710 = tpu.vector_load %arg10[%get3A_708, %get3A_709] {strides = array<i32>} : memref<128x128xf32, #tpu.memory_space<vmem>>, vector<1x16xf32>,
        %get3A_711 = vector.shape_cast %get3A_710 : vector<1x16xf32> to vector<16xf32>
        %mul3A_712 = arith.mulf %get3A_711, %gather3A_553 : vector<16xf32>
        %swap3A_713 = arith.index_cast %add3A_557 : i32 to index
        %swap3A_714 = arith.constant 112 : index
        %swap3A_715 = tpu.vector_load %arg10[%swap3A_713, %swap3A_714] {strides = array<i32>} : memref<128x128xf32, #tpu.memory_space<vmem>>, vector<1x16xf32>,
        %swap3A_716 = vector.shape_cast %swap3A_715 : vector<1x16xf32> to vector<16xf32>
        %swap3A_717 = vector.shape_cast %mul3A_712 : vector<16xf32> to vector<1x16xf32>
        tpu.vector_store %arg10[%swap3A_713, %swap3A_714], %swap3A_717 {strides = array<i32>} : memref<128x128xf32, #tpu.memory_space<vmem>>, vector<1x16xf32>,
        %broadcast_in_dim3A_718 = arith.constant 4 : i32
        %broadcast_in_dim3A_719 = vector.broadcast %broadcast_in_dim3A_718 : i32 to vector<16x1xi32>
        %gather3A_720 = vector.shape_cast %broadcast_in_dim3A_719 : vector<16x1xi32> to vector<16xi32>
        %gather3A_721 = tpu.dynamic_gather %get3A_48[%gather3A_720] in [0] : vector<16xf32>, vector<16xi32> -> vector<16xf32>
        %mul3A_722 = arith.constant 16 : i32
        %mul3A_723 = arith.muli %scan3A_44, %mul3A_722 : i32
        %add3A_724 = arith.constant 4 : i32
        %add3A_725 = arith.addi %mul3A_723, %add3A_724 : i32
        %get3A_726 = arith.index_cast %add3A_725 : i32 to index
        %get3A_727 = arith.constant 0 : index
        %get3A_728 = tpu.vector_load %arg9[%get3A_726, %get3A_727] {strides = array<i32>} : memref<128x128xf32, #tpu.memory_space<vmem>>, vector<1x16xf32>,
        %get3A_729 = vector.shape_cast %get3A_728 : vector<1x16xf32> to vector<16xf32>
        %mul3A_730 = arith.mulf %get3A_729, %gather3A_721 : vector<16xf32>
        %swap3A_731 = arith.index_cast %add3A_725 : i32 to index
        %swap3A_732 = arith.constant 0 : index
        %swap3A_733 = tpu.vector_load %arg9[%swap3A_731, %swap3A_732] {strides = array<i32>} : memref<128x128xf32, #tpu.memory_space<vmem>>, vector<1x16xf32>,
        %swap3A_734 = vector.shape_cast %swap3A_733 : vector<1x16xf32> to vector<16xf32>
        %swap3A_735 = vector.shape_cast %mul3A_730 : vector<16xf32> to vector<1x16xf32>
        tpu.vector_store %arg9[%swap3A_731, %swap3A_732], %swap3A_735 {strides = array<i32>} : memref<128x128xf32, #tpu.memory_space<vmem>>, vector<1x16xf32>,
        %get3A_736 = arith.index_cast %add3A_725 : i32 to index
        %get3A_737 = arith.constant 0 : index
        %get3A_738 = tpu.vector_load %arg10[%get3A_736, %get3A_737] {strides = array<i32>} : memref<128x128xf32, #tpu.memory_space<vmem>>, vector<1x16xf32>,
        %get3A_739 = vector.shape_cast %get3A_738 : vector<1x16xf32> to vector<16xf32>
        %mul3A_740 = arith.mulf %get3A_739, %gather3A_721 : vector<16xf32>
        %swap3A_741 = arith.index_cast %add3A_725 : i32 to index
        %swap3A_742 = arith.constant 0 : index
        %swap3A_743 = tpu.vector_load %arg10[%swap3A_741, %swap3A_742] {strides = array<i32>} : memref<128x128xf32, #tpu.memory_space<vmem>>, vector<1x16xf32>,
        %swap3A_744 = vector.shape_cast %swap3A_743 : vector<1x16xf32> to vector<16xf32>
        %swap3A_745 = vector.shape_cast %mul3A_740 : vector<16xf32> to vector<1x16xf32>
        tpu.vector_store %arg10[%swap3A_741, %swap3A_742], %swap3A_745 {strides = array<i32>} : memref<128x128xf32, #tpu.memory_space<vmem>>, vector<1x16xf32>,
        %get3A_746 = arith.index_cast %add3A_725 : i32 to index
        %get3A_747 = arith.constant 16 : index
        %get3A_748 = tpu.vector_load %arg9[%get3A_746, %get3A_747] {strides = array<i32>} : memref<128x128xf32, #tpu.memory_space<vmem>>, vector<1x16xf32>,
        %get3A_749 = vector.shape_cast %get3A_748 : vector<1x16xf32> to vector<16xf32>
        %mul3A_750 = arith.mulf %get3A_749, %gather3A_721 : vector<16xf32>
        %swap3A_751 = arith.index_cast %add3A_725 : i32 to index
        %swap3A_752 = arith.constant 16 : index
        %swap3A_753 = tpu.vector_load %arg9[%swap3A_751, %swap3A_752] {strides = array<i32>} : memref<128x128xf32, #tpu.memory_space<vmem>>, vector<1x16xf32>,
        %swap3A_754 = vector.shape_cast %swap3A_753 : vector<1x16xf32> to vector<16xf32>
        %swap3A_755 = vector.shape_cast %mul3A_750 : vector<16xf32> to vector<1x16xf32>
        tpu.vector_store %arg9[%swap3A_751, %swap3A_752], %swap3A_755 {strides = array<i32>} : memref<128x128xf32, #tpu.memory_space<vmem>>, vector<1x16xf32>,
        %get3A_756 = arith.index_cast %add3A_725 : i32 to index
        %get3A_757 = arith.constant 16 : index
        %get3A_758 = tpu.vector_load %arg10[%get3A_756, %get3A_757] {strides = array<i32>} : memref<128x128xf32, #tpu.memory_space<vmem>>, vector<1x16xf32>,
        %get3A_759 = vector.shape_cast %get3A_758 : vector<1x16xf32> to vector<16xf32>
        %mul3A_760 = arith.mulf %get3A_759, %gather3A_721 : vector<16xf32>
        %swap3A_761 = arith.index_cast %add3A_725 : i32 to index
        %swap3A_762 = arith.constant 16 : index
        %swap3A_763 = tpu.vector_load %arg10[%swap3A_761, %swap3A_762] {strides = array<i32>} : memref<128x128xf32, #tpu.memory_space<vmem>>, vector<1x16xf32>,
        %swap3A_764 = vector.shape_cast %swap3A_763 : vector<1x16xf32> to vector<16xf32>
        %swap3A_765 = vector.shape_cast %mul3A_760 : vector<16xf32> to vector<1x16xf32>
        tpu.vector_store %arg10[%swap3A_761, %swap3A_762], %swap3A_765 {strides = array<i32>} : memref<128x128xf32, #tpu.memory_space<vmem>>, vector<1x16xf32>,
        %get3A_766 = arith.index_cast %add3A_725 : i32 to index
        %get3A_767 = arith.constant 32 : index
        %get3A_768 = tpu.vector_load %arg9[%get3A_766, %get3A_767] {strides = array<i32>} : memref<128x128xf32, #tpu.memory_space<vmem>>, vector<1x16xf32>,
        %get3A_769 = vector.shape_cast %get3A_768 : vector<1x16xf32> to vector<16xf32>
        %mul3A_770 = arith.mulf %get3A_769, %gather3A_721 : vector<16xf32>
        %swap3A_771 = arith.index_cast %add3A_725 : i32 to index
        %swap3A_772 = arith.constant 32 : index
        %swap3A_773 = tpu.vector_load %arg9[%swap3A_771, %swap3A_772] {strides = array<i32>} : memref<128x128xf32, #tpu.memory_space<vmem>>, vector<1x16xf32>,
        %swap3A_774 = vector.shape_cast %swap3A_773 : vector<1x16xf32> to vector<16xf32>
        %swap3A_775 = vector.shape_cast %mul3A_770 : vector<16xf32> to vector<1x16xf32>
        tpu.vector_store %arg9[%swap3A_771, %swap3A_772], %swap3A_775 {strides = array<i32>} : memref<128x128xf32, #tpu.memory_space<vmem>>, vector<1x16xf32>,
        %get3A_776 = arith.index_cast %add3A_725 : i32 to index
        %get3A_777 = arith.constant 32 : index
        %get3A_778 = tpu.vector_load %arg10[%get3A_776, %get3A_777] {strides = array<i32>} : memref<128x128xf32, #tpu.memory_space<vmem>>, vector<1x16xf32>,
        %get3A_779 = vector.shape_cast %get3A_778 : vector<1x16xf32> to vector<16xf32>
        %mul3A_780 = arith.mulf %get3A_779, %gather3A_721 : vector<16xf32>
        %swap3A_781 = arith.index_cast %add3A_725 : i32 to index
        %swap3A_782 = arith.constant 32 : index
        %swap3A_783 = tpu.vector_load %arg10[%swap3A_781, %swap3A_782] {strides = array<i32>} : memref<128x128xf32, #tpu.memory_space<vmem>>, vector<1x16xf32>,
        %swap3A_784 = vector.shape_cast %swap3A_783 : vector<1x16xf32> to vector<16xf32>
        %swap3A_785 = vector.shape_cast %mul3A_780 : vector<16xf32> to vector<1x16xf32>
        tpu.vector_store %arg10[%swap3A_781, %swap3A_782], %swap3A_785 {strides = array<i32>} : memref<128x128xf32, #tpu.memory_space<vmem>>, vector<1x16xf32>,
        %get3A_786 = arith.index_cast %add3A_725 : i32 to index
        %get3A_787 = arith.constant 48 : index
        %get3A_788 = tpu.vector_load %arg9[%get3A_786, %get3A_787] {strides = array<i32>} : memref<128x128xf32, #tpu.memory_space<vmem>>, vector<1x16xf32>,
        %get3A_789 = vector.shape_cast %get3A_788 : vector<1x16xf32> to vector<16xf32>
        %mul3A_790 = arith.mulf %get3A_789, %gather3A_721 : vector<16xf32>
        %swap3A_791 = arith.index_cast %add3A_725 : i32 to index
        %swap3A_792 = arith.constant 48 : index
        %swap3A_793 = tpu.vector_load %arg9[%swap3A_791, %swap3A_792] {strides = array<i32>} : memref<128x128xf32, #tpu.memory_space<vmem>>, vector<1x16xf32>,
        %swap3A_794 = vector.shape_cast %swap3A_793 : vector<1x16xf32> to vector<16xf32>
        %swap3A_795 = vector.shape_cast %mul3A_790 : vector<16xf32> to vector<1x16xf32>
        tpu.vector_store %arg9[%swap3A_791, %swap3A_792], %swap3A_795 {strides = array<i32>} : memref<128x128xf32, #tpu.memory_space<vmem>>, vector<1x16xf32>,
        %get3A_796 = arith.index_cast %add3A_725 : i32 to index
        %get3A_797 = arith.constant 48 : index
        %get3A_798 = tpu.vector_load %arg10[%get3A_796, %get3A_797] {strides = array<i32>} : memref<128x128xf32, #tpu.memory_space<vmem>>, vector<1x16xf32>,
        %get3A_799 = vector.shape_cast %get3A_798 : vector<1x16xf32> to vector<16xf32>
        %mul3A_800 = arith.mulf %get3A_799, %gather3A_721 : vector<16xf32>
        %swap3A_801 = arith.index_cast %add3A_725 : i32 to index
        %swap3A_802 = arith.constant 48 : index
        %swap3A_803 = tpu.vector_load %arg10[%swap3A_801, %swap3A_802] {strides = array<i32>} : memref<128x128xf32, #tpu.memory_space<vmem>>, vector<1x16xf32>,
        %swap3A_804 = vector.shape_cast %swap3A_803 : vector<1x16xf32> to vector<16xf32>
        %swap3A_805 = vector.shape_cast %mul3A_800 : vector<16xf32> to vector<1x16xf32>
        tpu.vector_store %arg10[%swap3A_801, %swap3A_802], %swap3A_805 {strides = array<i32>} : memref<128x128xf32, #tpu.memory_space<vmem>>, vector<1x16xf32>,
        %get3A_806 = arith.index_cast %add3A_725 : i32 to index
        %get3A_807 = arith.constant 64 : index
        %get3A_808 = tpu.vector_load %arg9[%get3A_806, %get3A_807] {strides = array<i32>} : memref<128x128xf32, #tpu.memory_space<vmem>>, vector<1x16xf32>,
        %get3A_809 = vector.shape_cast %get3A_808 : vector<1x16xf32> to vector<16xf32>
        %mul3A_810 = arith.mulf %get3A_809, %gather3A_721 : vector<16xf32>
        %swap3A_811 = arith.index_cast %add3A_725 : i32 to index
        %swap3A_812 = arith.constant 64 : index
        %swap3A_813 = tpu.vector_load %arg9[%swap3A_811, %swap3A_812] {strides = array<i32>} : memref<128x128xf32, #tpu.memory_space<vmem>>, vector<1x16xf32>,
        %swap3A_814 = vector.shape_cast %swap3A_813 : vector<1x16xf32> to vector<16xf32>
        %swap3A_815 = vector.shape_cast %mul3A_810 : vector<16xf32> to vector<1x16xf32>
        tpu.vector_store %arg9[%swap3A_811, %swap3A_812], %swap3A_815 {strides = array<i32>} : memref<128x128xf32, #tpu.memory_space<vmem>>, vector<1x16xf32>,
        %get3A_816 = arith.index_cast %add3A_725 : i32 to index
        %get3A_817 = arith.constant 64 : index
        %get3A_818 = tpu.vector_load %arg10[%get3A_816, %get3A_817] {strides = array<i32>} : memref<128x128xf32, #tpu.memory_space<vmem>>, vector<1x16xf32>,
        %get3A_819 = vector.shape_cast %get3A_818 : vector<1x16xf32> to vector<16xf32>
        %mul3A_820 = arith.mulf %get3A_819, %gather3A_721 : vector<16xf32>
        %swap3A_821 = arith.index_cast %add3A_725 : i32 to index
        %swap3A_822 = arith.constant 64 : index
        %swap3A_823 = tpu.vector_load %arg10[%swap3A_821, %swap3A_822] {strides = array<i32>} : memref<128x128xf32, #tpu.memory_space<vmem>>, vector<1x16xf32>,
        %swap3A_824 = vector.shape_cast %swap3A_823 : vector<1x16xf32> to vector<16xf32>
        %swap3A_825 = vector.shape_cast %mul3A_820 : vector<16xf32> to vector<1x16xf32>
        tpu.vector_store %arg10[%swap3A_821, %swap3A_822], %swap3A_825 {strides = array<i32>} : memref<128x128xf32, #tpu.memory_space<vmem>>, vector<1x16xf32>,
        %get3A_826 = arith.index_cast %add3A_725 : i32 to index
        %get3A_827 = arith.constant 80 : index
        %get3A_828 = tpu.vector_load %arg9[%get3A_826, %get3A_827] {strides = array<i32>} : memref<128x128xf32, #tpu.memory_space<vmem>>, vector<1x16xf32>,
        %get3A_829 = vector.shape_cast %get3A_828 : vector<1x16xf32> to vector<16xf32>
        %mul3A_830 = arith.mulf %get3A_829, %gather3A_721 : vector<16xf32>
        %swap3A_831 = arith.index_cast %add3A_725 : i32 to index
        %swap3A_832 = arith.constant 80 : index
        %swap3A_833 = tpu.vector_load %arg9[%swap3A_831, %swap3A_832] {strides = array<i32>} : memref<128x128xf32, #tpu.memory_space<vmem>>, vector<1x16xf32>,
        %swap3A_834 = vector.shape_cast %swap3A_833 : vector<1x16xf32> to vector<16xf32>
        %swap3A_835 = vector.shape_cast %mul3A_830 : vector<16xf32> to vector<1x16xf32>
        tpu.vector_store %arg9[%swap3A_831, %swap3A_832], %swap3A_835 {strides = array<i32>} : memref<128x128xf32, #tpu.memory_space<vmem>>, vector<1x16xf32>,
        %get3A_836 = arith.index_cast %add3A_725 : i32 to index
        %get3A_837 = arith.constant 80 : index
        %get3A_838 = tpu.vector_load %arg10[%get3A_836, %get3A_837] {strides = array<i32>} : memref<128x128xf32, #tpu.memory_space<vmem>>, vector<1x16xf32>,
        %get3A_839 = vector.shape_cast %get3A_838 : vector<1x16xf32> to vector<16xf32>
        %mul3A_840 = arith.mulf %get3A_839, %gather3A_721 : vector<16xf32>
        %swap3A_841 = arith.index_cast %add3A_725 : i32 to index
        %swap3A_842 = arith.constant 80 : index
        %swap3A_843 = tpu.vector_load %arg10[%swap3A_841, %swap3A_842] {strides = array<i32>} : memref<128x128xf32, #tpu.memory_space<vmem>>, vector<1x16xf32>,
        %swap3A_844 = vector.shape_cast %swap3A_843 : vector<1x16xf32> to vector<16xf32>
        %swap3A_845 = vector.shape_cast %mul3A_840 : vector<16xf32> to vector<1x16xf32>
        tpu.vector_store %arg10[%swap3A_841, %swap3A_842], %swap3A_845 {strides = array<i32>} : memref<128x128xf32, #tpu.memory_space<vmem>>, vector<1x16xf32>,
        %get3A_846 = arith.index_cast %add3A_725 : i32 to index
        %get3A_847 = arith.constant 96 : index
        %get3A_848 = tpu.vector_load %arg9[%get3A_846, %get3A_847] {strides = array<i32>} : memref<128x128xf32, #tpu.memory_space<vmem>>, vector<1x16xf32>,
        %get3A_849 = vector.shape_cast %get3A_848 : vector<1x16xf32> to vector<16xf32>
        %mul3A_850 = arith.mulf %get3A_849, %gather3A_721 : vector<16xf32>
        %swap3A_851 = arith.index_cast %add3A_725 : i32 to index
        %swap3A_852 = arith.constant 96 : index
        %swap3A_853 = tpu.vector_load %arg9[%swap3A_851, %swap3A_852] {strides = array<i32>} : memref<128x128xf32, #tpu.memory_space<vmem>>, vector<1x16xf32>,
        %swap3A_854 = vector.shape_cast %swap3A_853 : vector<1x16xf32> to vector<16xf32>
        %swap3A_855 = vector.shape_cast %mul3A_850 : vector<16xf32> to vector<1x16xf32>
        tpu.vector_store %arg9[%swap3A_851, %swap3A_852], %swap3A_855 {strides = array<i32>} : memref<128x128xf32, #tpu.memory_space<vmem>>, vector<1x16xf32>,
        %get3A_856 = arith.index_cast %add3A_725 : i32 to index
        %get3A_857 = arith.constant 96 : index
        %get3A_858 = tpu.vector_load %arg10[%get3A_856, %get3A_857] {strides = array<i32>} : memref<128x128xf32, #tpu.memory_space<vmem>>, vector<1x16xf32>,
        %get3A_859 = vector.shape_cast %get3A_858 : vector<1x16xf32> to vector<16xf32>
        %mul3A_860 = arith.mulf %get3A_859, %gather3A_721 : vector<16xf32>
        %swap3A_861 = arith.index_cast %add3A_725 : i32 to index
        %swap3A_862 = arith.constant 96 : index
        %swap3A_863 = tpu.vector_load %arg10[%swap3A_861, %swap3A_862] {strides = array<i32>} : memref<128x128xf32, #tpu.memory_space<vmem>>, vector<1x16xf32>,
        %swap3A_864 = vector.shape_cast %swap3A_863 : vector<1x16xf32> to vector<16xf32>
        %swap3A_865 = vector.shape_cast %mul3A_860 : vector<16xf32> to vector<1x16xf32>
        tpu.vector_store %arg10[%swap3A_861, %swap3A_862], %swap3A_865 {strides = array<i32>} : memref<128x128xf32, #tpu.memory_space<vmem>>, vector<1x16xf32>,
        %get3A_866 = arith.index_cast %add3A_725 : i32 to index
        %get3A_867 = arith.constant 112 : index
        %get3A_868 = tpu.vector_load %arg9[%get3A_866, %get3A_867] {strides = array<i32>} : memref<128x128xf32, #tpu.memory_space<vmem>>, vector<1x16xf32>,
        %get3A_869 = vector.shape_cast %get3A_868 : vector<1x16xf32> to vector<16xf32>
        %mul3A_870 = arith.mulf %get3A_869, %gather3A_721 : vector<16xf32>
        %swap3A_871 = arith.index_cast %add3A_725 : i32 to index
        %swap3A_872 = arith.constant 112 : index
        %swap3A_873 = tpu.vector_load %arg9[%swap3A_871, %swap3A_872] {strides = array<i32>} : memref<128x128xf32, #tpu.memory_space<vmem>>, vector<1x16xf32>,
        %swap3A_874 = vector.shape_cast %swap3A_873 : vector<1x16xf32> to vector<16xf32>
        %swap3A_875 = vector.shape_cast %mul3A_870 : vector<16xf32> to vector<1x16xf32>
        tpu.vector_store %arg9[%swap3A_871, %swap3A_872], %swap3A_875 {strides = array<i32>} : memref<128x128xf32, #tpu.memory_space<vmem>>, vector<1x16xf32>,
        %get3A_876 = arith.index_cast %add3A_725 : i32 to index
        %get3A_877 = arith.constant 112 : index
        %get3A_878 = tpu.vector_load %arg10[%get3A_876, %get3A_877] {strides = array<i32>} : memref<128x128xf32, #tpu.memory_space<vmem>>, vector<1x16xf32>,
        %get3A_879 = vector.shape_cast %get3A_878 : vector<1x16xf32> to vector<16xf32>
        %mul3A_880 = arith.mulf %get3A_879, %gather3A_721 : vector<16xf32>
        %swap3A_881 = arith.index_cast %add3A_725 : i32 to index
        %swap3A_882 = arith.constant 112 : index
        %swap3A_883 = tpu.vector_load %arg10[%swap3A_881, %swap3A_882] {strides = array<i32>} : memref<128x128xf32, #tpu.memory_space<vmem>>, vector<1x16xf32>,
        %swap3A_884 = vector.shape_cast %swap3A_883 : vector<1x16xf32> to vector<16xf32>
        %swap3A_885 = vector.shape_cast %mul3A_880 : vector<16xf32> to vector<1x16xf32>
        tpu.vector_store %arg10[%swap3A_881, %swap3A_882], %swap3A_885 {strides = array<i32>} : memref<128x128xf32, #tpu.memory_space<vmem>>, vector<1x16xf32>,
        %broadcast_in_dim3A_886 = arith.constant 5 : i32
        %broadcast_in_dim3A_887 = vector.broadcast %broadcast_in_dim3A_886 : i32 to vector<16x1xi32>
        %gather3A_888 = vector.shape_cast %broadcast_in_dim3A_887 : vector<16x1xi32> to vector<16xi32>
        %gather3A_889 = tpu.dynamic_gather %get3A_48[%gather3A_888] in [0] : vector<16xf32>, vector<16xi32> -> vector<16xf32>
        %mul3A_890 = arith.constant 16 : i32
        %mul3A_891 = arith.muli %scan3A_44, %mul3A_890 : i32
        %add3A_892 = arith.constant 5 : i32
        %add3A_893 = arith.addi %mul3A_891, %add3A_892 : i32
        %get3A_894 = arith.index_cast %add3A_893 : i32 to index
        %get3A_895 = arith.constant 0 : index
        %get3A_896 = tpu.vector_load %arg9[%get3A_894, %get3A_895] {strides = array<i32>} : memref<128x128xf32, #tpu.memory_space<vmem>>, vector<1x16xf32>,
        %get3A_897 = vector.shape_cast %get3A_896 : vector<1x16xf32> to vector<16xf32>
        %mul3A_898 = arith.mulf %get3A_897, %gather3A_889 : vector<16xf32>
        %swap3A_899 = arith.index_cast %add3A_893 : i32 to index
        %swap3A_900 = arith.constant 0 : index
        %swap3A_901 = tpu.vector_load %arg9[%swap3A_899, %swap3A_900] {strides = array<i32>} : memref<128x128xf32, #tpu.memory_space<vmem>>, vector<1x16xf32>,
        %swap3A_902 = vector.shape_cast %swap3A_901 : vector<1x16xf32> to vector<16xf32>
        %swap3A_903 = vector.shape_cast %mul3A_898 : vector<16xf32> to vector<1x16xf32>
        tpu.vector_store %arg9[%swap3A_899, %swap3A_900], %swap3A_903 {strides = array<i32>} : memref<128x128xf32, #tpu.memory_space<vmem>>, vector<1x16xf32>,
        %get3A_904 = arith.index_cast %add3A_893 : i32 to index
        %get3A_905 = arith.constant 0 : index
        %get3A_906 = tpu.vector_load %arg10[%get3A_904, %get3A_905] {strides = array<i32>} : memref<128x128xf32, #tpu.memory_space<vmem>>, vector<1x16xf32>,
        %get3A_907 = vector.shape_cast %get3A_906 : vector<1x16xf32> to vector<16xf32>
        %mul3A_908 = arith.mulf %get3A_907, %gather3A_889 : vector<16xf32>
        %swap3A_909 = arith.index_cast %add3A_893 : i32 to index
        %swap3A_910 = arith.constant 0 : index
        %swap3A_911 = tpu.vector_load %arg10[%swap3A_909, %swap3A_910] {strides = array<i32>} : memref<128x128xf32, #tpu.memory_space<vmem>>, vector<1x16xf32>,
        %swap3A_912 = vector.shape_cast %swap3A_911 : vector<1x16xf32> to vector<16xf32>
        %swap3A_913 = vector.shape_cast %mul3A_908 : vector<16xf32> to vector<1x16xf32>
        tpu.vector_store %arg10[%swap3A_909, %swap3A_910], %swap3A_913 {strides = array<i32>} : memref<128x128xf32, #tpu.memory_space<vmem>>, vector<1x16xf32>,
        %get3A_914 = arith.index_cast %add3A_893 : i32 to index
        %get3A_915 = arith.constant 16 : index
        %get3A_916 = tpu.vector_load %arg9[%get3A_914, %get3A_915] {strides = array<i32>} : memref<128x128xf32, #tpu.memory_space<vmem>>, vector<1x16xf32>,
        %get3A_917 = vector.shape_cast %get3A_916 : vector<1x16xf32> to vector<16xf32>
        %mul3A_918 = arith.mulf %get3A_917, %gather3A_889 : vector<16xf32>
        %swap3A_919 = arith.index_cast %add3A_893 : i32 to index
        %swap3A_920 = arith.constant 16 : index
        %swap3A_921 = tpu.vector_load %arg9[%swap3A_919, %swap3A_920] {strides = array<i32>} : memref<128x128xf32, #tpu.memory_space<vmem>>, vector<1x16xf32>,
        %swap3A_922 = vector.shape_cast %swap3A_921 : vector<1x16xf32> to vector<16xf32>
        %swap3A_923 = vector.shape_cast %mul3A_918 : vector<16xf32> to vector<1x16xf32>
        tpu.vector_store %arg9[%swap3A_919, %swap3A_920], %swap3A_923 {strides = array<i32>} : memref<128x128xf32, #tpu.memory_space<vmem>>, vector<1x16xf32>,
        %get3A_924 = arith.index_cast %add3A_893 : i32 to index
        %get3A_925 = arith.constant 16 : index
        %get3A_926 = tpu.vector_load %arg10[%get3A_924, %get3A_925] {strides = array<i32>} : memref<128x128xf32, #tpu.memory_space<vmem>>, vector<1x16xf32>,
        %get3A_927 = vector.shape_cast %get3A_926 : vector<1x16xf32> to vector<16xf32>
        %mul3A_928 = arith.mulf %get3A_927, %gather3A_889 : vector<16xf32>
        %swap3A_929 = arith.index_cast %add3A_893 : i32 to index
        %swap3A_930 = arith.constant 16 : index
        %swap3A_931 = tpu.vector_load %arg10[%swap3A_929, %swap3A_930] {strides = array<i32>} : memref<128x128xf32, #tpu.memory_space<vmem>>, vector<1x16xf32>,
        %swap3A_932 = vector.shape_cast %swap3A_931 : vector<1x16xf32> to vector<16xf32>
        %swap3A_933 = vector.shape_cast %mul3A_928 : vector<16xf32> to vector<1x16xf32>
        tpu.vector_store %arg10[%swap3A_929, %swap3A_930], %swap3A_933 {strides = array<i32>} : memref<128x128xf32, #tpu.memory_space<vmem>>, vector<1x16xf32>,
        %get3A_934 = arith.index_cast %add3A_893 : i32 to index
        %get3A_935 = arith.constant 32 : index
        %get3A_936 = tpu.vector_load %arg9[%get3A_934, %get3A_935] {strides = array<i32>} : memref<128x128xf32, #tpu.memory_space<vmem>>, vector<1x16xf32>,
        %get3A_937 = vector.shape_cast %get3A_936 : vector<1x16xf32> to vector<16xf32>
        %mul3A_938 = arith.mulf %get3A_937, %gather3A_889 : vector<16xf32>
        %swap3A_939 = arith.index_cast %add3A_893 : i32 to index
        %swap3A_940 = arith.constant 32 : index
        %swap3A_941 = tpu.vector_load %arg9[%swap3A_939, %swap3A_940] {strides = array<i32>} : memref<128x128xf32, #tpu.memory_space<vmem>>, vector<1x16xf32>,
        %swap3A_942 = vector.shape_cast %swap3A_941 : vector<1x16xf32> to vector<16xf32>
        %swap3A_943 = vector.shape_cast %mul3A_938 : vector<16xf32> to vector<1x16xf32>
        tpu.vector_store %arg9[%swap3A_939, %swap3A_940], %swap3A_943 {strides = array<i32>} : memref<128x128xf32, #tpu.memory_space<vmem>>, vector<1x16xf32>,
        %get3A_944 = arith.index_cast %add3A_893 : i32 to index
        %get3A_945 = arith.constant 32 : index
        %get3A_946 = tpu.vector_load %arg10[%get3A_944, %get3A_945] {strides = array<i32>} : memref<128x128xf32, #tpu.memory_space<vmem>>, vector<1x16xf32>,
        %get3A_947 = vector.shape_cast %get3A_946 : vector<1x16xf32> to vector<16xf32>
        %mul3A_948 = arith.mulf %get3A_947, %gather3A_889 : vector<16xf32>
        %swap3A_949 = arith.index_cast %add3A_893 : i32 to index
        %swap3A_950 = arith.constant 32 : index
        %swap3A_951 = tpu.vector_load %arg10[%swap3A_949, %swap3A_950] {strides = array<i32>} : memref<128x128xf32, #tpu.memory_space<vmem>>, vector<1x16xf32>,
        %swap3A_952 = vector.shape_cast %swap3A_951 : vector<1x16xf32> to vector<16xf32>
        %swap3A_953 = vector.shape_cast %mul3A_948 : vector<16xf32> to vector<1x16xf32>
        tpu.vector_store %arg10[%swap3A_949, %swap3A_950], %swap3A_953 {strides = array<i32>} : memref<128x128xf32, #tpu.memory_space<vmem>>, vector<1x16xf32>,
        %get3A_954 = arith.index_cast %add3A_893 : i32 to index
        %get3A_955 = arith.constant 48 : index
        %get3A_956 = tpu.vector_load %arg9[%get3A_954, %get3A_955] {strides = array<i32>} : memref<128x128xf32, #tpu.memory_space<vmem>>, vector<1x16xf32>,
        %get3A_957 = vector.shape_cast %get3A_956 : vector<1x16xf32> to vector<16xf32>
        %mul3A_958 = arith.mulf %get3A_957, %gather3A_889 : vector<16xf32>
        %swap3A_959 = arith.index_cast %add3A_893 : i32 to index
        %swap3A_960 = arith.constant 48 : index
        %swap3A_961 = tpu.vector_load %arg9[%swap3A_959, %swap3A_960] {strides = array<i32>} : memref<128x128xf32, #tpu.memory_space<vmem>>, vector<1x16xf32>,
        %swap3A_962 = vector.shape_cast %swap3A_961 : vector<1x16xf32> to vector<16xf32>
        %swap3A_963 = vector.shape_cast %mul3A_958 : vector<16xf32> to vector<1x16xf32>
        tpu.vector_store %arg9[%swap3A_959, %swap3A_960], %swap3A_963 {strides = array<i32>} : memref<128x128xf32, #tpu.memory_space<vmem>>, vector<1x16xf32>,
        %get3A_964 = arith.index_cast %add3A_893 : i32 to index
        %get3A_965 = arith.constant 48 : index
        %get3A_966 = tpu.vector_load %arg10[%get3A_964, %get3A_965] {strides = array<i32>} : memref<128x128xf32, #tpu.memory_space<vmem>>, vector<1x16xf32>,
        %get3A_967 = vector.shape_cast %get3A_966 : vector<1x16xf32> to vector<16xf32>
        %mul3A_968 = arith.mulf %get3A_967, %gather3A_889 : vector<16xf32>
        %swap3A_969 = arith.index_cast %add3A_893 : i32 to index
        %swap3A_970 = arith.constant 48 : index
        %swap3A_971 = tpu.vector_load %arg10[%swap3A_969, %swap3A_970] {strides = array<i32>} : memref<128x128xf32, #tpu.memory_space<vmem>>, vector<1x16xf32>,
        %swap3A_972 = vector.shape_cast %swap3A_971 : vector<1x16xf32> to vector<16xf32>
        %swap3A_973 = vector.shape_cast %mul3A_968 : vector<16xf32> to vector<1x16xf32>
        tpu.vector_store %arg10[%swap3A_969, %swap3A_970], %swap3A_973 {strides = array<i32>} : memref<128x128xf32, #tpu.memory_space<vmem>>, vector<1x16xf32>,
        %get3A_974 = arith.index_cast %add3A_893 : i32 to index
        %get3A_975 = arith.constant 64 : index
        %get3A_976 = tpu.vector_load %arg9[%get3A_974, %get3A_975] {strides = array<i32>} : memref<128x128xf32, #tpu.memory_space<vmem>>, vector<1x16xf32>,
        %get3A_977 = vector.shape_cast %get3A_976 : vector<1x16xf32> to vector<16xf32>
        %mul3A_978 = arith.mulf %get3A_977, %gather3A_889 : vector<16xf32>
        %swap3A_979 = arith.index_cast %add3A_893 : i32 to index
        %swap3A_980 = arith.constant 64 : index
        %swap3A_981 = tpu.vector_load %arg9[%swap3A_979, %swap3A_980] {strides = array<i32>} : memref<128x128xf32, #tpu.memory_space<vmem>>, vector<1x16xf32>,
        %swap3A_982 = vector.shape_cast %swap3A_981 : vector<1x16xf32> to vector<16xf32>
        %swap3A_983 = vector.shape_cast %mul3A_978 : vector<16xf32> to vector<1x16xf32>
        tpu.vector_store %arg9[%swap3A_979, %swap3A_980], %swap3A_983 {strides = array<i32>} : memref<128x128xf32, #tpu.memory_space<vmem>>, vector<1x16xf32>,
        %get3A_984 = arith.index_cast %add3A_893 : i32 to index
        %get3A_985 = arith.constant 64 : index
        %get3A_986 = tpu.vector_load %arg10[%get3A_984, %get3A_985] {strides = array<i32>} : memref<128x128xf32, #tpu.memory_space<vmem>>, vector<1x16xf32>,
        %get3A_987 = vector.shape_cast %get3A_986 : vector<1x16xf32> to vector<16xf32>
        %mul3A_988 = arith.mulf %get3A_987, %gather3A_889 : vector<16xf32>
        %swap3A_989 = arith.index_cast %add3A_893 : i32 to index
        %swap3A_990 = arith.constant 64 : index
        %swap3A_991 = tpu.vector_load %arg10[%swap3A_989, %swap3A_990] {strides = array<i32>} : memref<128x128xf32, #tpu.memory_space<vmem>>, vector<1x16xf32>,
        %swap3A_992 = vector.shape_cast %swap3A_991 : vector<1x16xf32> to vector<16xf32>
        %swap3A_993 = vector.shape_cast %mul3A_988 : vector<16xf32> to vector<1x16xf32>
        tpu.vector_store %arg10[%swap3A_989, %swap3A_990], %swap3A_993 {strides = array<i32>} : memref<128x128xf32, #tpu.memory_space<vmem>>, vector<1x16xf32>,
        %get3A_994 = arith.index_cast %add3A_893 : i32 to index
        %get3A_995 = arith.constant 80 : index
        %get3A_996 = tpu.vector_load %arg9[%get3A_994, %get3A_995] {strides = array<i32>} : memref<128x128xf32, #tpu.memory_space<vmem>>, vector<1x16xf32>,
        %get3A_997 = vector.shape_cast %get3A_996 : vector<1x16xf32> to vector<16xf32>
        %mul3A_998 = arith.mulf %get3A_997, %gather3A_889 : vector<16xf32>
        %swap3A_999 = arith.index_cast %add3A_893 : i32 to index
        %swap3A_1000 = arith.constant 80 : index
        %swap3A_1001 = tpu.vector_load %arg9[%swap3A_999, %swap3A_1000] {strides = array<i32>} : memref<128x128xf32, #tpu.memory_space<vmem>>, vector<1x16xf32>,
        %swap3A_1002 = vector.shape_cast %swap3A_1001 : vector<1x16xf32> to vector<16xf32>
        %swap3A_1003 = vector.shape_cast %mul3A_998 : vector<16xf32> to vector<1x16xf32>
        tpu.vector_store %arg9[%swap3A_999, %swap3A_1000], %swap3A_1003 {strides = array<i32>} : memref<128x128xf32, #tpu.memory_space<vmem>>, vector<1x16xf32>,
        %get3A_1004 = arith.index_cast %add3A_893 : i32 to index
        %get3A_1005 = arith.constant 80 : index
        %get3A_1006 = tpu.vector_load %arg10[%get3A_1004, %get3A_1005] {strides = array<i32>} : memref<128x128xf32, #tpu.memory_space<vmem>>, vector<1x16xf32>,
        %get3A_1007 = vector.shape_cast %get3A_1006 : vector<1x16xf32> to vector<16xf32>
        %mul3A_1008 = arith.mulf %get3A_1007, %gather3A_889 : vector<16xf32>
        %swap3A_1009 = arith.index_cast %add3A_893 : i32 to index
        %swap3A_1010 = arith.constant 80 : index
        %swap3A_1011 = tpu.vector_load %arg10[%swap3A_1009, %swap3A_1010] {strides = array<i32>} : memref<128x128xf32, #tpu.memory_space<vmem>>, vector<1x16xf32>,
        %swap3A_1012 = vector.shape_cast %swap3A_1011 : vector<1x16xf32> to vector<16xf32>
        %swap3A_1013 = vector.shape_cast %mul3A_1008 : vector<16xf32> to vector<1x16xf32>
        tpu.vector_store %arg10[%swap3A_1009, %swap3A_1010], %swap3A_1013 {strides = array<i32>} : memref<128x128xf32, #tpu.memory_space<vmem>>, vector<1x16xf32>,
        %get3A_1014 = arith.index_cast %add3A_893 : i32 to index
        %get3A_1015 = arith.constant 96 : index
        %get3A_1016 = tpu.vector_load %arg9[%get3A_1014, %get3A_1015] {strides = array<i32>} : memref<128x128xf32, #tpu.memory_space<vmem>>, vector<1x16xf32>,
        %get3A_1017 = vector.shape_cast %get3A_1016 : vector<1x16xf32> to vector<16xf32>
        %mul3A_1018 = arith.mulf %get3A_1017, %gather3A_889 : vector<16xf32>
        %swap3A_1019 = arith.index_cast %add3A_893 : i32 to index
        %swap3A_1020 = arith.constant 96 : index
        %swap3A_1021 = tpu.vector_load %arg9[%swap3A_1019, %swap3A_1020] {strides = array<i32>} : memref<128x128xf32, #tpu.memory_space<vmem>>, vector<1x16xf32>,
        %swap3A_1022 = vector.shape_cast %swap3A_1021 : vector<1x16xf32> to vector<16xf32>
        %swap3A_1023 = vector.shape_cast %mul3A_1018 : vector<16xf32> to vector<1x16xf32>
        tpu.vector_store %arg9[%swap3A_1019, %swap3A_1020], %swap3A_1023 {strides = array<i32>} : memref<128x128xf32, #tpu.memory_space<vmem>>, vector<1x16xf32>,
        %get3A_1024 = arith.index_cast %add3A_893 : i32 to index
        %get3A_1025 = arith.constant 96 : index
        %get3A_1026 = tpu.vector_load %arg10[%get3A_1024, %get3A_1025] {strides = array<i32>} : memref<128x128xf32, #tpu.memory_space<vmem>>, vector<1x16xf32>,
        %get3A_1027 = vector.shape_cast %get3A_1026 : vector<1x16xf32> to vector<16xf32>
        %mul3A_1028 = arith.mulf %get3A_1027, %gather3A_889 : vector<16xf32>
        %swap3A_1029 = arith.index_cast %add3A_893 : i32 to index
        %swap3A_1030 = arith.constant 96 : index
        %swap3A_1031 = tpu.vector_load %arg10[%swap3A_1029, %swap3A_1030] {strides = array<i32>} : memref<128x128xf32, #tpu.memory_space<vmem>>, vector<1x16xf32>,
        %swap3A_1032 = vector.shape_cast %swap3A_1031 : vector<1x16xf32> to vector<16xf32>
        %swap3A_1033 = vector.shape_cast %mul3A_1028 : vector<16xf32> to vector<1x16xf32>
        tpu.vector_store %arg10[%swap3A_1029, %swap3A_1030], %swap3A_1033 {strides = array<i32>} : memref<128x128xf32, #tpu.memory_space<vmem>>, vector<1x16xf32>,
        %get3A_1034 = arith.index_cast %add3A_893 : i32 to index
        %get3A_1035 = arith.constant 112 : index
        %get3A_1036 = tpu.vector_load %arg9[%get3A_1034, %get3A_1035] {strides = array<i32>} : memref<128x128xf32, #tpu.memory_space<vmem>>, vector<1x16xf32>,
        %get3A_1037 = vector.shape_cast %get3A_1036 : vector<1x16xf32> to vector<16xf32>
        %mul3A_1038 = arith.mulf %get3A_1037, %gather3A_889 : vector<16xf32>
        %swap3A_1039 = arith.index_cast %add3A_893 : i32 to index
        %swap3A_1040 = arith.constant 112 : index
        %swap3A_1041 = tpu.vector_load %arg9[%swap3A_1039, %swap3A_1040] {strides = array<i32>} : memref<128x128xf32, #tpu.memory_space<vmem>>, vector<1x16xf32>,
        %swap3A_1042 = vector.shape_cast %swap3A_1041 : vector<1x16xf32> to vector<16xf32>
        %swap3A_1043 = vector.shape_cast %mul3A_1038 : vector<16xf32> to vector<1x16xf32>
        tpu.vector_store %arg9[%swap3A_1039, %swap3A_1040], %swap3A_1043 {strides = array<i32>} : memref<128x128xf32, #tpu.memory_space<vmem>>, vector<1x16xf32>,
        %get3A_1044 = arith.index_cast %add3A_893 : i32 to index
        %get3A_1045 = arith.constant 112 : index
        %get3A_1046 = tpu.vector_load %arg10[%get3A_1044, %get3A_1045] {strides = array<i32>} : memref<128x128xf32, #tpu.memory_space<vmem>>, vector<1x16xf32>,
        %get3A_1047 = vector.shape_cast %get3A_1046 : vector<1x16xf32> to vector<16xf32>
        %mul3A_1048 = arith.mulf %get3A_1047, %gather3A_889 : vector<16xf32>
        %swap3A_1049 = arith.index_cast %add3A_893 : i32 to index
        %swap3A_1050 = arith.constant 112 : index
        %swap3A_1051 = tpu.vector_load %arg10[%swap3A_1049, %swap3A_1050] {strides = array<i32>} : memref<128x128xf32, #tpu.memory_space<vmem>>, vector<1x16xf32>,
        %swap3A_1052 = vector.shape_cast %swap3A_1051 : vector<1x16xf32> to vector<16xf32>
        %swap3A_1053 = vector.shape_cast %mul3A_1048 : vector<16xf32> to vector<1x16xf32>
        tpu.vector_store %arg10[%swap3A_1049, %swap3A_1050], %swap3A_1053 {strides = array<i32>} : memref<128x128xf32, #tpu.memory_space<vmem>>, vector<1x16xf32>,
        %broadcast_in_dim3A_1054 = arith.constant 6 : i32
        %broadcast_in_dim3A_1055 = vector.broadcast %broadcast_in_dim3A_1054 : i32 to vector<16x1xi32>
        %gather3A_1056 = vector.shape_cast %broadcast_in_dim3A_1055 : vector<16x1xi32> to vector<16xi32>
        %gather3A_1057 = tpu.dynamic_gather %get3A_48[%gather3A_1056] in [0] : vector<16xf32>, vector<16xi32> -> vector<16xf32>
        %mul3A_1058 = arith.constant 16 : i32
        %mul3A_1059 = arith.muli %scan3A_44, %mul3A_1058 : i32
        %add3A_1060 = arith.constant 6 : i32
        %add3A_1061 = arith.addi %mul3A_1059, %add3A_1060 : i32
        %get3A_1062 = arith.index_cast %add3A_1061 : i32 to index
        %get3A_1063 = arith.constant 0 : index
        %get3A_1064 = tpu.vector_load %arg9[%get3A_1062, %get3A_1063] {strides = array<i32>} : memref<128x128xf32, #tpu.memory_space<vmem>>, vector<1x16xf32>,
        %get3A_1065 = vector.shape_cast %get3A_1064 : vector<1x16xf32> to vector<16xf32>
        %mul3A_1066 = arith.mulf %get3A_1065, %gather3A_1057 : vector<16xf32>
        %swap3A_1067 = arith.index_cast %add3A_1061 : i32 to index
        %swap3A_1068 = arith.constant 0 : index
        %swap3A_1069 = tpu.vector_load %arg9[%swap3A_1067, %swap3A_1068] {strides = array<i32>} : memref<128x128xf32, #tpu.memory_space<vmem>>, vector<1x16xf32>,
        %swap3A_1070 = vector.shape_cast %swap3A_1069 : vector<1x16xf32> to vector<16xf32>
        %swap3A_1071 = vector.shape_cast %mul3A_1066 : vector<16xf32> to vector<1x16xf32>
        tpu.vector_store %arg9[%swap3A_1067, %swap3A_1068], %swap3A_1071 {strides = array<i32>} : memref<128x128xf32, #tpu.memory_space<vmem>>, vector<1x16xf32>,
        %get3A_1072 = arith.index_cast %add3A_1061 : i32 to index
        %get3A_1073 = arith.constant 0 : index
        %get3A_1074 = tpu.vector_load %arg10[%get3A_1072, %get3A_1073] {strides = array<i32>} : memref<128x128xf32, #tpu.memory_space<vmem>>, vector<1x16xf32>,
        %get3A_1075 = vector.shape_cast %get3A_1074 : vector<1x16xf32> to vector<16xf32>
        %mul3A_1076 = arith.mulf %get3A_1075, %gather3A_1057 : vector<16xf32>
        %swap3A_1077 = arith.index_cast %add3A_1061 : i32 to index
        %swap3A_1078 = arith.constant 0 : index
        %swap3A_1079 = tpu.vector_load %arg10[%swap3A_1077, %swap3A_1078] {strides = array<i32>} : memref<128x128xf32, #tpu.memory_space<vmem>>, vector<1x16xf32>,
        %swap3A_1080 = vector.shape_cast %swap3A_1079 : vector<1x16xf32> to vector<16xf32>
        %swap3A_1081 = vector.shape_cast %mul3A_1076 : vector<16xf32> to vector<1x16xf32>
        tpu.vector_store %arg10[%swap3A_1077, %swap3A_1078], %swap3A_1081 {strides = array<i32>} : memref<128x128xf32, #tpu.memory_space<vmem>>, vector<1x16xf32>,
        %get3A_1082 = arith.index_cast %add3A_1061 : i32 to index
        %get3A_1083 = arith.constant 16 : index
        %get3A_1084 = tpu.vector_load %arg9[%get3A_1082, %get3A_1083] {strides = array<i32>} : memref<128x128xf32, #tpu.memory_space<vmem>>, vector<1x16xf32>,
        %get3A_1085 = vector.shape_cast %get3A_1084 : vector<1x16xf32> to vector<16xf32>
        %mul3A_1086 = arith.mulf %get3A_1085, %gather3A_1057 : vector<16xf32>
        %swap3A_1087 = arith.index_cast %add3A_1061 : i32 to index
        %swap3A_1088 = arith.constant 16 : index
        %swap3A_1089 = tpu.vector_load %arg9[%swap3A_1087, %swap3A_1088] {strides = array<i32>} : memref<128x128xf32, #tpu.memory_space<vmem>>, vector<1x16xf32>,
        %swap3A_1090 = vector.shape_cast %swap3A_1089 : vector<1x16xf32> to vector<16xf32>
        %swap3A_1091 = vector.shape_cast %mul3A_1086 : vector<16xf32> to vector<1x16xf32>
        tpu.vector_store %arg9[%swap3A_1087, %swap3A_1088], %swap3A_1091 {strides = array<i32>} : memref<128x128xf32, #tpu.memory_space<vmem>>, vector<1x16xf32>,
        %get3A_1092 = arith.index_cast %add3A_1061 : i32 to index
        %get3A_1093 = arith.constant 16 : index
        %get3A_1094 = tpu.vector_load %arg10[%get3A_1092, %get3A_1093] {strides = array<i32>} : memref<128x128xf32, #tpu.memory_space<vmem>>, vector<1x16xf32>,
        %get3A_1095 = vector.shape_cast %get3A_1094 : vector<1x16xf32> to vector<16xf32>
        %mul3A_1096 = arith.mulf %get3A_1095, %gather3A_1057 : vector<16xf32>
        %swap3A_1097 = arith.index_cast %add3A_1061 : i32 to index
        %swap3A_1098 = arith.constant 16 : index
        %swap3A_1099 = tpu.vector_load %arg10[%swap3A_1097, %swap3A_1098] {strides = array<i32>} : memref<128x128xf32, #tpu.memory_space<vmem>>, vector<1x16xf32>,
        %swap3A_1100 = vector.shape_cast %swap3A_1099 : vector<1x16xf32> to vector<16xf32>
        %swap3A_1101 = vector.shape_cast %mul3A_1096 : vector<16xf32> to vector<1x16xf32>
        tpu.vector_store %arg10[%swap3A_1097, %swap3A_1098], %swap3A_1101 {strides = array<i32>} : memref<128x128xf32, #tpu.memory_space<vmem>>, vector<1x16xf32>,
        %get3A_1102 = arith.index_cast %add3A_1061 : i32 to index
        %get3A_1103 = arith.constant 32 : index
        %get3A_1104 = tpu.vector_load %arg9[%get3A_1102, %get3A_1103] {strides = array<i32>} : memref<128x128xf32, #tpu.memory_space<vmem>>, vector<1x16xf32>,
        %get3A_1105 = vector.shape_cast %get3A_1104 : vector<1x16xf32> to vector<16xf32>
        %mul3A_1106 = arith.mulf %get3A_1105, %gather3A_1057 : vector<16xf32>
        %swap3A_1107 = arith.index_cast %add3A_1061 : i32 to index
        %swap3A_1108 = arith.constant 32 : index
        %swap3A_1109 = tpu.vector_load %arg9[%swap3A_1107, %swap3A_1108] {strides = array<i32>} : memref<128x128xf32, #tpu.memory_space<vmem>>, vector<1x16xf32>,
        %swap3A_1110 = vector.shape_cast %swap3A_1109 : vector<1x16xf32> to vector<16xf32>
        %swap3A_1111 = vector.shape_cast %mul3A_1106 : vector<16xf32> to vector<1x16xf32>
        tpu.vector_store %arg9[%swap3A_1107, %swap3A_1108], %swap3A_1111 {strides = array<i32>} : memref<128x128xf32, #tpu.memory_space<vmem>>, vector<1x16xf32>,
        %get3A_1112 = arith.index_cast %add3A_1061 : i32 to index
        %get3A_1113 = arith.constant 32 : index
        %get3A_1114 = tpu.vector_load %arg10[%get3A_1112, %get3A_1113] {strides = array<i32>} : memref<128x128xf32, #tpu.memory_space<vmem>>, vector<1x16xf32>,
        %get3A_1115 = vector.shape_cast %get3A_1114 : vector<1x16xf32> to vector<16xf32>
        %mul3A_1116 = arith.mulf %get3A_1115, %gather3A_1057 : vector<16xf32>
        %swap3A_1117 = arith.index_cast %add3A_1061 : i32 to index
        %swap3A_1118 = arith.constant 32 : index
        %swap3A_1119 = tpu.vector_load %arg10[%swap3A_1117, %swap3A_1118] {strides = array<i32>} : memref<128x128xf32, #tpu.memory_space<vmem>>, vector<1x16xf32>,
        %swap3A_1120 = vector.shape_cast %swap3A_1119 : vector<1x16xf32> to vector<16xf32>
        %swap3A_1121 = vector.shape_cast %mul3A_1116 : vector<16xf32> to vector<1x16xf32>
        tpu.vector_store %arg10[%swap3A_1117, %swap3A_1118], %swap3A_1121 {strides = array<i32>} : memref<128x128xf32, #tpu.memory_space<vmem>>, vector<1x16xf32>,
        %get3A_1122 = arith.index_cast %add3A_1061 : i32 to index
        %get3A_1123 = arith.constant 48 : index
        %get3A_1124 = tpu.vector_load %arg9[%get3A_1122, %get3A_1123] {strides = array<i32>} : memref<128x128xf32, #tpu.memory_space<vmem>>, vector<1x16xf32>,
        %get3A_1125 = vector.shape_cast %get3A_1124 : vector<1x16xf32> to vector<16xf32>
        %mul3A_1126 = arith.mulf %get3A_1125, %gather3A_1057 : vector<16xf32>
        %swap3A_1127 = arith.index_cast %add3A_1061 : i32 to index
        %swap3A_1128 = arith.constant 48 : index
        %swap3A_1129 = tpu.vector_load %arg9[%swap3A_1127, %swap3A_1128] {strides = array<i32>} : memref<128x128xf32, #tpu.memory_space<vmem>>, vector<1x16xf32>,
        %swap3A_1130 = vector.shape_cast %swap3A_1129 : vector<1x16xf32> to vector<16xf32>
        %swap3A_1131 = vector.shape_cast %mul3A_1126 : vector<16xf32> to vector<1x16xf32>
        tpu.vector_store %arg9[%swap3A_1127, %swap3A_1128], %swap3A_1131 {strides = array<i32>} : memref<128x128xf32, #tpu.memory_space<vmem>>, vector<1x16xf32>,
        %get3A_1132 = arith.index_cast %add3A_1061 : i32 to index
        %get3A_1133 = arith.constant 48 : index
        %get3A_1134 = tpu.vector_load %arg10[%get3A_1132, %get3A_1133] {strides = array<i32>} : memref<128x128xf32, #tpu.memory_space<vmem>>, vector<1x16xf32>,
        %get3A_1135 = vector.shape_cast %get3A_1134 : vector<1x16xf32> to vector<16xf32>
        %mul3A_1136 = arith.mulf %get3A_1135, %gather3A_1057 : vector<16xf32>
        %swap3A_1137 = arith.index_cast %add3A_1061 : i32 to index
        %swap3A_1138 = arith.constant 48 : index
        %swap3A_1139 = tpu.vector_load %arg10[%swap3A_1137, %swap3A_1138] {strides = array<i32>} : memref<128x128xf32, #tpu.memory_space<vmem>>, vector<1x16xf32>,
        %swap3A_1140 = vector.shape_cast %swap3A_1139 : vector<1x16xf32> to vector<16xf32>
        %swap3A_1141 = vector.shape_cast %mul3A_1136 : vector<16xf32> to vector<1x16xf32>
        tpu.vector_store %arg10[%swap3A_1137, %swap3A_1138], %swap3A_1141 {strides = array<i32>} : memref<128x128xf32, #tpu.memory_space<vmem>>, vector<1x16xf32>,
        %get3A_1142 = arith.index_cast %add3A_1061 : i32 to index
        %get3A_1143 = arith.constant 64 : index
        %get3A_1144 = tpu.vector_load %arg9[%get3A_1142, %get3A_1143] {strides = array<i32>} : memref<128x128xf32, #tpu.memory_space<vmem>>, vector<1x16xf32>,
        %get3A_1145 = vector.shape_cast %get3A_1144 : vector<1x16xf32> to vector<16xf32>
        %mul3A_1146 = arith.mulf %get3A_1145, %gather3A_1057 : vector<16xf32>
        %swap3A_1147 = arith.index_cast %add3A_1061 : i32 to index
        %swap3A_1148 = arith.constant 64 : index
        %swap3A_1149 = tpu.vector_load %arg9[%swap3A_1147, %swap3A_1148] {strides = array<i32>} : memref<128x128xf32, #tpu.memory_space<vmem>>, vector<1x16xf32>,
        %swap3A_1150 = vector.shape_cast %swap3A_1149 : vector<1x16xf32> to vector<16xf32>
        %swap3A_1151 = vector.shape_cast %mul3A_1146 : vector<16xf32> to vector<1x16xf32>
        tpu.vector_store %arg9[%swap3A_1147, %swap3A_1148], %swap3A_1151 {strides = array<i32>} : memref<128x128xf32, #tpu.memory_space<vmem>>, vector<1x16xf32>,
        %get3A_1152 = arith.index_cast %add3A_1061 : i32 to index
        %get3A_1153 = arith.constant 64 : index
        %get3A_1154 = tpu.vector_load %arg10[%get3A_1152, %get3A_1153] {strides = array<i32>} : memref<128x128xf32, #tpu.memory_space<vmem>>, vector<1x16xf32>,
        %get3A_1155 = vector.shape_cast %get3A_1154 : vector<1x16xf32> to vector<16xf32>
        %mul3A_1156 = arith.mulf %get3A_1155, %gather3A_1057 : vector<16xf32>
        %swap3A_1157 = arith.index_cast %add3A_1061 : i32 to index
        %swap3A_1158 = arith.constant 64 : index
        %swap3A_1159 = tpu.vector_load %arg10[%swap3A_1157, %swap3A_1158] {strides = array<i32>} : memref<128x128xf32, #tpu.memory_space<vmem>>, vector<1x16xf32>,
        %swap3A_1160 = vector.shape_cast %swap3A_1159 : vector<1x16xf32> to vector<16xf32>
        %swap3A_1161 = vector.shape_cast %mul3A_1156 : vector<16xf32> to vector<1x16xf32>
        tpu.vector_store %arg10[%swap3A_1157, %swap3A_1158], %swap3A_1161 {strides = array<i32>} : memref<128x128xf32, #tpu.memory_space<vmem>>, vector<1x16xf32>,
        %get3A_1162 = arith.index_cast %add3A_1061 : i32 to index
        %get3A_1163 = arith.constant 80 : index
        %get3A_1164 = tpu.vector_load %arg9[%get3A_1162, %get3A_1163] {strides = array<i32>} : memref<128x128xf32, #tpu.memory_space<vmem>>, vector<1x16xf32>,
        %get3A_1165 = vector.shape_cast %get3A_1164 : vector<1x16xf32> to vector<16xf32>
        %mul3A_1166 = arith.mulf %get3A_1165, %gather3A_1057 : vector<16xf32>
        %swap3A_1167 = arith.index_cast %add3A_1061 : i32 to index
        %swap3A_1168 = arith.constant 80 : index
        %swap3A_1169 = tpu.vector_load %arg9[%swap3A_1167, %swap3A_1168] {strides = array<i32>} : memref<128x128xf32, #tpu.memory_space<vmem>>, vector<1x16xf32>,
        %swap3A_1170 = vector.shape_cast %swap3A_1169 : vector<1x16xf32> to vector<16xf32>
        %swap3A_1171 = vector.shape_cast %mul3A_1166 : vector<16xf32> to vector<1x16xf32>
        tpu.vector_store %arg9[%swap3A_1167, %swap3A_1168], %swap3A_1171 {strides = array<i32>} : memref<128x128xf32, #tpu.memory_space<vmem>>, vector<1x16xf32>,
        %get3A_1172 = arith.index_cast %add3A_1061 : i32 to index
        %get3A_1173 = arith.constant 80 : index
        %get3A_1174 = tpu.vector_load %arg10[%get3A_1172, %get3A_1173] {strides = array<i32>} : memref<128x128xf32, #tpu.memory_space<vmem>>, vector<1x16xf32>,
        %get3A_1175 = vector.shape_cast %get3A_1174 : vector<1x16xf32> to vector<16xf32>
        %mul3A_1176 = arith.mulf %get3A_1175, %gather3A_1057 : vector<16xf32>
        %swap3A_1177 = arith.index_cast %add3A_1061 : i32 to index
        %swap3A_1178 = arith.constant 80 : index
        %swap3A_1179 = tpu.vector_load %arg10[%swap3A_1177, %swap3A_1178] {strides = array<i32>} : memref<128x128xf32, #tpu.memory_space<vmem>>, vector<1x16xf32>,
        %swap3A_1180 = vector.shape_cast %swap3A_1179 : vector<1x16xf32> to vector<16xf32>
        %swap3A_1181 = vector.shape_cast %mul3A_1176 : vector<16xf32> to vector<1x16xf32>
        tpu.vector_store %arg10[%swap3A_1177, %swap3A_1178], %swap3A_1181 {strides = array<i32>} : memref<128x128xf32, #tpu.memory_space<vmem>>, vector<1x16xf32>,
        %get3A_1182 = arith.index_cast %add3A_1061 : i32 to index
        %get3A_1183 = arith.constant 96 : index
        %get3A_1184 = tpu.vector_load %arg9[%get3A_1182, %get3A_1183] {strides = array<i32>} : memref<128x128xf32, #tpu.memory_space<vmem>>, vector<1x16xf32>,
        %get3A_1185 = vector.shape_cast %get3A_1184 : vector<1x16xf32> to vector<16xf32>
        %mul3A_1186 = arith.mulf %get3A_1185, %gather3A_1057 : vector<16xf32>
        %swap3A_1187 = arith.index_cast %add3A_1061 : i32 to index
        %swap3A_1188 = arith.constant 96 : index
        %swap3A_1189 = tpu.vector_load %arg9[%swap3A_1187, %swap3A_1188] {strides = array<i32>} : memref<128x128xf32, #tpu.memory_space<vmem>>, vector<1x16xf32>,
        %swap3A_1190 = vector.shape_cast %swap3A_1189 : vector<1x16xf32> to vector<16xf32>
        %swap3A_1191 = vector.shape_cast %mul3A_1186 : vector<16xf32> to vector<1x16xf32>
        tpu.vector_store %arg9[%swap3A_1187, %swap3A_1188], %swap3A_1191 {strides = array<i32>} : memref<128x128xf32, #tpu.memory_space<vmem>>, vector<1x16xf32>,
        %get3A_1192 = arith.index_cast %add3A_1061 : i32 to index
        %get3A_1193 = arith.constant 96 : index
        %get3A_1194 = tpu.vector_load %arg10[%get3A_1192, %get3A_1193] {strides = array<i32>} : memref<128x128xf32, #tpu.memory_space<vmem>>, vector<1x16xf32>,
        %get3A_1195 = vector.shape_cast %get3A_1194 : vector<1x16xf32> to vector<16xf32>
        %mul3A_1196 = arith.mulf %get3A_1195, %gather3A_1057 : vector<16xf32>
        %swap3A_1197 = arith.index_cast %add3A_1061 : i32 to index
        %swap3A_1198 = arith.constant 96 : index
        %swap3A_1199 = tpu.vector_load %arg10[%swap3A_1197, %swap3A_1198] {strides = array<i32>} : memref<128x128xf32, #tpu.memory_space<vmem>>, vector<1x16xf32>,
        %swap3A_1200 = vector.shape_cast %swap3A_1199 : vector<1x16xf32> to vector<16xf32>
        %swap3A_1201 = vector.shape_cast %mul3A_1196 : vector<16xf32> to vector<1x16xf32>
        tpu.vector_store %arg10[%swap3A_1197, %swap3A_1198], %swap3A_1201 {strides = array<i32>} : memref<128x128xf32, #tpu.memory_space<vmem>>, vector<1x16xf32>,
        %get3A_1202 = arith.index_cast %add3A_1061 : i32 to index
        %get3A_1203 = arith.constant 112 : index
        %get3A_1204 = tpu.vector_load %arg9[%get3A_1202, %get3A_1203] {strides = array<i32>} : memref<128x128xf32, #tpu.memory_space<vmem>>, vector<1x16xf32>,
        %get3A_1205 = vector.shape_cast %get3A_1204 : vector<1x16xf32> to vector<16xf32>
        %mul3A_1206 = arith.mulf %get3A_1205, %gather3A_1057 : vector<16xf32>
        %swap3A_1207 = arith.index_cast %add3A_1061 : i32 to index
        %swap3A_1208 = arith.constant 112 : index
        %swap3A_1209 = tpu.vector_load %arg9[%swap3A_1207, %swap3A_1208] {strides = array<i32>} : memref<128x128xf32, #tpu.memory_space<vmem>>, vector<1x16xf32>,
        %swap3A_1210 = vector.shape_cast %swap3A_1209 : vector<1x16xf32> to vector<16xf32>
        %swap3A_1211 = vector.shape_cast %mul3A_1206 : vector<16xf32> to vector<1x16xf32>
        tpu.vector_store %arg9[%swap3A_1207, %swap3A_1208], %swap3A_1211 {strides = array<i32>} : memref<128x128xf32, #tpu.memory_space<vmem>>, vector<1x16xf32>,
        %get3A_1212 = arith.index_cast %add3A_1061 : i32 to index
        %get3A_1213 = arith.constant 112 : index
        %get3A_1214 = tpu.vector_load %arg10[%get3A_1212, %get3A_1213] {strides = array<i32>} : memref<128x128xf32, #tpu.memory_space<vmem>>, vector<1x16xf32>,
        %get3A_1215 = vector.shape_cast %get3A_1214 : vector<1x16xf32> to vector<16xf32>
        %mul3A_1216 = arith.mulf %get3A_1215, %gather3A_1057 : vector<16xf32>
        %swap3A_1217 = arith.index_cast %add3A_1061 : i32 to index
        %swap3A_1218 = arith.constant 112 : index
        %swap3A_1219 = tpu.vector_load %arg10[%swap3A_1217, %swap3A_1218] {strides = array<i32>} : memref<128x128xf32, #tpu.memory_space<vmem>>, vector<1x16xf32>,
        %swap3A_1220 = vector.shape_cast %swap3A_1219 : vector<1x16xf32> to vector<16xf32>
        %swap3A_1221 = vector.shape_cast %mul3A_1216 : vector<16xf32> to vector<1x16xf32>
        tpu.vector_store %arg10[%swap3A_1217, %swap3A_1218], %swap3A_1221 {strides = array<i32>} : memref<128x128xf32, #tpu.memory_space<vmem>>, vector<1x16xf32>,
        %broadcast_in_dim3A_1222 = arith.constant 7 : i32
        %broadcast_in_dim3A_1223 = vector.broadcast %broadcast_in_dim3A_1222 : i32 to vector<16x1xi32>
        %gather3A_1224 = vector.shape_cast %broadcast_in_dim3A_1223 : vector<16x1xi32> to vector<16xi32>
        %gather3A_1225 = tpu.dynamic_gather %get3A_48[%gather3A_1224] in [0] : vector<16xf32>, vector<16xi32> -> vector<16xf32>
        %mul3A_1226 = arith.constant 16 : i32
        %mul3A_1227 = arith.muli %scan3A_44, %mul3A_1226 : i32
        %add3A_1228 = arith.constant 7 : i32
        %add3A_1229 = arith.addi %mul3A_1227, %add3A_1228 : i32
        %get3A_1230 = arith.index_cast %add3A_1229 : i32 to index
        %get3A_1231 = arith.constant 0 : index
        %get3A_1232 = tpu.vector_load %arg9[%get3A_1230, %get3A_1231] {strides = array<i32>} : memref<128x128xf32, #tpu.memory_space<vmem>>, vector<1x16xf32>,
        %get3A_1233 = vector.shape_cast %get3A_1232 : vector<1x16xf32> to vector<16xf32>
        %mul3A_1234 = arith.mulf %get3A_1233, %gather3A_1225 : vector<16xf32>
        %swap3A_1235 = arith.index_cast %add3A_1229 : i32 to index
        %swap3A_1236 = arith.constant 0 : index
        %swap3A_1237 = tpu.vector_load %arg9[%swap3A_1235, %swap3A_1236] {strides = array<i32>} : memref<128x128xf32, #tpu.memory_space<vmem>>, vector<1x16xf32>,
        %swap3A_1238 = vector.shape_cast %swap3A_1237 : vector<1x16xf32> to vector<16xf32>
        %swap3A_1239 = vector.shape_cast %mul3A_1234 : vector<16xf32> to vector<1x16xf32>
        tpu.vector_store %arg9[%swap3A_1235, %swap3A_1236], %swap3A_1239 {strides = array<i32>} : memref<128x128xf32, #tpu.memory_space<vmem>>, vector<1x16xf32>,
        %get3A_1240 = arith.index_cast %add3A_1229 : i32 to index
        %get3A_1241 = arith.constant 0 : index
        %get3A_1242 = tpu.vector_load %arg10[%get3A_1240, %get3A_1241] {strides = array<i32>} : memref<128x128xf32, #tpu.memory_space<vmem>>, vector<1x16xf32>,
        %get3A_1243 = vector.shape_cast %get3A_1242 : vector<1x16xf32> to vector<16xf32>
        %mul3A_1244 = arith.mulf %get3A_1243, %gather3A_1225 : vector<16xf32>
        %swap3A_1245 = arith.index_cast %add3A_1229 : i32 to index
        %swap3A_1246 = arith.constant 0 : index
        %swap3A_1247 = tpu.vector_load %arg10[%swap3A_1245, %swap3A_1246] {strides = array<i32>} : memref<128x128xf32, #tpu.memory_space<vmem>>, vector<1x16xf32>,
        %swap3A_1248 = vector.shape_cast %swap3A_1247 : vector<1x16xf32> to vector<16xf32>
        %swap3A_1249 = vector.shape_cast %mul3A_1244 : vector<16xf32> to vector<1x16xf32>
        tpu.vector_store %arg10[%swap3A_1245, %swap3A_1246], %swap3A_1249 {strides = array<i32>} : memref<128x128xf32, #tpu.memory_space<vmem>>, vector<1x16xf32>,
        %get3A_1250 = arith.index_cast %add3A_1229 : i32 to index
        %get3A_1251 = arith.constant 16 : index
        %get3A_1252 = tpu.vector_load %arg9[%get3A_1250, %get3A_1251] {strides = array<i32>} : memref<128x128xf32, #tpu.memory_space<vmem>>, vector<1x16xf32>,
        %get3A_1253 = vector.shape_cast %get3A_1252 : vector<1x16xf32> to vector<16xf32>
        %mul3A_1254 = arith.mulf %get3A_1253, %gather3A_1225 : vector<16xf32>
        %swap3A_1255 = arith.index_cast %add3A_1229 : i32 to index
        %swap3A_1256 = arith.constant 16 : index
        %swap3A_1257 = tpu.vector_load %arg9[%swap3A_1255, %swap3A_1256] {strides = array<i32>} : memref<128x128xf32, #tpu.memory_space<vmem>>, vector<1x16xf32>,
        %swap3A_1258 = vector.shape_cast %swap3A_1257 : vector<1x16xf32> to vector<16xf32>
        %swap3A_1259 = vector.shape_cast %mul3A_1254 : vector<16xf32> to vector<1x16xf32>
        tpu.vector_store %arg9[%swap3A_1255, %swap3A_1256], %swap3A_1259 {strides = array<i32>} : memref<128x128xf32, #tpu.memory_space<vmem>>, vector<1x16xf32>,
        %get3A_1260 = arith.index_cast %add3A_1229 : i32 to index
        %get3A_1261 = arith.constant 16 : index
        %get3A_1262 = tpu.vector_load %arg10[%get3A_1260, %get3A_1261] {strides = array<i32>} : memref<128x128xf32, #tpu.memory_space<vmem>>, vector<1x16xf32>,
        %get3A_1263 = vector.shape_cast %get3A_1262 : vector<1x16xf32> to vector<16xf32>
        %mul3A_1264 = arith.mulf %get3A_1263, %gather3A_1225 : vector<16xf32>
        %swap3A_1265 = arith.index_cast %add3A_1229 : i32 to index
        %swap3A_1266 = arith.constant 16 : index
        %swap3A_1267 = tpu.vector_load %arg10[%swap3A_1265, %swap3A_1266] {strides = array<i32>} : memref<128x128xf32, #tpu.memory_space<vmem>>, vector<1x16xf32>,
        %swap3A_1268 = vector.shape_cast %swap3A_1267 : vector<1x16xf32> to vector<16xf32>
        %swap3A_1269 = vector.shape_cast %mul3A_1264 : vector<16xf32> to vector<1x16xf32>
        tpu.vector_store %arg10[%swap3A_1265, %swap3A_1266], %swap3A_1269 {strides = array<i32>} : memref<128x128xf32, #tpu.memory_space<vmem>>, vector<1x16xf32>,
        %get3A_1270 = arith.index_cast %add3A_1229 : i32 to index
        %get3A_1271 = arith.constant 32 : index
        %get3A_1272 = tpu.vector_load %arg9[%get3A_1270, %get3A_1271] {strides = array<i32>} : memref<128x128xf32, #tpu.memory_space<vmem>>, vector<1x16xf32>,
        %get3A_1273 = vector.shape_cast %get3A_1272 : vector<1x16xf32> to vector<16xf32>
        %mul3A_1274 = arith.mulf %get3A_1273, %gather3A_1225 : vector<16xf32>
        %swap3A_1275 = arith.index_cast %add3A_1229 : i32 to index
        %swap3A_1276 = arith.constant 32 : index
        %swap3A_1277 = tpu.vector_load %arg9[%swap3A_1275, %swap3A_1276] {strides = array<i32>} : memref<128x128xf32, #tpu.memory_space<vmem>>, vector<1x16xf32>,
        %swap3A_1278 = vector.shape_cast %swap3A_1277 : vector<1x16xf32> to vector<16xf32>
        %swap3A_1279 = vector.shape_cast %mul3A_1274 : vector<16xf32> to vector<1x16xf32>
        tpu.vector_store %arg9[%swap3A_1275, %swap3A_1276], %swap3A_1279 {strides = array<i32>} : memref<128x128xf32, #tpu.memory_space<vmem>>, vector<1x16xf32>,
        %get3A_1280 = arith.index_cast %add3A_1229 : i32 to index
        %get3A_1281 = arith.constant 32 : index
        %get3A_1282 = tpu.vector_load %arg10[%get3A_1280, %get3A_1281] {strides = array<i32>} : memref<128x128xf32, #tpu.memory_space<vmem>>, vector<1x16xf32>,
        %get3A_1283 = vector.shape_cast %get3A_1282 : vector<1x16xf32> to vector<16xf32>
        %mul3A_1284 = arith.mulf %get3A_1283, %gather3A_1225 : vector<16xf32>
        %swap3A_1285 = arith.index_cast %add3A_1229 : i32 to index
        %swap3A_1286 = arith.constant 32 : index
        %swap3A_1287 = tpu.vector_load %arg10[%swap3A_1285, %swap3A_1286] {strides = array<i32>} : memref<128x128xf32, #tpu.memory_space<vmem>>, vector<1x16xf32>,
        %swap3A_1288 = vector.shape_cast %swap3A_1287 : vector<1x16xf32> to vector<16xf32>
        %swap3A_1289 = vector.shape_cast %mul3A_1284 : vector<16xf32> to vector<1x16xf32>
        tpu.vector_store %arg10[%swap3A_1285, %swap3A_1286], %swap3A_1289 {strides = array<i32>} : memref<128x128xf32, #tpu.memory_space<vmem>>, vector<1x16xf32>,
        %get3A_1290 = arith.index_cast %add3A_1229 : i32 to index
        %get3A_1291 = arith.constant 48 : index
        %get3A_1292 = tpu.vector_load %arg9[%get3A_1290, %get3A_1291] {strides = array<i32>} : memref<128x128xf32, #tpu.memory_space<vmem>>, vector<1x16xf32>,
        %get3A_1293 = vector.shape_cast %get3A_1292 : vector<1x16xf32> to vector<16xf32>
        %mul3A_1294 = arith.mulf %get3A_1293, %gather3A_1225 : vector<16xf32>
        %swap3A_1295 = arith.index_cast %add3A_1229 : i32 to index
        %swap3A_1296 = arith.constant 48 : index
        %swap3A_1297 = tpu.vector_load %arg9[%swap3A_1295, %swap3A_1296] {strides = array<i32>} : memref<128x128xf32, #tpu.memory_space<vmem>>, vector<1x16xf32>,
        %swap3A_1298 = vector.shape_cast %swap3A_1297 : vector<1x16xf32> to vector<16xf32>
        %swap3A_1299 = vector.shape_cast %mul3A_1294 : vector<16xf32> to vector<1x16xf32>
        tpu.vector_store %arg9[%swap3A_1295, %swap3A_1296], %swap3A_1299 {strides = array<i32>} : memref<128x128xf32, #tpu.memory_space<vmem>>, vector<1x16xf32>,
        %get3A_1300 = arith.index_cast %add3A_1229 : i32 to index
        %get3A_1301 = arith.constant 48 : index
        %get3A_1302 = tpu.vector_load %arg10[%get3A_1300, %get3A_1301] {strides = array<i32>} : memref<128x128xf32, #tpu.memory_space<vmem>>, vector<1x16xf32>,
        %get3A_1303 = vector.shape_cast %get3A_1302 : vector<1x16xf32> to vector<16xf32>
        %mul3A_1304 = arith.mulf %get3A_1303, %gather3A_1225 : vector<16xf32>
        %swap3A_1305 = arith.index_cast %add3A_1229 : i32 to index
        %swap3A_1306 = arith.constant 48 : index
        %swap3A_1307 = tpu.vector_load %arg10[%swap3A_1305, %swap3A_1306] {strides = array<i32>} : memref<128x128xf32, #tpu.memory_space<vmem>>, vector<1x16xf32>,
        %swap3A_1308 = vector.shape_cast %swap3A_1307 : vector<1x16xf32> to vector<16xf32>
        %swap3A_1309 = vector.shape_cast %mul3A_1304 : vector<16xf32> to vector<1x16xf32>
        tpu.vector_store %arg10[%swap3A_1305, %swap3A_1306], %swap3A_1309 {strides = array<i32>} : memref<128x128xf32, #tpu.memory_space<vmem>>, vector<1x16xf32>,
        %get3A_1310 = arith.index_cast %add3A_1229 : i32 to index
        %get3A_1311 = arith.constant 64 : index
        %get3A_1312 = tpu.vector_load %arg9[%get3A_1310, %get3A_1311] {strides = array<i32>} : memref<128x128xf32, #tpu.memory_space<vmem>>, vector<1x16xf32>,
        %get3A_1313 = vector.shape_cast %get3A_1312 : vector<1x16xf32> to vector<16xf32>
        %mul3A_1314 = arith.mulf %get3A_1313, %gather3A_1225 : vector<16xf32>
        %swap3A_1315 = arith.index_cast %add3A_1229 : i32 to index
        %swap3A_1316 = arith.constant 64 : index
        %swap3A_1317 = tpu.vector_load %arg9[%swap3A_1315, %swap3A_1316] {strides = array<i32>} : memref<128x128xf32, #tpu.memory_space<vmem>>, vector<1x16xf32>,
        %swap3A_1318 = vector.shape_cast %swap3A_1317 : vector<1x16xf32> to vector<16xf32>
        %swap3A_1319 = vector.shape_cast %mul3A_1314 : vector<16xf32> to vector<1x16xf32>
        tpu.vector_store %arg9[%swap3A_1315, %swap3A_1316], %swap3A_1319 {strides = array<i32>} : memref<128x128xf32, #tpu.memory_space<vmem>>, vector<1x16xf32>,
        %get3A_1320 = arith.index_cast %add3A_1229 : i32 to index
        %get3A_1321 = arith.constant 64 : index
        %get3A_1322 = tpu.vector_load %arg10[%get3A_1320, %get3A_1321] {strides = array<i32>} : memref<128x128xf32, #tpu.memory_space<vmem>>, vector<1x16xf32>,
        %get3A_1323 = vector.shape_cast %get3A_1322 : vector<1x16xf32> to vector<16xf32>
        %mul3A_1324 = arith.mulf %get3A_1323, %gather3A_1225 : vector<16xf32>
        %swap3A_1325 = arith.index_cast %add3A_1229 : i32 to index
        %swap3A_1326 = arith.constant 64 : index
        %swap3A_1327 = tpu.vector_load %arg10[%swap3A_1325, %swap3A_1326] {strides = array<i32>} : memref<128x128xf32, #tpu.memory_space<vmem>>, vector<1x16xf32>,
        %swap3A_1328 = vector.shape_cast %swap3A_1327 : vector<1x16xf32> to vector<16xf32>
        %swap3A_1329 = vector.shape_cast %mul3A_1324 : vector<16xf32> to vector<1x16xf32>
        tpu.vector_store %arg10[%swap3A_1325, %swap3A_1326], %swap3A_1329 {strides = array<i32>} : memref<128x128xf32, #tpu.memory_space<vmem>>, vector<1x16xf32>,
        %get3A_1330 = arith.index_cast %add3A_1229 : i32 to index
        %get3A_1331 = arith.constant 80 : index
        %get3A_1332 = tpu.vector_load %arg9[%get3A_1330, %get3A_1331] {strides = array<i32>} : memref<128x128xf32, #tpu.memory_space<vmem>>, vector<1x16xf32>,
        %get3A_1333 = vector.shape_cast %get3A_1332 : vector<1x16xf32> to vector<16xf32>
        %mul3A_1334 = arith.mulf %get3A_1333, %gather3A_1225 : vector<16xf32>
        %swap3A_1335 = arith.index_cast %add3A_1229 : i32 to index
        %swap3A_1336 = arith.constant 80 : index
        %swap3A_1337 = tpu.vector_load %arg9[%swap3A_1335, %swap3A_1336] {strides = array<i32>} : memref<128x128xf32, #tpu.memory_space<vmem>>, vector<1x16xf32>,
        %swap3A_1338 = vector.shape_cast %swap3A_1337 : vector<1x16xf32> to vector<16xf32>
        %swap3A_1339 = vector.shape_cast %mul3A_1334 : vector<16xf32> to vector<1x16xf32>
        tpu.vector_store %arg9[%swap3A_1335, %swap3A_1336], %swap3A_1339 {strides = array<i32>} : memref<128x128xf32, #tpu.memory_space<vmem>>, vector<1x16xf32>,
        %get3A_1340 = arith.index_cast %add3A_1229 : i32 to index
        %get3A_1341 = arith.constant 80 : index
        %get3A_1342 = tpu.vector_load %arg10[%get3A_1340, %get3A_1341] {strides = array<i32>} : memref<128x128xf32, #tpu.memory_space<vmem>>, vector<1x16xf32>,
        %get3A_1343 = vector.shape_cast %get3A_1342 : vector<1x16xf32> to vector<16xf32>
        %mul3A_1344 = arith.mulf %get3A_1343, %gather3A_1225 : vector<16xf32>
        %swap3A_1345 = arith.index_cast %add3A_1229 : i32 to index
        %swap3A_1346 = arith.constant 80 : index
        %swap3A_1347 = tpu.vector_load %arg10[%swap3A_1345, %swap3A_1346] {strides = array<i32>} : memref<128x128xf32, #tpu.memory_space<vmem>>, vector<1x16xf32>,
        %swap3A_1348 = vector.shape_cast %swap3A_1347 : vector<1x16xf32> to vector<16xf32>
        %swap3A_1349 = vector.shape_cast %mul3A_1344 : vector<16xf32> to vector<1x16xf32>
        tpu.vector_store %arg10[%swap3A_1345, %swap3A_1346], %swap3A_1349 {strides = array<i32>} : memref<128x128xf32, #tpu.memory_space<vmem>>, vector<1x16xf32>,
        %get3A_1350 = arith.index_cast %add3A_1229 : i32 to index
        %get3A_1351 = arith.constant 96 : index
        %get3A_1352 = tpu.vector_load %arg9[%get3A_1350, %get3A_1351] {strides = array<i32>} : memref<128x128xf32, #tpu.memory_space<vmem>>, vector<1x16xf32>,
        %get3A_1353 = vector.shape_cast %get3A_1352 : vector<1x16xf32> to vector<16xf32>
        %mul3A_1354 = arith.mulf %get3A_1353, %gather3A_1225 : vector<16xf32>
        %swap3A_1355 = arith.index_cast %add3A_1229 : i32 to index
        %swap3A_1356 = arith.constant 96 : index
        %swap3A_1357 = tpu.vector_load %arg9[%swap3A_1355, %swap3A_1356] {strides = array<i32>} : memref<128x128xf32, #tpu.memory_space<vmem>>, vector<1x16xf32>,
        %swap3A_1358 = vector.shape_cast %swap3A_1357 : vector<1x16xf32> to vector<16xf32>
        %swap3A_1359 = vector.shape_cast %mul3A_1354 : vector<16xf32> to vector<1x16xf32>
        tpu.vector_store %arg9[%swap3A_1355, %swap3A_1356], %swap3A_1359 {strides = array<i32>} : memref<128x128xf32, #tpu.memory_space<vmem>>, vector<1x16xf32>,
        %get3A_1360 = arith.index_cast %add3A_1229 : i32 to index
        %get3A_1361 = arith.constant 96 : index
        %get3A_1362 = tpu.vector_load %arg10[%get3A_1360, %get3A_1361] {strides = array<i32>} : memref<128x128xf32, #tpu.memory_space<vmem>>, vector<1x16xf32>,
        %get3A_1363 = vector.shape_cast %get3A_1362 : vector<1x16xf32> to vector<16xf32>
        %mul3A_1364 = arith.mulf %get3A_1363, %gather3A_1225 : vector<16xf32>
        %swap3A_1365 = arith.index_cast %add3A_1229 : i32 to index
        %swap3A_1366 = arith.constant 96 : index
        %swap3A_1367 = tpu.vector_load %arg10[%swap3A_1365, %swap3A_1366] {strides = array<i32>} : memref<128x128xf32, #tpu.memory_space<vmem>>, vector<1x16xf32>,
        %swap3A_1368 = vector.shape_cast %swap3A_1367 : vector<1x16xf32> to vector<16xf32>
        %swap3A_1369 = vector.shape_cast %mul3A_1364 : vector<16xf32> to vector<1x16xf32>
        tpu.vector_store %arg10[%swap3A_1365, %swap3A_1366], %swap3A_1369 {strides = array<i32>} : memref<128x128xf32, #tpu.memory_space<vmem>>, vector<1x16xf32>,
        %get3A_1370 = arith.index_cast %add3A_1229 : i32 to index
        %get3A_1371 = arith.constant 112 : index
        %get3A_1372 = tpu.vector_load %arg9[%get3A_1370, %get3A_1371] {strides = array<i32>} : memref<128x128xf32, #tpu.memory_space<vmem>>, vector<1x16xf32>,
        %get3A_1373 = vector.shape_cast %get3A_1372 : vector<1x16xf32> to vector<16xf32>
        %mul3A_1374 = arith.mulf %get3A_1373, %gather3A_1225 : vector<16xf32>
        %swap3A_1375 = arith.index_cast %add3A_1229 : i32 to index
        %swap3A_1376 = arith.constant 112 : index
        %swap3A_1377 = tpu.vector_load %arg9[%swap3A_1375, %swap3A_1376] {strides = array<i32>} : memref<128x128xf32, #tpu.memory_space<vmem>>, vector<1x16xf32>,
        %swap3A_1378 = vector.shape_cast %swap3A_1377 : vector<1x16xf32> to vector<16xf32>
        %swap3A_1379 = vector.shape_cast %mul3A_1374 : vector<16xf32> to vector<1x16xf32>
        tpu.vector_store %arg9[%swap3A_1375, %swap3A_1376], %swap3A_1379 {strides = array<i32>} : memref<128x128xf32, #tpu.memory_space<vmem>>, vector<1x16xf32>,
        %get3A_1380 = arith.index_cast %add3A_1229 : i32 to index
        %get3A_1381 = arith.constant 112 : index
        %get3A_1382 = tpu.vector_load %arg10[%get3A_1380, %get3A_1381] {strides = array<i32>} : memref<128x128xf32, #tpu.memory_space<vmem>>, vector<1x16xf32>,
        %get3A_1383 = vector.shape_cast %get3A_1382 : vector<1x16xf32> to vector<16xf32>
        %mul3A_1384 = arith.mulf %get3A_1383, %gather3A_1225 : vector<16xf32>
        %swap3A_1385 = arith.index_cast %add3A_1229 : i32 to index
        %swap3A_1386 = arith.constant 112 : index
        %swap3A_1387 = tpu.vector_load %arg10[%swap3A_1385, %swap3A_1386] {strides = array<i32>} : memref<128x128xf32, #tpu.memory_space<vmem>>, vector<1x16xf32>,
        %swap3A_1388 = vector.shape_cast %swap3A_1387 : vector<1x16xf32> to vector<16xf32>
        %swap3A_1389 = vector.shape_cast %mul3A_1384 : vector<16xf32> to vector<1x16xf32>
        tpu.vector_store %arg10[%swap3A_1385, %swap3A_1386], %swap3A_1389 {strides = array<i32>} : memref<128x128xf32, #tpu.memory_space<vmem>>, vector<1x16xf32>,
        %broadcast_in_dim3A_1390 = arith.constant 8 : i32
        %broadcast_in_dim3A_1391 = vector.broadcast %broadcast_in_dim3A_1390 : i32 to vector<16x1xi32>
        %gather3A_1392 = vector.shape_cast %broadcast_in_dim3A_1391 : vector<16x1xi32> to vector<16xi32>
        %gather3A_1393 = tpu.dynamic_gather %get3A_48[%gather3A_1392] in [0] : vector<16xf32>, vector<16xi32> -> vector<16xf32>
        %mul3A_1394 = arith.constant 16 : i32
        %mul3A_1395 = arith.muli %scan3A_44, %mul3A_1394 : i32
        %add3A_1396 = arith.constant 8 : i32
        %add3A_1397 = arith.addi %mul3A_1395, %add3A_1396 : i32
        %get3A_1398 = arith.index_cast %add3A_1397 : i32 to index
        %get3A_1399 = arith.constant 0 : index
        %get3A_1400 = tpu.vector_load %arg9[%get3A_1398, %get3A_1399] {strides = array<i32>} : memref<128x128xf32, #tpu.memory_space<vmem>>, vector<1x16xf32>,
        %get3A_1401 = vector.shape_cast %get3A_1400 : vector<1x16xf32> to vector<16xf32>
        %mul3A_1402 = arith.mulf %get3A_1401, %gather3A_1393 : vector<16xf32>
        %swap3A_1403 = arith.index_cast %add3A_1397 : i32 to index
        %swap3A_1404 = arith.constant 0 : index
        %swap3A_1405 = tpu.vector_load %arg9[%swap3A_1403, %swap3A_1404] {strides = array<i32>} : memref<128x128xf32, #tpu.memory_space<vmem>>, vector<1x16xf32>,
        %swap3A_1406 = vector.shape_cast %swap3A_1405 : vector<1x16xf32> to vector<16xf32>
        %swap3A_1407 = vector.shape_cast %mul3A_1402 : vector<16xf32> to vector<1x16xf32>
        tpu.vector_store %arg9[%swap3A_1403, %swap3A_1404], %swap3A_1407 {strides = array<i32>} : memref<128x128xf32, #tpu.memory_space<vmem>>, vector<1x16xf32>,
        %get3A_1408 = arith.index_cast %add3A_1397 : i32 to index
        %get3A_1409 = arith.constant 0 : index
        %get3A_1410 = tpu.vector_load %arg10[%get3A_1408, %get3A_1409] {strides = array<i32>} : memref<128x128xf32, #tpu.memory_space<vmem>>, vector<1x16xf32>,
        %get3A_1411 = vector.shape_cast %get3A_1410 : vector<1x16xf32> to vector<16xf32>
        %mul3A_1412 = arith.mulf %get3A_1411, %gather3A_1393 : vector<16xf32>
        %swap3A_1413 = arith.index_cast %add3A_1397 : i32 to index
        %swap3A_1414 = arith.constant 0 : index
        %swap3A_1415 = tpu.vector_load %arg10[%swap3A_1413, %swap3A_1414] {strides = array<i32>} : memref<128x128xf32, #tpu.memory_space<vmem>>, vector<1x16xf32>,
        %swap3A_1416 = vector.shape_cast %swap3A_1415 : vector<1x16xf32> to vector<16xf32>
        %swap3A_1417 = vector.shape_cast %mul3A_1412 : vector<16xf32> to vector<1x16xf32>
        tpu.vector_store %arg10[%swap3A_1413, %swap3A_1414], %swap3A_1417 {strides = array<i32>} : memref<128x128xf32, #tpu.memory_space<vmem>>, vector<1x16xf32>,
        %get3A_1418 = arith.index_cast %add3A_1397 : i32 to index
        %get3A_1419 = arith.constant 16 : index
        %get3A_1420 = tpu.vector_load %arg9[%get3A_1418, %get3A_1419] {strides = array<i32>} : memref<128x128xf32, #tpu.memory_space<vmem>>, vector<1x16xf32>,
        %get3A_1421 = vector.shape_cast %get3A_1420 : vector<1x16xf32> to vector<16xf32>
        %mul3A_1422 = arith.mulf %get3A_1421, %gather3A_1393 : vector<16xf32>
        %swap3A_1423 = arith.index_cast %add3A_1397 : i32 to index
        %swap3A_1424 = arith.constant 16 : index
        %swap3A_1425 = tpu.vector_load %arg9[%swap3A_1423, %swap3A_1424] {strides = array<i32>} : memref<128x128xf32, #tpu.memory_space<vmem>>, vector<1x16xf32>,
        %swap3A_1426 = vector.shape_cast %swap3A_1425 : vector<1x16xf32> to vector<16xf32>
        %swap3A_1427 = vector.shape_cast %mul3A_1422 : vector<16xf32> to vector<1x16xf32>
        tpu.vector_store %arg9[%swap3A_1423, %swap3A_1424], %swap3A_1427 {strides = array<i32>} : memref<128x128xf32, #tpu.memory_space<vmem>>, vector<1x16xf32>,
        %get3A_1428 = arith.index_cast %add3A_1397 : i32 to index
        %get3A_1429 = arith.constant 16 : index
        %get3A_1430 = tpu.vector_load %arg10[%get3A_1428, %get3A_1429] {strides = array<i32>} : memref<128x128xf32, #tpu.memory_space<vmem>>, vector<1x16xf32>,
        %get3A_1431 = vector.shape_cast %get3A_1430 : vector<1x16xf32> to vector<16xf32>
        %mul3A_1432 = arith.mulf %get3A_1431, %gather3A_1393 : vector<16xf32>
        %swap3A_1433 = arith.index_cast %add3A_1397 : i32 to index
        %swap3A_1434 = arith.constant 16 : index
        %swap3A_1435 = tpu.vector_load %arg10[%swap3A_1433, %swap3A_1434] {strides = array<i32>} : memref<128x128xf32, #tpu.memory_space<vmem>>, vector<1x16xf32>,
        %swap3A_1436 = vector.shape_cast %swap3A_1435 : vector<1x16xf32> to vector<16xf32>
        %swap3A_1437 = vector.shape_cast %mul3A_1432 : vector<16xf32> to vector<1x16xf32>
        tpu.vector_store %arg10[%swap3A_1433, %swap3A_1434], %swap3A_1437 {strides = array<i32>} : memref<128x128xf32, #tpu.memory_space<vmem>>, vector<1x16xf32>,
        %get3A_1438 = arith.index_cast %add3A_1397 : i32 to index
        %get3A_1439 = arith.constant 32 : index
        %get3A_1440 = tpu.vector_load %arg9[%get3A_1438, %get3A_1439] {strides = array<i32>} : memref<128x128xf32, #tpu.memory_space<vmem>>, vector<1x16xf32>,
        %get3A_1441 = vector.shape_cast %get3A_1440 : vector<1x16xf32> to vector<16xf32>
        %mul3A_1442 = arith.mulf %get3A_1441, %gather3A_1393 : vector<16xf32>
        %swap3A_1443 = arith.index_cast %add3A_1397 : i32 to index
        %swap3A_1444 = arith.constant 32 : index
        %swap3A_1445 = tpu.vector_load %arg9[%swap3A_1443, %swap3A_1444] {strides = array<i32>} : memref<128x128xf32, #tpu.memory_space<vmem>>, vector<1x16xf32>,
        %swap3A_1446 = vector.shape_cast %swap3A_1445 : vector<1x16xf32> to vector<16xf32>
        %swap3A_1447 = vector.shape_cast %mul3A_1442 : vector<16xf32> to vector<1x16xf32>
        tpu.vector_store %arg9[%swap3A_1443, %swap3A_1444], %swap3A_1447 {strides = array<i32>} : memref<128x128xf32, #tpu.memory_space<vmem>>, vector<1x16xf32>,
        %get3A_1448 = arith.index_cast %add3A_1397 : i32 to index
        %get3A_1449 = arith.constant 32 : index
        %get3A_1450 = tpu.vector_load %arg10[%get3A_1448, %get3A_1449] {strides = array<i32>} : memref<128x128xf32, #tpu.memory_space<vmem>>, vector<1x16xf32>,
        %get3A_1451 = vector.shape_cast %get3A_1450 : vector<1x16xf32> to vector<16xf32>
        %mul3A_1452 = arith.mulf %get3A_1451, %gather3A_1393 : vector<16xf32>
        %swap3A_1453 = arith.index_cast %add3A_1397 : i32 to index
        %swap3A_1454 = arith.constant 32 : index
        %swap3A_1455 = tpu.vector_load %arg10[%swap3A_1453, %swap3A_1454] {strides = array<i32>} : memref<128x128xf32, #tpu.memory_space<vmem>>, vector<1x16xf32>,
        %swap3A_1456 = vector.shape_cast %swap3A_1455 : vector<1x16xf32> to vector<16xf32>
        %swap3A_1457 = vector.shape_cast %mul3A_1452 : vector<16xf32> to vector<1x16xf32>
        tpu.vector_store %arg10[%swap3A_1453, %swap3A_1454], %swap3A_1457 {strides = array<i32>} : memref<128x128xf32, #tpu.memory_space<vmem>>, vector<1x16xf32>,
        %get3A_1458 = arith.index_cast %add3A_1397 : i32 to index
        %get3A_1459 = arith.constant 48 : index
        %get3A_1460 = tpu.vector_load %arg9[%get3A_1458, %get3A_1459] {strides = array<i32>} : memref<128x128xf32, #tpu.memory_space<vmem>>, vector<1x16xf32>,
        %get3A_1461 = vector.shape_cast %get3A_1460 : vector<1x16xf32> to vector<16xf32>
        %mul3A_1462 = arith.mulf %get3A_1461, %gather3A_1393 : vector<16xf32>
        %swap3A_1463 = arith.index_cast %add3A_1397 : i32 to index
        %swap3A_1464 = arith.constant 48 : index
        %swap3A_1465 = tpu.vector_load %arg9[%swap3A_1463, %swap3A_1464] {strides = array<i32>} : memref<128x128xf32, #tpu.memory_space<vmem>>, vector<1x16xf32>,
        %swap3A_1466 = vector.shape_cast %swap3A_1465 : vector<1x16xf32> to vector<16xf32>
        %swap3A_1467 = vector.shape_cast %mul3A_1462 : vector<16xf32> to vector<1x16xf32>
        tpu.vector_store %arg9[%swap3A_1463, %swap3A_1464], %swap3A_1467 {strides = array<i32>} : memref<128x128xf32, #tpu.memory_space<vmem>>, vector<1x16xf32>,
        %get3A_1468 = arith.index_cast %add3A_1397 : i32 to index
        %get3A_1469 = arith.constant 48 : index
        %get3A_1470 = tpu.vector_load %arg10[%get3A_1468, %get3A_1469] {strides = array<i32>} : memref<128x128xf32, #tpu.memory_space<vmem>>, vector<1x16xf32>,
        %get3A_1471 = vector.shape_cast %get3A_1470 : vector<1x16xf32> to vector<16xf32>
        %mul3A_1472 = arith.mulf %get3A_1471, %gather3A_1393 : vector<16xf32>
        %swap3A_1473 = arith.index_cast %add3A_1397 : i32 to index
        %swap3A_1474 = arith.constant 48 : index
        %swap3A_1475 = tpu.vector_load %arg10[%swap3A_1473, %swap3A_1474] {strides = array<i32>} : memref<128x128xf32, #tpu.memory_space<vmem>>, vector<1x16xf32>,
        %swap3A_1476 = vector.shape_cast %swap3A_1475 : vector<1x16xf32> to vector<16xf32>
        %swap3A_1477 = vector.shape_cast %mul3A_1472 : vector<16xf32> to vector<1x16xf32>
        tpu.vector_store %arg10[%swap3A_1473, %swap3A_1474], %swap3A_1477 {strides = array<i32>} : memref<128x128xf32, #tpu.memory_space<vmem>>, vector<1x16xf32>,
        %get3A_1478 = arith.index_cast %add3A_1397 : i32 to index
        %get3A_1479 = arith.constant 64 : index
        %get3A_1480 = tpu.vector_load %arg9[%get3A_1478, %get3A_1479] {strides = array<i32>} : memref<128x128xf32, #tpu.memory_space<vmem>>, vector<1x16xf32>,
        %get3A_1481 = vector.shape_cast %get3A_1480 : vector<1x16xf32> to vector<16xf32>
        %mul3A_1482 = arith.mulf %get3A_1481, %gather3A_1393 : vector<16xf32>
        %swap3A_1483 = arith.index_cast %add3A_1397 : i32 to index
        %swap3A_1484 = arith.constant 64 : index
        %swap3A_1485 = tpu.vector_load %arg9[%swap3A_1483, %swap3A_1484] {strides = array<i32>} : memref<128x128xf32, #tpu.memory_space<vmem>>, vector<1x16xf32>,
        %swap3A_1486 = vector.shape_cast %swap3A_1485 : vector<1x16xf32> to vector<16xf32>
        %swap3A_1487 = vector.shape_cast %mul3A_1482 : vector<16xf32> to vector<1x16xf32>
        tpu.vector_store %arg9[%swap3A_1483, %swap3A_1484], %swap3A_1487 {strides = array<i32>} : memref<128x128xf32, #tpu.memory_space<vmem>>, vector<1x16xf32>,
        %get3A_1488 = arith.index_cast %add3A_1397 : i32 to index
        %get3A_1489 = arith.constant 64 : index
        %get3A_1490 = tpu.vector_load %arg10[%get3A_1488, %get3A_1489] {strides = array<i32>} : memref<128x128xf32, #tpu.memory_space<vmem>>, vector<1x16xf32>,
        %get3A_1491 = vector.shape_cast %get3A_1490 : vector<1x16xf32> to vector<16xf32>
        %mul3A_1492 = arith.mulf %get3A_1491, %gather3A_1393 : vector<16xf32>
        %swap3A_1493 = arith.index_cast %add3A_1397 : i32 to index
        %swap3A_1494 = arith.constant 64 : index
        %swap3A_1495 = tpu.vector_load %arg10[%swap3A_1493, %swap3A_1494] {strides = array<i32>} : memref<128x128xf32, #tpu.memory_space<vmem>>, vector<1x16xf32>,
        %swap3A_1496 = vector.shape_cast %swap3A_1495 : vector<1x16xf32> to vector<16xf32>
        %swap3A_1497 = vector.shape_cast %mul3A_1492 : vector<16xf32> to vector<1x16xf32>
        tpu.vector_store %arg10[%swap3A_1493, %swap3A_1494], %swap3A_1497 {strides = array<i32>} : memref<128x128xf32, #tpu.memory_space<vmem>>, vector<1x16xf32>,
        %get3A_1498 = arith.index_cast %add3A_1397 : i32 to index
        %get3A_1499 = arith.constant 80 : index
        %get3A_1500 = tpu.vector_load %arg9[%get3A_1498, %get3A_1499] {strides = array<i32>} : memref<128x128xf32, #tpu.memory_space<vmem>>, vector<1x16xf32>,
        %get3A_1501 = vector.shape_cast %get3A_1500 : vector<1x16xf32> to vector<16xf32>
        %mul3A_1502 = arith.mulf %get3A_1501, %gather3A_1393 : vector<16xf32>
        %swap3A_1503 = arith.index_cast %add3A_1397 : i32 to index
        %swap3A_1504 = arith.constant 80 : index
        %swap3A_1505 = tpu.vector_load %arg9[%swap3A_1503, %swap3A_1504] {strides = array<i32>} : memref<128x128xf32, #tpu.memory_space<vmem>>, vector<1x16xf32>,
        %swap3A_1506 = vector.shape_cast %swap3A_1505 : vector<1x16xf32> to vector<16xf32>
        %swap3A_1507 = vector.shape_cast %mul3A_1502 : vector<16xf32> to vector<1x16xf32>
        tpu.vector_store %arg9[%swap3A_1503, %swap3A_1504], %swap3A_1507 {strides = array<i32>} : memref<128x128xf32, #tpu.memory_space<vmem>>, vector<1x16xf32>,
        %get3A_1508 = arith.index_cast %add3A_1397 : i32 to index
        %get3A_1509 = arith.constant 80 : index
        %get3A_1510 = tpu.vector_load %arg10[%get3A_1508, %get3A_1509] {strides = array<i32>} : memref<128x128xf32, #tpu.memory_space<vmem>>, vector<1x16xf32>,
        %get3A_1511 = vector.shape_cast %get3A_1510 : vector<1x16xf32> to vector<16xf32>
        %mul3A_1512 = arith.mulf %get3A_1511, %gather3A_1393 : vector<16xf32>
        %swap3A_1513 = arith.index_cast %add3A_1397 : i32 to index
        %swap3A_1514 = arith.constant 80 : index
        %swap3A_1515 = tpu.vector_load %arg10[%swap3A_1513, %swap3A_1514] {strides = array<i32>} : memref<128x128xf32, #tpu.memory_space<vmem>>, vector<1x16xf32>,
        %swap3A_1516 = vector.shape_cast %swap3A_1515 : vector<1x16xf32> to vector<16xf32>
        %swap3A_1517 = vector.shape_cast %mul3A_1512 : vector<16xf32> to vector<1x16xf32>
        tpu.vector_store %arg10[%swap3A_1513, %swap3A_1514], %swap3A_1517 {strides = array<i32>} : memref<128x128xf32, #tpu.memory_space<vmem>>, vector<1x16xf32>,
        %get3A_1518 = arith.index_cast %add3A_1397 : i32 to index
        %get3A_1519 = arith.constant 96 : index
        %get3A_1520 = tpu.vector_load %arg9[%get3A_1518, %get3A_1519] {strides = array<i32>} : memref<128x128xf32, #tpu.memory_space<vmem>>, vector<1x16xf32>,
        %get3A_1521 = vector.shape_cast %get3A_1520 : vector<1x16xf32> to vector<16xf32>
        %mul3A_1522 = arith.mulf %get3A_1521, %gather3A_1393 : vector<16xf32>
        %swap3A_1523 = arith.index_cast %add3A_1397 : i32 to index
        %swap3A_1524 = arith.constant 96 : index
        %swap3A_1525 = tpu.vector_load %arg9[%swap3A_1523, %swap3A_1524] {strides = array<i32>} : memref<128x128xf32, #tpu.memory_space<vmem>>, vector<1x16xf32>,
        %swap3A_1526 = vector.shape_cast %swap3A_1525 : vector<1x16xf32> to vector<16xf32>
        %swap3A_1527 = vector.shape_cast %mul3A_1522 : vector<16xf32> to vector<1x16xf32>
        tpu.vector_store %arg9[%swap3A_1523, %swap3A_1524], %swap3A_1527 {strides = array<i32>} : memref<128x128xf32, #tpu.memory_space<vmem>>, vector<1x16xf32>,
        %get3A_1528 = arith.index_cast %add3A_1397 : i32 to index
        %get3A_1529 = arith.constant 96 : index
        %get3A_1530 = tpu.vector_load %arg10[%get3A_1528, %get3A_1529] {strides = array<i32>} : memref<128x128xf32, #tpu.memory_space<vmem>>, vector<1x16xf32>,
        %get3A_1531 = vector.shape_cast %get3A_1530 : vector<1x16xf32> to vector<16xf32>
        %mul3A_1532 = arith.mulf %get3A_1531, %gather3A_1393 : vector<16xf32>
        %swap3A_1533 = arith.index_cast %add3A_1397 : i32 to index
        %swap3A_1534 = arith.constant 96 : index
        %swap3A_1535 = tpu.vector_load %arg10[%swap3A_1533, %swap3A_1534] {strides = array<i32>} : memref<128x128xf32, #tpu.memory_space<vmem>>, vector<1x16xf32>,
        %swap3A_1536 = vector.shape_cast %swap3A_1535 : vector<1x16xf32> to vector<16xf32>
        %swap3A_1537 = vector.shape_cast %mul3A_1532 : vector<16xf32> to vector<1x16xf32>
        tpu.vector_store %arg10[%swap3A_1533, %swap3A_1534], %swap3A_1537 {strides = array<i32>} : memref<128x128xf32, #tpu.memory_space<vmem>>, vector<1x16xf32>,
        %get3A_1538 = arith.index_cast %add3A_1397 : i32 to index
        %get3A_1539 = arith.constant 112 : index
        %get3A_1540 = tpu.vector_load %arg9[%get3A_1538, %get3A_1539] {strides = array<i32>} : memref<128x128xf32, #tpu.memory_space<vmem>>, vector<1x16xf32>,
        %get3A_1541 = vector.shape_cast %get3A_1540 : vector<1x16xf32> to vector<16xf32>
        %mul3A_1542 = arith.mulf %get3A_1541, %gather3A_1393 : vector<16xf32>
        %swap3A_1543 = arith.index_cast %add3A_1397 : i32 to index
        %swap3A_1544 = arith.constant 112 : index
        %swap3A_1545 = tpu.vector_load %arg9[%swap3A_1543, %swap3A_1544] {strides = array<i32>} : memref<128x128xf32, #tpu.memory_space<vmem>>, vector<1x16xf32>,
        %swap3A_1546 = vector.shape_cast %swap3A_1545 : vector<1x16xf32> to vector<16xf32>
        %swap3A_1547 = vector.shape_cast %mul3A_1542 : vector<16xf32> to vector<1x16xf32>
        tpu.vector_store %arg9[%swap3A_1543, %swap3A_1544], %swap3A_1547 {strides = array<i32>} : memref<128x128xf32, #tpu.memory_space<vmem>>, vector<1x16xf32>,
        %get3A_1548 = arith.index_cast %add3A_1397 : i32 to index
        %get3A_1549 = arith.constant 112 : index
        %get3A_1550 = tpu.vector_load %arg10[%get3A_1548, %get3A_1549] {strides = array<i32>} : memref<128x128xf32, #tpu.memory_space<vmem>>, vector<1x16xf32>,
        %get3A_1551 = vector.shape_cast %get3A_1550 : vector<1x16xf32> to vector<16xf32>
        %mul3A_1552 = arith.mulf %get3A_1551, %gather3A_1393 : vector<16xf32>
        %swap3A_1553 = arith.index_cast %add3A_1397 : i32 to index
        %swap3A_1554 = arith.constant 112 : index
        %swap3A_1555 = tpu.vector_load %arg10[%swap3A_1553, %swap3A_1554] {strides = array<i32>} : memref<128x128xf32, #tpu.memory_space<vmem>>, vector<1x16xf32>,
        %swap3A_1556 = vector.shape_cast %swap3A_1555 : vector<1x16xf32> to vector<16xf32>
        %swap3A_1557 = vector.shape_cast %mul3A_1552 : vector<16xf32> to vector<1x16xf32>
        tpu.vector_store %arg10[%swap3A_1553, %swap3A_1554], %swap3A_1557 {strides = array<i32>} : memref<128x128xf32, #tpu.memory_space<vmem>>, vector<1x16xf32>,
        %broadcast_in_dim3A_1558 = arith.constant 9 : i32
        %broadcast_in_dim3A_1559 = vector.broadcast %broadcast_in_dim3A_1558 : i32 to vector<16x1xi32>
        %gather3A_1560 = vector.shape_cast %broadcast_in_dim3A_1559 : vector<16x1xi32> to vector<16xi32>
        %gather3A_1561 = tpu.dynamic_gather %get3A_48[%gather3A_1560] in [0] : vector<16xf32>, vector<16xi32> -> vector<16xf32>
        %mul3A_1562 = arith.constant 16 : i32
        %mul3A_1563 = arith.muli %scan3A_44, %mul3A_1562 : i32
        %add3A_1564 = arith.constant 9 : i32
        %add3A_1565 = arith.addi %mul3A_1563, %add3A_1564 : i32
        %get3A_1566 = arith.index_cast %add3A_1565 : i32 to index
        %get3A_1567 = arith.constant 0 : index
        %get3A_1568 = tpu.vector_load %arg9[%get3A_1566, %get3A_1567] {strides = array<i32>} : memref<128x128xf32, #tpu.memory_space<vmem>>, vector<1x16xf32>,
        %get3A_1569 = vector.shape_cast %get3A_1568 : vector<1x16xf32> to vector<16xf32>
        %mul3A_1570 = arith.mulf %get3A_1569, %gather3A_1561 : vector<16xf32>
        %swap3A_1571 = arith.index_cast %add3A_1565 : i32 to index
        %swap3A_1572 = arith.constant 0 : index
        %swap3A_1573 = tpu.vector_load %arg9[%swap3A_1571, %swap3A_1572] {strides = array<i32>} : memref<128x128xf32, #tpu.memory_space<vmem>>, vector<1x16xf32>,
        %swap3A_1574 = vector.shape_cast %swap3A_1573 : vector<1x16xf32> to vector<16xf32>
        %swap3A_1575 = vector.shape_cast %mul3A_1570 : vector<16xf32> to vector<1x16xf32>
        tpu.vector_store %arg9[%swap3A_1571, %swap3A_1572], %swap3A_1575 {strides = array<i32>} : memref<128x128xf32, #tpu.memory_space<vmem>>, vector<1x16xf32>,
        %get3A_1576 = arith.index_cast %add3A_1565 : i32 to index
        %get3A_1577 = arith.constant 0 : index
        %get3A_1578 = tpu.vector_load %arg10[%get3A_1576, %get3A_1577] {strides = array<i32>} : memref<128x128xf32, #tpu.memory_space<vmem>>, vector<1x16xf32>,
        %get3A_1579 = vector.shape_cast %get3A_1578 : vector<1x16xf32> to vector<16xf32>
        %mul3A_1580 = arith.mulf %get3A_1579, %gather3A_1561 : vector<16xf32>
        %swap3A_1581 = arith.index_cast %add3A_1565 : i32 to index
        %swap3A_1582 = arith.constant 0 : index
        %swap3A_1583 = tpu.vector_load %arg10[%swap3A_1581, %swap3A_1582] {strides = array<i32>} : memref<128x128xf32, #tpu.memory_space<vmem>>, vector<1x16xf32>,
        %swap3A_1584 = vector.shape_cast %swap3A_1583 : vector<1x16xf32> to vector<16xf32>
        %swap3A_1585 = vector.shape_cast %mul3A_1580 : vector<16xf32> to vector<1x16xf32>
        tpu.vector_store %arg10[%swap3A_1581, %swap3A_1582], %swap3A_1585 {strides = array<i32>} : memref<128x128xf32, #tpu.memory_space<vmem>>, vector<1x16xf32>,
        %get3A_1586 = arith.index_cast %add3A_1565 : i32 to index
        %get3A_1587 = arith.constant 16 : index
        %get3A_1588 = tpu.vector_load %arg9[%get3A_1586, %get3A_1587] {strides = array<i32>} : memref<128x128xf32, #tpu.memory_space<vmem>>, vector<1x16xf32>,
        %get3A_1589 = vector.shape_cast %get3A_1588 : vector<1x16xf32> to vector<16xf32>
        %mul3A_1590 = arith.mulf %get3A_1589, %gather3A_1561 : vector<16xf32>
        %swap3A_1591 = arith.index_cast %add3A_1565 : i32 to index
        %swap3A_1592 = arith.constant 16 : index
        %swap3A_1593 = tpu.vector_load %arg9[%swap3A_1591, %swap3A_1592] {strides = array<i32>} : memref<128x128xf32, #tpu.memory_space<vmem>>, vector<1x16xf32>,
        %swap3A_1594 = vector.shape_cast %swap3A_1593 : vector<1x16xf32> to vector<16xf32>
        %swap3A_1595 = vector.shape_cast %mul3A_1590 : vector<16xf32> to vector<1x16xf32>
        tpu.vector_store %arg9[%swap3A_1591, %swap3A_1592], %swap3A_1595 {strides = array<i32>} : memref<128x128xf32, #tpu.memory_space<vmem>>, vector<1x16xf32>,
        %get3A_1596 = arith.index_cast %add3A_1565 : i32 to index
        %get3A_1597 = arith.constant 16 : index
        %get3A_1598 = tpu.vector_load %arg10[%get3A_1596, %get3A_1597] {strides = array<i32>} : memref<128x128xf32, #tpu.memory_space<vmem>>, vector<1x16xf32>,
        %get3A_1599 = vector.shape_cast %get3A_1598 : vector<1x16xf32> to vector<16xf32>
        %mul3A_1600 = arith.mulf %get3A_1599, %gather3A_1561 : vector<16xf32>
        %swap3A_1601 = arith.index_cast %add3A_1565 : i32 to index
        %swap3A_1602 = arith.constant 16 : index
        %swap3A_1603 = tpu.vector_load %arg10[%swap3A_1601, %swap3A_1602] {strides = array<i32>} : memref<128x128xf32, #tpu.memory_space<vmem>>, vector<1x16xf32>,
        %swap3A_1604 = vector.shape_cast %swap3A_1603 : vector<1x16xf32> to vector<16xf32>
        %swap3A_1605 = vector.shape_cast %mul3A_1600 : vector<16xf32> to vector<1x16xf32>
        tpu.vector_store %arg10[%swap3A_1601, %swap3A_1602], %swap3A_1605 {strides = array<i32>} : memref<128x128xf32, #tpu.memory_space<vmem>>, vector<1x16xf32>,
        %get3A_1606 = arith.index_cast %add3A_1565 : i32 to index
        %get3A_1607 = arith.constant 32 : index
        %get3A_1608 = tpu.vector_load %arg9[%get3A_1606, %get3A_1607] {strides = array<i32>} : memref<128x128xf32, #tpu.memory_space<vmem>>, vector<1x16xf32>,
        %get3A_1609 = vector.shape_cast %get3A_1608 : vector<1x16xf32> to vector<16xf32>
        %mul3A_1610 = arith.mulf %get3A_1609, %gather3A_1561 : vector<16xf32>
        %swap3A_1611 = arith.index_cast %add3A_1565 : i32 to index
        %swap3A_1612 = arith.constant 32 : index
        %swap3A_1613 = tpu.vector_load %arg9[%swap3A_1611, %swap3A_1612] {strides = array<i32>} : memref<128x128xf32, #tpu.memory_space<vmem>>, vector<1x16xf32>,
        %swap3A_1614 = vector.shape_cast %swap3A_1613 : vector<1x16xf32> to vector<16xf32>
        %swap3A_1615 = vector.shape_cast %mul3A_1610 : vector<16xf32> to vector<1x16xf32>
        tpu.vector_store %arg9[%swap3A_1611, %swap3A_1612], %swap3A_1615 {strides = array<i32>} : memref<128x128xf32, #tpu.memory_space<vmem>>, vector<1x16xf32>,
        %get3A_1616 = arith.index_cast %add3A_1565 : i32 to index
        %get3A_1617 = arith.constant 32 : index
        %get3A_1618 = tpu.vector_load %arg10[%get3A_1616, %get3A_1617] {strides = array<i32>} : memref<128x128xf32, #tpu.memory_space<vmem>>, vector<1x16xf32>,
        %get3A_1619 = vector.shape_cast %get3A_1618 : vector<1x16xf32> to vector<16xf32>
        %mul3A_1620 = arith.mulf %get3A_1619, %gather3A_1561 : vector<16xf32>
        %swap3A_1621 = arith.index_cast %add3A_1565 : i32 to index
        %swap3A_1622 = arith.constant 32 : index
        %swap3A_1623 = tpu.vector_load %arg10[%swap3A_1621, %swap3A_1622] {strides = array<i32>} : memref<128x128xf32, #tpu.memory_space<vmem>>, vector<1x16xf32>,
        %swap3A_1624 = vector.shape_cast %swap3A_1623 : vector<1x16xf32> to vector<16xf32>
        %swap3A_1625 = vector.shape_cast %mul3A_1620 : vector<16xf32> to vector<1x16xf32>
        tpu.vector_store %arg10[%swap3A_1621, %swap3A_1622], %swap3A_1625 {strides = array<i32>} : memref<128x128xf32, #tpu.memory_space<vmem>>, vector<1x16xf32>,
        %get3A_1626 = arith.index_cast %add3A_1565 : i32 to index
        %get3A_1627 = arith.constant 48 : index
        %get3A_1628 = tpu.vector_load %arg9[%get3A_1626, %get3A_1627] {strides = array<i32>} : memref<128x128xf32, #tpu.memory_space<vmem>>, vector<1x16xf32>,
        %get3A_1629 = vector.shape_cast %get3A_1628 : vector<1x16xf32> to vector<16xf32>
        %mul3A_1630 = arith.mulf %get3A_1629, %gather3A_1561 : vector<16xf32>
        %swap3A_1631 = arith.index_cast %add3A_1565 : i32 to index
        %swap3A_1632 = arith.constant 48 : index
        %swap3A_1633 = tpu.vector_load %arg9[%swap3A_1631, %swap3A_1632] {strides = array<i32>} : memref<128x128xf32, #tpu.memory_space<vmem>>, vector<1x16xf32>,
        %swap3A_1634 = vector.shape_cast %swap3A_1633 : vector<1x16xf32> to vector<16xf32>
        %swap3A_1635 = vector.shape_cast %mul3A_1630 : vector<16xf32> to vector<1x16xf32>
        tpu.vector_store %arg9[%swap3A_1631, %swap3A_1632], %swap3A_1635 {strides = array<i32>} : memref<128x128xf32, #tpu.memory_space<vmem>>, vector<1x16xf32>,
        %get3A_1636 = arith.index_cast %add3A_1565 : i32 to index
        %get3A_1637 = arith.constant 48 : index
        %get3A_1638 = tpu.vector_load %arg10[%get3A_1636, %get3A_1637] {strides = array<i32>} : memref<128x128xf32, #tpu.memory_space<vmem>>, vector<1x16xf32>,
        %get3A_1639 = vector.shape_cast %get3A_1638 : vector<1x16xf32> to vector<16xf32>
        %mul3A_1640 = arith.mulf %get3A_1639, %gather3A_1561 : vector<16xf32>
        %swap3A_1641 = arith.index_cast %add3A_1565 : i32 to index
        %swap3A_1642 = arith.constant 48 : index
        %swap3A_1643 = tpu.vector_load %arg10[%swap3A_1641, %swap3A_1642] {strides = array<i32>} : memref<128x128xf32, #tpu.memory_space<vmem>>, vector<1x16xf32>,
        %swap3A_1644 = vector.shape_cast %swap3A_1643 : vector<1x16xf32> to vector<16xf32>
        %swap3A_1645 = vector.shape_cast %mul3A_1640 : vector<16xf32> to vector<1x16xf32>
        tpu.vector_store %arg10[%swap3A_1641, %swap3A_1642], %swap3A_1645 {strides = array<i32>} : memref<128x128xf32, #tpu.memory_space<vmem>>, vector<1x16xf32>,
        %get3A_1646 = arith.index_cast %add3A_1565 : i32 to index
        %get3A_1647 = arith.constant 64 : index
        %get3A_1648 = tpu.vector_load %arg9[%get3A_1646, %get3A_1647] {strides = array<i32>} : memref<128x128xf32, #tpu.memory_space<vmem>>, vector<1x16xf32>,
        %get3A_1649 = vector.shape_cast %get3A_1648 : vector<1x16xf32> to vector<16xf32>
        %mul3A_1650 = arith.mulf %get3A_1649, %gather3A_1561 : vector<16xf32>
        %swap3A_1651 = arith.index_cast %add3A_1565 : i32 to index
        %swap3A_1652 = arith.constant 64 : index
        %swap3A_1653 = tpu.vector_load %arg9[%swap3A_1651, %swap3A_1652] {strides = array<i32>} : memref<128x128xf32, #tpu.memory_space<vmem>>, vector<1x16xf32>,
        %swap3A_1654 = vector.shape_cast %swap3A_1653 : vector<1x16xf32> to vector<16xf32>
        %swap3A_1655 = vector.shape_cast %mul3A_1650 : vector<16xf32> to vector<1x16xf32>
        tpu.vector_store %arg9[%swap3A_1651, %swap3A_1652], %swap3A_1655 {strides = array<i32>} : memref<128x128xf32, #tpu.memory_space<vmem>>, vector<1x16xf32>,
        %get3A_1656 = arith.index_cast %add3A_1565 : i32 to index
        %get3A_1657 = arith.constant 64 : index
        %get3A_1658 = tpu.vector_load %arg10[%get3A_1656, %get3A_1657] {strides = array<i32>} : memref<128x128xf32, #tpu.memory_space<vmem>>, vector<1x16xf32>,
        %get3A_1659 = vector.shape_cast %get3A_1658 : vector<1x16xf32> to vector<16xf32>
        %mul3A_1660 = arith.mulf %get3A_1659, %gather3A_1561 : vector<16xf32>
        %swap3A_1661 = arith.index_cast %add3A_1565 : i32 to index
        %swap3A_1662 = arith.constant 64 : index
        %swap3A_1663 = tpu.vector_load %arg10[%swap3A_1661, %swap3A_1662] {strides = array<i32>} : memref<128x128xf32, #tpu.memory_space<vmem>>, vector<1x16xf32>,
        %swap3A_1664 = vector.shape_cast %swap3A_1663 : vector<1x16xf32> to vector<16xf32>
        %swap3A_1665 = vector.shape_cast %mul3A_1660 : vector<16xf32> to vector<1x16xf32>
        tpu.vector_store %arg10[%swap3A_1661, %swap3A_1662], %swap3A_1665 {strides = array<i32>} : memref<128x128xf32, #tpu.memory_space<vmem>>, vector<1x16xf32>,
        %get3A_1666 = arith.index_cast %add3A_1565 : i32 to index
        %get3A_1667 = arith.constant 80 : index
        %get3A_1668 = tpu.vector_load %arg9[%get3A_1666, %get3A_1667] {strides = array<i32>} : memref<128x128xf32, #tpu.memory_space<vmem>>, vector<1x16xf32>,
        %get3A_1669 = vector.shape_cast %get3A_1668 : vector<1x16xf32> to vector<16xf32>
        %mul3A_1670 = arith.mulf %get3A_1669, %gather3A_1561 : vector<16xf32>
        %swap3A_1671 = arith.index_cast %add3A_1565 : i32 to index
        %swap3A_1672 = arith.constant 80 : index
        %swap3A_1673 = tpu.vector_load %arg9[%swap3A_1671, %swap3A_1672] {strides = array<i32>} : memref<128x128xf32, #tpu.memory_space<vmem>>, vector<1x16xf32>,
        %swap3A_1674 = vector.shape_cast %swap3A_1673 : vector<1x16xf32> to vector<16xf32>
        %swap3A_1675 = vector.shape_cast %mul3A_1670 : vector<16xf32> to vector<1x16xf32>
        tpu.vector_store %arg9[%swap3A_1671, %swap3A_1672], %swap3A_1675 {strides = array<i32>} : memref<128x128xf32, #tpu.memory_space<vmem>>, vector<1x16xf32>,
        %get3A_1676 = arith.index_cast %add3A_1565 : i32 to index
        %get3A_1677 = arith.constant 80 : index
        %get3A_1678 = tpu.vector_load %arg10[%get3A_1676, %get3A_1677] {strides = array<i32>} : memref<128x128xf32, #tpu.memory_space<vmem>>, vector<1x16xf32>,
        %get3A_1679 = vector.shape_cast %get3A_1678 : vector<1x16xf32> to vector<16xf32>
        %mul3A_1680 = arith.mulf %get3A_1679, %gather3A_1561 : vector<16xf32>
        %swap3A_1681 = arith.index_cast %add3A_1565 : i32 to index
        %swap3A_1682 = arith.constant 80 : index
        %swap3A_1683 = tpu.vector_load %arg10[%swap3A_1681, %swap3A_1682] {strides = array<i32>} : memref<128x128xf32, #tpu.memory_space<vmem>>, vector<1x16xf32>,
        %swap3A_1684 = vector.shape_cast %swap3A_1683 : vector<1x16xf32> to vector<16xf32>
        %swap3A_1685 = vector.shape_cast %mul3A_1680 : vector<16xf32> to vector<1x16xf32>
        tpu.vector_store %arg10[%swap3A_1681, %swap3A_1682], %swap3A_1685 {strides = array<i32>} : memref<128x128xf32, #tpu.memory_space<vmem>>, vector<1x16xf32>,
        %get3A_1686 = arith.index_cast %add3A_1565 : i32 to index
        %get3A_1687 = arith.constant 96 : index
        %get3A_1688 = tpu.vector_load %arg9[%get3A_1686, %get3A_1687] {strides = array<i32>} : memref<128x128xf32, #tpu.memory_space<vmem>>, vector<1x16xf32>,
        %get3A_1689 = vector.shape_cast %get3A_1688 : vector<1x16xf32> to vector<16xf32>
        %mul3A_1690 = arith.mulf %get3A_1689, %gather3A_1561 : vector<16xf32>
        %swap3A_1691 = arith.index_cast %add3A_1565 : i32 to index
        %swap3A_1692 = arith.constant 96 : index
        %swap3A_1693 = tpu.vector_load %arg9[%swap3A_1691, %swap3A_1692] {strides = array<i32>} : memref<128x128xf32, #tpu.memory_space<vmem>>, vector<1x16xf32>,
        %swap3A_1694 = vector.shape_cast %swap3A_1693 : vector<1x16xf32> to vector<16xf32>
        %swap3A_1695 = vector.shape_cast %mul3A_1690 : vector<16xf32> to vector<1x16xf32>
        tpu.vector_store %arg9[%swap3A_1691, %swap3A_1692], %swap3A_1695 {strides = array<i32>} : memref<128x128xf32, #tpu.memory_space<vmem>>, vector<1x16xf32>,
        %get3A_1696 = arith.index_cast %add3A_1565 : i32 to index
        %get3A_1697 = arith.constant 96 : index
        %get3A_1698 = tpu.vector_load %arg10[%get3A_1696, %get3A_1697] {strides = array<i32>} : memref<128x128xf32, #tpu.memory_space<vmem>>, vector<1x16xf32>,
        %get3A_1699 = vector.shape_cast %get3A_1698 : vector<1x16xf32> to vector<16xf32>
        %mul3A_1700 = arith.mulf %get3A_1699, %gather3A_1561 : vector<16xf32>
        %swap3A_1701 = arith.index_cast %add3A_1565 : i32 to index
        %swap3A_1702 = arith.constant 96 : index
        %swap3A_1703 = tpu.vector_load %arg10[%swap3A_1701, %swap3A_1702] {strides = array<i32>} : memref<128x128xf32, #tpu.memory_space<vmem>>, vector<1x16xf32>,
        %swap3A_1704 = vector.shape_cast %swap3A_1703 : vector<1x16xf32> to vector<16xf32>
        %swap3A_1705 = vector.shape_cast %mul3A_1700 : vector<16xf32> to vector<1x16xf32>
        tpu.vector_store %arg10[%swap3A_1701, %swap3A_1702], %swap3A_1705 {strides = array<i32>} : memref<128x128xf32, #tpu.memory_space<vmem>>, vector<1x16xf32>,
        %get3A_1706 = arith.index_cast %add3A_1565 : i32 to index
        %get3A_1707 = arith.constant 112 : index
        %get3A_1708 = tpu.vector_load %arg9[%get3A_1706, %get3A_1707] {strides = array<i32>} : memref<128x128xf32, #tpu.memory_space<vmem>>, vector<1x16xf32>,
        %get3A_1709 = vector.shape_cast %get3A_1708 : vector<1x16xf32> to vector<16xf32>
        %mul3A_1710 = arith.mulf %get3A_1709, %gather3A_1561 : vector<16xf32>
        %swap3A_1711 = arith.index_cast %add3A_1565 : i32 to index
        %swap3A_1712 = arith.constant 112 : index
        %swap3A_1713 = tpu.vector_load %arg9[%swap3A_1711, %swap3A_1712] {strides = array<i32>} : memref<128x128xf32, #tpu.memory_space<vmem>>, vector<1x16xf32>,
        %swap3A_1714 = vector.shape_cast %swap3A_1713 : vector<1x16xf32> to vector<16xf32>
        %swap3A_1715 = vector.shape_cast %mul3A_1710 : vector<16xf32> to vector<1x16xf32>
        tpu.vector_store %arg9[%swap3A_1711, %swap3A_1712], %swap3A_1715 {strides = array<i32>} : memref<128x128xf32, #tpu.memory_space<vmem>>, vector<1x16xf32>,
        %get3A_1716 = arith.index_cast %add3A_1565 : i32 to index
        %get3A_1717 = arith.constant 112 : index
        %get3A_1718 = tpu.vector_load %arg10[%get3A_1716, %get3A_1717] {strides = array<i32>} : memref<128x128xf32, #tpu.memory_space<vmem>>, vector<1x16xf32>,
        %get3A_1719 = vector.shape_cast %get3A_1718 : vector<1x16xf32> to vector<16xf32>
        %mul3A_1720 = arith.mulf %get3A_1719, %gather3A_1561 : vector<16xf32>
        %swap3A_1721 = arith.index_cast %add3A_1565 : i32 to index
        %swap3A_1722 = arith.constant 112 : index
        %swap3A_1723 = tpu.vector_load %arg10[%swap3A_1721, %swap3A_1722] {strides = array<i32>} : memref<128x128xf32, #tpu.memory_space<vmem>>, vector<1x16xf32>,
        %swap3A_1724 = vector.shape_cast %swap3A_1723 : vector<1x16xf32> to vector<16xf32>
        %swap3A_1725 = vector.shape_cast %mul3A_1720 : vector<16xf32> to vector<1x16xf32>
        tpu.vector_store %arg10[%swap3A_1721, %swap3A_1722], %swap3A_1725 {strides = array<i32>} : memref<128x128xf32, #tpu.memory_space<vmem>>, vector<1x16xf32>,
        %broadcast_in_dim3A_1726 = arith.constant 10 : i32
        %broadcast_in_dim3A_1727 = vector.broadcast %broadcast_in_dim3A_1726 : i32 to vector<16x1xi32>
        %gather3A_1728 = vector.shape_cast %broadcast_in_dim3A_1727 : vector<16x1xi32> to vector<16xi32>
        %gather3A_1729 = tpu.dynamic_gather %get3A_48[%gather3A_1728] in [0] : vector<16xf32>, vector<16xi32> -> vector<16xf32>
        %mul3A_1730 = arith.constant 16 : i32
        %mul3A_1731 = arith.muli %scan3A_44, %mul3A_1730 : i32
        %add3A_1732 = arith.constant 10 : i32
        %add3A_1733 = arith.addi %mul3A_1731, %add3A_1732 : i32
        %get3A_1734 = arith.index_cast %add3A_1733 : i32 to index
        %get3A_1735 = arith.constant 0 : index
        %get3A_1736 = tpu.vector_load %arg9[%get3A_1734, %get3A_1735] {strides = array<i32>} : memref<128x128xf32, #tpu.memory_space<vmem>>, vector<1x16xf32>,
        %get3A_1737 = vector.shape_cast %get3A_1736 : vector<1x16xf32> to vector<16xf32>
        %mul3A_1738 = arith.mulf %get3A_1737, %gather3A_1729 : vector<16xf32>
        %swap3A_1739 = arith.index_cast %add3A_1733 : i32 to index
        %swap3A_1740 = arith.constant 0 : index
        %swap3A_1741 = tpu.vector_load %arg9[%swap3A_1739, %swap3A_1740] {strides = array<i32>} : memref<128x128xf32, #tpu.memory_space<vmem>>, vector<1x16xf32>,
        %swap3A_1742 = vector.shape_cast %swap3A_1741 : vector<1x16xf32> to vector<16xf32>
        %swap3A_1743 = vector.shape_cast %mul3A_1738 : vector<16xf32> to vector<1x16xf32>
        tpu.vector_store %arg9[%swap3A_1739, %swap3A_1740], %swap3A_1743 {strides = array<i32>} : memref<128x128xf32, #tpu.memory_space<vmem>>, vector<1x16xf32>,
        %get3A_1744 = arith.index_cast %add3A_1733 : i32 to index
        %get3A_1745 = arith.constant 0 : index
        %get3A_1746 = tpu.vector_load %arg10[%get3A_1744, %get3A_1745] {strides = array<i32>} : memref<128x128xf32, #tpu.memory_space<vmem>>, vector<1x16xf32>,
        %get3A_1747 = vector.shape_cast %get3A_1746 : vector<1x16xf32> to vector<16xf32>
        %mul3A_1748 = arith.mulf %get3A_1747, %gather3A_1729 : vector<16xf32>
        %swap3A_1749 = arith.index_cast %add3A_1733 : i32 to index
        %swap3A_1750 = arith.constant 0 : index
        %swap3A_1751 = tpu.vector_load %arg10[%swap3A_1749, %swap3A_1750] {strides = array<i32>} : memref<128x128xf32, #tpu.memory_space<vmem>>, vector<1x16xf32>,
        %swap3A_1752 = vector.shape_cast %swap3A_1751 : vector<1x16xf32> to vector<16xf32>
        %swap3A_1753 = vector.shape_cast %mul3A_1748 : vector<16xf32> to vector<1x16xf32>
        tpu.vector_store %arg10[%swap3A_1749, %swap3A_1750], %swap3A_1753 {strides = array<i32>} : memref<128x128xf32, #tpu.memory_space<vmem>>, vector<1x16xf32>,
        %get3A_1754 = arith.index_cast %add3A_1733 : i32 to index
        %get3A_1755 = arith.constant 16 : index
        %get3A_1756 = tpu.vector_load %arg9[%get3A_1754, %get3A_1755] {strides = array<i32>} : memref<128x128xf32, #tpu.memory_space<vmem>>, vector<1x16xf32>,
        %get3A_1757 = vector.shape_cast %get3A_1756 : vector<1x16xf32> to vector<16xf32>
        %mul3A_1758 = arith.mulf %get3A_1757, %gather3A_1729 : vector<16xf32>
        %swap3A_1759 = arith.index_cast %add3A_1733 : i32 to index
        %swap3A_1760 = arith.constant 16 : index
        %swap3A_1761 = tpu.vector_load %arg9[%swap3A_1759, %swap3A_1760] {strides = array<i32>} : memref<128x128xf32, #tpu.memory_space<vmem>>, vector<1x16xf32>,
        %swap3A_1762 = vector.shape_cast %swap3A_1761 : vector<1x16xf32> to vector<16xf32>
        %swap3A_1763 = vector.shape_cast %mul3A_1758 : vector<16xf32> to vector<1x16xf32>
        tpu.vector_store %arg9[%swap3A_1759, %swap3A_1760], %swap3A_1763 {strides = array<i32>} : memref<128x128xf32, #tpu.memory_space<vmem>>, vector<1x16xf32>,
        %get3A_1764 = arith.index_cast %add3A_1733 : i32 to index
        %get3A_1765 = arith.constant 16 : index
        %get3A_1766 = tpu.vector_load %arg10[%get3A_1764, %get3A_1765] {strides = array<i32>} : memref<128x128xf32, #tpu.memory_space<vmem>>, vector<1x16xf32>,
        %get3A_1767 = vector.shape_cast %get3A_1766 : vector<1x16xf32> to vector<16xf32>
        %mul3A_1768 = arith.mulf %get3A_1767, %gather3A_1729 : vector<16xf32>
        %swap3A_1769 = arith.index_cast %add3A_1733 : i32 to index
        %swap3A_1770 = arith.constant 16 : index
        %swap3A_1771 = tpu.vector_load %arg10[%swap3A_1769, %swap3A_1770] {strides = array<i32>} : memref<128x128xf32, #tpu.memory_space<vmem>>, vector<1x16xf32>,
        %swap3A_1772 = vector.shape_cast %swap3A_1771 : vector<1x16xf32> to vector<16xf32>
        %swap3A_1773 = vector.shape_cast %mul3A_1768 : vector<16xf32> to vector<1x16xf32>
        tpu.vector_store %arg10[%swap3A_1769, %swap3A_1770], %swap3A_1773 {strides = array<i32>} : memref<128x128xf32, #tpu.memory_space<vmem>>, vector<1x16xf32>,
        %get3A_1774 = arith.index_cast %add3A_1733 : i32 to index
        %get3A_1775 = arith.constant 32 : index
        %get3A_1776 = tpu.vector_load %arg9[%get3A_1774, %get3A_1775] {strides = array<i32>} : memref<128x128xf32, #tpu.memory_space<vmem>>, vector<1x16xf32>,
        %get3A_1777 = vector.shape_cast %get3A_1776 : vector<1x16xf32> to vector<16xf32>
        %mul3A_1778 = arith.mulf %get3A_1777, %gather3A_1729 : vector<16xf32>
        %swap3A_1779 = arith.index_cast %add3A_1733 : i32 to index
        %swap3A_1780 = arith.constant 32 : index
        %swap3A_1781 = tpu.vector_load %arg9[%swap3A_1779, %swap3A_1780] {strides = array<i32>} : memref<128x128xf32, #tpu.memory_space<vmem>>, vector<1x16xf32>,
        %swap3A_1782 = vector.shape_cast %swap3A_1781 : vector<1x16xf32> to vector<16xf32>
        %swap3A_1783 = vector.shape_cast %mul3A_1778 : vector<16xf32> to vector<1x16xf32>
        tpu.vector_store %arg9[%swap3A_1779, %swap3A_1780], %swap3A_1783 {strides = array<i32>} : memref<128x128xf32, #tpu.memory_space<vmem>>, vector<1x16xf32>,
        %get3A_1784 = arith.index_cast %add3A_1733 : i32 to index
        %get3A_1785 = arith.constant 32 : index
        %get3A_1786 = tpu.vector_load %arg10[%get3A_1784, %get3A_1785] {strides = array<i32>} : memref<128x128xf32, #tpu.memory_space<vmem>>, vector<1x16xf32>,
        %get3A_1787 = vector.shape_cast %get3A_1786 : vector<1x16xf32> to vector<16xf32>
        %mul3A_1788 = arith.mulf %get3A_1787, %gather3A_1729 : vector<16xf32>
        %swap3A_1789 = arith.index_cast %add3A_1733 : i32 to index
        %swap3A_1790 = arith.constant 32 : index
        %swap3A_1791 = tpu.vector_load %arg10[%swap3A_1789, %swap3A_1790] {strides = array<i32>} : memref<128x128xf32, #tpu.memory_space<vmem>>, vector<1x16xf32>,
        %swap3A_1792 = vector.shape_cast %swap3A_1791 : vector<1x16xf32> to vector<16xf32>
        %swap3A_1793 = vector.shape_cast %mul3A_1788 : vector<16xf32> to vector<1x16xf32>
        tpu.vector_store %arg10[%swap3A_1789, %swap3A_1790], %swap3A_1793 {strides = array<i32>} : memref<128x128xf32, #tpu.memory_space<vmem>>, vector<1x16xf32>,
        %get3A_1794 = arith.index_cast %add3A_1733 : i32 to index
        %get3A_1795 = arith.constant 48 : index
        %get3A_1796 = tpu.vector_load %arg9[%get3A_1794, %get3A_1795] {strides = array<i32>} : memref<128x128xf32, #tpu.memory_space<vmem>>, vector<1x16xf32>,
        %get3A_1797 = vector.shape_cast %get3A_1796 : vector<1x16xf32> to vector<16xf32>
        %mul3A_1798 = arith.mulf %get3A_1797, %gather3A_1729 : vector<16xf32>
        %swap3A_1799 = arith.index_cast %add3A_1733 : i32 to index
        %swap3A_1800 = arith.constant 48 : index
        %swap3A_1801 = tpu.vector_load %arg9[%swap3A_1799, %swap3A_1800] {strides = array<i32>} : memref<128x128xf32, #tpu.memory_space<vmem>>, vector<1x16xf32>,
        %swap3A_1802 = vector.shape_cast %swap3A_1801 : vector<1x16xf32> to vector<16xf32>
        %swap3A_1803 = vector.shape_cast %mul3A_1798 : vector<16xf32> to vector<1x16xf32>
        tpu.vector_store %arg9[%swap3A_1799, %swap3A_1800], %swap3A_1803 {strides = array<i32>} : memref<128x128xf32, #tpu.memory_space<vmem>>, vector<1x16xf32>,
        %get3A_1804 = arith.index_cast %add3A_1733 : i32 to index
        %get3A_1805 = arith.constant 48 : index
        %get3A_1806 = tpu.vector_load %arg10[%get3A_1804, %get3A_1805] {strides = array<i32>} : memref<128x128xf32, #tpu.memory_space<vmem>>, vector<1x16xf32>,
        %get3A_1807 = vector.shape_cast %get3A_1806 : vector<1x16xf32> to vector<16xf32>
        %mul3A_1808 = arith.mulf %get3A_1807, %gather3A_1729 : vector<16xf32>
        %swap3A_1809 = arith.index_cast %add3A_1733 : i32 to index
        %swap3A_1810 = arith.constant 48 : index
        %swap3A_1811 = tpu.vector_load %arg10[%swap3A_1809, %swap3A_1810] {strides = array<i32>} : memref<128x128xf32, #tpu.memory_space<vmem>>, vector<1x16xf32>,
        %swap3A_1812 = vector.shape_cast %swap3A_1811 : vector<1x16xf32> to vector<16xf32>
        %swap3A_1813 = vector.shape_cast %mul3A_1808 : vector<16xf32> to vector<1x16xf32>
        tpu.vector_store %arg10[%swap3A_1809, %swap3A_1810], %swap3A_1813 {strides = array<i32>} : memref<128x128xf32, #tpu.memory_space<vmem>>, vector<1x16xf32>,
        %get3A_1814 = arith.index_cast %add3A_1733 : i32 to index
        %get3A_1815 = arith.constant 64 : index
        %get3A_1816 = tpu.vector_load %arg9[%get3A_1814, %get3A_1815] {strides = array<i32>} : memref<128x128xf32, #tpu.memory_space<vmem>>, vector<1x16xf32>,
        %get3A_1817 = vector.shape_cast %get3A_1816 : vector<1x16xf32> to vector<16xf32>
        %mul3A_1818 = arith.mulf %get3A_1817, %gather3A_1729 : vector<16xf32>
        %swap3A_1819 = arith.index_cast %add3A_1733 : i32 to index
        %swap3A_1820 = arith.constant 64 : index
        %swap3A_1821 = tpu.vector_load %arg9[%swap3A_1819, %swap3A_1820] {strides = array<i32>} : memref<128x128xf32, #tpu.memory_space<vmem>>, vector<1x16xf32>,
        %swap3A_1822 = vector.shape_cast %swap3A_1821 : vector<1x16xf32> to vector<16xf32>
        %swap3A_1823 = vector.shape_cast %mul3A_1818 : vector<16xf32> to vector<1x16xf32>
        tpu.vector_store %arg9[%swap3A_1819, %swap3A_1820], %swap3A_1823 {strides = array<i32>} : memref<128x128xf32, #tpu.memory_space<vmem>>, vector<1x16xf32>,
        %get3A_1824 = arith.index_cast %add3A_1733 : i32 to index
        %get3A_1825 = arith.constant 64 : index
        %get3A_1826 = tpu.vector_load %arg10[%get3A_1824, %get3A_1825] {strides = array<i32>} : memref<128x128xf32, #tpu.memory_space<vmem>>, vector<1x16xf32>,
        %get3A_1827 = vector.shape_cast %get3A_1826 : vector<1x16xf32> to vector<16xf32>
        %mul3A_1828 = arith.mulf %get3A_1827, %gather3A_1729 : vector<16xf32>
        %swap3A_1829 = arith.index_cast %add3A_1733 : i32 to index
        %swap3A_1830 = arith.constant 64 : index
        %swap3A_1831 = tpu.vector_load %arg10[%swap3A_1829, %swap3A_1830] {strides = array<i32>} : memref<128x128xf32, #tpu.memory_space<vmem>>, vector<1x16xf32>,
        %swap3A_1832 = vector.shape_cast %swap3A_1831 : vector<1x16xf32> to vector<16xf32>
        %swap3A_1833 = vector.shape_cast %mul3A_1828 : vector<16xf32> to vector<1x16xf32>
        tpu.vector_store %arg10[%swap3A_1829, %swap3A_1830], %swap3A_1833 {strides = array<i32>} : memref<128x128xf32, #tpu.memory_space<vmem>>, vector<1x16xf32>,
        %get3A_1834 = arith.index_cast %add3A_1733 : i32 to index
        %get3A_1835 = arith.constant 80 : index
        %get3A_1836 = tpu.vector_load %arg9[%get3A_1834, %get3A_1835] {strides = array<i32>} : memref<128x128xf32, #tpu.memory_space<vmem>>, vector<1x16xf32>,
        %get3A_1837 = vector.shape_cast %get3A_1836 : vector<1x16xf32> to vector<16xf32>
        %mul3A_1838 = arith.mulf %get3A_1837, %gather3A_1729 : vector<16xf32>
        %swap3A_1839 = arith.index_cast %add3A_1733 : i32 to index
        %swap3A_1840 = arith.constant 80 : index
        %swap3A_1841 = tpu.vector_load %arg9[%swap3A_1839, %swap3A_1840] {strides = array<i32>} : memref<128x128xf32, #tpu.memory_space<vmem>>, vector<1x16xf32>,
        %swap3A_1842 = vector.shape_cast %swap3A_1841 : vector<1x16xf32> to vector<16xf32>
        %swap3A_1843 = vector.shape_cast %mul3A_1838 : vector<16xf32> to vector<1x16xf32>
        tpu.vector_store %arg9[%swap3A_1839, %swap3A_1840], %swap3A_1843 {strides = array<i32>} : memref<128x128xf32, #tpu.memory_space<vmem>>, vector<1x16xf32>,
        %get3A_1844 = arith.index_cast %add3A_1733 : i32 to index
        %get3A_1845 = arith.constant 80 : index
        %get3A_1846 = tpu.vector_load %arg10[%get3A_1844, %get3A_1845] {strides = array<i32>} : memref<128x128xf32, #tpu.memory_space<vmem>>, vector<1x16xf32>,
        %get3A_1847 = vector.shape_cast %get3A_1846 : vector<1x16xf32> to vector<16xf32>
        %mul3A_1848 = arith.mulf %get3A_1847, %gather3A_1729 : vector<16xf32>
        %swap3A_1849 = arith.index_cast %add3A_1733 : i32 to index
        %swap3A_1850 = arith.constant 80 : index
        %swap3A_1851 = tpu.vector_load %arg10[%swap3A_1849, %swap3A_1850] {strides = array<i32>} : memref<128x128xf32, #tpu.memory_space<vmem>>, vector<1x16xf32>,
        %swap3A_1852 = vector.shape_cast %swap3A_1851 : vector<1x16xf32> to vector<16xf32>
        %swap3A_1853 = vector.shape_cast %mul3A_1848 : vector<16xf32> to vector<1x16xf32>
        tpu.vector_store %arg10[%swap3A_1849, %swap3A_1850], %swap3A_1853 {strides = array<i32>} : memref<128x128xf32, #tpu.memory_space<vmem>>, vector<1x16xf32>,
        %get3A_1854 = arith.index_cast %add3A_1733 : i32 to index
        %get3A_1855 = arith.constant 96 : index
        %get3A_1856 = tpu.vector_load %arg9[%get3A_1854, %get3A_1855] {strides = array<i32>} : memref<128x128xf32, #tpu.memory_space<vmem>>, vector<1x16xf32>,
        %get3A_1857 = vector.shape_cast %get3A_1856 : vector<1x16xf32> to vector<16xf32>
        %mul3A_1858 = arith.mulf %get3A_1857, %gather3A_1729 : vector<16xf32>
        %swap3A_1859 = arith.index_cast %add3A_1733 : i32 to index
        %swap3A_1860 = arith.constant 96 : index
        %swap3A_1861 = tpu.vector_load %arg9[%swap3A_1859, %swap3A_1860] {strides = array<i32>} : memref<128x128xf32, #tpu.memory_space<vmem>>, vector<1x16xf32>,
        %swap3A_1862 = vector.shape_cast %swap3A_1861 : vector<1x16xf32> to vector<16xf32>
        %swap3A_1863 = vector.shape_cast %mul3A_1858 : vector<16xf32> to vector<1x16xf32>
        tpu.vector_store %arg9[%swap3A_1859, %swap3A_1860], %swap3A_1863 {strides = array<i32>} : memref<128x128xf32, #tpu.memory_space<vmem>>, vector<1x16xf32>,
        %get3A_1864 = arith.index_cast %add3A_1733 : i32 to index
        %get3A_1865 = arith.constant 96 : index
        %get3A_1866 = tpu.vector_load %arg10[%get3A_1864, %get3A_1865] {strides = array<i32>} : memref<128x128xf32, #tpu.memory_space<vmem>>, vector<1x16xf32>,
        %get3A_1867 = vector.shape_cast %get3A_1866 : vector<1x16xf32> to vector<16xf32>
        %mul3A_1868 = arith.mulf %get3A_1867, %gather3A_1729 : vector<16xf32>
        %swap3A_1869 = arith.index_cast %add3A_1733 : i32 to index
        %swap3A_1870 = arith.constant 96 : index
        %swap3A_1871 = tpu.vector_load %arg10[%swap3A_1869, %swap3A_1870] {strides = array<i32>} : memref<128x128xf32, #tpu.memory_space<vmem>>, vector<1x16xf32>,
        %swap3A_1872 = vector.shape_cast %swap3A_1871 : vector<1x16xf32> to vector<16xf32>
        %swap3A_1873 = vector.shape_cast %mul3A_1868 : vector<16xf32> to vector<1x16xf32>
        tpu.vector_store %arg10[%swap3A_1869, %swap3A_1870], %swap3A_1873 {strides = array<i32>} : memref<128x128xf32, #tpu.memory_space<vmem>>, vector<1x16xf32>,
        %get3A_1874 = arith.index_cast %add3A_1733 : i32 to index
        %get3A_1875 = arith.constant 112 : index
        %get3A_1876 = tpu.vector_load %arg9[%get3A_1874, %get3A_1875] {strides = array<i32>} : memref<128x128xf32, #tpu.memory_space<vmem>>, vector<1x16xf32>,
        %get3A_1877 = vector.shape_cast %get3A_1876 : vector<1x16xf32> to vector<16xf32>
        %mul3A_1878 = arith.mulf %get3A_1877, %gather3A_1729 : vector<16xf32>
        %swap3A_1879 = arith.index_cast %add3A_1733 : i32 to index
        %swap3A_1880 = arith.constant 112 : index
        %swap3A_1881 = tpu.vector_load %arg9[%swap3A_1879, %swap3A_1880] {strides = array<i32>} : memref<128x128xf32, #tpu.memory_space<vmem>>, vector<1x16xf32>,
        %swap3A_1882 = vector.shape_cast %swap3A_1881 : vector<1x16xf32> to vector<16xf32>
        %swap3A_1883 = vector.shape_cast %mul3A_1878 : vector<16xf32> to vector<1x16xf32>
        tpu.vector_store %arg9[%swap3A_1879, %swap3A_1880], %swap3A_1883 {strides = array<i32>} : memref<128x128xf32, #tpu.memory_space<vmem>>, vector<1x16xf32>,
        %get3A_1884 = arith.index_cast %add3A_1733 : i32 to index
        %get3A_1885 = arith.constant 112 : index
        %get3A_1886 = tpu.vector_load %arg10[%get3A_1884, %get3A_1885] {strides = array<i32>} : memref<128x128xf32, #tpu.memory_space<vmem>>, vector<1x16xf32>,
        %get3A_1887 = vector.shape_cast %get3A_1886 : vector<1x16xf32> to vector<16xf32>
        %mul3A_1888 = arith.mulf %get3A_1887, %gather3A_1729 : vector<16xf32>
        %swap3A_1889 = arith.index_cast %add3A_1733 : i32 to index
        %swap3A_1890 = arith.constant 112 : index
        %swap3A_1891 = tpu.vector_load %arg10[%swap3A_1889, %swap3A_1890] {strides = array<i32>} : memref<128x128xf32, #tpu.memory_space<vmem>>, vector<1x16xf32>,
        %swap3A_1892 = vector.shape_cast %swap3A_1891 : vector<1x16xf32> to vector<16xf32>
        %swap3A_1893 = vector.shape_cast %mul3A_1888 : vector<16xf32> to vector<1x16xf32>
        tpu.vector_store %arg10[%swap3A_1889, %swap3A_1890], %swap3A_1893 {strides = array<i32>} : memref<128x128xf32, #tpu.memory_space<vmem>>, vector<1x16xf32>,
        %broadcast_in_dim3A_1894 = arith.constant 11 : i32
        %broadcast_in_dim3A_1895 = vector.broadcast %broadcast_in_dim3A_1894 : i32 to vector<16x1xi32>
        %gather3A_1896 = vector.shape_cast %broadcast_in_dim3A_1895 : vector<16x1xi32> to vector<16xi32>
        %gather3A_1897 = tpu.dynamic_gather %get3A_48[%gather3A_1896] in [0] : vector<16xf32>, vector<16xi32> -> vector<16xf32>
        %mul3A_1898 = arith.constant 16 : i32
        %mul3A_1899 = arith.muli %scan3A_44, %mul3A_1898 : i32
        %add3A_1900 = arith.constant 11 : i32
        %add3A_1901 = arith.addi %mul3A_1899, %add3A_1900 : i32
        %get3A_1902 = arith.index_cast %add3A_1901 : i32 to index
        %get3A_1903 = arith.constant 0 : index
        %get3A_1904 = tpu.vector_load %arg9[%get3A_1902, %get3A_1903] {strides = array<i32>} : memref<128x128xf32, #tpu.memory_space<vmem>>, vector<1x16xf32>,
        %get3A_1905 = vector.shape_cast %get3A_1904 : vector<1x16xf32> to vector<16xf32>
        %mul3A_1906 = arith.mulf %get3A_1905, %gather3A_1897 : vector<16xf32>
        %swap3A_1907 = arith.index_cast %add3A_1901 : i32 to index
        %swap3A_1908 = arith.constant 0 : index
        %swap3A_1909 = tpu.vector_load %arg9[%swap3A_1907, %swap3A_1908] {strides = array<i32>} : memref<128x128xf32, #tpu.memory_space<vmem>>, vector<1x16xf32>,
        %swap3A_1910 = vector.shape_cast %swap3A_1909 : vector<1x16xf32> to vector<16xf32>
        %swap3A_1911 = vector.shape_cast %mul3A_1906 : vector<16xf32> to vector<1x16xf32>
        tpu.vector_store %arg9[%swap3A_1907, %swap3A_1908], %swap3A_1911 {strides = array<i32>} : memref<128x128xf32, #tpu.memory_space<vmem>>, vector<1x16xf32>,
        %get3A_1912 = arith.index_cast %add3A_1901 : i32 to index
        %get3A_1913 = arith.constant 0 : index
        %get3A_1914 = tpu.vector_load %arg10[%get3A_1912, %get3A_1913] {strides = array<i32>} : memref<128x128xf32, #tpu.memory_space<vmem>>, vector<1x16xf32>,
        %get3A_1915 = vector.shape_cast %get3A_1914 : vector<1x16xf32> to vector<16xf32>
        %mul3A_1916 = arith.mulf %get3A_1915, %gather3A_1897 : vector<16xf32>
        %swap3A_1917 = arith.index_cast %add3A_1901 : i32 to index
        %swap3A_1918 = arith.constant 0 : index
        %swap3A_1919 = tpu.vector_load %arg10[%swap3A_1917, %swap3A_1918] {strides = array<i32>} : memref<128x128xf32, #tpu.memory_space<vmem>>, vector<1x16xf32>,
        %swap3A_1920 = vector.shape_cast %swap3A_1919 : vector<1x16xf32> to vector<16xf32>
        %swap3A_1921 = vector.shape_cast %mul3A_1916 : vector<16xf32> to vector<1x16xf32>
        tpu.vector_store %arg10[%swap3A_1917, %swap3A_1918], %swap3A_1921 {strides = array<i32>} : memref<128x128xf32, #tpu.memory_space<vmem>>, vector<1x16xf32>,
        %get3A_1922 = arith.index_cast %add3A_1901 : i32 to index
        %get3A_1923 = arith.constant 16 : index
        %get3A_1924 = tpu.vector_load %arg9[%get3A_1922, %get3A_1923] {strides = array<i32>} : memref<128x128xf32, #tpu.memory_space<vmem>>, vector<1x16xf32>,
        %get3A_1925 = vector.shape_cast %get3A_1924 : vector<1x16xf32> to vector<16xf32>
        %mul3A_1926 = arith.mulf %get3A_1925, %gather3A_1897 : vector<16xf32>
        %swap3A_1927 = arith.index_cast %add3A_1901 : i32 to index
        %swap3A_1928 = arith.constant 16 : index
        %swap3A_1929 = tpu.vector_load %arg9[%swap3A_1927, %swap3A_1928] {strides = array<i32>} : memref<128x128xf32, #tpu.memory_space<vmem>>, vector<1x16xf32>,
        %swap3A_1930 = vector.shape_cast %swap3A_1929 : vector<1x16xf32> to vector<16xf32>
        %swap3A_1931 = vector.shape_cast %mul3A_1926 : vector<16xf32> to vector<1x16xf32>
        tpu.vector_store %arg9[%swap3A_1927, %swap3A_1928], %swap3A_1931 {strides = array<i32>} : memref<128x128xf32, #tpu.memory_space<vmem>>, vector<1x16xf32>,
        %get3A_1932 = arith.index_cast %add3A_1901 : i32 to index
        %get3A_1933 = arith.constant 16 : index
        %get3A_1934 = tpu.vector_load %arg10[%get3A_1932, %get3A_1933] {strides = array<i32>} : memref<128x128xf32, #tpu.memory_space<vmem>>, vector<1x16xf32>,
        %get3A_1935 = vector.shape_cast %get3A_1934 : vector<1x16xf32> to vector<16xf32>
        %mul3A_1936 = arith.mulf %get3A_1935, %gather3A_1897 : vector<16xf32>
        %swap3A_1937 = arith.index_cast %add3A_1901 : i32 to index
        %swap3A_1938 = arith.constant 16 : index
        %swap3A_1939 = tpu.vector_load %arg10[%swap3A_1937, %swap3A_1938] {strides = array<i32>} : memref<128x128xf32, #tpu.memory_space<vmem>>, vector<1x16xf32>,
        %swap3A_1940 = vector.shape_cast %swap3A_1939 : vector<1x16xf32> to vector<16xf32>
        %swap3A_1941 = vector.shape_cast %mul3A_1936 : vector<16xf32> to vector<1x16xf32>
        tpu.vector_store %arg10[%swap3A_1937, %swap3A_1938], %swap3A_1941 {strides = array<i32>} : memref<128x128xf32, #tpu.memory_space<vmem>>, vector<1x16xf32>,
        %get3A_1942 = arith.index_cast %add3A_1901 : i32 to index
        %get3A_1943 = arith.constant 32 : index
        %get3A_1944 = tpu.vector_load %arg9[%get3A_1942, %get3A_1943] {strides = array<i32>} : memref<128x128xf32, #tpu.memory_space<vmem>>, vector<1x16xf32>,
        %get3A_1945 = vector.shape_cast %get3A_1944 : vector<1x16xf32> to vector<16xf32>
        %mul3A_1946 = arith.mulf %get3A_1945, %gather3A_1897 : vector<16xf32>
        %swap3A_1947 = arith.index_cast %add3A_1901 : i32 to index
        %swap3A_1948 = arith.constant 32 : index
        %swap3A_1949 = tpu.vector_load %arg9[%swap3A_1947, %swap3A_1948] {strides = array<i32>} : memref<128x128xf32, #tpu.memory_space<vmem>>, vector<1x16xf32>,
        %swap3A_1950 = vector.shape_cast %swap3A_1949 : vector<1x16xf32> to vector<16xf32>
        %swap3A_1951 = vector.shape_cast %mul3A_1946 : vector<16xf32> to vector<1x16xf32>
        tpu.vector_store %arg9[%swap3A_1947, %swap3A_1948], %swap3A_1951 {strides = array<i32>} : memref<128x128xf32, #tpu.memory_space<vmem>>, vector<1x16xf32>,
        %get3A_1952 = arith.index_cast %add3A_1901 : i32 to index
        %get3A_1953 = arith.constant 32 : index
        %get3A_1954 = tpu.vector_load %arg10[%get3A_1952, %get3A_1953] {strides = array<i32>} : memref<128x128xf32, #tpu.memory_space<vmem>>, vector<1x16xf32>,
        %get3A_1955 = vector.shape_cast %get3A_1954 : vector<1x16xf32> to vector<16xf32>
        %mul3A_1956 = arith.mulf %get3A_1955, %gather3A_1897 : vector<16xf32>
        %swap3A_1957 = arith.index_cast %add3A_1901 : i32 to index
        %swap3A_1958 = arith.constant 32 : index
        %swap3A_1959 = tpu.vector_load %arg10[%swap3A_1957, %swap3A_1958] {strides = array<i32>} : memref<128x128xf32, #tpu.memory_space<vmem>>, vector<1x16xf32>,
        %swap3A_1960 = vector.shape_cast %swap3A_1959 : vector<1x16xf32> to vector<16xf32>
        %swap3A_1961 = vector.shape_cast %mul3A_1956 : vector<16xf32> to vector<1x16xf32>
        tpu.vector_store %arg10[%swap3A_1957, %swap3A_1958], %swap3A_1961 {strides = array<i32>} : memref<128x128xf32, #tpu.memory_space<vmem>>, vector<1x16xf32>,
        %get3A_1962 = arith.index_cast %add3A_1901 : i32 to index
        %get3A_1963 = arith.constant 48 : index
        %get3A_1964 = tpu.vector_load %arg9[%get3A_1962, %get3A_1963] {strides = array<i32>} : memref<128x128xf32, #tpu.memory_space<vmem>>, vector<1x16xf32>,
        %get3A_1965 = vector.shape_cast %get3A_1964 : vector<1x16xf32> to vector<16xf32>
        %mul3A_1966 = arith.mulf %get3A_1965, %gather3A_1897 : vector<16xf32>
        %swap3A_1967 = arith.index_cast %add3A_1901 : i32 to index
        %swap3A_1968 = arith.constant 48 : index
        %swap3A_1969 = tpu.vector_load %arg9[%swap3A_1967, %swap3A_1968] {strides = array<i32>} : memref<128x128xf32, #tpu.memory_space<vmem>>, vector<1x16xf32>,
        %swap3A_1970 = vector.shape_cast %swap3A_1969 : vector<1x16xf32> to vector<16xf32>
        %swap3A_1971 = vector.shape_cast %mul3A_1966 : vector<16xf32> to vector<1x16xf32>
        tpu.vector_store %arg9[%swap3A_1967, %swap3A_1968], %swap3A_1971 {strides = array<i32>} : memref<128x128xf32, #tpu.memory_space<vmem>>, vector<1x16xf32>,
        %get3A_1972 = arith.index_cast %add3A_1901 : i32 to index
        %get3A_1973 = arith.constant 48 : index
        %get3A_1974 = tpu.vector_load %arg10[%get3A_1972, %get3A_1973] {strides = array<i32>} : memref<128x128xf32, #tpu.memory_space<vmem>>, vector<1x16xf32>,
        %get3A_1975 = vector.shape_cast %get3A_1974 : vector<1x16xf32> to vector<16xf32>
        %mul3A_1976 = arith.mulf %get3A_1975, %gather3A_1897 : vector<16xf32>
        %swap3A_1977 = arith.index_cast %add3A_1901 : i32 to index
        %swap3A_1978 = arith.constant 48 : index
        %swap3A_1979 = tpu.vector_load %arg10[%swap3A_1977, %swap3A_1978] {strides = array<i32>} : memref<128x128xf32, #tpu.memory_space<vmem>>, vector<1x16xf32>,
        %swap3A_1980 = vector.shape_cast %swap3A_1979 : vector<1x16xf32> to vector<16xf32>
        %swap3A_1981 = vector.shape_cast %mul3A_1976 : vector<16xf32> to vector<1x16xf32>
        tpu.vector_store %arg10[%swap3A_1977, %swap3A_1978], %swap3A_1981 {strides = array<i32>} : memref<128x128xf32, #tpu.memory_space<vmem>>, vector<1x16xf32>,
        %get3A_1982 = arith.index_cast %add3A_1901 : i32 to index
        %get3A_1983 = arith.constant 64 : index
        %get3A_1984 = tpu.vector_load %arg9[%get3A_1982, %get3A_1983] {strides = array<i32>} : memref<128x128xf32, #tpu.memory_space<vmem>>, vector<1x16xf32>,
        %get3A_1985 = vector.shape_cast %get3A_1984 : vector<1x16xf32> to vector<16xf32>
        %mul3A_1986 = arith.mulf %get3A_1985, %gather3A_1897 : vector<16xf32>
        %swap3A_1987 = arith.index_cast %add3A_1901 : i32 to index
        %swap3A_1988 = arith.constant 64 : index
        %swap3A_1989 = tpu.vector_load %arg9[%swap3A_1987, %swap3A_1988] {strides = array<i32>} : memref<128x128xf32, #tpu.memory_space<vmem>>, vector<1x16xf32>,
        %swap3A_1990 = vector.shape_cast %swap3A_1989 : vector<1x16xf32> to vector<16xf32>
        %swap3A_1991 = vector.shape_cast %mul3A_1986 : vector<16xf32> to vector<1x16xf32>
        tpu.vector_store %arg9[%swap3A_1987, %swap3A_1988], %swap3A_1991 {strides = array<i32>} : memref<128x128xf32, #tpu.memory_space<vmem>>, vector<1x16xf32>,
        %get3A_1992 = arith.index_cast %add3A_1901 : i32 to index
        %get3A_1993 = arith.constant 64 : index
        %get3A_1994 = tpu.vector_load %arg10[%get3A_1992, %get3A_1993] {strides = array<i32>} : memref<128x128xf32, #tpu.memory_space<vmem>>, vector<1x16xf32>,
        %get3A_1995 = vector.shape_cast %get3A_1994 : vector<1x16xf32> to vector<16xf32>
        %mul3A_1996 = arith.mulf %get3A_1995, %gather3A_1897 : vector<16xf32>
        %swap3A_1997 = arith.index_cast %add3A_1901 : i32 to index
        %swap3A_1998 = arith.constant 64 : index
        %swap3A_1999 = tpu.vector_load %arg10[%swap3A_1997, %swap3A_1998] {strides = array<i32>} : memref<128x128xf32, #tpu.memory_space<vmem>>, vector<1x16xf32>,
        %swap3A_2000 = vector.shape_cast %swap3A_1999 : vector<1x16xf32> to vector<16xf32>
        %swap3A_2001 = vector.shape_cast %mul3A_1996 : vector<16xf32> to vector<1x16xf32>
        tpu.vector_store %arg10[%swap3A_1997, %swap3A_1998], %swap3A_2001 {strides = array<i32>} : memref<128x128xf32, #tpu.memory_space<vmem>>, vector<1x16xf32>,
        %get3A_2002 = arith.index_cast %add3A_1901 : i32 to index
        %get3A_2003 = arith.constant 80 : index
        %get3A_2004 = tpu.vector_load %arg9[%get3A_2002, %get3A_2003] {strides = array<i32>} : memref<128x128xf32, #tpu.memory_space<vmem>>, vector<1x16xf32>,
        %get3A_2005 = vector.shape_cast %get3A_2004 : vector<1x16xf32> to vector<16xf32>
        %mul3A_2006 = arith.mulf %get3A_2005, %gather3A_1897 : vector<16xf32>
        %swap3A_2007 = arith.index_cast %add3A_1901 : i32 to index
        %swap3A_2008 = arith.constant 80 : index
        %swap3A_2009 = tpu.vector_load %arg9[%swap3A_2007, %swap3A_2008] {strides = array<i32>} : memref<128x128xf32, #tpu.memory_space<vmem>>, vector<1x16xf32>,
        %swap3A_2010 = vector.shape_cast %swap3A_2009 : vector<1x16xf32> to vector<16xf32>
        %swap3A_2011 = vector.shape_cast %mul3A_2006 : vector<16xf32> to vector<1x16xf32>
        tpu.vector_store %arg9[%swap3A_2007, %swap3A_2008], %swap3A_2011 {strides = array<i32>} : memref<128x128xf32, #tpu.memory_space<vmem>>, vector<1x16xf32>,
        %get3A_2012 = arith.index_cast %add3A_1901 : i32 to index
        %get3A_2013 = arith.constant 80 : index
        %get3A_2014 = tpu.vector_load %arg10[%get3A_2012, %get3A_2013] {strides = array<i32>} : memref<128x128xf32, #tpu.memory_space<vmem>>, vector<1x16xf32>,
        %get3A_2015 = vector.shape_cast %get3A_2014 : vector<1x16xf32> to vector<16xf32>
        %mul3A_2016 = arith.mulf %get3A_2015, %gather3A_1897 : vector<16xf32>
        %swap3A_2017 = arith.index_cast %add3A_1901 : i32 to index
        %swap3A_2018 = arith.constant 80 : index
        %swap3A_2019 = tpu.vector_load %arg10[%swap3A_2017, %swap3A_2018] {strides = array<i32>} : memref<128x128xf32, #tpu.memory_space<vmem>>, vector<1x16xf32>,
        %swap3A_2020 = vector.shape_cast %swap3A_2019 : vector<1x16xf32> to vector<16xf32>
        %swap3A_2021 = vector.shape_cast %mul3A_2016 : vector<16xf32> to vector<1x16xf32>
        tpu.vector_store %arg10[%swap3A_2017, %swap3A_2018], %swap3A_2021 {strides = array<i32>} : memref<128x128xf32, #tpu.memory_space<vmem>>, vector<1x16xf32>,
        %get3A_2022 = arith.index_cast %add3A_1901 : i32 to index
        %get3A_2023 = arith.constant 96 : index
        %get3A_2024 = tpu.vector_load %arg9[%get3A_2022, %get3A_2023] {strides = array<i32>} : memref<128x128xf32, #tpu.memory_space<vmem>>, vector<1x16xf32>,
        %get3A_2025 = vector.shape_cast %get3A_2024 : vector<1x16xf32> to vector<16xf32>
        %mul3A_2026 = arith.mulf %get3A_2025, %gather3A_1897 : vector<16xf32>
        %swap3A_2027 = arith.index_cast %add3A_1901 : i32 to index
        %swap3A_2028 = arith.constant 96 : index
        %swap3A_2029 = tpu.vector_load %arg9[%swap3A_2027, %swap3A_2028] {strides = array<i32>} : memref<128x128xf32, #tpu.memory_space<vmem>>, vector<1x16xf32>,
        %swap3A_2030 = vector.shape_cast %swap3A_2029 : vector<1x16xf32> to vector<16xf32>
        %swap3A_2031 = vector.shape_cast %mul3A_2026 : vector<16xf32> to vector<1x16xf32>
        tpu.vector_store %arg9[%swap3A_2027, %swap3A_2028], %swap3A_2031 {strides = array<i32>} : memref<128x128xf32, #tpu.memory_space<vmem>>, vector<1x16xf32>,
        %get3A_2032 = arith.index_cast %add3A_1901 : i32 to index
        %get3A_2033 = arith.constant 96 : index
        %get3A_2034 = tpu.vector_load %arg10[%get3A_2032, %get3A_2033] {strides = array<i32>} : memref<128x128xf32, #tpu.memory_space<vmem>>, vector<1x16xf32>,
        %get3A_2035 = vector.shape_cast %get3A_2034 : vector<1x16xf32> to vector<16xf32>
        %mul3A_2036 = arith.mulf %get3A_2035, %gather3A_1897 : vector<16xf32>
        %swap3A_2037 = arith.index_cast %add3A_1901 : i32 to index
        %swap3A_2038 = arith.constant 96 : index
        %swap3A_2039 = tpu.vector_load %arg10[%swap3A_2037, %swap3A_2038] {strides = array<i32>} : memref<128x128xf32, #tpu.memory_space<vmem>>, vector<1x16xf32>,
        %swap3A_2040 = vector.shape_cast %swap3A_2039 : vector<1x16xf32> to vector<16xf32>
        %swap3A_2041 = vector.shape_cast %mul3A_2036 : vector<16xf32> to vector<1x16xf32>
        tpu.vector_store %arg10[%swap3A_2037, %swap3A_2038], %swap3A_2041 {strides = array<i32>} : memref<128x128xf32, #tpu.memory_space<vmem>>, vector<1x16xf32>,
        %get3A_2042 = arith.index_cast %add3A_1901 : i32 to index
        %get3A_2043 = arith.constant 112 : index
        %get3A_2044 = tpu.vector_load %arg9[%get3A_2042, %get3A_2043] {strides = array<i32>} : memref<128x128xf32, #tpu.memory_space<vmem>>, vector<1x16xf32>,
        %get3A_2045 = vector.shape_cast %get3A_2044 : vector<1x16xf32> to vector<16xf32>
        %mul3A_2046 = arith.mulf %get3A_2045, %gather3A_1897 : vector<16xf32>
        %swap3A_2047 = arith.index_cast %add3A_1901 : i32 to index
        %swap3A_2048 = arith.constant 112 : index
        %swap3A_2049 = tpu.vector_load %arg9[%swap3A_2047, %swap3A_2048] {strides = array<i32>} : memref<128x128xf32, #tpu.memory_space<vmem>>, vector<1x16xf32>,
        %swap3A_2050 = vector.shape_cast %swap3A_2049 : vector<1x16xf32> to vector<16xf32>
        %swap3A_2051 = vector.shape_cast %mul3A_2046 : vector<16xf32> to vector<1x16xf32>
        tpu.vector_store %arg9[%swap3A_2047, %swap3A_2048], %swap3A_2051 {strides = array<i32>} : memref<128x128xf32, #tpu.memory_space<vmem>>, vector<1x16xf32>,
        %get3A_2052 = arith.index_cast %add3A_1901 : i32 to index
        %get3A_2053 = arith.constant 112 : index
        %get3A_2054 = tpu.vector_load %arg10[%get3A_2052, %get3A_2053] {strides = array<i32>} : memref<128x128xf32, #tpu.memory_space<vmem>>, vector<1x16xf32>,
        %get3A_2055 = vector.shape_cast %get3A_2054 : vector<1x16xf32> to vector<16xf32>
        %mul3A_2056 = arith.mulf %get3A_2055, %gather3A_1897 : vector<16xf32>
        %swap3A_2057 = arith.index_cast %add3A_1901 : i32 to index
        %swap3A_2058 = arith.constant 112 : index
        %swap3A_2059 = tpu.vector_load %arg10[%swap3A_2057, %swap3A_2058] {strides = array<i32>} : memref<128x128xf32, #tpu.memory_space<vmem>>, vector<1x16xf32>,
        %swap3A_2060 = vector.shape_cast %swap3A_2059 : vector<1x16xf32> to vector<16xf32>
        %swap3A_2061 = vector.shape_cast %mul3A_2056 : vector<16xf32> to vector<1x16xf32>
        tpu.vector_store %arg10[%swap3A_2057, %swap3A_2058], %swap3A_2061 {strides = array<i32>} : memref<128x128xf32, #tpu.memory_space<vmem>>, vector<1x16xf32>,
        %broadcast_in_dim3A_2062 = arith.constant 12 : i32
        %broadcast_in_dim3A_2063 = vector.broadcast %broadcast_in_dim3A_2062 : i32 to vector<16x1xi32>
        %gather3A_2064 = vector.shape_cast %broadcast_in_dim3A_2063 : vector<16x1xi32> to vector<16xi32>
        %gather3A_2065 = tpu.dynamic_gather %get3A_48[%gather3A_2064] in [0] : vector<16xf32>, vector<16xi32> -> vector<16xf32>
        %mul3A_2066 = arith.constant 16 : i32
        %mul3A_2067 = arith.muli %scan3A_44, %mul3A_2066 : i32
        %add3A_2068 = arith.constant 12 : i32
        %add3A_2069 = arith.addi %mul3A_2067, %add3A_2068 : i32
        %get3A_2070 = arith.index_cast %add3A_2069 : i32 to index
        %get3A_2071 = arith.constant 0 : index
        %get3A_2072 = tpu.vector_load %arg9[%get3A_2070, %get3A_2071] {strides = array<i32>} : memref<128x128xf32, #tpu.memory_space<vmem>>, vector<1x16xf32>,
        %get3A_2073 = vector.shape_cast %get3A_2072 : vector<1x16xf32> to vector<16xf32>
        %mul3A_2074 = arith.mulf %get3A_2073, %gather3A_2065 : vector<16xf32>
        %swap3A_2075 = arith.index_cast %add3A_2069 : i32 to index
        %swap3A_2076 = arith.constant 0 : index
        %swap3A_2077 = tpu.vector_load %arg9[%swap3A_2075, %swap3A_2076] {strides = array<i32>} : memref<128x128xf32, #tpu.memory_space<vmem>>, vector<1x16xf32>,
        %swap3A_2078 = vector.shape_cast %swap3A_2077 : vector<1x16xf32> to vector<16xf32>
        %swap3A_2079 = vector.shape_cast %mul3A_2074 : vector<16xf32> to vector<1x16xf32>
        tpu.vector_store %arg9[%swap3A_2075, %swap3A_2076], %swap3A_2079 {strides = array<i32>} : memref<128x128xf32, #tpu.memory_space<vmem>>, vector<1x16xf32>,
        %get3A_2080 = arith.index_cast %add3A_2069 : i32 to index
        %get3A_2081 = arith.constant 0 : index
        %get3A_2082 = tpu.vector_load %arg10[%get3A_2080, %get3A_2081] {strides = array<i32>} : memref<128x128xf32, #tpu.memory_space<vmem>>, vector<1x16xf32>,
        %get3A_2083 = vector.shape_cast %get3A_2082 : vector<1x16xf32> to vector<16xf32>
        %mul3A_2084 = arith.mulf %get3A_2083, %gather3A_2065 : vector<16xf32>
        %swap3A_2085 = arith.index_cast %add3A_2069 : i32 to index
        %swap3A_2086 = arith.constant 0 : index
        %swap3A_2087 = tpu.vector_load %arg10[%swap3A_2085, %swap3A_2086] {strides = array<i32>} : memref<128x128xf32, #tpu.memory_space<vmem>>, vector<1x16xf32>,
        %swap3A_2088 = vector.shape_cast %swap3A_2087 : vector<1x16xf32> to vector<16xf32>
        %swap3A_2089 = vector.shape_cast %mul3A_2084 : vector<16xf32> to vector<1x16xf32>
        tpu.vector_store %arg10[%swap3A_2085, %swap3A_2086], %swap3A_2089 {strides = array<i32>} : memref<128x128xf32, #tpu.memory_space<vmem>>, vector<1x16xf32>,
        %get3A_2090 = arith.index_cast %add3A_2069 : i32 to index
        %get3A_2091 = arith.constant 16 : index
        %get3A_2092 = tpu.vector_load %arg9[%get3A_2090, %get3A_2091] {strides = array<i32>} : memref<128x128xf32, #tpu.memory_space<vmem>>, vector<1x16xf32>,
        %get3A_2093 = vector.shape_cast %get3A_2092 : vector<1x16xf32> to vector<16xf32>
        %mul3A_2094 = arith.mulf %get3A_2093, %gather3A_2065 : vector<16xf32>
        %swap3A_2095 = arith.index_cast %add3A_2069 : i32 to index
        %swap3A_2096 = arith.constant 16 : index
        %swap3A_2097 = tpu.vector_load %arg9[%swap3A_2095, %swap3A_2096] {strides = array<i32>} : memref<128x128xf32, #tpu.memory_space<vmem>>, vector<1x16xf32>,
        %swap3A_2098 = vector.shape_cast %swap3A_2097 : vector<1x16xf32> to vector<16xf32>
        %swap3A_2099 = vector.shape_cast %mul3A_2094 : vector<16xf32> to vector<1x16xf32>
        tpu.vector_store %arg9[%swap3A_2095, %swap3A_2096], %swap3A_2099 {strides = array<i32>} : memref<128x128xf32, #tpu.memory_space<vmem>>, vector<1x16xf32>,
        %get3A_2100 = arith.index_cast %add3A_2069 : i32 to index
        %get3A_2101 = arith.constant 16 : index
        %get3A_2102 = tpu.vector_load %arg10[%get3A_2100, %get3A_2101] {strides = array<i32>} : memref<128x128xf32, #tpu.memory_space<vmem>>, vector<1x16xf32>,
        %get3A_2103 = vector.shape_cast %get3A_2102 : vector<1x16xf32> to vector<16xf32>
        %mul3A_2104 = arith.mulf %get3A_2103, %gather3A_2065 : vector<16xf32>
        %swap3A_2105 = arith.index_cast %add3A_2069 : i32 to index
        %swap3A_2106 = arith.constant 16 : index
        %swap3A_2107 = tpu.vector_load %arg10[%swap3A_2105, %swap3A_2106] {strides = array<i32>} : memref<128x128xf32, #tpu.memory_space<vmem>>, vector<1x16xf32>,
        %swap3A_2108 = vector.shape_cast %swap3A_2107 : vector<1x16xf32> to vector<16xf32>
        %swap3A_2109 = vector.shape_cast %mul3A_2104 : vector<16xf32> to vector<1x16xf32>
        tpu.vector_store %arg10[%swap3A_2105, %swap3A_2106], %swap3A_2109 {strides = array<i32>} : memref<128x128xf32, #tpu.memory_space<vmem>>, vector<1x16xf32>,
        %get3A_2110 = arith.index_cast %add3A_2069 : i32 to index
        %get3A_2111 = arith.constant 32 : index
        %get3A_2112 = tpu.vector_load %arg9[%get3A_2110, %get3A_2111] {strides = array<i32>} : memref<128x128xf32, #tpu.memory_space<vmem>>, vector<1x16xf32>,
        %get3A_2113 = vector.shape_cast %get3A_2112 : vector<1x16xf32> to vector<16xf32>
        %mul3A_2114 = arith.mulf %get3A_2113, %gather3A_2065 : vector<16xf32>
        %swap3A_2115 = arith.index_cast %add3A_2069 : i32 to index
        %swap3A_2116 = arith.constant 32 : index
        %swap3A_2117 = tpu.vector_load %arg9[%swap3A_2115, %swap3A_2116] {strides = array<i32>} : memref<128x128xf32, #tpu.memory_space<vmem>>, vector<1x16xf32>,
        %swap3A_2118 = vector.shape_cast %swap3A_2117 : vector<1x16xf32> to vector<16xf32>
        %swap3A_2119 = vector.shape_cast %mul3A_2114 : vector<16xf32> to vector<1x16xf32>
        tpu.vector_store %arg9[%swap3A_2115, %swap3A_2116], %swap3A_2119 {strides = array<i32>} : memref<128x128xf32, #tpu.memory_space<vmem>>, vector<1x16xf32>,
        %get3A_2120 = arith.index_cast %add3A_2069 : i32 to index
        %get3A_2121 = arith.constant 32 : index
        %get3A_2122 = tpu.vector_load %arg10[%get3A_2120, %get3A_2121] {strides = array<i32>} : memref<128x128xf32, #tpu.memory_space<vmem>>, vector<1x16xf32>,
        %get3A_2123 = vector.shape_cast %get3A_2122 : vector<1x16xf32> to vector<16xf32>
        %mul3A_2124 = arith.mulf %get3A_2123, %gather3A_2065 : vector<16xf32>
        %swap3A_2125 = arith.index_cast %add3A_2069 : i32 to index
        %swap3A_2126 = arith.constant 32 : index
        %swap3A_2127 = tpu.vector_load %arg10[%swap3A_2125, %swap3A_2126] {strides = array<i32>} : memref<128x128xf32, #tpu.memory_space<vmem>>, vector<1x16xf32>,
        %swap3A_2128 = vector.shape_cast %swap3A_2127 : vector<1x16xf32> to vector<16xf32>
        %swap3A_2129 = vector.shape_cast %mul3A_2124 : vector<16xf32> to vector<1x16xf32>
        tpu.vector_store %arg10[%swap3A_2125, %swap3A_2126], %swap3A_2129 {strides = array<i32>} : memref<128x128xf32, #tpu.memory_space<vmem>>, vector<1x16xf32>,
        %get3A_2130 = arith.index_cast %add3A_2069 : i32 to index
        %get3A_2131 = arith.constant 48 : index
        %get3A_2132 = tpu.vector_load %arg9[%get3A_2130, %get3A_2131] {strides = array<i32>} : memref<128x128xf32, #tpu.memory_space<vmem>>, vector<1x16xf32>,
        %get3A_2133 = vector.shape_cast %get3A_2132 : vector<1x16xf32> to vector<16xf32>
        %mul3A_2134 = arith.mulf %get3A_2133, %gather3A_2065 : vector<16xf32>
        %swap3A_2135 = arith.index_cast %add3A_2069 : i32 to index
        %swap3A_2136 = arith.constant 48 : index
        %swap3A_2137 = tpu.vector_load %arg9[%swap3A_2135, %swap3A_2136] {strides = array<i32>} : memref<128x128xf32, #tpu.memory_space<vmem>>, vector<1x16xf32>,
        %swap3A_2138 = vector.shape_cast %swap3A_2137 : vector<1x16xf32> to vector<16xf32>
        %swap3A_2139 = vector.shape_cast %mul3A_2134 : vector<16xf32> to vector<1x16xf32>
        tpu.vector_store %arg9[%swap3A_2135, %swap3A_2136], %swap3A_2139 {strides = array<i32>} : memref<128x128xf32, #tpu.memory_space<vmem>>, vector<1x16xf32>,
        %get3A_2140 = arith.index_cast %add3A_2069 : i32 to index
        %get3A_2141 = arith.constant 48 : index
        %get3A_2142 = tpu.vector_load %arg10[%get3A_2140, %get3A_2141] {strides = array<i32>} : memref<128x128xf32, #tpu.memory_space<vmem>>, vector<1x16xf32>,
        %get3A_2143 = vector.shape_cast %get3A_2142 : vector<1x16xf32> to vector<16xf32>
        %mul3A_2144 = arith.mulf %get3A_2143, %gather3A_2065 : vector<16xf32>
        %swap3A_2145 = arith.index_cast %add3A_2069 : i32 to index
        %swap3A_2146 = arith.constant 48 : index
        %swap3A_2147 = tpu.vector_load %arg10[%swap3A_2145, %swap3A_2146] {strides = array<i32>} : memref<128x128xf32, #tpu.memory_space<vmem>>, vector<1x16xf32>,
        %swap3A_2148 = vector.shape_cast %swap3A_2147 : vector<1x16xf32> to vector<16xf32>
        %swap3A_2149 = vector.shape_cast %mul3A_2144 : vector<16xf32> to vector<1x16xf32>
        tpu.vector_store %arg10[%swap3A_2145, %swap3A_2146], %swap3A_2149 {strides = array<i32>} : memref<128x128xf32, #tpu.memory_space<vmem>>, vector<1x16xf32>,
        %get3A_2150 = arith.index_cast %add3A_2069 : i32 to index
        %get3A_2151 = arith.constant 64 : index
        %get3A_2152 = tpu.vector_load %arg9[%get3A_2150, %get3A_2151] {strides = array<i32>} : memref<128x128xf32, #tpu.memory_space<vmem>>, vector<1x16xf32>,
        %get3A_2153 = vector.shape_cast %get3A_2152 : vector<1x16xf32> to vector<16xf32>
        %mul3A_2154 = arith.mulf %get3A_2153, %gather3A_2065 : vector<16xf32>
        %swap3A_2155 = arith.index_cast %add3A_2069 : i32 to index
        %swap3A_2156 = arith.constant 64 : index
        %swap3A_2157 = tpu.vector_load %arg9[%swap3A_2155, %swap3A_2156] {strides = array<i32>} : memref<128x128xf32, #tpu.memory_space<vmem>>, vector<1x16xf32>,
        %swap3A_2158 = vector.shape_cast %swap3A_2157 : vector<1x16xf32> to vector<16xf32>
        %swap3A_2159 = vector.shape_cast %mul3A_2154 : vector<16xf32> to vector<1x16xf32>
        tpu.vector_store %arg9[%swap3A_2155, %swap3A_2156], %swap3A_2159 {strides = array<i32>} : memref<128x128xf32, #tpu.memory_space<vmem>>, vector<1x16xf32>,
        %get3A_2160 = arith.index_cast %add3A_2069 : i32 to index
        %get3A_2161 = arith.constant 64 : index
        %get3A_2162 = tpu.vector_load %arg10[%get3A_2160, %get3A_2161] {strides = array<i32>} : memref<128x128xf32, #tpu.memory_space<vmem>>, vector<1x16xf32>,
        %get3A_2163 = vector.shape_cast %get3A_2162 : vector<1x16xf32> to vector<16xf32>
        %mul3A_2164 = arith.mulf %get3A_2163, %gather3A_2065 : vector<16xf32>
        %swap3A_2165 = arith.index_cast %add3A_2069 : i32 to index
        %swap3A_2166 = arith.constant 64 : index
        %swap3A_2167 = tpu.vector_load %arg10[%swap3A_2165, %swap3A_2166] {strides = array<i32>} : memref<128x128xf32, #tpu.memory_space<vmem>>, vector<1x16xf32>,
        %swap3A_2168 = vector.shape_cast %swap3A_2167 : vector<1x16xf32> to vector<16xf32>
        %swap3A_2169 = vector.shape_cast %mul3A_2164 : vector<16xf32> to vector<1x16xf32>
        tpu.vector_store %arg10[%swap3A_2165, %swap3A_2166], %swap3A_2169 {strides = array<i32>} : memref<128x128xf32, #tpu.memory_space<vmem>>, vector<1x16xf32>,
        %get3A_2170 = arith.index_cast %add3A_2069 : i32 to index
        %get3A_2171 = arith.constant 80 : index
        %get3A_2172 = tpu.vector_load %arg9[%get3A_2170, %get3A_2171] {strides = array<i32>} : memref<128x128xf32, #tpu.memory_space<vmem>>, vector<1x16xf32>,
        %get3A_2173 = vector.shape_cast %get3A_2172 : vector<1x16xf32> to vector<16xf32>
        %mul3A_2174 = arith.mulf %get3A_2173, %gather3A_2065 : vector<16xf32>
        %swap3A_2175 = arith.index_cast %add3A_2069 : i32 to index
        %swap3A_2176 = arith.constant 80 : index
        %swap3A_2177 = tpu.vector_load %arg9[%swap3A_2175, %swap3A_2176] {strides = array<i32>} : memref<128x128xf32, #tpu.memory_space<vmem>>, vector<1x16xf32>,
        %swap3A_2178 = vector.shape_cast %swap3A_2177 : vector<1x16xf32> to vector<16xf32>
        %swap3A_2179 = vector.shape_cast %mul3A_2174 : vector<16xf32> to vector<1x16xf32>
        tpu.vector_store %arg9[%swap3A_2175, %swap3A_2176], %swap3A_2179 {strides = array<i32>} : memref<128x128xf32, #tpu.memory_space<vmem>>, vector<1x16xf32>,
        %get3A_2180 = arith.index_cast %add3A_2069 : i32 to index
        %get3A_2181 = arith.constant 80 : index
        %get3A_2182 = tpu.vector_load %arg10[%get3A_2180, %get3A_2181] {strides = array<i32>} : memref<128x128xf32, #tpu.memory_space<vmem>>, vector<1x16xf32>,
        %get3A_2183 = vector.shape_cast %get3A_2182 : vector<1x16xf32> to vector<16xf32>
        %mul3A_2184 = arith.mulf %get3A_2183, %gather3A_2065 : vector<16xf32>
        %swap3A_2185 = arith.index_cast %add3A_2069 : i32 to index
        %swap3A_2186 = arith.constant 80 : index
        %swap3A_2187 = tpu.vector_load %arg10[%swap3A_2185, %swap3A_2186] {strides = array<i32>} : memref<128x128xf32, #tpu.memory_space<vmem>>, vector<1x16xf32>,
        %swap3A_2188 = vector.shape_cast %swap3A_2187 : vector<1x16xf32> to vector<16xf32>
        %swap3A_2189 = vector.shape_cast %mul3A_2184 : vector<16xf32> to vector<1x16xf32>
        tpu.vector_store %arg10[%swap3A_2185, %swap3A_2186], %swap3A_2189 {strides = array<i32>} : memref<128x128xf32, #tpu.memory_space<vmem>>, vector<1x16xf32>,
        %get3A_2190 = arith.index_cast %add3A_2069 : i32 to index
        %get3A_2191 = arith.constant 96 : index
        %get3A_2192 = tpu.vector_load %arg9[%get3A_2190, %get3A_2191] {strides = array<i32>} : memref<128x128xf32, #tpu.memory_space<vmem>>, vector<1x16xf32>,
        %get3A_2193 = vector.shape_cast %get3A_2192 : vector<1x16xf32> to vector<16xf32>
        %mul3A_2194 = arith.mulf %get3A_2193, %gather3A_2065 : vector<16xf32>
        %swap3A_2195 = arith.index_cast %add3A_2069 : i32 to index
        %swap3A_2196 = arith.constant 96 : index
        %swap3A_2197 = tpu.vector_load %arg9[%swap3A_2195, %swap3A_2196] {strides = array<i32>} : memref<128x128xf32, #tpu.memory_space<vmem>>, vector<1x16xf32>,
        %swap3A_2198 = vector.shape_cast %swap3A_2197 : vector<1x16xf32> to vector<16xf32>
        %swap3A_2199 = vector.shape_cast %mul3A_2194 : vector<16xf32> to vector<1x16xf32>
        tpu.vector_store %arg9[%swap3A_2195, %swap3A_2196], %swap3A_2199 {strides = array<i32>} : memref<128x128xf32, #tpu.memory_space<vmem>>, vector<1x16xf32>,
        %get3A_2200 = arith.index_cast %add3A_2069 : i32 to index
        %get3A_2201 = arith.constant 96 : index
        %get3A_2202 = tpu.vector_load %arg10[%get3A_2200, %get3A_2201] {strides = array<i32>} : memref<128x128xf32, #tpu.memory_space<vmem>>, vector<1x16xf32>,
        %get3A_2203 = vector.shape_cast %get3A_2202 : vector<1x16xf32> to vector<16xf32>
        %mul3A_2204 = arith.mulf %get3A_2203, %gather3A_2065 : vector<16xf32>
        %swap3A_2205 = arith.index_cast %add3A_2069 : i32 to index
        %swap3A_2206 = arith.constant 96 : index
        %swap3A_2207 = tpu.vector_load %arg10[%swap3A_2205, %swap3A_2206] {strides = array<i32>} : memref<128x128xf32, #tpu.memory_space<vmem>>, vector<1x16xf32>,
        %swap3A_2208 = vector.shape_cast %swap3A_2207 : vector<1x16xf32> to vector<16xf32>
        %swap3A_2209 = vector.shape_cast %mul3A_2204 : vector<16xf32> to vector<1x16xf32>
        tpu.vector_store %arg10[%swap3A_2205, %swap3A_2206], %swap3A_2209 {strides = array<i32>} : memref<128x128xf32, #tpu.memory_space<vmem>>, vector<1x16xf32>,
        %get3A_2210 = arith.index_cast %add3A_2069 : i32 to index
        %get3A_2211 = arith.constant 112 : index
        %get3A_2212 = tpu.vector_load %arg9[%get3A_2210, %get3A_2211] {strides = array<i32>} : memref<128x128xf32, #tpu.memory_space<vmem>>, vector<1x16xf32>,
        %get3A_2213 = vector.shape_cast %get3A_2212 : vector<1x16xf32> to vector<16xf32>
        %mul3A_2214 = arith.mulf %get3A_2213, %gather3A_2065 : vector<16xf32>
        %swap3A_2215 = arith.index_cast %add3A_2069 : i32 to index
        %swap3A_2216 = arith.constant 112 : index
        %swap3A_2217 = tpu.vector_load %arg9[%swap3A_2215, %swap3A_2216] {strides = array<i32>} : memref<128x128xf32, #tpu.memory_space<vmem>>, vector<1x16xf32>,
        %swap3A_2218 = vector.shape_cast %swap3A_2217 : vector<1x16xf32> to vector<16xf32>
        %swap3A_2219 = vector.shape_cast %mul3A_2214 : vector<16xf32> to vector<1x16xf32>
        tpu.vector_store %arg9[%swap3A_2215, %swap3A_2216], %swap3A_2219 {strides = array<i32>} : memref<128x128xf32, #tpu.memory_space<vmem>>, vector<1x16xf32>,
        %get3A_2220 = arith.index_cast %add3A_2069 : i32 to index
        %get3A_2221 = arith.constant 112 : index
        %get3A_2222 = tpu.vector_load %arg10[%get3A_2220, %get3A_2221] {strides = array<i32>} : memref<128x128xf32, #tpu.memory_space<vmem>>, vector<1x16xf32>,
        %get3A_2223 = vector.shape_cast %get3A_2222 : vector<1x16xf32> to vector<16xf32>
        %mul3A_2224 = arith.mulf %get3A_2223, %gather3A_2065 : vector<16xf32>
        %swap3A_2225 = arith.index_cast %add3A_2069 : i32 to index
        %swap3A_2226 = arith.constant 112 : index
        %swap3A_2227 = tpu.vector_load %arg10[%swap3A_2225, %swap3A_2226] {strides = array<i32>} : memref<128x128xf32, #tpu.memory_space<vmem>>, vector<1x16xf32>,
        %swap3A_2228 = vector.shape_cast %swap3A_2227 : vector<1x16xf32> to vector<16xf32>
        %swap3A_2229 = vector.shape_cast %mul3A_2224 : vector<16xf32> to vector<1x16xf32>
        tpu.vector_store %arg10[%swap3A_2225, %swap3A_2226], %swap3A_2229 {strides = array<i32>} : memref<128x128xf32, #tpu.memory_space<vmem>>, vector<1x16xf32>,
        %broadcast_in_dim3A_2230 = arith.constant 13 : i32
        %broadcast_in_dim3A_2231 = vector.broadcast %broadcast_in_dim3A_2230 : i32 to vector<16x1xi32>
        %gather3A_2232 = vector.shape_cast %broadcast_in_dim3A_2231 : vector<16x1xi32> to vector<16xi32>
        %gather3A_2233 = tpu.dynamic_gather %get3A_48[%gather3A_2232] in [0] : vector<16xf32>, vector<16xi32> -> vector<16xf32>
        %mul3A_2234 = arith.constant 16 : i32
        %mul3A_2235 = arith.muli %scan3A_44, %mul3A_2234 : i32
        %add3A_2236 = arith.constant 13 : i32
        %add3A_2237 = arith.addi %mul3A_2235, %add3A_2236 : i32
        %get3A_2238 = arith.index_cast %add3A_2237 : i32 to index
        %get3A_2239 = arith.constant 0 : index
        %get3A_2240 = tpu.vector_load %arg9[%get3A_2238, %get3A_2239] {strides = array<i32>} : memref<128x128xf32, #tpu.memory_space<vmem>>, vector<1x16xf32>,
        %get3A_2241 = vector.shape_cast %get3A_2240 : vector<1x16xf32> to vector<16xf32>
        %mul3A_2242 = arith.mulf %get3A_2241, %gather3A_2233 : vector<16xf32>
        %swap3A_2243 = arith.index_cast %add3A_2237 : i32 to index
        %swap3A_2244 = arith.constant 0 : index
        %swap3A_2245 = tpu.vector_load %arg9[%swap3A_2243, %swap3A_2244] {strides = array<i32>} : memref<128x128xf32, #tpu.memory_space<vmem>>, vector<1x16xf32>,
        %swap3A_2246 = vector.shape_cast %swap3A_2245 : vector<1x16xf32> to vector<16xf32>
        %swap3A_2247 = vector.shape_cast %mul3A_2242 : vector<16xf32> to vector<1x16xf32>
        tpu.vector_store %arg9[%swap3A_2243, %swap3A_2244], %swap3A_2247 {strides = array<i32>} : memref<128x128xf32, #tpu.memory_space<vmem>>, vector<1x16xf32>,
        %get3A_2248 = arith.index_cast %add3A_2237 : i32 to index
        %get3A_2249 = arith.constant 0 : index
        %get3A_2250 = tpu.vector_load %arg10[%get3A_2248, %get3A_2249] {strides = array<i32>} : memref<128x128xf32, #tpu.memory_space<vmem>>, vector<1x16xf32>,
        %get3A_2251 = vector.shape_cast %get3A_2250 : vector<1x16xf32> to vector<16xf32>
        %mul3A_2252 = arith.mulf %get3A_2251, %gather3A_2233 : vector<16xf32>
        %swap3A_2253 = arith.index_cast %add3A_2237 : i32 to index
        %swap3A_2254 = arith.constant 0 : index
        %swap3A_2255 = tpu.vector_load %arg10[%swap3A_2253, %swap3A_2254] {strides = array<i32>} : memref<128x128xf32, #tpu.memory_space<vmem>>, vector<1x16xf32>,
        %swap3A_2256 = vector.shape_cast %swap3A_2255 : vector<1x16xf32> to vector<16xf32>
        %swap3A_2257 = vector.shape_cast %mul3A_2252 : vector<16xf32> to vector<1x16xf32>
        tpu.vector_store %arg10[%swap3A_2253, %swap3A_2254], %swap3A_2257 {strides = array<i32>} : memref<128x128xf32, #tpu.memory_space<vmem>>, vector<1x16xf32>,
        %get3A_2258 = arith.index_cast %add3A_2237 : i32 to index
        %get3A_2259 = arith.constant 16 : index
        %get3A_2260 = tpu.vector_load %arg9[%get3A_2258, %get3A_2259] {strides = array<i32>} : memref<128x128xf32, #tpu.memory_space<vmem>>, vector<1x16xf32>,
        %get3A_2261 = vector.shape_cast %get3A_2260 : vector<1x16xf32> to vector<16xf32>
        %mul3A_2262 = arith.mulf %get3A_2261, %gather3A_2233 : vector<16xf32>
        %swap3A_2263 = arith.index_cast %add3A_2237 : i32 to index
        %swap3A_2264 = arith.constant 16 : index
        %swap3A_2265 = tpu.vector_load %arg9[%swap3A_2263, %swap3A_2264] {strides = array<i32>} : memref<128x128xf32, #tpu.memory_space<vmem>>, vector<1x16xf32>,
        %swap3A_2266 = vector.shape_cast %swap3A_2265 : vector<1x16xf32> to vector<16xf32>
        %swap3A_2267 = vector.shape_cast %mul3A_2262 : vector<16xf32> to vector<1x16xf32>
        tpu.vector_store %arg9[%swap3A_2263, %swap3A_2264], %swap3A_2267 {strides = array<i32>} : memref<128x128xf32, #tpu.memory_space<vmem>>, vector<1x16xf32>,
        %get3A_2268 = arith.index_cast %add3A_2237 : i32 to index
        %get3A_2269 = arith.constant 16 : index
        %get3A_2270 = tpu.vector_load %arg10[%get3A_2268, %get3A_2269] {strides = array<i32>} : memref<128x128xf32, #tpu.memory_space<vmem>>, vector<1x16xf32>,
        %get3A_2271 = vector.shape_cast %get3A_2270 : vector<1x16xf32> to vector<16xf32>
        %mul3A_2272 = arith.mulf %get3A_2271, %gather3A_2233 : vector<16xf32>
        %swap3A_2273 = arith.index_cast %add3A_2237 : i32 to index
        %swap3A_2274 = arith.constant 16 : index
        %swap3A_2275 = tpu.vector_load %arg10[%swap3A_2273, %swap3A_2274] {strides = array<i32>} : memref<128x128xf32, #tpu.memory_space<vmem>>, vector<1x16xf32>,
        %swap3A_2276 = vector.shape_cast %swap3A_2275 : vector<1x16xf32> to vector<16xf32>
        %swap3A_2277 = vector.shape_cast %mul3A_2272 : vector<16xf32> to vector<1x16xf32>
        tpu.vector_store %arg10[%swap3A_2273, %swap3A_2274], %swap3A_2277 {strides = array<i32>} : memref<128x128xf32, #tpu.memory_space<vmem>>, vector<1x16xf32>,
        %get3A_2278 = arith.index_cast %add3A_2237 : i32 to index
        %get3A_2279 = arith.constant 32 : index
        %get3A_2280 = tpu.vector_load %arg9[%get3A_2278, %get3A_2279] {strides = array<i32>} : memref<128x128xf32, #tpu.memory_space<vmem>>, vector<1x16xf32>,
        %get3A_2281 = vector.shape_cast %get3A_2280 : vector<1x16xf32> to vector<16xf32>
        %mul3A_2282 = arith.mulf %get3A_2281, %gather3A_2233 : vector<16xf32>
        %swap3A_2283 = arith.index_cast %add3A_2237 : i32 to index
        %swap3A_2284 = arith.constant 32 : index
        %swap3A_2285 = tpu.vector_load %arg9[%swap3A_2283, %swap3A_2284] {strides = array<i32>} : memref<128x128xf32, #tpu.memory_space<vmem>>, vector<1x16xf32>,
        %swap3A_2286 = vector.shape_cast %swap3A_2285 : vector<1x16xf32> to vector<16xf32>
        %swap3A_2287 = vector.shape_cast %mul3A_2282 : vector<16xf32> to vector<1x16xf32>
        tpu.vector_store %arg9[%swap3A_2283, %swap3A_2284], %swap3A_2287 {strides = array<i32>} : memref<128x128xf32, #tpu.memory_space<vmem>>, vector<1x16xf32>,
        %get3A_2288 = arith.index_cast %add3A_2237 : i32 to index
        %get3A_2289 = arith.constant 32 : index
        %get3A_2290 = tpu.vector_load %arg10[%get3A_2288, %get3A_2289] {strides = array<i32>} : memref<128x128xf32, #tpu.memory_space<vmem>>, vector<1x16xf32>,
        %get3A_2291 = vector.shape_cast %get3A_2290 : vector<1x16xf32> to vector<16xf32>
        %mul3A_2292 = arith.mulf %get3A_2291, %gather3A_2233 : vector<16xf32>
        %swap3A_2293 = arith.index_cast %add3A_2237 : i32 to index
        %swap3A_2294 = arith.constant 32 : index
        %swap3A_2295 = tpu.vector_load %arg10[%swap3A_2293, %swap3A_2294] {strides = array<i32>} : memref<128x128xf32, #tpu.memory_space<vmem>>, vector<1x16xf32>,
        %swap3A_2296 = vector.shape_cast %swap3A_2295 : vector<1x16xf32> to vector<16xf32>
        %swap3A_2297 = vector.shape_cast %mul3A_2292 : vector<16xf32> to vector<1x16xf32>
        tpu.vector_store %arg10[%swap3A_2293, %swap3A_2294], %swap3A_2297 {strides = array<i32>} : memref<128x128xf32, #tpu.memory_space<vmem>>, vector<1x16xf32>,
        %get3A_2298 = arith.index_cast %add3A_2237 : i32 to index
        %get3A_2299 = arith.constant 48 : index
        %get3A_2300 = tpu.vector_load %arg9[%get3A_2298, %get3A_2299] {strides = array<i32>} : memref<128x128xf32, #tpu.memory_space<vmem>>, vector<1x16xf32>,
        %get3A_2301 = vector.shape_cast %get3A_2300 : vector<1x16xf32> to vector<16xf32>
        %mul3A_2302 = arith.mulf %get3A_2301, %gather3A_2233 : vector<16xf32>
        %swap3A_2303 = arith.index_cast %add3A_2237 : i32 to index
        %swap3A_2304 = arith.constant 48 : index
        %swap3A_2305 = tpu.vector_load %arg9[%swap3A_2303, %swap3A_2304] {strides = array<i32>} : memref<128x128xf32, #tpu.memory_space<vmem>>, vector<1x16xf32>,
        %swap3A_2306 = vector.shape_cast %swap3A_2305 : vector<1x16xf32> to vector<16xf32>
        %swap3A_2307 = vector.shape_cast %mul3A_2302 : vector<16xf32> to vector<1x16xf32>
        tpu.vector_store %arg9[%swap3A_2303, %swap3A_2304], %swap3A_2307 {strides = array<i32>} : memref<128x128xf32, #tpu.memory_space<vmem>>, vector<1x16xf32>,
        %get3A_2308 = arith.index_cast %add3A_2237 : i32 to index
        %get3A_2309 = arith.constant 48 : index
        %get3A_2310 = tpu.vector_load %arg10[%get3A_2308, %get3A_2309] {strides = array<i32>} : memref<128x128xf32, #tpu.memory_space<vmem>>, vector<1x16xf32>,
        %get3A_2311 = vector.shape_cast %get3A_2310 : vector<1x16xf32> to vector<16xf32>
        %mul3A_2312 = arith.mulf %get3A_2311, %gather3A_2233 : vector<16xf32>
        %swap3A_2313 = arith.index_cast %add3A_2237 : i32 to index
        %swap3A_2314 = arith.constant 48 : index
        %swap3A_2315 = tpu.vector_load %arg10[%swap3A_2313, %swap3A_2314] {strides = array<i32>} : memref<128x128xf32, #tpu.memory_space<vmem>>, vector<1x16xf32>,
        %swap3A_2316 = vector.shape_cast %swap3A_2315 : vector<1x16xf32> to vector<16xf32>
        %swap3A_2317 = vector.shape_cast %mul3A_2312 : vector<16xf32> to vector<1x16xf32>
        tpu.vector_store %arg10[%swap3A_2313, %swap3A_2314], %swap3A_2317 {strides = array<i32>} : memref<128x128xf32, #tpu.memory_space<vmem>>, vector<1x16xf32>,
        %get3A_2318 = arith.index_cast %add3A_2237 : i32 to index
        %get3A_2319 = arith.constant 64 : index
        %get3A_2320 = tpu.vector_load %arg9[%get3A_2318, %get3A_2319] {strides = array<i32>} : memref<128x128xf32, #tpu.memory_space<vmem>>, vector<1x16xf32>,
        %get3A_2321 = vector.shape_cast %get3A_2320 : vector<1x16xf32> to vector<16xf32>
        %mul3A_2322 = arith.mulf %get3A_2321, %gather3A_2233 : vector<16xf32>
        %swap3A_2323 = arith.index_cast %add3A_2237 : i32 to index
        %swap3A_2324 = arith.constant 64 : index
        %swap3A_2325 = tpu.vector_load %arg9[%swap3A_2323, %swap3A_2324] {strides = array<i32>} : memref<128x128xf32, #tpu.memory_space<vmem>>, vector<1x16xf32>,
        %swap3A_2326 = vector.shape_cast %swap3A_2325 : vector<1x16xf32> to vector<16xf32>
        %swap3A_2327 = vector.shape_cast %mul3A_2322 : vector<16xf32> to vector<1x16xf32>
        tpu.vector_store %arg9[%swap3A_2323, %swap3A_2324], %swap3A_2327 {strides = array<i32>} : memref<128x128xf32, #tpu.memory_space<vmem>>, vector<1x16xf32>,
        %get3A_2328 = arith.index_cast %add3A_2237 : i32 to index
        %get3A_2329 = arith.constant 64 : index
        %get3A_2330 = tpu.vector_load %arg10[%get3A_2328, %get3A_2329] {strides = array<i32>} : memref<128x128xf32, #tpu.memory_space<vmem>>, vector<1x16xf32>,
        %get3A_2331 = vector.shape_cast %get3A_2330 : vector<1x16xf32> to vector<16xf32>
        %mul3A_2332 = arith.mulf %get3A_2331, %gather3A_2233 : vector<16xf32>
        %swap3A_2333 = arith.index_cast %add3A_2237 : i32 to index
        %swap3A_2334 = arith.constant 64 : index
        %swap3A_2335 = tpu.vector_load %arg10[%swap3A_2333, %swap3A_2334] {strides = array<i32>} : memref<128x128xf32, #tpu.memory_space<vmem>>, vector<1x16xf32>,
        %swap3A_2336 = vector.shape_cast %swap3A_2335 : vector<1x16xf32> to vector<16xf32>
        %swap3A_2337 = vector.shape_cast %mul3A_2332 : vector<16xf32> to vector<1x16xf32>
        tpu.vector_store %arg10[%swap3A_2333, %swap3A_2334], %swap3A_2337 {strides = array<i32>} : memref<128x128xf32, #tpu.memory_space<vmem>>, vector<1x16xf32>,
        %get3A_2338 = arith.index_cast %add3A_2237 : i32 to index
        %get3A_2339 = arith.constant 80 : index
        %get3A_2340 = tpu.vector_load %arg9[%get3A_2338, %get3A_2339] {strides = array<i32>} : memref<128x128xf32, #tpu.memory_space<vmem>>, vector<1x16xf32>,
        %get3A_2341 = vector.shape_cast %get3A_2340 : vector<1x16xf32> to vector<16xf32>
        %mul3A_2342 = arith.mulf %get3A_2341, %gather3A_2233 : vector<16xf32>
        %swap3A_2343 = arith.index_cast %add3A_2237 : i32 to index
        %swap3A_2344 = arith.constant 80 : index
        %swap3A_2345 = tpu.vector_load %arg9[%swap3A_2343, %swap3A_2344] {strides = array<i32>} : memref<128x128xf32, #tpu.memory_space<vmem>>, vector<1x16xf32>,
        %swap3A_2346 = vector.shape_cast %swap3A_2345 : vector<1x16xf32> to vector<16xf32>
        %swap3A_2347 = vector.shape_cast %mul3A_2342 : vector<16xf32> to vector<1x16xf32>
        tpu.vector_store %arg9[%swap3A_2343, %swap3A_2344], %swap3A_2347 {strides = array<i32>} : memref<128x128xf32, #tpu.memory_space<vmem>>, vector<1x16xf32>,
        %get3A_2348 = arith.index_cast %add3A_2237 : i32 to index
        %get3A_2349 = arith.constant 80 : index
        %get3A_2350 = tpu.vector_load %arg10[%get3A_2348, %get3A_2349] {strides = array<i32>} : memref<128x128xf32, #tpu.memory_space<vmem>>, vector<1x16xf32>,
        %get3A_2351 = vector.shape_cast %get3A_2350 : vector<1x16xf32> to vector<16xf32>
        %mul3A_2352 = arith.mulf %get3A_2351, %gather3A_2233 : vector<16xf32>
        %swap3A_2353 = arith.index_cast %add3A_2237 : i32 to index
        %swap3A_2354 = arith.constant 80 : index
        %swap3A_2355 = tpu.vector_load %arg10[%swap3A_2353, %swap3A_2354] {strides = array<i32>} : memref<128x128xf32, #tpu.memory_space<vmem>>, vector<1x16xf32>,
        %swap3A_2356 = vector.shape_cast %swap3A_2355 : vector<1x16xf32> to vector<16xf32>
        %swap3A_2357 = vector.shape_cast %mul3A_2352 : vector<16xf32> to vector<1x16xf32>
        tpu.vector_store %arg10[%swap3A_2353, %swap3A_2354], %swap3A_2357 {strides = array<i32>} : memref<128x128xf32, #tpu.memory_space<vmem>>, vector<1x16xf32>,
        %get3A_2358 = arith.index_cast %add3A_2237 : i32 to index
        %get3A_2359 = arith.constant 96 : index
        %get3A_2360 = tpu.vector_load %arg9[%get3A_2358, %get3A_2359] {strides = array<i32>} : memref<128x128xf32, #tpu.memory_space<vmem>>, vector<1x16xf32>,
        %get3A_2361 = vector.shape_cast %get3A_2360 : vector<1x16xf32> to vector<16xf32>
        %mul3A_2362 = arith.mulf %get3A_2361, %gather3A_2233 : vector<16xf32>
        %swap3A_2363 = arith.index_cast %add3A_2237 : i32 to index
        %swap3A_2364 = arith.constant 96 : index
        %swap3A_2365 = tpu.vector_load %arg9[%swap3A_2363, %swap3A_2364] {strides = array<i32>} : memref<128x128xf32, #tpu.memory_space<vmem>>, vector<1x16xf32>,
        %swap3A_2366 = vector.shape_cast %swap3A_2365 : vector<1x16xf32> to vector<16xf32>
        %swap3A_2367 = vector.shape_cast %mul3A_2362 : vector<16xf32> to vector<1x16xf32>
        tpu.vector_store %arg9[%swap3A_2363, %swap3A_2364], %swap3A_2367 {strides = array<i32>} : memref<128x128xf32, #tpu.memory_space<vmem>>, vector<1x16xf32>,
        %get3A_2368 = arith.index_cast %add3A_2237 : i32 to index
        %get3A_2369 = arith.constant 96 : index
        %get3A_2370 = tpu.vector_load %arg10[%get3A_2368, %get3A_2369] {strides = array<i32>} : memref<128x128xf32, #tpu.memory_space<vmem>>, vector<1x16xf32>,
        %get3A_2371 = vector.shape_cast %get3A_2370 : vector<1x16xf32> to vector<16xf32>
        %mul3A_2372 = arith.mulf %get3A_2371, %gather3A_2233 : vector<16xf32>
        %swap3A_2373 = arith.index_cast %add3A_2237 : i32 to index
        %swap3A_2374 = arith.constant 96 : index
        %swap3A_2375 = tpu.vector_load %arg10[%swap3A_2373, %swap3A_2374] {strides = array<i32>} : memref<128x128xf32, #tpu.memory_space<vmem>>, vector<1x16xf32>,
        %swap3A_2376 = vector.shape_cast %swap3A_2375 : vector<1x16xf32> to vector<16xf32>
        %swap3A_2377 = vector.shape_cast %mul3A_2372 : vector<16xf32> to vector<1x16xf32>
        tpu.vector_store %arg10[%swap3A_2373, %swap3A_2374], %swap3A_2377 {strides = array<i32>} : memref<128x128xf32, #tpu.memory_space<vmem>>, vector<1x16xf32>,
        %get3A_2378 = arith.index_cast %add3A_2237 : i32 to index
        %get3A_2379 = arith.constant 112 : index
        %get3A_2380 = tpu.vector_load %arg9[%get3A_2378, %get3A_2379] {strides = array<i32>} : memref<128x128xf32, #tpu.memory_space<vmem>>, vector<1x16xf32>,
        %get3A_2381 = vector.shape_cast %get3A_2380 : vector<1x16xf32> to vector<16xf32>
        %mul3A_2382 = arith.mulf %get3A_2381, %gather3A_2233 : vector<16xf32>
        %swap3A_2383 = arith.index_cast %add3A_2237 : i32 to index
        %swap3A_2384 = arith.constant 112 : index
        %swap3A_2385 = tpu.vector_load %arg9[%swap3A_2383, %swap3A_2384] {strides = array<i32>} : memref<128x128xf32, #tpu.memory_space<vmem>>, vector<1x16xf32>,
        %swap3A_2386 = vector.shape_cast %swap3A_2385 : vector<1x16xf32> to vector<16xf32>
        %swap3A_2387 = vector.shape_cast %mul3A_2382 : vector<16xf32> to vector<1x16xf32>
        tpu.vector_store %arg9[%swap3A_2383, %swap3A_2384], %swap3A_2387 {strides = array<i32>} : memref<128x128xf32, #tpu.memory_space<vmem>>, vector<1x16xf32>,
        %get3A_2388 = arith.index_cast %add3A_2237 : i32 to index
        %get3A_2389 = arith.constant 112 : index
        %get3A_2390 = tpu.vector_load %arg10[%get3A_2388, %get3A_2389] {strides = array<i32>} : memref<128x128xf32, #tpu.memory_space<vmem>>, vector<1x16xf32>,
        %get3A_2391 = vector.shape_cast %get3A_2390 : vector<1x16xf32> to vector<16xf32>
        %mul3A_2392 = arith.mulf %get3A_2391, %gather3A_2233 : vector<16xf32>
        %swap3A_2393 = arith.index_cast %add3A_2237 : i32 to index
        %swap3A_2394 = arith.constant 112 : index
        %swap3A_2395 = tpu.vector_load %arg10[%swap3A_2393, %swap3A_2394] {strides = array<i32>} : memref<128x128xf32, #tpu.memory_space<vmem>>, vector<1x16xf32>,
        %swap3A_2396 = vector.shape_cast %swap3A_2395 : vector<1x16xf32> to vector<16xf32>
        %swap3A_2397 = vector.shape_cast %mul3A_2392 : vector<16xf32> to vector<1x16xf32>
        tpu.vector_store %arg10[%swap3A_2393, %swap3A_2394], %swap3A_2397 {strides = array<i32>} : memref<128x128xf32, #tpu.memory_space<vmem>>, vector<1x16xf32>,
        %broadcast_in_dim3A_2398 = arith.constant 14 : i32
        %broadcast_in_dim3A_2399 = vector.broadcast %broadcast_in_dim3A_2398 : i32 to vector<16x1xi32>
        %gather3A_2400 = vector.shape_cast %broadcast_in_dim3A_2399 : vector<16x1xi32> to vector<16xi32>
        %gather3A_2401 = tpu.dynamic_gather %get3A_48[%gather3A_2400] in [0] : vector<16xf32>, vector<16xi32> -> vector<16xf32>
        %mul3A_2402 = arith.constant 16 : i32
        %mul3A_2403 = arith.muli %scan3A_44, %mul3A_2402 : i32
        %add3A_2404 = arith.constant 14 : i32
        %add3A_2405 = arith.addi %mul3A_2403, %add3A_2404 : i32
        %get3A_2406 = arith.index_cast %add3A_2405 : i32 to index
        %get3A_2407 = arith.constant 0 : index
        %get3A_2408 = tpu.vector_load %arg9[%get3A_2406, %get3A_2407] {strides = array<i32>} : memref<128x128xf32, #tpu.memory_space<vmem>>, vector<1x16xf32>,
        %get3A_2409 = vector.shape_cast %get3A_2408 : vector<1x16xf32> to vector<16xf32>
        %mul3A_2410 = arith.mulf %get3A_2409, %gather3A_2401 : vector<16xf32>
        %swap3A_2411 = arith.index_cast %add3A_2405 : i32 to index
        %swap3A_2412 = arith.constant 0 : index
        %swap3A_2413 = tpu.vector_load %arg9[%swap3A_2411, %swap3A_2412] {strides = array<i32>} : memref<128x128xf32, #tpu.memory_space<vmem>>, vector<1x16xf32>,
        %swap3A_2414 = vector.shape_cast %swap3A_2413 : vector<1x16xf32> to vector<16xf32>
        %swap3A_2415 = vector.shape_cast %mul3A_2410 : vector<16xf32> to vector<1x16xf32>
        tpu.vector_store %arg9[%swap3A_2411, %swap3A_2412], %swap3A_2415 {strides = array<i32>} : memref<128x128xf32, #tpu.memory_space<vmem>>, vector<1x16xf32>,
        %get3A_2416 = arith.index_cast %add3A_2405 : i32 to index
        %get3A_2417 = arith.constant 0 : index
        %get3A_2418 = tpu.vector_load %arg10[%get3A_2416, %get3A_2417] {strides = array<i32>} : memref<128x128xf32, #tpu.memory_space<vmem>>, vector<1x16xf32>,
        %get3A_2419 = vector.shape_cast %get3A_2418 : vector<1x16xf32> to vector<16xf32>
        %mul3A_2420 = arith.mulf %get3A_2419, %gather3A_2401 : vector<16xf32>
        %swap3A_2421 = arith.index_cast %add3A_2405 : i32 to index
        %swap3A_2422 = arith.constant 0 : index
        %swap3A_2423 = tpu.vector_load %arg10[%swap3A_2421, %swap3A_2422] {strides = array<i32>} : memref<128x128xf32, #tpu.memory_space<vmem>>, vector<1x16xf32>,
        %swap3A_2424 = vector.shape_cast %swap3A_2423 : vector<1x16xf32> to vector<16xf32>
        %swap3A_2425 = vector.shape_cast %mul3A_2420 : vector<16xf32> to vector<1x16xf32>
        tpu.vector_store %arg10[%swap3A_2421, %swap3A_2422], %swap3A_2425 {strides = array<i32>} : memref<128x128xf32, #tpu.memory_space<vmem>>, vector<1x16xf32>,
        %get3A_2426 = arith.index_cast %add3A_2405 : i32 to index
        %get3A_2427 = arith.constant 16 : index
        %get3A_2428 = tpu.vector_load %arg9[%get3A_2426, %get3A_2427] {strides = array<i32>} : memref<128x128xf32, #tpu.memory_space<vmem>>, vector<1x16xf32>,
        %get3A_2429 = vector.shape_cast %get3A_2428 : vector<1x16xf32> to vector<16xf32>
        %mul3A_2430 = arith.mulf %get3A_2429, %gather3A_2401 : vector<16xf32>
        %swap3A_2431 = arith.index_cast %add3A_2405 : i32 to index
        %swap3A_2432 = arith.constant 16 : index
        %swap3A_2433 = tpu.vector_load %arg9[%swap3A_2431, %swap3A_2432] {strides = array<i32>} : memref<128x128xf32, #tpu.memory_space<vmem>>, vector<1x16xf32>,
        %swap3A_2434 = vector.shape_cast %swap3A_2433 : vector<1x16xf32> to vector<16xf32>
        %swap3A_2435 = vector.shape_cast %mul3A_2430 : vector<16xf32> to vector<1x16xf32>
        tpu.vector_store %arg9[%swap3A_2431, %swap3A_2432], %swap3A_2435 {strides = array<i32>} : memref<128x128xf32, #tpu.memory_space<vmem>>, vector<1x16xf32>,
        %get3A_2436 = arith.index_cast %add3A_2405 : i32 to index
        %get3A_2437 = arith.constant 16 : index
        %get3A_2438 = tpu.vector_load %arg10[%get3A_2436, %get3A_2437] {strides = array<i32>} : memref<128x128xf32, #tpu.memory_space<vmem>>, vector<1x16xf32>,
        %get3A_2439 = vector.shape_cast %get3A_2438 : vector<1x16xf32> to vector<16xf32>
        %mul3A_2440 = arith.mulf %get3A_2439, %gather3A_2401 : vector<16xf32>
        %swap3A_2441 = arith.index_cast %add3A_2405 : i32 to index
        %swap3A_2442 = arith.constant 16 : index
        %swap3A_2443 = tpu.vector_load %arg10[%swap3A_2441, %swap3A_2442] {strides = array<i32>} : memref<128x128xf32, #tpu.memory_space<vmem>>, vector<1x16xf32>,
        %swap3A_2444 = vector.shape_cast %swap3A_2443 : vector<1x16xf32> to vector<16xf32>
        %swap3A_2445 = vector.shape_cast %mul3A_2440 : vector<16xf32> to vector<1x16xf32>
        tpu.vector_store %arg10[%swap3A_2441, %swap3A_2442], %swap3A_2445 {strides = array<i32>} : memref<128x128xf32, #tpu.memory_space<vmem>>, vector<1x16xf32>,
        %get3A_2446 = arith.index_cast %add3A_2405 : i32 to index
        %get3A_2447 = arith.constant 32 : index
        %get3A_2448 = tpu.vector_load %arg9[%get3A_2446, %get3A_2447] {strides = array<i32>} : memref<128x128xf32, #tpu.memory_space<vmem>>, vector<1x16xf32>,
        %get3A_2449 = vector.shape_cast %get3A_2448 : vector<1x16xf32> to vector<16xf32>
        %mul3A_2450 = arith.mulf %get3A_2449, %gather3A_2401 : vector<16xf32>
        %swap3A_2451 = arith.index_cast %add3A_2405 : i32 to index
        %swap3A_2452 = arith.constant 32 : index
        %swap3A_2453 = tpu.vector_load %arg9[%swap3A_2451, %swap3A_2452] {strides = array<i32>} : memref<128x128xf32, #tpu.memory_space<vmem>>, vector<1x16xf32>,
        %swap3A_2454 = vector.shape_cast %swap3A_2453 : vector<1x16xf32> to vector<16xf32>
        %swap3A_2455 = vector.shape_cast %mul3A_2450 : vector<16xf32> to vector<1x16xf32>
        tpu.vector_store %arg9[%swap3A_2451, %swap3A_2452], %swap3A_2455 {strides = array<i32>} : memref<128x128xf32, #tpu.memory_space<vmem>>, vector<1x16xf32>,
        %get3A_2456 = arith.index_cast %add3A_2405 : i32 to index
        %get3A_2457 = arith.constant 32 : index
        %get3A_2458 = tpu.vector_load %arg10[%get3A_2456, %get3A_2457] {strides = array<i32>} : memref<128x128xf32, #tpu.memory_space<vmem>>, vector<1x16xf32>,
        %get3A_2459 = vector.shape_cast %get3A_2458 : vector<1x16xf32> to vector<16xf32>
        %mul3A_2460 = arith.mulf %get3A_2459, %gather3A_2401 : vector<16xf32>
        %swap3A_2461 = arith.index_cast %add3A_2405 : i32 to index
        %swap3A_2462 = arith.constant 32 : index
        %swap3A_2463 = tpu.vector_load %arg10[%swap3A_2461, %swap3A_2462] {strides = array<i32>} : memref<128x128xf32, #tpu.memory_space<vmem>>, vector<1x16xf32>,
        %swap3A_2464 = vector.shape_cast %swap3A_2463 : vector<1x16xf32> to vector<16xf32>
        %swap3A_2465 = vector.shape_cast %mul3A_2460 : vector<16xf32> to vector<1x16xf32>
        tpu.vector_store %arg10[%swap3A_2461, %swap3A_2462], %swap3A_2465 {strides = array<i32>} : memref<128x128xf32, #tpu.memory_space<vmem>>, vector<1x16xf32>,
        %get3A_2466 = arith.index_cast %add3A_2405 : i32 to index
        %get3A_2467 = arith.constant 48 : index
        %get3A_2468 = tpu.vector_load %arg9[%get3A_2466, %get3A_2467] {strides = array<i32>} : memref<128x128xf32, #tpu.memory_space<vmem>>, vector<1x16xf32>,
        %get3A_2469 = vector.shape_cast %get3A_2468 : vector<1x16xf32> to vector<16xf32>
        %mul3A_2470 = arith.mulf %get3A_2469, %gather3A_2401 : vector<16xf32>
        %swap3A_2471 = arith.index_cast %add3A_2405 : i32 to index
        %swap3A_2472 = arith.constant 48 : index
        %swap3A_2473 = tpu.vector_load %arg9[%swap3A_2471, %swap3A_2472] {strides = array<i32>} : memref<128x128xf32, #tpu.memory_space<vmem>>, vector<1x16xf32>,
        %swap3A_2474 = vector.shape_cast %swap3A_2473 : vector<1x16xf32> to vector<16xf32>
        %swap3A_2475 = vector.shape_cast %mul3A_2470 : vector<16xf32> to vector<1x16xf32>
        tpu.vector_store %arg9[%swap3A_2471, %swap3A_2472], %swap3A_2475 {strides = array<i32>} : memref<128x128xf32, #tpu.memory_space<vmem>>, vector<1x16xf32>,
        %get3A_2476 = arith.index_cast %add3A_2405 : i32 to index
        %get3A_2477 = arith.constant 48 : index
        %get3A_2478 = tpu.vector_load %arg10[%get3A_2476, %get3A_2477] {strides = array<i32>} : memref<128x128xf32, #tpu.memory_space<vmem>>, vector<1x16xf32>,
        %get3A_2479 = vector.shape_cast %get3A_2478 : vector<1x16xf32> to vector<16xf32>
        %mul3A_2480 = arith.mulf %get3A_2479, %gather3A_2401 : vector<16xf32>
        %swap3A_2481 = arith.index_cast %add3A_2405 : i32 to index
        %swap3A_2482 = arith.constant 48 : index
        %swap3A_2483 = tpu.vector_load %arg10[%swap3A_2481, %swap3A_2482] {strides = array<i32>} : memref<128x128xf32, #tpu.memory_space<vmem>>, vector<1x16xf32>,
        %swap3A_2484 = vector.shape_cast %swap3A_2483 : vector<1x16xf32> to vector<16xf32>
        %swap3A_2485 = vector.shape_cast %mul3A_2480 : vector<16xf32> to vector<1x16xf32>
        tpu.vector_store %arg10[%swap3A_2481, %swap3A_2482], %swap3A_2485 {strides = array<i32>} : memref<128x128xf32, #tpu.memory_space<vmem>>, vector<1x16xf32>,
        %get3A_2486 = arith.index_cast %add3A_2405 : i32 to index
        %get3A_2487 = arith.constant 64 : index
        %get3A_2488 = tpu.vector_load %arg9[%get3A_2486, %get3A_2487] {strides = array<i32>} : memref<128x128xf32, #tpu.memory_space<vmem>>, vector<1x16xf32>,
        %get3A_2489 = vector.shape_cast %get3A_2488 : vector<1x16xf32> to vector<16xf32>
        %mul3A_2490 = arith.mulf %get3A_2489, %gather3A_2401 : vector<16xf32>
        %swap3A_2491 = arith.index_cast %add3A_2405 : i32 to index
        %swap3A_2492 = arith.constant 64 : index
        %swap3A_2493 = tpu.vector_load %arg9[%swap3A_2491, %swap3A_2492] {strides = array<i32>} : memref<128x128xf32, #tpu.memory_space<vmem>>, vector<1x16xf32>,
        %swap3A_2494 = vector.shape_cast %swap3A_2493 : vector<1x16xf32> to vector<16xf32>
        %swap3A_2495 = vector.shape_cast %mul3A_2490 : vector<16xf32> to vector<1x16xf32>
        tpu.vector_store %arg9[%swap3A_2491, %swap3A_2492], %swap3A_2495 {strides = array<i32>} : memref<128x128xf32, #tpu.memory_space<vmem>>, vector<1x16xf32>,
        %get3A_2496 = arith.index_cast %add3A_2405 : i32 to index
        %get3A_2497 = arith.constant 64 : index
        %get3A_2498 = tpu.vector_load %arg10[%get3A_2496, %get3A_2497] {strides = array<i32>} : memref<128x128xf32, #tpu.memory_space<vmem>>, vector<1x16xf32>,
        %get3A_2499 = vector.shape_cast %get3A_2498 : vector<1x16xf32> to vector<16xf32>
        %mul3A_2500 = arith.mulf %get3A_2499, %gather3A_2401 : vector<16xf32>
        %swap3A_2501 = arith.index_cast %add3A_2405 : i32 to index
        %swap3A_2502 = arith.constant 64 : index
        %swap3A_2503 = tpu.vector_load %arg10[%swap3A_2501, %swap3A_2502] {strides = array<i32>} : memref<128x128xf32, #tpu.memory_space<vmem>>, vector<1x16xf32>,
        %swap3A_2504 = vector.shape_cast %swap3A_2503 : vector<1x16xf32> to vector<16xf32>
        %swap3A_2505 = vector.shape_cast %mul3A_2500 : vector<16xf32> to vector<1x16xf32>
        tpu.vector_store %arg10[%swap3A_2501, %swap3A_2502], %swap3A_2505 {strides = array<i32>} : memref<128x128xf32, #tpu.memory_space<vmem>>, vector<1x16xf32>,
        %get3A_2506 = arith.index_cast %add3A_2405 : i32 to index
        %get3A_2507 = arith.constant 80 : index
        %get3A_2508 = tpu.vector_load %arg9[%get3A_2506, %get3A_2507] {strides = array<i32>} : memref<128x128xf32, #tpu.memory_space<vmem>>, vector<1x16xf32>,
        %get3A_2509 = vector.shape_cast %get3A_2508 : vector<1x16xf32> to vector<16xf32>
        %mul3A_2510 = arith.mulf %get3A_2509, %gather3A_2401 : vector<16xf32>
        %swap3A_2511 = arith.index_cast %add3A_2405 : i32 to index
        %swap3A_2512 = arith.constant 80 : index
        %swap3A_2513 = tpu.vector_load %arg9[%swap3A_2511, %swap3A_2512] {strides = array<i32>} : memref<128x128xf32, #tpu.memory_space<vmem>>, vector<1x16xf32>,
        %swap3A_2514 = vector.shape_cast %swap3A_2513 : vector<1x16xf32> to vector<16xf32>
        %swap3A_2515 = vector.shape_cast %mul3A_2510 : vector<16xf32> to vector<1x16xf32>
        tpu.vector_store %arg9[%swap3A_2511, %swap3A_2512], %swap3A_2515 {strides = array<i32>} : memref<128x128xf32, #tpu.memory_space<vmem>>, vector<1x16xf32>,
        %get3A_2516 = arith.index_cast %add3A_2405 : i32 to index
        %get3A_2517 = arith.constant 80 : index
        %get3A_2518 = tpu.vector_load %arg10[%get3A_2516, %get3A_2517] {strides = array<i32>} : memref<128x128xf32, #tpu.memory_space<vmem>>, vector<1x16xf32>,
        %get3A_2519 = vector.shape_cast %get3A_2518 : vector<1x16xf32> to vector<16xf32>
        %mul3A_2520 = arith.mulf %get3A_2519, %gather3A_2401 : vector<16xf32>
        %swap3A_2521 = arith.index_cast %add3A_2405 : i32 to index
        %swap3A_2522 = arith.constant 80 : index
        %swap3A_2523 = tpu.vector_load %arg10[%swap3A_2521, %swap3A_2522] {strides = array<i32>} : memref<128x128xf32, #tpu.memory_space<vmem>>, vector<1x16xf32>,
        %swap3A_2524 = vector.shape_cast %swap3A_2523 : vector<1x16xf32> to vector<16xf32>
        %swap3A_2525 = vector.shape_cast %mul3A_2520 : vector<16xf32> to vector<1x16xf32>
        tpu.vector_store %arg10[%swap3A_2521, %swap3A_2522], %swap3A_2525 {strides = array<i32>} : memref<128x128xf32, #tpu.memory_space<vmem>>, vector<1x16xf32>,
        %get3A_2526 = arith.index_cast %add3A_2405 : i32 to index
        %get3A_2527 = arith.constant 96 : index
        %get3A_2528 = tpu.vector_load %arg9[%get3A_2526, %get3A_2527] {strides = array<i32>} : memref<128x128xf32, #tpu.memory_space<vmem>>, vector<1x16xf32>,
        %get3A_2529 = vector.shape_cast %get3A_2528 : vector<1x16xf32> to vector<16xf32>
        %mul3A_2530 = arith.mulf %get3A_2529, %gather3A_2401 : vector<16xf32>
        %swap3A_2531 = arith.index_cast %add3A_2405 : i32 to index
        %swap3A_2532 = arith.constant 96 : index
        %swap3A_2533 = tpu.vector_load %arg9[%swap3A_2531, %swap3A_2532] {strides = array<i32>} : memref<128x128xf32, #tpu.memory_space<vmem>>, vector<1x16xf32>,
        %swap3A_2534 = vector.shape_cast %swap3A_2533 : vector<1x16xf32> to vector<16xf32>
        %swap3A_2535 = vector.shape_cast %mul3A_2530 : vector<16xf32> to vector<1x16xf32>
        tpu.vector_store %arg9[%swap3A_2531, %swap3A_2532], %swap3A_2535 {strides = array<i32>} : memref<128x128xf32, #tpu.memory_space<vmem>>, vector<1x16xf32>,
        %get3A_2536 = arith.index_cast %add3A_2405 : i32 to index
        %get3A_2537 = arith.constant 96 : index
        %get3A_2538 = tpu.vector_load %arg10[%get3A_2536, %get3A_2537] {strides = array<i32>} : memref<128x128xf32, #tpu.memory_space<vmem>>, vector<1x16xf32>,
        %get3A_2539 = vector.shape_cast %get3A_2538 : vector<1x16xf32> to vector<16xf32>
        %mul3A_2540 = arith.mulf %get3A_2539, %gather3A_2401 : vector<16xf32>
        %swap3A_2541 = arith.index_cast %add3A_2405 : i32 to index
        %swap3A_2542 = arith.constant 96 : index
        %swap3A_2543 = tpu.vector_load %arg10[%swap3A_2541, %swap3A_2542] {strides = array<i32>} : memref<128x128xf32, #tpu.memory_space<vmem>>, vector<1x16xf32>,
        %swap3A_2544 = vector.shape_cast %swap3A_2543 : vector<1x16xf32> to vector<16xf32>
        %swap3A_2545 = vector.shape_cast %mul3A_2540 : vector<16xf32> to vector<1x16xf32>
        tpu.vector_store %arg10[%swap3A_2541, %swap3A_2542], %swap3A_2545 {strides = array<i32>} : memref<128x128xf32, #tpu.memory_space<vmem>>, vector<1x16xf32>,
        %get3A_2546 = arith.index_cast %add3A_2405 : i32 to index
        %get3A_2547 = arith.constant 112 : index
        %get3A_2548 = tpu.vector_load %arg9[%get3A_2546, %get3A_2547] {strides = array<i32>} : memref<128x128xf32, #tpu.memory_space<vmem>>, vector<1x16xf32>,
        %get3A_2549 = vector.shape_cast %get3A_2548 : vector<1x16xf32> to vector<16xf32>
        %mul3A_2550 = arith.mulf %get3A_2549, %gather3A_2401 : vector<16xf32>
        %swap3A_2551 = arith.index_cast %add3A_2405 : i32 to index
        %swap3A_2552 = arith.constant 112 : index
        %swap3A_2553 = tpu.vector_load %arg9[%swap3A_2551, %swap3A_2552] {strides = array<i32>} : memref<128x128xf32, #tpu.memory_space<vmem>>, vector<1x16xf32>,
        %swap3A_2554 = vector.shape_cast %swap3A_2553 : vector<1x16xf32> to vector<16xf32>
        %swap3A_2555 = vector.shape_cast %mul3A_2550 : vector<16xf32> to vector<1x16xf32>
        tpu.vector_store %arg9[%swap3A_2551, %swap3A_2552], %swap3A_2555 {strides = array<i32>} : memref<128x128xf32, #tpu.memory_space<vmem>>, vector<1x16xf32>,
        %get3A_2556 = arith.index_cast %add3A_2405 : i32 to index
        %get3A_2557 = arith.constant 112 : index
        %get3A_2558 = tpu.vector_load %arg10[%get3A_2556, %get3A_2557] {strides = array<i32>} : memref<128x128xf32, #tpu.memory_space<vmem>>, vector<1x16xf32>,
        %get3A_2559 = vector.shape_cast %get3A_2558 : vector<1x16xf32> to vector<16xf32>
        %mul3A_2560 = arith.mulf %get3A_2559, %gather3A_2401 : vector<16xf32>
        %swap3A_2561 = arith.index_cast %add3A_2405 : i32 to index
        %swap3A_2562 = arith.constant 112 : index
        %swap3A_2563 = tpu.vector_load %arg10[%swap3A_2561, %swap3A_2562] {strides = array<i32>} : memref<128x128xf32, #tpu.memory_space<vmem>>, vector<1x16xf32>,
        %swap3A_2564 = vector.shape_cast %swap3A_2563 : vector<1x16xf32> to vector<16xf32>
        %swap3A_2565 = vector.shape_cast %mul3A_2560 : vector<16xf32> to vector<1x16xf32>
        tpu.vector_store %arg10[%swap3A_2561, %swap3A_2562], %swap3A_2565 {strides = array<i32>} : memref<128x128xf32, #tpu.memory_space<vmem>>, vector<1x16xf32>,
        %broadcast_in_dim3A_2566 = arith.constant 15 : i32
        %broadcast_in_dim3A_2567 = vector.broadcast %broadcast_in_dim3A_2566 : i32 to vector<16x1xi32>
        %gather3A_2568 = vector.shape_cast %broadcast_in_dim3A_2567 : vector<16x1xi32> to vector<16xi32>
        %gather3A_2569 = tpu.dynamic_gather %get3A_48[%gather3A_2568] in [0] : vector<16xf32>, vector<16xi32> -> vector<16xf32>
        %mul3A_2570 = arith.constant 16 : i32
        %mul3A_2571 = arith.muli %scan3A_44, %mul3A_2570 : i32
        %add3A_2572 = arith.constant 15 : i32
        %add3A_2573 = arith.addi %mul3A_2571, %add3A_2572 : i32
        %get3A_2574 = arith.index_cast %add3A_2573 : i32 to index
        %get3A_2575 = arith.constant 0 : index
        %get3A_2576 = tpu.vector_load %arg9[%get3A_2574, %get3A_2575] {strides = array<i32>} : memref<128x128xf32, #tpu.memory_space<vmem>>, vector<1x16xf32>,
        %get3A_2577 = vector.shape_cast %get3A_2576 : vector<1x16xf32> to vector<16xf32>
        %mul3A_2578 = arith.mulf %get3A_2577, %gather3A_2569 : vector<16xf32>
        %swap3A_2579 = arith.index_cast %add3A_2573 : i32 to index
        %swap3A_2580 = arith.constant 0 : index
        %swap3A_2581 = tpu.vector_load %arg9[%swap3A_2579, %swap3A_2580] {strides = array<i32>} : memref<128x128xf32, #tpu.memory_space<vmem>>, vector<1x16xf32>,
        %swap3A_2582 = vector.shape_cast %swap3A_2581 : vector<1x16xf32> to vector<16xf32>
        %swap3A_2583 = vector.shape_cast %mul3A_2578 : vector<16xf32> to vector<1x16xf32>
        tpu.vector_store %arg9[%swap3A_2579, %swap3A_2580], %swap3A_2583 {strides = array<i32>} : memref<128x128xf32, #tpu.memory_space<vmem>>, vector<1x16xf32>,
        %get3A_2584 = arith.index_cast %add3A_2573 : i32 to index
        %get3A_2585 = arith.constant 0 : index
        %get3A_2586 = tpu.vector_load %arg10[%get3A_2584, %get3A_2585] {strides = array<i32>} : memref<128x128xf32, #tpu.memory_space<vmem>>, vector<1x16xf32>,
        %get3A_2587 = vector.shape_cast %get3A_2586 : vector<1x16xf32> to vector<16xf32>
        %mul3A_2588 = arith.mulf %get3A_2587, %gather3A_2569 : vector<16xf32>
        %swap3A_2589 = arith.index_cast %add3A_2573 : i32 to index
        %swap3A_2590 = arith.constant 0 : index
        %swap3A_2591 = tpu.vector_load %arg10[%swap3A_2589, %swap3A_2590] {strides = array<i32>} : memref<128x128xf32, #tpu.memory_space<vmem>>, vector<1x16xf32>,
        %swap3A_2592 = vector.shape_cast %swap3A_2591 : vector<1x16xf32> to vector<16xf32>
        %swap3A_2593 = vector.shape_cast %mul3A_2588 : vector<16xf32> to vector<1x16xf32>
        tpu.vector_store %arg10[%swap3A_2589, %swap3A_2590], %swap3A_2593 {strides = array<i32>} : memref<128x128xf32, #tpu.memory_space<vmem>>, vector<1x16xf32>,
        %get3A_2594 = arith.index_cast %add3A_2573 : i32 to index
        %get3A_2595 = arith.constant 16 : index
        %get3A_2596 = tpu.vector_load %arg9[%get3A_2594, %get3A_2595] {strides = array<i32>} : memref<128x128xf32, #tpu.memory_space<vmem>>, vector<1x16xf32>,
        %get3A_2597 = vector.shape_cast %get3A_2596 : vector<1x16xf32> to vector<16xf32>
        %mul3A_2598 = arith.mulf %get3A_2597, %gather3A_2569 : vector<16xf32>
        %swap3A_2599 = arith.index_cast %add3A_2573 : i32 to index
        %swap3A_2600 = arith.constant 16 : index
        %swap3A_2601 = tpu.vector_load %arg9[%swap3A_2599, %swap3A_2600] {strides = array<i32>} : memref<128x128xf32, #tpu.memory_space<vmem>>, vector<1x16xf32>,
        %swap3A_2602 = vector.shape_cast %swap3A_2601 : vector<1x16xf32> to vector<16xf32>
        %swap3A_2603 = vector.shape_cast %mul3A_2598 : vector<16xf32> to vector<1x16xf32>
        tpu.vector_store %arg9[%swap3A_2599, %swap3A_2600], %swap3A_2603 {strides = array<i32>} : memref<128x128xf32, #tpu.memory_space<vmem>>, vector<1x16xf32>,
        %get3A_2604 = arith.index_cast %add3A_2573 : i32 to index
        %get3A_2605 = arith.constant 16 : index
        %get3A_2606 = tpu.vector_load %arg10[%get3A_2604, %get3A_2605] {strides = array<i32>} : memref<128x128xf32, #tpu.memory_space<vmem>>, vector<1x16xf32>,
        %get3A_2607 = vector.shape_cast %get3A_2606 : vector<1x16xf32> to vector<16xf32>
        %mul3A_2608 = arith.mulf %get3A_2607, %gather3A_2569 : vector<16xf32>
        %swap3A_2609 = arith.index_cast %add3A_2573 : i32 to index
        %swap3A_2610 = arith.constant 16 : index
        %swap3A_2611 = tpu.vector_load %arg10[%swap3A_2609, %swap3A_2610] {strides = array<i32>} : memref<128x128xf32, #tpu.memory_space<vmem>>, vector<1x16xf32>,
        %swap3A_2612 = vector.shape_cast %swap3A_2611 : vector<1x16xf32> to vector<16xf32>
        %swap3A_2613 = vector.shape_cast %mul3A_2608 : vector<16xf32> to vector<1x16xf32>
        tpu.vector_store %arg10[%swap3A_2609, %swap3A_2610], %swap3A_2613 {strides = array<i32>} : memref<128x128xf32, #tpu.memory_space<vmem>>, vector<1x16xf32>,
        %get3A_2614 = arith.index_cast %add3A_2573 : i32 to index
        %get3A_2615 = arith.constant 32 : index
        %get3A_2616 = tpu.vector_load %arg9[%get3A_2614, %get3A_2615] {strides = array<i32>} : memref<128x128xf32, #tpu.memory_space<vmem>>, vector<1x16xf32>,
        %get3A_2617 = vector.shape_cast %get3A_2616 : vector<1x16xf32> to vector<16xf32>
        %mul3A_2618 = arith.mulf %get3A_2617, %gather3A_2569 : vector<16xf32>
        %swap3A_2619 = arith.index_cast %add3A_2573 : i32 to index
        %swap3A_2620 = arith.constant 32 : index
        %swap3A_2621 = tpu.vector_load %arg9[%swap3A_2619, %swap3A_2620] {strides = array<i32>} : memref<128x128xf32, #tpu.memory_space<vmem>>, vector<1x16xf32>,
        %swap3A_2622 = vector.shape_cast %swap3A_2621 : vector<1x16xf32> to vector<16xf32>
        %swap3A_2623 = vector.shape_cast %mul3A_2618 : vector<16xf32> to vector<1x16xf32>
        tpu.vector_store %arg9[%swap3A_2619, %swap3A_2620], %swap3A_2623 {strides = array<i32>} : memref<128x128xf32, #tpu.memory_space<vmem>>, vector<1x16xf32>,
        %get3A_2624 = arith.index_cast %add3A_2573 : i32 to index
        %get3A_2625 = arith.constant 32 : index
        %get3A_2626 = tpu.vector_load %arg10[%get3A_2624, %get3A_2625] {strides = array<i32>} : memref<128x128xf32, #tpu.memory_space<vmem>>, vector<1x16xf32>,
        %get3A_2627 = vector.shape_cast %get3A_2626 : vector<1x16xf32> to vector<16xf32>
        %mul3A_2628 = arith.mulf %get3A_2627, %gather3A_2569 : vector<16xf32>
        %swap3A_2629 = arith.index_cast %add3A_2573 : i32 to index
        %swap3A_2630 = arith.constant 32 : index
        %swap3A_2631 = tpu.vector_load %arg10[%swap3A_2629, %swap3A_2630] {strides = array<i32>} : memref<128x128xf32, #tpu.memory_space<vmem>>, vector<1x16xf32>,
        %swap3A_2632 = vector.shape_cast %swap3A_2631 : vector<1x16xf32> to vector<16xf32>
        %swap3A_2633 = vector.shape_cast %mul3A_2628 : vector<16xf32> to vector<1x16xf32>
        tpu.vector_store %arg10[%swap3A_2629, %swap3A_2630], %swap3A_2633 {strides = array<i32>} : memref<128x128xf32, #tpu.memory_space<vmem>>, vector<1x16xf32>,
        %get3A_2634 = arith.index_cast %add3A_2573 : i32 to index
        %get3A_2635 = arith.constant 48 : index
        %get3A_2636 = tpu.vector_load %arg9[%get3A_2634, %get3A_2635] {strides = array<i32>} : memref<128x128xf32, #tpu.memory_space<vmem>>, vector<1x16xf32>,
        %get3A_2637 = vector.shape_cast %get3A_2636 : vector<1x16xf32> to vector<16xf32>
        %mul3A_2638 = arith.mulf %get3A_2637, %gather3A_2569 : vector<16xf32>
        %swap3A_2639 = arith.index_cast %add3A_2573 : i32 to index
        %swap3A_2640 = arith.constant 48 : index
        %swap3A_2641 = tpu.vector_load %arg9[%swap3A_2639, %swap3A_2640] {strides = array<i32>} : memref<128x128xf32, #tpu.memory_space<vmem>>, vector<1x16xf32>,
        %swap3A_2642 = vector.shape_cast %swap3A_2641 : vector<1x16xf32> to vector<16xf32>
        %swap3A_2643 = vector.shape_cast %mul3A_2638 : vector<16xf32> to vector<1x16xf32>
        tpu.vector_store %arg9[%swap3A_2639, %swap3A_2640], %swap3A_2643 {strides = array<i32>} : memref<128x128xf32, #tpu.memory_space<vmem>>, vector<1x16xf32>,
        %get3A_2644 = arith.index_cast %add3A_2573 : i32 to index
        %get3A_2645 = arith.constant 48 : index
        %get3A_2646 = tpu.vector_load %arg10[%get3A_2644, %get3A_2645] {strides = array<i32>} : memref<128x128xf32, #tpu.memory_space<vmem>>, vector<1x16xf32>,
        %get3A_2647 = vector.shape_cast %get3A_2646 : vector<1x16xf32> to vector<16xf32>
        %mul3A_2648 = arith.mulf %get3A_2647, %gather3A_2569 : vector<16xf32>
        %swap3A_2649 = arith.index_cast %add3A_2573 : i32 to index
        %swap3A_2650 = arith.constant 48 : index
        %swap3A_2651 = tpu.vector_load %arg10[%swap3A_2649, %swap3A_2650] {strides = array<i32>} : memref<128x128xf32, #tpu.memory_space<vmem>>, vector<1x16xf32>,
        %swap3A_2652 = vector.shape_cast %swap3A_2651 : vector<1x16xf32> to vector<16xf32>
        %swap3A_2653 = vector.shape_cast %mul3A_2648 : vector<16xf32> to vector<1x16xf32>
        tpu.vector_store %arg10[%swap3A_2649, %swap3A_2650], %swap3A_2653 {strides = array<i32>} : memref<128x128xf32, #tpu.memory_space<vmem>>, vector<1x16xf32>,
        %get3A_2654 = arith.index_cast %add3A_2573 : i32 to index
        %get3A_2655 = arith.constant 64 : index
        %get3A_2656 = tpu.vector_load %arg9[%get3A_2654, %get3A_2655] {strides = array<i32>} : memref<128x128xf32, #tpu.memory_space<vmem>>, vector<1x16xf32>,
        %get3A_2657 = vector.shape_cast %get3A_2656 : vector<1x16xf32> to vector<16xf32>
        %mul3A_2658 = arith.mulf %get3A_2657, %gather3A_2569 : vector<16xf32>
        %swap3A_2659 = arith.index_cast %add3A_2573 : i32 to index
        %swap3A_2660 = arith.constant 64 : index
        %swap3A_2661 = tpu.vector_load %arg9[%swap3A_2659, %swap3A_2660] {strides = array<i32>} : memref<128x128xf32, #tpu.memory_space<vmem>>, vector<1x16xf32>,
        %swap3A_2662 = vector.shape_cast %swap3A_2661 : vector<1x16xf32> to vector<16xf32>
        %swap3A_2663 = vector.shape_cast %mul3A_2658 : vector<16xf32> to vector<1x16xf32>
        tpu.vector_store %arg9[%swap3A_2659, %swap3A_2660], %swap3A_2663 {strides = array<i32>} : memref<128x128xf32, #tpu.memory_space<vmem>>, vector<1x16xf32>,
        %get3A_2664 = arith.index_cast %add3A_2573 : i32 to index
        %get3A_2665 = arith.constant 64 : index
        %get3A_2666 = tpu.vector_load %arg10[%get3A_2664, %get3A_2665] {strides = array<i32>} : memref<128x128xf32, #tpu.memory_space<vmem>>, vector<1x16xf32>,
        %get3A_2667 = vector.shape_cast %get3A_2666 : vector<1x16xf32> to vector<16xf32>
        %mul3A_2668 = arith.mulf %get3A_2667, %gather3A_2569 : vector<16xf32>
        %swap3A_2669 = arith.index_cast %add3A_2573 : i32 to index
        %swap3A_2670 = arith.constant 64 : index
        %swap3A_2671 = tpu.vector_load %arg10[%swap3A_2669, %swap3A_2670] {strides = array<i32>} : memref<128x128xf32, #tpu.memory_space<vmem>>, vector<1x16xf32>,
        %swap3A_2672 = vector.shape_cast %swap3A_2671 : vector<1x16xf32> to vector<16xf32>
        %swap3A_2673 = vector.shape_cast %mul3A_2668 : vector<16xf32> to vector<1x16xf32>
        tpu.vector_store %arg10[%swap3A_2669, %swap3A_2670], %swap3A_2673 {strides = array<i32>} : memref<128x128xf32, #tpu.memory_space<vmem>>, vector<1x16xf32>,
        %get3A_2674 = arith.index_cast %add3A_2573 : i32 to index
        %get3A_2675 = arith.constant 80 : index
        %get3A_2676 = tpu.vector_load %arg9[%get3A_2674, %get3A_2675] {strides = array<i32>} : memref<128x128xf32, #tpu.memory_space<vmem>>, vector<1x16xf32>,
        %get3A_2677 = vector.shape_cast %get3A_2676 : vector<1x16xf32> to vector<16xf32>
        %mul3A_2678 = arith.mulf %get3A_2677, %gather3A_2569 : vector<16xf32>
        %swap3A_2679 = arith.index_cast %add3A_2573 : i32 to index
        %swap3A_2680 = arith.constant 80 : index
        %swap3A_2681 = tpu.vector_load %arg9[%swap3A_2679, %swap3A_2680] {strides = array<i32>} : memref<128x128xf32, #tpu.memory_space<vmem>>, vector<1x16xf32>,
        %swap3A_2682 = vector.shape_cast %swap3A_2681 : vector<1x16xf32> to vector<16xf32>
        %swap3A_2683 = vector.shape_cast %mul3A_2678 : vector<16xf32> to vector<1x16xf32>
        tpu.vector_store %arg9[%swap3A_2679, %swap3A_2680], %swap3A_2683 {strides = array<i32>} : memref<128x128xf32, #tpu.memory_space<vmem>>, vector<1x16xf32>,
        %get3A_2684 = arith.index_cast %add3A_2573 : i32 to index
        %get3A_2685 = arith.constant 80 : index
        %get3A_2686 = tpu.vector_load %arg10[%get3A_2684, %get3A_2685] {strides = array<i32>} : memref<128x128xf32, #tpu.memory_space<vmem>>, vector<1x16xf32>,
        %get3A_2687 = vector.shape_cast %get3A_2686 : vector<1x16xf32> to vector<16xf32>
        %mul3A_2688 = arith.mulf %get3A_2687, %gather3A_2569 : vector<16xf32>
        %swap3A_2689 = arith.index_cast %add3A_2573 : i32 to index
        %swap3A_2690 = arith.constant 80 : index
        %swap3A_2691 = tpu.vector_load %arg10[%swap3A_2689, %swap3A_2690] {strides = array<i32>} : memref<128x128xf32, #tpu.memory_space<vmem>>, vector<1x16xf32>,
        %swap3A_2692 = vector.shape_cast %swap3A_2691 : vector<1x16xf32> to vector<16xf32>
        %swap3A_2693 = vector.shape_cast %mul3A_2688 : vector<16xf32> to vector<1x16xf32>
        tpu.vector_store %arg10[%swap3A_2689, %swap3A_2690], %swap3A_2693 {strides = array<i32>} : memref<128x128xf32, #tpu.memory_space<vmem>>, vector<1x16xf32>,
        %get3A_2694 = arith.index_cast %add3A_2573 : i32 to index
        %get3A_2695 = arith.constant 96 : index
        %get3A_2696 = tpu.vector_load %arg9[%get3A_2694, %get3A_2695] {strides = array<i32>} : memref<128x128xf32, #tpu.memory_space<vmem>>, vector<1x16xf32>,
        %get3A_2697 = vector.shape_cast %get3A_2696 : vector<1x16xf32> to vector<16xf32>
        %mul3A_2698 = arith.mulf %get3A_2697, %gather3A_2569 : vector<16xf32>
        %swap3A_2699 = arith.index_cast %add3A_2573 : i32 to index
        %swap3A_2700 = arith.constant 96 : index
        %swap3A_2701 = tpu.vector_load %arg9[%swap3A_2699, %swap3A_2700] {strides = array<i32>} : memref<128x128xf32, #tpu.memory_space<vmem>>, vector<1x16xf32>,
        %swap3A_2702 = vector.shape_cast %swap3A_2701 : vector<1x16xf32> to vector<16xf32>
        %swap3A_2703 = vector.shape_cast %mul3A_2698 : vector<16xf32> to vector<1x16xf32>
        tpu.vector_store %arg9[%swap3A_2699, %swap3A_2700], %swap3A_2703 {strides = array<i32>} : memref<128x128xf32, #tpu.memory_space<vmem>>, vector<1x16xf32>,
        %get3A_2704 = arith.index_cast %add3A_2573 : i32 to index
        %get3A_2705 = arith.constant 96 : index
        %get3A_2706 = tpu.vector_load %arg10[%get3A_2704, %get3A_2705] {strides = array<i32>} : memref<128x128xf32, #tpu.memory_space<vmem>>, vector<1x16xf32>,
        %get3A_2707 = vector.shape_cast %get3A_2706 : vector<1x16xf32> to vector<16xf32>
        %mul3A_2708 = arith.mulf %get3A_2707, %gather3A_2569 : vector<16xf32>
        %swap3A_2709 = arith.index_cast %add3A_2573 : i32 to index
        %swap3A_2710 = arith.constant 96 : index
        %swap3A_2711 = tpu.vector_load %arg10[%swap3A_2709, %swap3A_2710] {strides = array<i32>} : memref<128x128xf32, #tpu.memory_space<vmem>>, vector<1x16xf32>,
        %swap3A_2712 = vector.shape_cast %swap3A_2711 : vector<1x16xf32> to vector<16xf32>
        %swap3A_2713 = vector.shape_cast %mul3A_2708 : vector<16xf32> to vector<1x16xf32>
        tpu.vector_store %arg10[%swap3A_2709, %swap3A_2710], %swap3A_2713 {strides = array<i32>} : memref<128x128xf32, #tpu.memory_space<vmem>>, vector<1x16xf32>,
        %get3A_2714 = arith.index_cast %add3A_2573 : i32 to index
        %get3A_2715 = arith.constant 112 : index
        %get3A_2716 = tpu.vector_load %arg9[%get3A_2714, %get3A_2715] {strides = array<i32>} : memref<128x128xf32, #tpu.memory_space<vmem>>, vector<1x16xf32>,
        %get3A_2717 = vector.shape_cast %get3A_2716 : vector<1x16xf32> to vector<16xf32>
        %mul3A_2718 = arith.mulf %get3A_2717, %gather3A_2569 : vector<16xf32>
        %swap3A_2719 = arith.index_cast %add3A_2573 : i32 to index
        %swap3A_2720 = arith.constant 112 : index
        %swap3A_2721 = tpu.vector_load %arg9[%swap3A_2719, %swap3A_2720] {strides = array<i32>} : memref<128x128xf32, #tpu.memory_space<vmem>>, vector<1x16xf32>,
        %swap3A_2722 = vector.shape_cast %swap3A_2721 : vector<1x16xf32> to vector<16xf32>
        %swap3A_2723 = vector.shape_cast %mul3A_2718 : vector<16xf32> to vector<1x16xf32>
        tpu.vector_store %arg9[%swap3A_2719, %swap3A_2720], %swap3A_2723 {strides = array<i32>} : memref<128x128xf32, #tpu.memory_space<vmem>>, vector<1x16xf32>,
        %get3A_2724 = arith.index_cast %add3A_2573 : i32 to index
        %get3A_2725 = arith.constant 112 : index
        %get3A_2726 = tpu.vector_load %arg10[%get3A_2724, %get3A_2725] {strides = array<i32>} : memref<128x128xf32, #tpu.memory_space<vmem>>, vector<1x16xf32>,
        %get3A_2727 = vector.shape_cast %get3A_2726 : vector<1x16xf32> to vector<16xf32>
        %mul3A_2728 = arith.mulf %get3A_2727, %gather3A_2569 : vector<16xf32>
        %swap3A_2729 = arith.index_cast %add3A_2573 : i32 to index
        %swap3A_2730 = arith.constant 112 : index
        %swap3A_2731 = tpu.vector_load %arg10[%swap3A_2729, %swap3A_2730] {strides = array<i32>} : memref<128x128xf32, #tpu.memory_space<vmem>>, vector<1x16xf32>,
        %swap3A_2732 = vector.shape_cast %swap3A_2731 : vector<1x16xf32> to vector<16xf32>
        %swap3A_2733 = vector.shape_cast %mul3A_2728 : vector<16xf32> to vector<1x16xf32>
        tpu.vector_store %arg10[%swap3A_2729, %swap3A_2730], %swap3A_2733 {strides = array<i32>} : memref<128x128xf32, #tpu.memory_space<vmem>>, vector<1x16xf32>,
      }
      %scan3A_27 = arith.constant 8 : i32
      %dma_start3A_28 = arith.constant 0 : i32
      %dma_start3A_29 = tpu.memref_slice %arg6[%add3A_11, %dma_start3A_28] : memref<204800x256xf32, #tpu.memory_space<hbm>> -> memref<128x128xf32, #tpu.memory_space<hbm>>
      %dma_start3A_30 = arith.constant 0 : i32
      %dma_start3A_31 = tpu.memref_slice %arg6[%add3A_11, %dma_start3A_30] : memref<204800x256xf32, #tpu.memory_space<hbm>> -> memref<128x128xf32, #tpu.memory_space<hbm>>
      tpu.enqueue_dma source(%arg9 : memref<128x128xf32, #tpu.memory_space<vmem>>) target(%dma_start3A_31 : memref<128x128xf32, #tpu.memory_space<hbm>>) target_semaphore(%arg11 : memref<!tpu.dma_semaphore, #tpu.memory_space<semaphore_mem>>)
      %dma_start3A_32 = arith.constant 128 : i32
      %dma_start3A_33 = tpu.memref_slice %arg6[%add3A_11, %dma_start3A_32] : memref<204800x256xf32, #tpu.memory_space<hbm>> -> memref<128x128xf32, #tpu.memory_space<hbm>>
      %dma_start3A_34 = arith.constant 128 : i32
      %dma_start3A_35 = tpu.memref_slice %arg6[%add3A_11, %dma_start3A_34] : memref<204800x256xf32, #tpu.memory_space<hbm>> -> memref<128x128xf32, #tpu.memory_space<hbm>>
      tpu.enqueue_dma source(%arg10 : memref<128x128xf32, #tpu.memory_space<vmem>>) target(%dma_start3A_35 : memref<128x128xf32, #tpu.memory_space<hbm>>) target_semaphore(%arg11 : memref<!tpu.dma_semaphore, #tpu.memory_space<semaphore_mem>>)
      %dma_wait3A_36 = arith.constant 0 : i32
      %dma_wait3A_37 = tpu.memref_slice %arg6[%add3A_11, %dma_wait3A_36] : memref<204800x256xf32, #tpu.memory_space<hbm>> -> memref<128x128xf32, #tpu.memory_space<hbm>>
      %dma_wait3A_38 = arith.constant 0 : i32
      %dma_wait3A_39 = tpu.memref_slice %arg6[%add3A_11, %dma_wait3A_38] : memref<204800x256xf32, #tpu.memory_space<hbm>> -> memref<128x128xf32, #tpu.memory_space<hbm>>
      tpu.wait_dma2 semaphore(%arg11 : memref<!tpu.dma_semaphore, #tpu.memory_space<semaphore_mem>>) src(%arg9 : memref<128x128xf32, #tpu.memory_space<vmem>>) dst(%dma_wait3A_39 : memref<128x128xf32, #tpu.memory_space<hbm>>)
      %dma_wait3A_40 = arith.constant 128 : i32
      %dma_wait3A_41 = tpu.memref_slice %arg6[%add3A_11, %dma_wait3A_40] : memref<204800x256xf32, #tpu.memory_space<hbm>> -> memref<128x128xf32, #tpu.memory_space<hbm>>
      %dma_wait3A_42 = arith.constant 128 : i32
      %dma_wait3A_43 = tpu.memref_slice %arg6[%add3A_11, %dma_wait3A_42] : memref<204800x256xf32, #tpu.memory_space<hbm>> -> memref<128x128xf32, #tpu.memory_space<hbm>>
      tpu.wait_dma2 semaphore(%arg11 : memref<!tpu.dma_semaphore, #tpu.memory_space<semaphore_mem>>) src(%arg10 : memref<128x128xf32, #tpu.memory_space<vmem>>) dst(%dma_wait3A_43 : memref<128x128xf32, #tpu.memory_space<hbm>>)
    }
    %scan3A_7 = arith.constant 50 : i32
    return
  }
}

</mosaic_0001>

<sc_bundles>
// kernel: kernel.3.cloned.1.call-start
scs
__scs_entry_jumppad:
0x0: {  	(pc) =	sbr.rel $0x88, $3  }
0x1: {  	(tag) =	ssettag $0x0;
	lr =	simm.s32 $0x1  }
0x2: {  	[smem:$0x3F9D] =	sst lr;
	_ =	strace $0xD0000000  }
0x3: {  	_ = 	snop  }
0x4: {  	_ = 	snop  }
0x5: {  	_ = 	snop  }
0x6: {  	_ = 	snop  }
0x7: {  	_ = 	snop  }
__scs_overlays_trampoline_lowered:
0x8: {  	[smem:$0x3FAC] =	sst s0  }
0x9: {  	[smem:$0x3FAD] =	sst s1  }
0xa: {  	[smem:$0x3FAE] =	sst s2  }
0xb: {  	[smem:$0x3FAF] =	sst s3  }
0xc: {  	[smem:$0x3FB0] =	sst s4  }
0xd: {  	[smem:$0x3FB1] =	sst s5  }
0xe: {  	[smem:$0x3FB2] =	sst s6  }
0xf: {  	[smem:$0x3FB3] =	sst s7  }
0x10: {  	[smem:$0x3FB4] =	sst s8  }
0x11: {  	[smem:$0x3FB5] =	sst s9;
	s0 =	simm.s32 @!p0 $0x0  }
0x12: {  	s1 =	sld [smem:$0x3F9B];
	s0 =	simm.s32 @p0 $0x1  }
0x13: {  	[smem:$0x3FB6] =	sst s0;
	s0 =	simm.s32 @!p1 $0x0  }
0x14: {  	s2 =	sld [smem:$0x3F9A];
	s0 =	simm.s32 @p1 $0x1  }
0x15: {  	[smem:$0x3FB7] =	sst s0;
	s0 =	simm.s32 @!p2 $0x0  }
0x16: {  	s3 =	sld [smem:$0x3FDB];
	s0 =	simm.s32 @p2 $0x1  }
0x17: {  	s4 =	simm.s32 $0x1BF5;
	[smem:$0x3FB9] =	sst s0  }
0x18: {  	s0 =	sld [smem:$0x3F9C];
	_ =	swait.ge [sflag:s4], $0x0  }
0x19: {  	s7 =	sld [smem:$0x3F9D]  }
0x1a: {  	s8 =	sadd.s32 $0xFFFFE003, lr  }
0x1b: {  	s9 =	sadd.s32 $0xFFFFFEF7, lr;
	s5 =	simm.s32 $0xFFFFFFFF;
	p2 =	slt.u32 s8, $0xFFFFF086  }
0x1c: {  	p1 =	slt.u32 s9, $0xF7A;
	s5 =	simm.s32 @!p2 $0x0  }
0x1d: {  	s5 =	simm.s32 @p1 $0x1;
	p0 =	seq.s32 s7, s2  }
0x1e: {  	s7 =	smul.u32 @!p0 $0xF7A, s2;
	p2 =	seq.s32 @!p0 s5, $0x0  }
0x1f: {  	s9 =	smul.u32 $0xF7A, s1;
	s8 =	simm.s32 @!p0 $0x1BF5;
	p2 =	por !p2, p0  }
0x20: {  	[sflag:s8] =	ssyncset.s32 @!p0 $0xFFFFF086;
	s6 =	sadd.s32 @!p0 s3, s7;
	s7 =	simm.s32 @!p0 $0x108  }
0x21: {  	s3 =	sadd.s32 s3, s9;
	s6 =	sadd.s32 @!p0 $0x88, s6;
	s7 =	simm.s32 @p2 $0x1082  }
0x22: {  	[simem:s7], [sflag:s8] =	dma.local @!p0 [hbm:s6], $0xF7A  }
0x23: {  	s9 =	sor.u32 $0xD0000000, s2;
	s6 =	simm.s32 $0x108;
	_ =	swait.ge @!p0 [sflag:s8], $0x0  }
0x24: {  	s3 =	sadd.s32 $0x88, s3;
	s6 =	simm.s32 @!p1 $0x1082;
	[sflag:s4] =	ssyncset.s32 $0xFFFFF086  }
0x25: {  	[simem:s6], [sflag:s4] =	dma.local [hbm:s3], $0xF7A  }
0x26: {  	[smem:$0x3F9D] =	sst s1;
	(tag) =	ssettag s2;
	_ =	strace s9  }
0x27: {  	s1 =	sld [smem:$0x3FAD]  }
0x28: {  	s2 =	sld [smem:$0x3FAE]  }
0x29: {  	s4 =	sld [smem:$0x3FB0]  }
0x2a: {  	p0 =	seq.s32 s5, $0x0;
	s5 =	sld [smem:$0x3FB1]  }
0x2b: {  	s6 =	sld [smem:$0x3FB2]  }
0x2c: {  	s7 =	sld [smem:$0x3FB3]  }
0x2d: {  	s3 =	simm.s32 $0x108;
	s8 =	sld [smem:$0x3FB4]  }
0x2e: {  	s3 =	simm.s32 @!p0 $0x1082;
	s9 =	sld [smem:$0x3FB5]  }
0x2f: {  	lr =	sadd.s32 s0, s3;
	s0 =	sld [smem:$0x3FAC]  }
0x30: {  	s3 =	sld [smem:$0x3FAF]  }
0x31: {  	[smem:$0x3FB8] =	sst s10  }
0x32: {  	s10 =	sld [smem:$0x3FB6];
	_ =	sdelay $0x3  }
0x33: {  	p0 =	seq.s32 s10, $0x1;
	s10 =	sld [smem:$0x3FB8];
	_ =	sdelay $0x3  }
0x34: {  	[smem:$0x3FB8] =	sst s10  }
0x35: {  	s10 =	sld [smem:$0x3FB7];
	_ =	sdelay $0x3  }
0x36: {  	p1 =	seq.s32 s10, $0x1;
	s10 =	sld [smem:$0x3FB8];
	_ =	sdelay $0x3  }
0x37: {  	[smem:$0x3FB8] =	sst s10  }
0x38: {  	s10 =	sld [smem:$0x3FB9]  }
0x39: {  	_ = 	snop;
	(pc) =	sbr.ind lr, $3  }
0x3a: {  	_ = 	snop  }
0x3b: {  	_ = 	snop  }
0x3c: {  	p2 =	seq.s32 s10, $0x1;
	s10 =	sld [smem:$0x3FB8]  }
0x3d: {  	_ =	shalt  }
0x3e: {  	_ =	shalt  }
0x3f: {  	_ =	shalt  }
0x40: {  	_ =	shalt  }
0x41: {  	_ =	shalt  }
0x42: {  	_ =	shalt  }
0x43: {  	_ =	shalt  }
0x44: {  	_ =	shalt  }
0x45: {  	_ =	shalt  }
0x46: {  	_ =	shalt  }
0x47: {  	_ =	shalt  }
0x48: {  	_ =	shalt  }
0x49: {  	_ =	shalt  }
0x4a: {  	_ =	shalt  }
0x4b: {  	_ =	shalt  }
0x4c: {  	_ =	shalt  }
0x4d: {  	_ =	shalt  }
0x4e: {  	_ =	shalt  }
0x4f: {  	_ =	shalt  }
0x50: {  	_ =	shalt  }
0x51: {  	_ =	shalt  }
0x52: {  	_ =	shalt  }
0x53: {  	_ =	shalt  }
0x54: {  	_ =	shalt  }
0x55: {  	_ =	shalt  }
0x56: {  	_ =	shalt  }
0x57: {  	_ =	shalt  }
0x58: {  	_ =	shalt  }
0x59: {  	_ =	shalt  }
0x5a: {  	_ =	shalt  }
0x5b: {  	_ =	shalt  }
0x5c: {  	_ =	shalt  }
0x5d: {  	_ =	shalt  }
0x5e: {  	_ =	shalt  }
0x5f: {  	_ =	shalt  }
0x60: {  	_ =	shalt  }
0x61: {  	_ =	shalt  }
0x62: {  	_ =	shalt  }
0x63: {  	_ =	shalt  }
0x64: {  	_ =	shalt  }
0x65: {  	_ =	shalt  }
0x66: {  	_ =	shalt  }
0x67: {  	_ =	shalt  }
0x68: {  	_ =	shalt  }
0x69: {  	_ =	shalt  }
0x6a: {  	_ =	shalt  }
0x6b: {  	_ =	shalt  }
0x6c: {  	_ =	shalt  }
0x6d: {  	_ =	shalt  }
0x6e: {  	_ =	shalt  }
0x6f: {  	_ =	shalt  }
0x70: {  	_ =	shalt  }
0x71: {  	_ =	shalt  }
0x72: {  	_ =	shalt  }
0x73: {  	_ =	shalt  }
0x74: {  	_ =	shalt  }
0x75: {  	_ =	shalt  }
0x76: {  	_ =	shalt  }
0x77: {  	_ =	shalt  }
0x78: {  	_ =	shalt  }
0x79: {  	_ =	shalt  }
0x7a: {  	_ =	shalt  }
0x7b: {  	_ =	shalt  }
0x7c: {  	_ =	shalt  }
0x7d: {  	_ =	shalt  }
0x7e: {  	_ =	shalt  }
0x7f: {  	_ =	shalt  }
0x80: {  	_ =	shalt  }
0x81: {  	_ =	shalt  }
0x82: {  	_ =	shalt  }
0x83: {  	_ =	shalt  }
0x84: {  	_ =	shalt  }
0x85: {  	_ =	shalt  }
0x86: {  	_ =	shalt  }
0x87: {  	_ =	shalt  }
.Lfunc_end0:
.L_simem_size_0:
called_computation.1_lowered:
.L_overlay_start_0:
0x88: {  	s2 =	sld [smem:$0x3FD9]  }
0x89: {  	s3 =	sld [smem:$0x3FFE];
	_ =	sdelay $0x1  }
0x8a: {  	s1 =	srdreg.scid  }
0x8b: {  	s0 =	sand.u32 $0x1, s1  }
0x8c: {  	s17 =	sshll.u32 s0, $0xA;
	s2 =	sadd.s32 s3, s2  }
0x8d: {  	s2 =	sadd.s32 s2, s17  }
0x8e: {  	[smem:$0x3FC4] =	sst s2  }
0x8f: {  	_ = 	snop  }
0x90: {  	s2 =	sld [smem:$0x3FC7]  }
0x91: {  	s18 =	sld [smem:$0x3FC6]  }
0x92: {  	s4 =	sld [smem:$0x3FD0];
	(tm) =	ssettm $0x1  }
0x93: {  	s5 =	sld [smem:$0x3FFB];
	_ =	sdelay $0x3  }
0x94: {  	_ =	strace s5  }
0x95: {  	s5 =	sld [smem:$0x3FFC];
	_ =	sdelay $0x3  }
0x96: {  	_ =	strace s5  }
0x97: {  	s5 =	sld [smem:$0x3FFD];
	_ =	sdelay $0x3  }
0x98: {  	_ =	strace s5  }
0x99: {  	_ =	strace $0x8FFFFFFF  }
0x9a: {  	s19 =	sld [smem:$0x3FDB];
	_ =	sdelay $0x1  }
0x9b: {  	s6 =	simm.s32 $_scs_section_size  }
0x9c: {  	s7 =	simm.s32 $_size__tile_overlayer_lowered;
	s8 =	simm.s32 $_tile_overlayer_lowered  }
0x9d: {  	s22 =	simm.s32 $0x1BFF;
	s21 =	sshll.u32 s8, $0x1;
	s5 =	sadd.s32 s6, s19  }
0x9e: {  	s9 =	simm.s32 $0x0;
	s20 =	sshll.u32 s7, $0x1;
	s7 =	sadd.s32 s21, s5  }
0x9f: {  	[timem:s9], [sflag:s22] =	dma.local [hbm:s7], s20  }
0xa0: {  	_ =	swait.ge [sflag:s22], s20  }
0xa1: {  	s6 =	ssub.s32 $0x0, s20;
	[sflag:s22] =	ssyncset.done $0x0  }
0xa2: {  	[sflag:s22] =	ssyncadd.s32 s6;
	_ =	sdelay $0x1  }
0xa3: {  	s23 =	simm.s32 $0x1B8B  }
0xa4: {  	_ =	swait.ge [sflag:s23], $0x1  }
0xa5: {  	[sflag:s23] =	ssyncset.done $0x0  }
0xa6: {  	s25 =	simm.s32 $0x1B8E;
	s24 =	sld [smem:$0x3FFE];
	[sflag:s23] =	ssyncadd.s32 $0xFFFFFFFF  }
0xa7: {  	s26 =	simm.s32 $execute0_lowered;
	[smem:$0x3FD2] =	sst s25  }
0xa8: {  	s7 =	sshll.u32 s26, $0x1;
	_ =	strace $0x80000046;
	[dreg:$0x1] =	wrdreg $0xFFFFFFFF  }
0xa9: {  	s28 =	simm.s32 $_size_execute0_lowered;
	s5 =	sadd.s32 s5, s7;
	[dreg:$0x0] =	wrdreg $0x0  }
0xaa: {  	s7 =	sshll.u32 s28, $0x1;
	[dreg:$0x2] =	wrdreg s5  }
0xab: {  	[dreg:$0x3] =	wrdreg s7  }
0xac: {  	[dreg:$0x4] =	wrdreg $0xC0  }
0xad: {  	_ =	task [dreg:s9], $0x5FFFF  }
0xae: {  	[dreg:$0x1] =	wrdreg $0xFFFFFFFF  }
0xaf: {  	[dreg:$0x0] =	wrdreg $0x60  }
0xb0: {  	[dreg:$0x2] =	wrdreg s24  }
0xb1: {  	[dreg:$0x3] =	wrdreg s2  }
0xb2: {  	[dreg:$0x4] =	wrdreg s18  }
0xb3: {  	[dreg:$0x5] =	wrdreg s4  }
0xb4: {  	[dreg:$0x6] =	wrdreg $0x9  }
0xb5: {  	_ =	task.clear_ibuf [dreg:s9], $0x7FFFF;
	_ =	strace $0x90000046  }
0xb6: {  	s29 =	simm.s32 $0x9;
	_ =	strace $0x80000048  }
0xb7: {  	_ =	swait.ge [sflag:s29], $0x1  }
0xb8: {  	[sflag:s29] =	ssyncadd.s32 $0xFFFFFFFF  }
0xb9: {  	_ =	strace $0x90000048  }
0xba: {  	_ =	sfence  }
0xbb: {  	s30 =	sld [smem:$0x0];
	_ =	sdelay $0x2  }
0xbc: {  	s31 =	sshll.u32 s1, $0xD;
	s1 =	sshrl.u32 s1, $0x2  }
0xbd: {  	s3 =	sand.u32 $0x4000, s31;
	s1 =	sadd.s32 s1, s30  }
0xbe: {  	s0 =	sor.u32 s3, s0;
	s1 =	sshll.u32 s1, $0x11  }
0xbf: {  	s0 =	sor.u32 s1, s0  }
0xc0: {  	s0 =	sadd.s32 $0x8F2B, s0  }
0xc1: {  	[sflag:s0] =	ssyncadd.remote.s32 $0x1  }
0xc2: {  	_ =	sfence.sel $0xFFFF  }
0xc3: {  	[dreg:$0x0] =	wrdreg $0xFFFFFFFF;
	(pc) =	sbr.abs _section_cstart, $3  }
0xc4: {  	[dreg:$0x1] =	wrdreg $0xFFFFFFFF  }
0xc5: {  	_ =	task.clear_ibuf [dreg:s9], $0x2FFFF;
	_ =	strace $0x9FFFFFFF  }
0xc6: {  	(tm) =	ssettm $0x7FFFFFFF  }
0xc7: {  	_ =	shalt  }
tec
execute0_lowered:
.L_overlay_start_1:
0x0: {  	(tag) =	ssettag $0x1  }
0x1: {  	s7 =	rddreg [dreg:$0x0]  }
0x2: {  	s1 =	rddreg [dreg:$0x1]  }
0x3: {  	s2 =	rddreg [dreg:$0x2]  }
0x4: {  	s3 =	rddreg [dreg:$0x3]  }
0x5: {  	s0 =	rddreg [dreg:$0x4];
	s5 =	simm.s32 $0x0;
	s6 =	srdreg.scid  }
0x6: {  	s4 =	stileid.u32;
	s12 =	simm.s32 $0x80;
	s13 =	simm.s32 $0x100  }
0x7: {  	v0 =	vimm.s32 $0x0;
	s14 =	simm.s32 $0x4100;
	s15 =	simm.s32 $0x1;
	s16 =	simm.s32 $0x400  }
0x8: {  	v1 =	vimm.s32 $0x1;
	v2 =	vimm.s32 $0x2;
	v3 =	vimm.s32 $0x3;
	s17 =	simm.s32 $0x800;
	[smem:$0x7FF] =	sst s5;
	s8 =	sand.u32 $0x1, s6  }
0x9: {  	v4 =	vimm.s32 $0x4;
	v5 =	vimm.s32 $0x5;
	v6 =	vimm.s32 $0x6;
	s10 =	sshll.u32 s4, $0x1;
	s6 =	sadd.s32 $0x800, s7;
	s9 =	ssub.s32 $0x2, s8  }
0xa: {  	v7 =	vimm.s32 $0x7;
	v8 =	vimm.s32 $0x8;
	v9 =	vimm.s32 $0x9;
	s7 =	sadd.s32 $0x6C00, s7;
	s8 =	sor.u32 s8, s10;
	s11 =	sshrl.u32 s9, $0x1  }
0xb: {  	v10 =	vimm.s32 $0xA;
	v11 =	vimm.s32 $0xB;
	v12 =	vimm.s32 $0xC;
	_ =	strace $0x80000047;
	s8 =	smul.u32 $0x1900, s8;
	s31 =	ssub.s32 s9, s11  }
0xc: {  	v13 =	vimm.s32 $0xD;
	v14 =	vimm.s32 $0xE;
	v15 =	vimm.s32 $0xF;
	s9 =	sadd.s32 $0x80, s3;
	s11 =	simm.s32 $0x2;
	s10 =	smax.u32 s31, $0x1  }
.LBB2_1:
0xd: {  	s18 =	simm.s32 $0x0  }
.LBB2_2:
0xe: {  	s19 =	sshll.u32 s18, $0x7  }
0xf: {  	s19 =	sadd.s32 s8, s19  }
0x10: {  	s20 =	sshrl.u32 s19, $0x3  }
0x11: {  	s22 =	simm.s32 $0x0;
	s21 =	sadd.s32 s6, s20  }
0x12: {  	[tilespmem:s22], [sflag:$0x2] =	stream.linear.gather [hbm4b:s21+s22], $0x80, $0x38;
	[tilespmem:$0x8100] =	vst v63  }
0x13: {  	_ =	swait.ge [sflag:s11], $0x80  }
0x14: {  	[sflag:s11] =	ssyncset.done $0x0  }
0x15: {  	s20 =	sadd.s32 s7, s20;
	[sflag:s11] =	ssyncadd.s32 $0xFFFFFF80  }
0x16: {  	[tilespmem:s12], [sflag:$0x2] =	stream.linear.gather [hbm4b:s20+s22], $0x80, $0x38;
	[tilespmem:$0x8100] =	vst v63  }
0x17: {  	_ =	swait.ge [sflag:s11], $0x80  }
0x18: {  	[sflag:s11] =	ssyncset.done $0x0  }
0x19: {  	[sflag:s11] =	ssyncadd.s32 $0xFFFFFF80  }
0x1a: {  	[tilespmem:s13], [sflag:$0x1] =	stream.indirect.gather [hbm4b:s1+s12], $0x80, s22, s12, $0xb8;
	[tilespmem:$0x8100] =	vst v63  }
0x1b: {  	_ = 	snop  }
0x1c: {  	[tilespmem:s14], [sflag:$0x1] =	stream.indirect.gather [hbm4b:s2+s12], $0x80, s22, s12, $0xb8;
	[tilespmem:$0x8100] =	vst v63  }
0x1d: {  	_ =	swait.ge [sflag:s15], $0x4000  }
0x1e: {  	[sflag:s15] =	ssyncset.done $0x0  }
0x1f: {  	[sflag:s15] =	ssyncadd.s32 $0xFFFFC000  }
0x20: {  	_ =	swait.ge [sflag:s15], $0x4000  }
0x21: {  	s31 =	simm.s32 $0x0;
	[sflag:s15] =	ssyncset.done $0x0  }
0x22: {  	s20 =	sand.u32 $0x3FFFFFF0, s31;
	[sflag:s15] =	ssyncadd.s32 $0xFFFFC000  }
0x23: {  	v16 =	vld [tilespmem:s20+$0x80]  }
0x24: {  	s20 =	simm.s32 $0x0  }
0x25: {  	v20 =	vld [tilespmem:s20+$0x100]  }
0x26: {  	v19 =	vld [tilespmem:s20+$0x4100]  }
0x27: {  	s21 =	simm.s32 $0x1;
	v17 =	vld [tilespmem:s20+$0x110]  }
.LBB2_3:
0x28: {  	p0 =	sne.s32 s21, $0x7;
	v29 =	vperm.xlane v16, v0;
	v18 =	vld [tilespmem:s20+$0x4110];
	v31 =	vperm.xlane v16, v14  }
0x29: {  	v28 =	vperm.xlane v16, v1;
	v30 =	vperm.xlane v16, v15;
	v21 =	vld [tilespmem:s20+$0x120]  }
0x2a: {  	v27 =	vperm.xlane v16, v2;
	v20 =	vmul.f32 v20, v29;
	v22 =	vld [tilespmem:s20+$0x4120]  }
0x2b: {  	v26 =	vperm.xlane v16, v3;
	v19 =	vmul.f32 v19, v29  }
0x2c: {  	v25 =	vperm.xlane v16, v4;
	[tilespmem:s20+$0x100] =	vst v20;
	v17 =	vmul.f32 v17, v29  }
0x2d: {  	v24 =	vperm.xlane v16, v5;
	[tilespmem:s20+$0x4100] =	vst v19;
	v18 =	vmul.f32 v18, v29  }
0x2e: {  	v23 =	vperm.xlane v16, v6;
	[tilespmem:s20+$0x110] =	vst v17;
	v17 =	vmul.f32 v21, v29  }
0x2f: {  	[tilespmem:s20+$0x4110] =	vst v18;
	v18 =	vmul.f32 v22, v29;
	v22 =	vperm.xlane v16, v7  }
0x30: {  	v20 =	vperm.xlane v16, v9;
	v21 =	vperm.xlane v16, v8;
	[tilespmem:s20+$0x120] =	vst v17  }
0x31: {  	v19 =	vperm.xlane v16, v10;
	[tilespmem:s20+$0x4120] =	vst v18;
	v18 =	vperm.xlane v16, v11  }
0x32: {  	v17 =	vperm.xlane v16, v12;
	v32 =	vld [tilespmem:s20+$0x130]  }
0x33: {  	v33 =	vld [tilespmem:s20+$0x47C0]  }
0x34: {  	v34 =	vld [tilespmem:s20+$0x7D0]  }
0x35: {  	v35 =	vld [tilespmem:s20+$0x47D0]  }
0x36: {  	v16 =	vperm.xlane v16, v13;
	v36 =	vld [tilespmem:s20+$0x7E0]  }
0x37: {  	v32 =	vmul.f32 v32, v29;
	v37 =	vld [tilespmem:s20+$0x47E0]  }
0x38: {  	v33 =	vmul.f32 v33, v16;
	v38 =	vld [tilespmem:s20+$0x7F0]  }
0x39: {  	[tilespmem:s20+$0x130] =	vst v32;
	v32 =	vmul.f32 v34, v16;
	v34 =	vld [tilespmem:s20+$0x47F0]  }
0x3a: {  	[tilespmem:s20+$0x47C0] =	vst v33;
	v33 =	vmul.f32 v35, v16;
	v35 =	vld [tilespmem:s20+$0x800]  }
0x3b: {  	[tilespmem:s20+$0x7D0] =	vst v32;
	v32 =	vmul.f32 v36, v16;
	v36 =	vld [tilespmem:s20+$0x4800]  }
0x3c: {  	[tilespmem:s20+$0x47D0] =	vst v33;
	v33 =	vmul.f32 v37, v16;
	v37 =	vld [tilespmem:s20+$0x810]  }
0x3d: {  	[tilespmem:s20+$0x7E0] =	vst v32;
	v32 =	vmul.f32 v38, v16;
	v38 =	vld [tilespmem:s20+$0x4810]  }
0x3e: {  	[tilespmem:s20+$0x47E0] =	vst v33;
	v33 =	vmul.f32 v34, v16;
	v34 =	vld [tilespmem:s20+$0x820]  }
0x3f: {  	[tilespmem:s20+$0x7F0] =	vst v32;
	v32 =	vmul.f32 v35, v31;
	v35 =	vld [tilespmem:s20+$0x4820]  }
0x40: {  	[tilespmem:s20+$0x47F0] =	vst v33;
	v33 =	vmul.f32 v36, v31;
	v36 =	vld [tilespmem:s20+$0x830]  }
0x41: {  	[tilespmem:s20+$0x800] =	vst v32;
	v32 =	vmul.f32 v37, v31;
	v37 =	vld [tilespmem:s20+$0x4830]  }
0x42: {  	[tilespmem:s20+$0x4800] =	vst v33;
	v33 =	vmul.f32 v38, v31;
	v38 =	vld [tilespmem:s20+$0x840]  }
0x43: {  	[tilespmem:s20+$0x810] =	vst v32;
	v32 =	vmul.f32 v34, v31;
	v34 =	vld [tilespmem:s20+$0x4840]  }
0x44: {  	[tilespmem:s20+$0x4810] =	vst v33;
	v33 =	vmul.f32 v35, v31;
	v35 =	vld [tilespmem:s20+$0x850]  }
0x45: {  	[tilespmem:s20+$0x820] =	vst v32;
	v32 =	vmul.f32 v36, v31;
	v36 =	vld [tilespmem:s20+$0x4850]  }
0x46: {  	[tilespmem:s20+$0x4820] =	vst v33;
	v33 =	vmul.f32 v37, v31;
	v37 =	vld [tilespmem:s20+$0x860]  }
0x47: {  	[tilespmem:s20+$0x830] =	vst v32;
	v32 =	vmul.f32 v38, v31;
	v38 =	vld [tilespmem:s20+$0x4860]  }
0x48: {  	[tilespmem:s20+$0x4830] =	vst v33;
	v33 =	vmul.f32 v34, v31;
	v34 =	vld [tilespmem:s20+$0x870]  }
0x49: {  	[tilespmem:s20+$0x840] =	vst v32;
	v32 =	vmul.f32 v35, v31;
	v35 =	vld [tilespmem:s20+$0x4870]  }
0x4a: {  	[tilespmem:s20+$0x4840] =	vst v33;
	v33 =	vmul.f32 v36, v31;
	v36 =	vld [tilespmem:s20+$0x880]  }
0x4b: {  	[tilespmem:s20+$0x850] =	vst v32;
	v32 =	vmul.f32 v37, v31;
	v37 =	vld [tilespmem:s20+$0x4880]  }
0x4c: {  	[tilespmem:s20+$0x4850] =	vst v33;
	v33 =	vmul.f32 v38, v31;
	v38 =	vld [tilespmem:s20+$0x890]  }
0x4d: {  	[tilespmem:s20+$0x860] =	vst v32;
	v32 =	vmul.f32 v34, v31;
	v34 =	vld [tilespmem:s20+$0x4890]  }
0x4e: {  	[tilespmem:s20+$0x4860] =	vst v33;
	v31 =	vmul.f32 v35, v31;
	v33 =	vld [tilespmem:s20+$0x8A0]  }
0x4f: {  	[tilespmem:s20+$0x870] =	vst v32;
	v32 =	vmul.f32 v36, v30;
	v35 =	vld [tilespmem:s20+$0x48A0]  }
0x50: {  	[tilespmem:s20+$0x4870] =	vst v31;
	v31 =	vmul.f32 v37, v30;
	v36 =	vld [tilespmem:s20+$0x8B0]  }
0x51: {  	[tilespmem:s20+$0x880] =	vst v32;
	v32 =	vmul.f32 v38, v30;
	v37 =	vld [tilespmem:s20+$0x48B0]  }
0x52: {  	[tilespmem:s20+$0x4880] =	vst v31;
	v31 =	vmul.f32 v34, v30;
	v34 =	vld [tilespmem:s20+$0x8C0]  }
0x53: {  	[tilespmem:s20+$0x890] =	vst v32;
	v32 =	vmul.f32 v33, v30;
	v33 =	vld [tilespmem:s20+$0x48C0]  }
0x54: {  	[tilespmem:s20+$0x4890] =	vst v31;
	v31 =	vmul.f32 v35, v30;
	v35 =	vld [tilespmem:s20+$0x8D0]  }
0x55: {  	[tilespmem:s20+$0x8A0] =	vst v32;
	v32 =	vmul.f32 v36, v30;
	v36 =	vld [tilespmem:s20+$0x48D0]  }
0x56: {  	[tilespmem:s20+$0x48A0] =	vst v31;
	v31 =	vmul.f32 v37, v30;
	v37 =	vld [tilespmem:s20+$0x8E0]  }
0x57: {  	[tilespmem:s20+$0x8B0] =	vst v32;
	v32 =	vmul.f32 v34, v30;
	v34 =	vld [tilespmem:s20+$0x48E0]  }
0x58: {  	[tilespmem:s20+$0x48B0] =	vst v31;
	v31 =	vmul.f32 v33, v30;
	v33 =	vld [tilespmem:s20+$0x8F0]  }
0x59: {  	[tilespmem:s20+$0x8C0] =	vst v32;
	v32 =	vmul.f32 v35, v30;
	v35 =	vld [tilespmem:s20+$0x48F0]  }
0x5a: {  	v38 =	vld [tilespmem:s20+$0x7C0];
	[tilespmem:s20+$0x48C0] =	vst v31;
	v31 =	vmul.f32 v36, v30  }
0x5b: {  	v36 =	vld [tilespmem:s20+$0x4130];
	[tilespmem:s20+$0x8D0] =	vst v32;
	v32 =	vmul.f32 v37, v30  }
0x5c: {  	v37 =	vld [tilespmem:s20+$0x140];
	[tilespmem:s20+$0x48D0] =	vst v31;
	v31 =	vmul.f32 v34, v30  }
0x5d: {  	v34 =	vld [tilespmem:s20+$0x4140];
	[tilespmem:s20+$0x8E0] =	vst v32;
	v32 =	vmul.f32 v33, v30  }
0x5e: {  	v33 =	vld [tilespmem:s20+$0x150];
	[tilespmem:s20+$0x48E0] =	vst v31;
	v30 =	vmul.f32 v35, v30  }
0x5f: {  	v31 =	vld [tilespmem:s20+$0x4150];
	v35 =	vmul.f32 v38, v16;
	[tilespmem:s20+$0x8F0] =	vst v32  }
0x60: {  	v32 =	vmul.f32 v36, v29;
	v36 =	vld [tilespmem:s20+$0x160];
	[tilespmem:s20+$0x48F0] =	vst v30  }
0x61: {  	v30 =	vmul.f32 v37, v29;
	v37 =	vld [tilespmem:s20+$0x4160];
	[tilespmem:s20+$0x7C0] =	vst v35  }
0x62: {  	[tilespmem:s20+$0x4130] =	vst v32;
	v32 =	vmul.f32 v34, v29;
	v34 =	vld [tilespmem:s20+$0x170]  }
0x63: {  	[tilespmem:s20+$0x140] =	vst v30;
	v30 =	vmul.f32 v33, v29;
	v33 =	vld [tilespmem:s20+$0x4170]  }
0x64: {  	[tilespmem:s20+$0x4140] =	vst v32;
	v31 =	vmul.f32 v31, v29;
	v32 =	vld [tilespmem:s20+$0x180]  }
0x65: {  	[tilespmem:s20+$0x150] =	vst v30;
	v30 =	vmul.f32 v36, v29;
	v35 =	vld [tilespmem:s20+$0x4180]  }
0x66: {  	[tilespmem:s20+$0x4150] =	vst v31;
	v31 =	vmul.f32 v37, v29;
	v36 =	vld [tilespmem:s20+$0x190]  }
0x67: {  	[tilespmem:s20+$0x160] =	vst v30;
	v30 =	vmul.f32 v34, v29;
	v34 =	vld [tilespmem:s20+$0x4190]  }
0x68: {  	[tilespmem:s20+$0x4160] =	vst v31;
	v29 =	vmul.f32 v33, v29;
	v31 =	vld [tilespmem:s20+$0x1A0]  }
0x69: {  	[tilespmem:s20+$0x170] =	vst v30;
	v30 =	vmul.f32 v32, v28;
	v32 =	vld [tilespmem:s20+$0x41A0]  }
0x6a: {  	[tilespmem:s20+$0x4170] =	vst v29;
	v29 =	vmul.f32 v35, v28;
	v33 =	vld [tilespmem:s20+$0x1B0]  }
0x6b: {  	[tilespmem:s20+$0x180] =	vst v30;
	v30 =	vmul.f32 v36, v28;
	v35 =	vld [tilespmem:s20+$0x41B0]  }
0x6c: {  	[tilespmem:s20+$0x4180] =	vst v29;
	v29 =	vmul.f32 v34, v28;
	v34 =	vld [tilespmem:s20+$0x1C0]  }
0x6d: {  	[tilespmem:s20+$0x190] =	vst v30;
	v30 =	vmul.f32 v31, v28;
	v31 =	vld [tilespmem:s20+$0x41C0]  }
0x6e: {  	[tilespmem:s20+$0x4190] =	vst v29;
	v29 =	vmul.f32 v32, v28;
	v32 =	vld [tilespmem:s20+$0x1D0]  }
0x6f: {  	[tilespmem:s20+$0x1A0] =	vst v30;
	v30 =	vmul.f32 v33, v28;
	v33 =	vld [tilespmem:s20+$0x41D0]  }
0x70: {  	[tilespmem:s20+$0x41A0] =	vst v29;
	v29 =	vmul.f32 v35, v28;
	v35 =	vld [tilespmem:s20+$0x1E0]  }
0x71: {  	[tilespmem:s20+$0x1B0] =	vst v30;
	v30 =	vmul.f32 v34, v28;
	v34 =	vld [tilespmem:s20+$0x41E0]  }
0x72: {  	[tilespmem:s20+$0x41B0] =	vst v29;
	v29 =	vmul.f32 v31, v28;
	v31 =	vld [tilespmem:s20+$0x1F0]  }
0x73: {  	[tilespmem:s20+$0x1C0] =	vst v30;
	v30 =	vmul.f32 v32, v28;
	v32 =	vld [tilespmem:s20+$0x41F0]  }
0x74: {  	[tilespmem:s20+$0x41C0] =	vst v29;
	v29 =	vmul.f32 v33, v28;
	v33 =	vld [tilespmem:s20+$0x200]  }
0x75: {  	[tilespmem:s20+$0x1D0] =	vst v30;
	v30 =	vmul.f32 v35, v28;
	v35 =	vld [tilespmem:s20+$0x4200]  }
0x76: {  	[tilespmem:s20+$0x41D0] =	vst v29;
	v29 =	vmul.f32 v34, v28;
	v34 =	vld [tilespmem:s20+$0x210]  }
0x77: {  	[tilespmem:s20+$0x1E0] =	vst v30;
	v30 =	vmul.f32 v31, v28;
	v31 =	vld [tilespmem:s20+$0x4210]  }
0x78: {  	[tilespmem:s20+$0x41E0] =	vst v29;
	v28 =	vmul.f32 v32, v28;
	v29 =	vld [tilespmem:s20+$0x220]  }
0x79: {  	[tilespmem:s20+$0x1F0] =	vst v30;
	v30 =	vmul.f32 v33, v27;
	v32 =	vld [tilespmem:s20+$0x4220]  }
0x7a: {  	[tilespmem:s20+$0x41F0] =	vst v28;
	v28 =	vmul.f32 v35, v27;
	v33 =	vld [tilespmem:s20+$0x230]  }
0x7b: {  	[tilespmem:s20+$0x200] =	vst v30;
	v30 =	vmul.f32 v34, v27;
	v34 =	vld [tilespmem:s20+$0x4230]  }
0x7c: {  	[tilespmem:s20+$0x4200] =	vst v28;
	v28 =	vmul.f32 v31, v27;
	v31 =	vld [tilespmem:s20+$0x240]  }
0x7d: {  	[tilespmem:s20+$0x210] =	vst v30;
	v29 =	vmul.f32 v29, v27;
	v30 =	vld [tilespmem:s20+$0x4240]  }
0x7e: {  	[tilespmem:s20+$0x4210] =	vst v28;
	v28 =	vmul.f32 v32, v27;
	v32 =	vld [tilespmem:s20+$0x250]  }
0x7f: {  	[tilespmem:s20+$0x220] =	vst v29;
	v29 =	vmul.f32 v33, v27;
	v33 =	vld [tilespmem:s20+$0x4250]  }
0x80: {  	[tilespmem:s20+$0x4220] =	vst v28;
	v28 =	vmul.f32 v34, v27;
	v34 =	vld [tilespmem:s20+$0x260]  }
0x81: {  	[tilespmem:s20+$0x230] =	vst v29;
	v29 =	vmul.f32 v31, v27;
	v31 =	vld [tilespmem:s20+$0x4260]  }
0x82: {  	[tilespmem:s20+$0x4230] =	vst v28;
	v28 =	vmul.f32 v30, v27;
	v30 =	vld [tilespmem:s20+$0x270]  }
0x83: {  	[tilespmem:s20+$0x240] =	vst v29;
	v29 =	vmul.f32 v32, v27;
	v32 =	vld [tilespmem:s20+$0x4270]  }
0x84: {  	[tilespmem:s20+$0x4240] =	vst v28;
	v28 =	vmul.f32 v33, v27;
	v33 =	vld [tilespmem:s20+$0x280]  }
0x85: {  	[tilespmem:s20+$0x250] =	vst v29;
	v29 =	vmul.f32 v34, v27;
	v34 =	vld [tilespmem:s20+$0x4280]  }
0x86: {  	[tilespmem:s20+$0x4250] =	vst v28;
	v28 =	vmul.f32 v31, v27;
	v31 =	vld [tilespmem:s20+$0x290]  }
0x87: {  	[tilespmem:s20+$0x260] =	vst v29;
	v29 =	vmul.f32 v30, v27;
	v30 =	vld [tilespmem:s20+$0x4290]  }
0x88: {  	[tilespmem:s20+$0x4260] =	vst v28;
	v27 =	vmul.f32 v32, v27;
	v28 =	vld [tilespmem:s20+$0x2A0]  }
0x89: {  	[tilespmem:s20+$0x270] =	vst v29;
	v29 =	vmul.f32 v33, v26;
	v32 =	vld [tilespmem:s20+$0x42A0]  }
0x8a: {  	[tilespmem:s20+$0x4270] =	vst v27;
	v27 =	vmul.f32 v34, v26;
	v33 =	vld [tilespmem:s20+$0x2B0]  }
0x8b: {  	[tilespmem:s20+$0x280] =	vst v29;
	v29 =	vmul.f32 v31, v26;
	v31 =	vld [tilespmem:s20+$0x42B0]  }
0x8c: {  	[tilespmem:s20+$0x4280] =	vst v27;
	v27 =	vmul.f32 v30, v26;
	v30 =	vld [tilespmem:s20+$0x2C0]  }
0x8d: {  	[tilespmem:s20+$0x290] =	vst v29;
	v28 =	vmul.f32 v28, v26;
	v29 =	vld [tilespmem:s20+$0x42C0]  }
0x8e: {  	[tilespmem:s20+$0x4290] =	vst v27;
	v27 =	vmul.f32 v32, v26;
	v32 =	vld [tilespmem:s20+$0x2D0]  }
0x8f: {  	[tilespmem:s20+$0x2A0] =	vst v28;
	v28 =	vmul.f32 v33, v26;
	v33 =	vld [tilespmem:s20+$0x42D0]  }
0x90: {  	[tilespmem:s20+$0x42A0] =	vst v27;
	v27 =	vmul.f32 v31, v26;
	v31 =	vld [tilespmem:s20+$0x2E0]  }
0x91: {  	[tilespmem:s20+$0x2B0] =	vst v28;
	v28 =	vmul.f32 v30, v26;
	v30 =	vld [tilespmem:s20+$0x42E0]  }
0x92: {  	[tilespmem:s20+$0x42B0] =	vst v27;
	v27 =	vmul.f32 v29, v26;
	v29 =	vld [tilespmem:s20+$0x2F0]  }
0x93: {  	[tilespmem:s20+$0x2C0] =	vst v28;
	v28 =	vmul.f32 v32, v26;
	v32 =	vld [tilespmem:s20+$0x42F0]  }
0x94: {  	[tilespmem:s20+$0x42C0] =	vst v27;
	v27 =	vmul.f32 v33, v26;
	v33 =	vld [tilespmem:s20+$0x300]  }
0x95: {  	[tilespmem:s20+$0x2D0] =	vst v28;
	v28 =	vmul.f32 v31, v26;
	v31 =	vld [tilespmem:s20+$0x4300]  }
0x96: {  	[tilespmem:s20+$0x42D0] =	vst v27;
	v27 =	vmul.f32 v30, v26;
	v30 =	vld [tilespmem:s20+$0x310]  }
0x97: {  	[tilespmem:s20+$0x2E0] =	vst v28;
	v28 =	vmul.f32 v29, v26;
	v29 =	vld [tilespmem:s20+$0x4310]  }
0x98: {  	[tilespmem:s20+$0x42E0] =	vst v27;
	v26 =	vmul.f32 v32, v26;
	v27 =	vld [tilespmem:s20+$0x320]  }
0x99: {  	[tilespmem:s20+$0x2F0] =	vst v28;
	v28 =	vmul.f32 v33, v25;
	v32 =	vld [tilespmem:s20+$0x4320]  }
0x9a: {  	[tilespmem:s20+$0x42F0] =	vst v26;
	v26 =	vmul.f32 v31, v25;
	v31 =	vld [tilespmem:s20+$0x330]  }
0x9b: {  	[tilespmem:s20+$0x300] =	vst v28;
	v28 =	vmul.f32 v30, v25;
	v30 =	vld [tilespmem:s20+$0x4330]  }
0x9c: {  	[tilespmem:s20+$0x4300] =	vst v26;
	v26 =	vmul.f32 v29, v25;
	v29 =	vld [tilespmem:s20+$0x340]  }
0x9d: {  	[tilespmem:s20+$0x310] =	vst v28;
	v27 =	vmul.f32 v27, v25;
	v28 =	vld [tilespmem:s20+$0x4340]  }
0x9e: {  	[tilespmem:s20+$0x4310] =	vst v26;
	v26 =	vmul.f32 v32, v25;
	v32 =	vld [tilespmem:s20+$0x350]  }
0x9f: {  	[tilespmem:s20+$0x320] =	vst v27;
	v27 =	vmul.f32 v31, v25;
	v31 =	vld [tilespmem:s20+$0x4350]  }
0xa0: {  	[tilespmem:s20+$0x4320] =	vst v26;
	v26 =	vmul.f32 v30, v25;
	v30 =	vld [tilespmem:s20+$0x360]  }
0xa1: {  	[tilespmem:s20+$0x330] =	vst v27;
	v27 =	vmul.f32 v29, v25;
	v29 =	vld [tilespmem:s20+$0x4360]  }
0xa2: {  	[tilespmem:s20+$0x4330] =	vst v26;
	v26 =	vmul.f32 v28, v25;
	v28 =	vld [tilespmem:s20+$0x370]  }
0xa3: {  	[tilespmem:s20+$0x340] =	vst v27;
	v27 =	vmul.f32 v32, v25;
	v32 =	vld [tilespmem:s20+$0x4370]  }
0xa4: {  	[tilespmem:s20+$0x4340] =	vst v26;
	v26 =	vmul.f32 v31, v25;
	v31 =	vld [tilespmem:s20+$0x380]  }
0xa5: {  	[tilespmem:s20+$0x350] =	vst v27;
	v27 =	vmul.f32 v30, v25;
	v30 =	vld [tilespmem:s20+$0x4380]  }
0xa6: {  	[tilespmem:s20+$0x4350] =	vst v26;
	v26 =	vmul.f32 v29, v25;
	v29 =	vld [tilespmem:s20+$0x390]  }
0xa7: {  	[tilespmem:s20+$0x360] =	vst v27;
	v27 =	vmul.f32 v28, v25;
	v28 =	vld [tilespmem:s20+$0x4390]  }
0xa8: {  	[tilespmem:s20+$0x4360] =	vst v26;
	v25 =	vmul.f32 v32, v25;
	v26 =	vld [tilespmem:s20+$0x3A0]  }
0xa9: {  	[tilespmem:s20+$0x370] =	vst v27;
	v27 =	vmul.f32 v31, v24;
	v31 =	vld [tilespmem:s20+$0x43A0]  }
0xaa: {  	[tilespmem:s20+$0x4370] =	vst v25;
	v25 =	vmul.f32 v30, v24;
	v30 =	vld [tilespmem:s20+$0x3B0]  }
0xab: {  	[tilespmem:s20+$0x380] =	vst v27;
	v27 =	vmul.f32 v29, v24;
	v29 =	vld [tilespmem:s20+$0x43B0]  }
0xac: {  	[tilespmem:s20+$0x4380] =	vst v25;
	v25 =	vmul.f32 v28, v24;
	v28 =	vld [tilespmem:s20+$0x3C0]  }
0xad: {  	[tilespmem:s20+$0x390] =	vst v27;
	v26 =	vmul.f32 v26, v24;
	v27 =	vld [tilespmem:s20+$0x43C0]  }
0xae: {  	[tilespmem:s20+$0x4390] =	vst v25;
	v25 =	vmul.f32 v31, v24;
	v31 =	vld [tilespmem:s20+$0x3D0]  }
0xaf: {  	[tilespmem:s20+$0x3A0] =	vst v26;
	v26 =	vmul.f32 v30, v24;
	v30 =	vld [tilespmem:s20+$0x43D0]  }
0xb0: {  	[tilespmem:s20+$0x43A0] =	vst v25;
	v25 =	vmul.f32 v29, v24;
	v29 =	vld [tilespmem:s20+$0x3E0]  }
0xb1: {  	[tilespmem:s20+$0x3B0] =	vst v26;
	v26 =	vmul.f32 v28, v24;
	v28 =	vld [tilespmem:s20+$0x43E0]  }
0xb2: {  	[tilespmem:s20+$0x43B0] =	vst v25;
	v25 =	vmul.f32 v27, v24;
	v27 =	vld [tilespmem:s20+$0x3F0]  }
0xb3: {  	[tilespmem:s20+$0x3C0] =	vst v26;
	v26 =	vmul.f32 v31, v24;
	v31 =	vld [tilespmem:s20+$0x43F0]  }
0xb4: {  	[tilespmem:s20+$0x43C0] =	vst v25;
	v25 =	vmul.f32 v30, v24;
	v30 =	vld [tilespmem:s20+$0x400]  }
0xb5: {  	[tilespmem:s20+$0x3D0] =	vst v26;
	v26 =	vmul.f32 v29, v24;
	v29 =	vld [tilespmem:s20+$0x4400]  }
0xb6: {  	[tilespmem:s20+$0x43D0] =	vst v25;
	v25 =	vmul.f32 v28, v24;
	v28 =	vld [tilespmem:s20+$0x410]  }
0xb7: {  	[tilespmem:s20+$0x3E0] =	vst v26;
	v26 =	vmul.f32 v27, v24;
	v27 =	vld [tilespmem:s20+$0x4410]  }
0xb8: {  	[tilespmem:s20+$0x43E0] =	vst v25;
	v24 =	vmul.f32 v31, v24;
	v25 =	vld [tilespmem:s20+$0x420]  }
0xb9: {  	[tilespmem:s20+$0x3F0] =	vst v26;
	v26 =	vmul.f32 v30, v23;
	v30 =	vld [tilespmem:s20+$0x4420]  }
0xba: {  	[tilespmem:s20+$0x43F0] =	vst v24;
	v24 =	vmul.f32 v29, v23;
	v29 =	vld [tilespmem:s20+$0x430]  }
0xbb: {  	[tilespmem:s20+$0x400] =	vst v26;
	v26 =	vmul.f32 v28, v23;
	v28 =	vld [tilespmem:s20+$0x4430]  }
0xbc: {  	[tilespmem:s20+$0x4400] =	vst v24;
	v24 =	vmul.f32 v27, v23;
	v27 =	vld [tilespmem:s20+$0x440]  }
0xbd: {  	[tilespmem:s20+$0x410] =	vst v26;
	v25 =	vmul.f32 v25, v23;
	v26 =	vld [tilespmem:s20+$0x4440]  }
0xbe: {  	[tilespmem:s20+$0x4410] =	vst v24;
	v24 =	vmul.f32 v30, v23;
	v30 =	vld [tilespmem:s20+$0x450]  }
0xbf: {  	[tilespmem:s20+$0x420] =	vst v25;
	v25 =	vmul.f32 v29, v23;
	v29 =	vld [tilespmem:s20+$0x4450]  }
0xc0: {  	[tilespmem:s20+$0x4420] =	vst v24;
	v24 =	vmul.f32 v28, v23;
	v28 =	vld [tilespmem:s20+$0x460]  }
0xc1: {  	[tilespmem:s20+$0x430] =	vst v25;
	v25 =	vmul.f32 v27, v23;
	v27 =	vld [tilespmem:s20+$0x4460]  }
0xc2: {  	[tilespmem:s20+$0x4430] =	vst v24;
	v24 =	vmul.f32 v26, v23;
	v26 =	vld [tilespmem:s20+$0x470]  }
0xc3: {  	[tilespmem:s20+$0x440] =	vst v25;
	v25 =	vmul.f32 v30, v23;
	v30 =	vld [tilespmem:s20+$0x4470]  }
0xc4: {  	[tilespmem:s20+$0x4440] =	vst v24;
	v24 =	vmul.f32 v29, v23;
	v29 =	vld [tilespmem:s20+$0x480]  }
0xc5: {  	[tilespmem:s20+$0x450] =	vst v25;
	v25 =	vmul.f32 v28, v23;
	v28 =	vld [tilespmem:s20+$0x4480]  }
0xc6: {  	[tilespmem:s20+$0x4450] =	vst v24;
	v24 =	vmul.f32 v27, v23;
	v27 =	vld [tilespmem:s20+$0x490]  }
0xc7: {  	[tilespmem:s20+$0x460] =	vst v25;
	v25 =	vmul.f32 v26, v23;
	v26 =	vld [tilespmem:s20+$0x4490]  }
0xc8: {  	[tilespmem:s20+$0x4460] =	vst v24;
	v23 =	vmul.f32 v30, v23;
	v24 =	vld [tilespmem:s20+$0x4A0]  }
0xc9: {  	[tilespmem:s20+$0x470] =	vst v25;
	v25 =	vmul.f32 v29, v22;
	v29 =	vld [tilespmem:s20+$0x44A0]  }
0xca: {  	[tilespmem:s20+$0x4470] =	vst v23;
	v23 =	vmul.f32 v28, v22;
	v28 =	vld [tilespmem:s20+$0x4B0]  }
0xcb: {  	[tilespmem:s20+$0x480] =	vst v25;
	v25 =	vmul.f32 v27, v22;
	v27 =	vld [tilespmem:s20+$0x44B0]  }
0xcc: {  	[tilespmem:s20+$0x4480] =	vst v23;
	v23 =	vmul.f32 v26, v22;
	v26 =	vld [tilespmem:s20+$0x4C0]  }
0xcd: {  	[tilespmem:s20+$0x490] =	vst v25;
	v24 =	vmul.f32 v24, v22;
	v25 =	vld [tilespmem:s20+$0x44C0]  }
0xce: {  	[tilespmem:s20+$0x4490] =	vst v23;
	v23 =	vmul.f32 v29, v22;
	v29 =	vld [tilespmem:s20+$0x4D0]  }
0xcf: {  	[tilespmem:s20+$0x4A0] =	vst v24;
	v24 =	vmul.f32 v28, v22;
	v28 =	vld [tilespmem:s20+$0x44D0]  }
0xd0: {  	[tilespmem:s20+$0x44A0] =	vst v23;
	v23 =	vmul.f32 v27, v22;
	v27 =	vld [tilespmem:s20+$0x4E0]  }
0xd1: {  	[tilespmem:s20+$0x4B0] =	vst v24;
	v24 =	vmul.f32 v26, v22;
	v26 =	vld [tilespmem:s20+$0x44E0]  }
0xd2: {  	[tilespmem:s20+$0x44B0] =	vst v23;
	v23 =	vmul.f32 v25, v22;
	v25 =	vld [tilespmem:s20+$0x4F0]  }
0xd3: {  	[tilespmem:s20+$0x4C0] =	vst v24;
	v24 =	vmul.f32 v29, v22;
	v29 =	vld [tilespmem:s20+$0x44F0]  }
0xd4: {  	[tilespmem:s20+$0x44C0] =	vst v23;
	v23 =	vmul.f32 v28, v22;
	v28 =	vld [tilespmem:s20+$0x500]  }
0xd5: {  	[tilespmem:s20+$0x4D0] =	vst v24;
	v24 =	vmul.f32 v27, v22;
	v27 =	vld [tilespmem:s20+$0x4500]  }
0xd6: {  	[tilespmem:s20+$0x44D0] =	vst v23;
	v23 =	vmul.f32 v26, v22;
	v26 =	vld [tilespmem:s20+$0x510]  }
0xd7: {  	[tilespmem:s20+$0x4E0] =	vst v24;
	v24 =	vmul.f32 v25, v22;
	v25 =	vld [tilespmem:s20+$0x4510]  }
0xd8: {  	[tilespmem:s20+$0x44E0] =	vst v23;
	v22 =	vmul.f32 v29, v22;
	v23 =	vld [tilespmem:s20+$0x520]  }
0xd9: {  	[tilespmem:s20+$0x4F0] =	vst v24;
	v24 =	vmul.f32 v28, v21;
	v28 =	vld [tilespmem:s20+$0x4520]  }
0xda: {  	[tilespmem:s20+$0x44F0] =	vst v22;
	v22 =	vmul.f32 v27, v21;
	v27 =	vld [tilespmem:s20+$0x530]  }
0xdb: {  	[tilespmem:s20+$0x500] =	vst v24;
	v24 =	vmul.f32 v26, v21;
	v26 =	vld [tilespmem:s20+$0x4530]  }
0xdc: {  	[tilespmem:s20+$0x4500] =	vst v22;
	v22 =	vmul.f32 v25, v21;
	v25 =	vld [tilespmem:s20+$0x540]  }
0xdd: {  	[tilespmem:s20+$0x510] =	vst v24;
	v23 =	vmul.f32 v23, v21;
	v24 =	vld [tilespmem:s20+$0x4540]  }
0xde: {  	[tilespmem:s20+$0x4510] =	vst v22;
	v22 =	vmul.f32 v28, v21;
	v28 =	vld [tilespmem:s20+$0x550]  }
0xdf: {  	[tilespmem:s20+$0x520] =	vst v23;
	v23 =	vmul.f32 v27, v21;
	v27 =	vld [tilespmem:s20+$0x4550]  }
0xe0: {  	[tilespmem:s20+$0x4520] =	vst v22;
	v22 =	vmul.f32 v26, v21;
	v26 =	vld [tilespmem:s20+$0x560]  }
0xe1: {  	[tilespmem:s20+$0x530] =	vst v23;
	v23 =	vmul.f32 v25, v21;
	v25 =	vld [tilespmem:s20+$0x4560]  }
0xe2: {  	[tilespmem:s20+$0x4530] =	vst v22;
	v22 =	vmul.f32 v24, v21;
	v24 =	vld [tilespmem:s20+$0x570]  }
0xe3: {  	[tilespmem:s20+$0x540] =	vst v23;
	v23 =	vmul.f32 v28, v21;
	v28 =	vld [tilespmem:s20+$0x4570]  }
0xe4: {  	[tilespmem:s20+$0x4540] =	vst v22;
	v22 =	vmul.f32 v27, v21;
	v27 =	vld [tilespmem:s20+$0x580]  }
0xe5: {  	[tilespmem:s20+$0x550] =	vst v23;
	v23 =	vmul.f32 v26, v21;
	v26 =	vld [tilespmem:s20+$0x4580]  }
0xe6: {  	[tilespmem:s20+$0x4550] =	vst v22;
	v22 =	vmul.f32 v25, v21;
	v25 =	vld [tilespmem:s20+$0x590]  }
0xe7: {  	[tilespmem:s20+$0x560] =	vst v23;
	v23 =	vmul.f32 v24, v21;
	v24 =	vld [tilespmem:s20+$0x4590]  }
0xe8: {  	[tilespmem:s20+$0x4560] =	vst v22;
	v21 =	vmul.f32 v28, v21;
	v22 =	vld [tilespmem:s20+$0x5A0]  }
0xe9: {  	[tilespmem:s20+$0x570] =	vst v23;
	v23 =	vmul.f32 v27, v20;
	v27 =	vld [tilespmem:s20+$0x45A0]  }
0xea: {  	[tilespmem:s20+$0x4570] =	vst v21;
	v21 =	vmul.f32 v26, v20;
	v26 =	vld [tilespmem:s20+$0x5B0]  }
0xeb: {  	[tilespmem:s20+$0x580] =	vst v23;
	v23 =	vmul.f32 v25, v20;
	v25 =	vld [tilespmem:s20+$0x45B0]  }
0xec: {  	[tilespmem:s20+$0x4580] =	vst v21;
	v21 =	vmul.f32 v24, v20;
	v24 =	vld [tilespmem:s20+$0x5C0]  }
0xed: {  	[tilespmem:s20+$0x590] =	vst v23;
	v22 =	vmul.f32 v22, v20;
	v23 =	vld [tilespmem:s20+$0x45C0]  }
0xee: {  	[tilespmem:s20+$0x4590] =	vst v21;
	v21 =	vmul.f32 v27, v20;
	v27 =	vld [tilespmem:s20+$0x5D0]  }
0xef: {  	[tilespmem:s20+$0x5A0] =	vst v22;
	v22 =	vmul.f32 v26, v20;
	v26 =	vld [tilespmem:s20+$0x45D0]  }
0xf0: {  	[tilespmem:s20+$0x45A0] =	vst v21;
	v21 =	vmul.f32 v25, v20;
	v25 =	vld [tilespmem:s20+$0x5E0]  }
0xf1: {  	[tilespmem:s20+$0x5B0] =	vst v22;
	v22 =	vmul.f32 v24, v20;
	v24 =	vld [tilespmem:s20+$0x45E0]  }
0xf2: {  	[tilespmem:s20+$0x45B0] =	vst v21;
	v21 =	vmul.f32 v23, v20;
	v23 =	vld [tilespmem:s20+$0x5F0]  }
0xf3: {  	[tilespmem:s20+$0x5C0] =	vst v22;
	v22 =	vmul.f32 v27, v20;
	v27 =	vld [tilespmem:s20+$0x45F0]  }
0xf4: {  	[tilespmem:s20+$0x45C0] =	vst v21;
	v21 =	vmul.f32 v26, v20;
	v26 =	vld [tilespmem:s20+$0x600]  }
0xf5: {  	[tilespmem:s20+$0x5D0] =	vst v22;
	v22 =	vmul.f32 v25, v20;
	v25 =	vld [tilespmem:s20+$0x4600]  }
0xf6: {  	[tilespmem:s20+$0x45D0] =	vst v21;
	v21 =	vmul.f32 v24, v20;
	v24 =	vld [tilespmem:s20+$0x610]  }
0xf7: {  	[tilespmem:s20+$0x5E0] =	vst v22;
	v22 =	vmul.f32 v23, v20;
	v23 =	vld [tilespmem:s20+$0x4610]  }
0xf8: {  	[tilespmem:s20+$0x45E0] =	vst v21;
	v20 =	vmul.f32 v27, v20;
	v21 =	vld [tilespmem:s20+$0x620]  }
0xf9: {  	[tilespmem:s20+$0x5F0] =	vst v22;
	v22 =	vmul.f32 v26, v19;
	v26 =	vld [tilespmem:s20+$0x4620]  }
0xfa: {  	[tilespmem:s20+$0x45F0] =	vst v20;
	v20 =	vmul.f32 v25, v19;
	v25 =	vld [tilespmem:s20+$0x630]  }
0xfb: {  	[tilespmem:s20+$0x600] =	vst v22;
	v22 =	vmul.f32 v24, v19;
	v24 =	vld [tilespmem:s20+$0x4630]  }
0xfc: {  	[tilespmem:s20+$0x4600] =	vst v20;
	v20 =	vmul.f32 v23, v19;
	v23 =	vld [tilespmem:s20+$0x640]  }
0xfd: {  	[tilespmem:s20+$0x610] =	vst v22;
	v21 =	vmul.f32 v21, v19;
	v22 =	vld [tilespmem:s20+$0x4640]  }
0xfe: {  	[tilespmem:s20+$0x4610] =	vst v20;
	v20 =	vmul.f32 v26, v19;
	v26 =	vld [tilespmem:s20+$0x650]  }
0xff: {  	[tilespmem:s20+$0x620] =	vst v21;
	v21 =	vmul.f32 v25, v19;
	v25 =	vld [tilespmem:s20+$0x4650]  }
0x100: {  	[tilespmem:s20+$0x4620] =	vst v20;
	v20 =	vmul.f32 v24, v19;
	v24 =	vld [tilespmem:s20+$0x660]  }
0x101: {  	[tilespmem:s20+$0x630] =	vst v21;
	v21 =	vmul.f32 v23, v19;
	v23 =	vld [tilespmem:s20+$0x4660]  }
0x102: {  	[tilespmem:s20+$0x4630] =	vst v20;
	v20 =	vmul.f32 v22, v19;
	v22 =	vld [tilespmem:s20+$0x670]  }
0x103: {  	[tilespmem:s20+$0x640] =	vst v21;
	v21 =	vmul.f32 v26, v19;
	v26 =	vld [tilespmem:s20+$0x4670]  }
0x104: {  	[tilespmem:s20+$0x4640] =	vst v20;
	v20 =	vmul.f32 v25, v19;
	v25 =	vld [tilespmem:s20+$0x680]  }
0x105: {  	[tilespmem:s20+$0x650] =	vst v21;
	v21 =	vmul.f32 v24, v19;
	v24 =	vld [tilespmem:s20+$0x4680]  }
0x106: {  	[tilespmem:s20+$0x4650] =	vst v20;
	v20 =	vmul.f32 v23, v19;
	v23 =	vld [tilespmem:s20+$0x690]  }
0x107: {  	[tilespmem:s20+$0x660] =	vst v21;
	v21 =	vmul.f32 v22, v19;
	v22 =	vld [tilespmem:s20+$0x4690]  }
0x108: {  	[tilespmem:s20+$0x4660] =	vst v20;
	v19 =	vmul.f32 v26, v19;
	v20 =	vld [tilespmem:s20+$0x6A0]  }
0x109: {  	[tilespmem:s20+$0x670] =	vst v21;
	v21 =	vmul.f32 v25, v18;
	v25 =	vld [tilespmem:s20+$0x46A0]  }
0x10a: {  	[tilespmem:s20+$0x4670] =	vst v19;
	v19 =	vmul.f32 v24, v18;
	v24 =	vld [tilespmem:s20+$0x6B0]  }
0x10b: {  	[tilespmem:s20+$0x680] =	vst v21;
	v21 =	vmul.f32 v23, v18;
	v23 =	vld [tilespmem:s20+$0x46B0]  }
0x10c: {  	[tilespmem:s20+$0x4680] =	vst v19;
	v19 =	vmul.f32 v22, v18;
	v22 =	vld [tilespmem:s20+$0x6C0]  }
0x10d: {  	[tilespmem:s20+$0x690] =	vst v21;
	v20 =	vmul.f32 v20, v18;
	v21 =	vld [tilespmem:s20+$0x46C0]  }
0x10e: {  	[tilespmem:s20+$0x4690] =	vst v19;
	v19 =	vmul.f32 v25, v18;
	v25 =	vld [tilespmem:s20+$0x6D0]  }
0x10f: {  	[tilespmem:s20+$0x6A0] =	vst v20;
	v20 =	vmul.f32 v24, v18;
	v24 =	vld [tilespmem:s20+$0x46D0]  }
0x110: {  	[tilespmem:s20+$0x46A0] =	vst v19;
	v19 =	vmul.f32 v23, v18;
	v23 =	vld [tilespmem:s20+$0x6E0]  }
0x111: {  	[tilespmem:s20+$0x6B0] =	vst v20;
	v20 =	vmul.f32 v22, v18;
	v22 =	vld [tilespmem:s20+$0x46E0]  }
0x112: {  	[tilespmem:s20+$0x46B0] =	vst v19;
	v19 =	vmul.f32 v21, v18;
	v21 =	vld [tilespmem:s20+$0x6F0]  }
0x113: {  	[tilespmem:s20+$0x6C0] =	vst v20;
	v20 =	vmul.f32 v25, v18;
	v25 =	vld [tilespmem:s20+$0x46F0]  }
0x114: {  	[tilespmem:s20+$0x46C0] =	vst v19;
	v19 =	vmul.f32 v24, v18;
	v24 =	vld [tilespmem:s20+$0x700]  }
0x115: {  	[tilespmem:s20+$0x6D0] =	vst v20;
	v20 =	vmul.f32 v23, v18;
	v23 =	vld [tilespmem:s20+$0x4700]  }
0x116: {  	[tilespmem:s20+$0x46D0] =	vst v19;
	v19 =	vmul.f32 v22, v18;
	v22 =	vld [tilespmem:s20+$0x710]  }
0x117: {  	[tilespmem:s20+$0x6E0] =	vst v20;
	v20 =	vmul.f32 v21, v18;
	v21 =	vld [tilespmem:s20+$0x4710]  }
0x118: {  	[tilespmem:s20+$0x46E0] =	vst v19;
	v18 =	vmul.f32 v25, v18;
	v19 =	vld [tilespmem:s20+$0x720]  }
0x119: {  	[tilespmem:s20+$0x6F0] =	vst v20;
	v20 =	vmul.f32 v24, v17;
	v24 =	vld [tilespmem:s20+$0x4720]  }
0x11a: {  	[tilespmem:s20+$0x46F0] =	vst v18;
	v18 =	vmul.f32 v23, v17;
	v23 =	vld [tilespmem:s20+$0x730]  }
0x11b: {  	[tilespmem:s20+$0x700] =	vst v20;
	v20 =	vmul.f32 v22, v17;
	v22 =	vld [tilespmem:s20+$0x4730]  }
0x11c: {  	[tilespmem:s20+$0x4700] =	vst v18;
	v18 =	vmul.f32 v21, v17;
	v21 =	vld [tilespmem:s20+$0x740]  }
0x11d: {  	[tilespmem:s20+$0x710] =	vst v20;
	v19 =	vmul.f32 v19, v17;
	v20 =	vld [tilespmem:s20+$0x4740]  }
0x11e: {  	[tilespmem:s20+$0x4710] =	vst v18;
	v18 =	vmul.f32 v24, v17;
	v24 =	vld [tilespmem:s20+$0x750]  }
0x11f: {  	[tilespmem:s20+$0x720] =	vst v19;
	v19 =	vmul.f32 v23, v17;
	v23 =	vld [tilespmem:s20+$0x4750]  }
0x120: {  	[tilespmem:s20+$0x4720] =	vst v18;
	v18 =	vmul.f32 v22, v17;
	v22 =	vld [tilespmem:s20+$0x760]  }
0x121: {  	[tilespmem:s20+$0x730] =	vst v19;
	v19 =	vmul.f32 v21, v17;
	v21 =	vld [tilespmem:s20+$0x4760]  }
0x122: {  	[tilespmem:s20+$0x4730] =	vst v18;
	v18 =	vmul.f32 v20, v17;
	v20 =	vld [tilespmem:s20+$0x770]  }
0x123: {  	[tilespmem:s20+$0x740] =	vst v19;
	v19 =	vmul.f32 v24, v17;
	v24 =	vld [tilespmem:s20+$0x4770]  }
0x124: {  	[tilespmem:s20+$0x4740] =	vst v18;
	v18 =	vmul.f32 v23, v17;
	v23 =	vld [tilespmem:s20+$0x780]  }
0x125: {  	[tilespmem:s20+$0x750] =	vst v19;
	v19 =	vmul.f32 v22, v17;
	v22 =	vld [tilespmem:s20+$0x4780]  }
0x126: {  	[tilespmem:s20+$0x4750] =	vst v18;
	v18 =	vmul.f32 v21, v17;
	v21 =	vld [tilespmem:s20+$0x790]  }
0x127: {  	[tilespmem:s20+$0x760] =	vst v19;
	v19 =	vmul.f32 v20, v17;
	v20 =	vld [tilespmem:s20+$0x4790]  }
0x128: {  	[tilespmem:s20+$0x4760] =	vst v18;
	v17 =	vmul.f32 v24, v17;
	v18 =	vld [tilespmem:s20+$0x7A0]  }
0x129: {  	[tilespmem:s20+$0x770] =	vst v19;
	v19 =	vmul.f32 v23, v16;
	v23 =	vld [tilespmem:s20+$0x47A0]  }
0x12a: {  	[tilespmem:s20+$0x4770] =	vst v17;
	v17 =	vmul.f32 v22, v16;
	v22 =	vld [tilespmem:s20+$0x7B0]  }
0x12b: {  	[tilespmem:s20+$0x780] =	vst v19;
	v19 =	vmul.f32 v21, v16;
	v21 =	vld [tilespmem:s20+$0x47B0]  }
0x12c: {  	[tilespmem:s20+$0x4780] =	vst v17;
	v17 =	vmul.f32 v20, v16  }
0x12d: {  	[tilespmem:s20+$0x790] =	vst v19;
	v18 =	vmul.f32 v18, v16  }
0x12e: {  	[tilespmem:s20+$0x4790] =	vst v17;
	v17 =	vmul.f32 v23, v16  }
0x12f: {  	[tilespmem:s20+$0x7A0] =	vst v18;
	v18 =	vmul.f32 v22, v16  }
0x130: {  	[tilespmem:s20+$0x47A0] =	vst v17;
	v16 =	vmul.f32 v21, v16  }
0x131: {  	s22 =	sshll.u32 s21, $0x4;
	[tilespmem:s20+$0x7B0] =	vst v18  }
0x132: {  	s22 =	sand.u32 $0x3FFFFFF0, s22;
	[tilespmem:s20+$0x47B0] =	vst v16  }
.Ltmp0:
0x133: {  	v16 =	vld [tilespmem:s22+$0x80];
	(pc) =	sbr.rel @p0 .LBB2_3-.Ltmp0, $4  }
0x134: {  	s20 =	sshll.u32 s21, $0xB  }
0x135: {  	v20 =	vld [tilespmem:s20+$0x100]  }
0x136: {  	v19 =	vld [tilespmem:s20+$0x4100]  }
0x137: {  	s21 =	sadd.s32 $0x1, s21;
	v17 =	vld [tilespmem:s20+$0x110]  }
0x138: {  	v18 =	vperm.xlane v16, v0;
	v21 =	vld [tilespmem:s20+$0x4110]  }
0x139: {  	v23 =	vld [tilespmem:s20+$0x4120]  }
0x13a: {  	v22 =	vld [tilespmem:s20+$0x120];
	v20 =	vmul.f32 v20, v18  }
0x13b: {  	v19 =	vmul.f32 v19, v18  }
0x13c: {  	v51 =	vld [tilespmem:s20+$0x130];
	[tilespmem:s20+$0x100] =	vst v20;
	v17 =	vmul.f32 v17, v18  }
0x13d: {  	v52 =	vld [tilespmem:s20+$0x47C0];
	[tilespmem:s20+$0x4100] =	vst v19;
	v49 =	vmul.f32 v21, v18  }
0x13e: {  	v53 =	vld [tilespmem:s20+$0x7D0];
	v50 =	vmul.f32 v23, v18;
	[tilespmem:s20+$0x110] =	vst v17  }
0x13f: {  	v54 =	vld [tilespmem:s20+$0x47D0];
	v17 =	vmul.f32 v22, v18;
	[tilespmem:s20+$0x4110] =	vst v49  }
0x140: {  	v55 =	vld [tilespmem:s20+$0x7E0];
	[tilespmem:s20+$0x4120] =	vst v50  }
0x141: {  	v24 =	vld [tilespmem:s20+$0x47E0];
	[tilespmem:s20+$0x120] =	vst v17  }
0x142: {  	v25 =	vld [tilespmem:s20+$0x7F0]  }
0x143: {  	v17 =	vperm.xlane v16, v13;
	v56 =	vld [tilespmem:s20+$0x47F0]  }
0x144: {  	v19 =	vmul.f32 v51, v18;
	v57 =	vld [tilespmem:s20+$0x800]  }
0x145: {  	v58 =	vld [tilespmem:s20+$0x4800];
	v20 =	vmul.f32 v52, v17  }
0x146: {  	[tilespmem:s20+$0x130] =	vst v19;
	v59 =	vld [tilespmem:s20+$0x810];
	v21 =	vmul.f32 v53, v17  }
0x147: {  	v60 =	vld [tilespmem:s20+$0x4810];
	v22 =	vmul.f32 v54, v17;
	[tilespmem:s20+$0x47C0] =	vst v20  }
0x148: {  	v61 =	vld [tilespmem:s20+$0x820];
	v23 =	vmul.f32 v55, v17;
	[tilespmem:s20+$0x7D0] =	vst v21  }
0x149: {  	v62 =	vld [tilespmem:s20+$0x4820];
	v24 =	vmul.f32 v24, v17;
	[tilespmem:s20+$0x47D0] =	vst v22  }
0x14a: {  	v26 =	vperm.xlane v16, v14;
	v63 =	vld [tilespmem:s20+$0x830];
	[tilespmem:s20+$0x7E0] =	vst v23;
	v25 =	vmul.f32 v25, v17  }
0x14b: {  	v28 =	vld [tilespmem:s20+$0x4830];
	[tilespmem:s20+$0x47E0] =	vst v24;
	v19 =	vmul.f32 v56, v17  }
0x14c: {  	v46 =	vld [tilespmem:s20+$0x48C0];
	v20 =	vmul.f32 v57, v26;
	[tilespmem:s20+$0x7F0] =	vst v25  }
0x14d: {  	v50 =	vld [tilespmem:s20+$0x48E0];
	v21 =	vmul.f32 v58, v26;
	[tilespmem:s20+$0x47F0] =	vst v19  }
0x14e: {  	v51 =	vld [tilespmem:s20+$0x8F0];
	v22 =	vmul.f32 v59, v26;
	[tilespmem:s20+$0x800] =	vst v20  }
0x14f: {  	v27 =	vperm.xlane v16, v15;
	v53 =	vld [tilespmem:s20+$0x48F0];
	v23 =	vmul.f32 v60, v26;
	[tilespmem:s20+$0x4800] =	vst v21  }
0x150: {  	v29 =	vld [tilespmem:s20+$0x840];
	v24 =	vmul.f32 v61, v26;
	[tilespmem:s20+$0x810] =	vst v22  }
0x151: {  	v30 =	vld [tilespmem:s20+$0x4840];
	v52 =	vmul.f32 v46, v27;
	[tilespmem:s20+$0x4810] =	vst v23  }
0x152: {  	v31 =	vld [tilespmem:s20+$0x850];
	v57 =	vmul.f32 v50, v27;
	[tilespmem:s20+$0x820] =	vst v24  }
0x153: {  	v32 =	vld [tilespmem:s20+$0x4850];
	v59 =	vmul.f32 v51, v27;
	[tilespmem:s20+$0x48C0] =	vst v52  }
0x154: {  	v33 =	vld [tilespmem:s20+$0x860];
	v61 =	vmul.f32 v53, v27;
	[tilespmem:s20+$0x48E0] =	vst v57  }
0x155: {  	v34 =	vld [tilespmem:s20+$0x4860];
	v25 =	vmul.f32 v62, v26;
	[tilespmem:s20+$0x8F0] =	vst v59  }
0x156: {  	v35 =	vld [tilespmem:s20+$0x870];
	v19 =	vmul.f32 v63, v26;
	[tilespmem:s20+$0x48F0] =	vst v61  }
0x157: {  	v36 =	vld [tilespmem:s20+$0x4870];
	v20 =	vmul.f32 v28, v26;
	[tilespmem:s20+$0x4820] =	vst v25  }
0x158: {  	v37 =	vld [tilespmem:s20+$0x880];
	v21 =	vmul.f32 v29, v26;
	[tilespmem:s20+$0x830] =	vst v19  }
0x159: {  	v38 =	vld [tilespmem:s20+$0x4880];
	v22 =	vmul.f32 v30, v26;
	[tilespmem:s20+$0x4830] =	vst v20  }
0x15a: {  	v39 =	vld [tilespmem:s20+$0x890];
	v23 =	vmul.f32 v31, v26;
	[tilespmem:s20+$0x840] =	vst v21  }
0x15b: {  	v40 =	vld [tilespmem:s20+$0x4890];
	v24 =	vmul.f32 v32, v26;
	[tilespmem:s20+$0x4840] =	vst v22  }
0x15c: {  	v41 =	vld [tilespmem:s20+$0x8A0];
	[tilespmem:s20+$0x850] =	vst v23;
	v25 =	vmul.f32 v33, v26  }
0x15d: {  	v42 =	vld [tilespmem:s20+$0x48A0];
	[tilespmem:s20+$0x4850] =	vst v24;
	v19 =	vmul.f32 v34, v26  }
0x15e: {  	v54 =	vld [tilespmem:s20+$0x7C0];
	v20 =	vmul.f32 v35, v26;
	[tilespmem:s20+$0x860] =	vst v25  }
0x15f: {  	v43 =	vld [tilespmem:s20+$0x8B0];
	v21 =	vmul.f32 v36, v26;
	[tilespmem:s20+$0x4860] =	vst v19  }
0x160: {  	v44 =	vld [tilespmem:s20+$0x48B0];
	v22 =	vmul.f32 v37, v27;
	[tilespmem:s20+$0x870] =	vst v20  }
0x161: {  	v45 =	vld [tilespmem:s20+$0x8C0];
	v23 =	vmul.f32 v38, v27;
	[tilespmem:s20+$0x4870] =	vst v21  }
0x162: {  	v47 =	vld [tilespmem:s20+$0x8D0];
	v24 =	vmul.f32 v39, v27;
	[tilespmem:s20+$0x880] =	vst v22  }
0x163: {  	v48 =	vld [tilespmem:s20+$0x48D0];
	v26 =	vmul.f32 v54, v17;
	[tilespmem:s20+$0x4880] =	vst v23  }
0x164: {  	v49 =	vld [tilespmem:s20+$0x8E0];
	v25 =	vmul.f32 v40, v27;
	[tilespmem:s20+$0x890] =	vst v24  }
0x165: {  	v62 =	vld [tilespmem:s20+$0x4150];
	v19 =	vmul.f32 v41, v27;
	[tilespmem:s20+$0x7C0] =	vst v26  }
0x166: {  	v55 =	vld [tilespmem:s20+$0x4130];
	v20 =	vmul.f32 v42, v27;
	[tilespmem:s20+$0x4890] =	vst v25  }
0x167: {  	v56 =	vld [tilespmem:s20+$0x140];
	v21 =	vmul.f32 v43, v27;
	[tilespmem:s20+$0x8A0] =	vst v19  }
0x168: {  	v58 =	vld [tilespmem:s20+$0x4140];
	v22 =	vmul.f32 v44, v27;
	[tilespmem:s20+$0x48A0] =	vst v20  }
0x169: {  	v60 =	vld [tilespmem:s20+$0x150];
	v23 =	vmul.f32 v45, v27;
	[tilespmem:s20+$0x8B0] =	vst v21  }
0x16a: {  	v46 =	vld [tilespmem:s20+$0x1F0];
	v24 =	vmul.f32 v62, v18;
	[tilespmem:s20+$0x48B0] =	vst v22  }
0x16b: {  	v50 =	vld [tilespmem:s20+$0x210];
	[tilespmem:s20+$0x8C0] =	vst v23;
	v25 =	vmul.f32 v47, v27  }
0x16c: {  	v33 =	vld [tilespmem:s20+$0x190];
	v19 =	vmul.f32 v48, v27;
	[tilespmem:s20+$0x4150] =	vst v24  }
0x16d: {  	v51 =	vld [tilespmem:s20+$0x4210];
	v20 =	vmul.f32 v49, v27;
	[tilespmem:s20+$0x8D0] =	vst v25  }
0x16e: {  	v63 =	vld [tilespmem:s20+$0x160];
	v23 =	vmul.f32 v55, v18;
	[tilespmem:s20+$0x48D0] =	vst v19  }
0x16f: {  	v28 =	vld [tilespmem:s20+$0x4160];
	v36 =	vperm.xlane v16, v1;
	v21 =	vmul.f32 v58, v18;
	[tilespmem:s20+$0x8E0] =	vst v20  }
0x170: {  	v29 =	vld [tilespmem:s20+$0x170];
	v22 =	vmul.f32 v60, v18;
	[tilespmem:s20+$0x4130] =	vst v23  }
0x171: {  	v30 =	vld [tilespmem:s20+$0x4170];
	v24 =	vmul.f32 v33, v36;
	[tilespmem:s20+$0x4140] =	vst v21  }
0x172: {  	v31 =	vld [tilespmem:s20+$0x180];
	v25 =	vmul.f32 v56, v18;
	[tilespmem:s20+$0x150] =	vst v22  }
0x173: {  	v32 =	vld [tilespmem:s20+$0x4180];
	v20 =	vmul.f32 v63, v18;
	[tilespmem:s20+$0x190] =	vst v24  }
0x174: {  	v41 =	vld [tilespmem:s20+$0x41C0];
	v19 =	vmul.f32 v28, v18;
	[tilespmem:s20+$0x140] =	vst v25  }
0x175: {  	v34 =	vld [tilespmem:s20+$0x4190];
	v23 =	vmul.f32 v29, v18;
	[tilespmem:s20+$0x160] =	vst v20  }
0x176: {  	v35 =	vld [tilespmem:s20+$0x1A0];
	v18 =	vmul.f32 v30, v18;
	[tilespmem:s20+$0x4160] =	vst v19  }
0x177: {  	v37 =	vld [tilespmem:s20+$0x41A0];
	v21 =	vmul.f32 v31, v36;
	[tilespmem:s20+$0x170] =	vst v23  }
0x178: {  	v38 =	vld [tilespmem:s20+$0x1B0];
	v22 =	vmul.f32 v32, v36;
	[tilespmem:s20+$0x4170] =	vst v18  }
0x179: {  	v39 =	vld [tilespmem:s20+$0x41B0];
	v24 =	vmul.f32 v41, v36;
	[tilespmem:s20+$0x180] =	vst v21  }
0x17a: {  	v40 =	vld [tilespmem:s20+$0x1C0];
	[tilespmem:s20+$0x4180] =	vst v22;
	v20 =	vmul.f32 v34, v36  }
0x17b: {  	v48 =	vld [tilespmem:s20+$0x200];
	v19 =	vmul.f32 v35, v36;
	[tilespmem:s20+$0x41C0] =	vst v24  }
0x17c: {  	v42 =	vld [tilespmem:s20+$0x1D0];
	v23 =	vmul.f32 v37, v36;
	[tilespmem:s20+$0x4190] =	vst v20  }
0x17d: {  	v43 =	vld [tilespmem:s20+$0x41D0];
	v18 =	vmul.f32 v38, v36;
	[tilespmem:s20+$0x1A0] =	vst v19  }
0x17e: {  	v53 =	vperm.xlane v16, v2;
	v44 =	vld [tilespmem:s20+$0x1E0];
	v21 =	vmul.f32 v39, v36;
	[tilespmem:s20+$0x41A0] =	vst v23  }
0x17f: {  	v45 =	vld [tilespmem:s20+$0x41E0];
	v22 =	vmul.f32 v40, v36;
	[tilespmem:s20+$0x1B0] =	vst v18  }
0x180: {  	v52 =	vld [tilespmem:s20+$0x220];
	v24 =	vmul.f32 v48, v53;
	[tilespmem:s20+$0x41B0] =	vst v21  }
0x181: {  	v47 =	vld [tilespmem:s20+$0x41F0];
	[tilespmem:s20+$0x1C0] =	vst v22;
	v20 =	vmul.f32 v42, v36  }
0x182: {  	v56 =	vld [tilespmem:s20+$0x4230];
	v19 =	vmul.f32 v43, v36;
	[tilespmem:s20+$0x200] =	vst v24  }
0x183: {  	v49 =	vld [tilespmem:s20+$0x4200];
	v23 =	vmul.f32 v44, v36;
	[tilespmem:s20+$0x1D0] =	vst v20  }
0x184: {  	v57 =	vld [tilespmem:s20+$0x240];
	v18 =	vmul.f32 v45, v36;
	[tilespmem:s20+$0x41D0] =	vst v19  }
0x185: {  	v59 =	vld [tilespmem:s20+$0x250];
	v21 =	vmul.f32 v46, v36;
	[tilespmem:s20+$0x1E0] =	vst v23  }
0x186: {  	v61 =	vld [tilespmem:s20+$0x260];
	v22 =	vmul.f32 v47, v36;
	[tilespmem:s20+$0x41E0] =	vst v18  }
0x187: {  	v54 =	vld [tilespmem:s20+$0x4220];
	v24 =	vmul.f32 v56, v53;
	[tilespmem:s20+$0x1F0] =	vst v21  }
0x188: {  	v55 =	vld [tilespmem:s20+$0x230];
	[tilespmem:s20+$0x41F0] =	vst v22;
	v20 =	vmul.f32 v49, v53  }
0x189: {  	v63 =	vld [tilespmem:s20+$0x270];
	v19 =	vmul.f32 v50, v53;
	[tilespmem:s20+$0x4230] =	vst v24  }
0x18a: {  	v62 =	vld [tilespmem:s20+$0x4260];
	v23 =	vmul.f32 v51, v53;
	[tilespmem:s20+$0x4200] =	vst v20  }
0x18b: {  	v58 =	vld [tilespmem:s20+$0x4240];
	v18 =	vmul.f32 v52, v53;
	[tilespmem:s20+$0x210] =	vst v19  }
0x18c: {  	v60 =	vld [tilespmem:s20+$0x4250];
	v21 =	vmul.f32 v54, v53;
	[tilespmem:s20+$0x4210] =	vst v23  }
0x18d: {  	v33 =	vld [tilespmem:s20+$0x2A0];
	v22 =	vmul.f32 v55, v53;
	[tilespmem:s20+$0x220] =	vst v18  }
0x18e: {  	v28 =	vld [tilespmem:s20+$0x4270];
	v24 =	vmul.f32 v63, v53;
	[tilespmem:s20+$0x4220] =	vst v21  }
0x18f: {  	v29 =	vld [tilespmem:s20+$0x280];
	[tilespmem:s20+$0x230] =	vst v22;
	v20 =	vmul.f32 v57, v53  }
0x190: {  	v35 =	vld [tilespmem:s20+$0x42A0];
	v19 =	vmul.f32 v58, v53;
	[tilespmem:s20+$0x270] =	vst v24  }
0x191: {  	v30 =	vld [tilespmem:s20+$0x4280];
	v23 =	vmul.f32 v59, v53;
	[tilespmem:s20+$0x240] =	vst v20  }
0x192: {  	v31 =	vld [tilespmem:s20+$0x290];
	v18 =	vmul.f32 v60, v53;
	[tilespmem:s20+$0x4240] =	vst v19  }
0x193: {  	v32 =	vld [tilespmem:s20+$0x4290];
	v34 =	vperm.xlane v16, v3;
	v21 =	vmul.f32 v61, v53;
	[tilespmem:s20+$0x250] =	vst v23  }
0x194: {  	v41 =	vld [tilespmem:s20+$0x42D0];
	v22 =	vmul.f32 v62, v53;
	[tilespmem:s20+$0x4250] =	vst v18  }
0x195: {  	v37 =	vld [tilespmem:s20+$0x42B0];
	v24 =	vmul.f32 v35, v34;
	[tilespmem:s20+$0x260] =	vst v21  }
0x196: {  	v38 =	vld [tilespmem:s20+$0x2C0];
	[tilespmem:s20+$0x4260] =	vst v22;
	v20 =	vmul.f32 v28, v53  }
0x197: {  	v42 =	vld [tilespmem:s20+$0x2E0];
	v19 =	vmul.f32 v29, v34;
	[tilespmem:s20+$0x42A0] =	vst v24  }
0x198: {  	v36 =	vld [tilespmem:s20+$0x2B0];
	v23 =	vmul.f32 v30, v34;
	[tilespmem:s20+$0x4270] =	vst v20  }
0x199: {  	v39 =	vld [tilespmem:s20+$0x42C0];
	v18 =	vmul.f32 v31, v34;
	[tilespmem:s20+$0x280] =	vst v19  }
0x19a: {  	v40 =	vld [tilespmem:s20+$0x2D0];
	v21 =	vmul.f32 v32, v34;
	[tilespmem:s20+$0x4280] =	vst v23  }
0x19b: {  	v48 =	vld [tilespmem:s20+$0x310];
	v22 =	vmul.f32 v33, v34;
	[tilespmem:s20+$0x290] =	vst v18  }
0x19c: {  	v43 =	vld [tilespmem:s20+$0x42E0];
	v24 =	vmul.f32 v42, v34;
	[tilespmem:s20+$0x4290] =	vst v21  }
0x19d: {  	v44 =	vld [tilespmem:s20+$0x2F0];
	[tilespmem:s20+$0x2A0] =	vst v22;
	v20 =	vmul.f32 v36, v34  }
0x19e: {  	v49 =	vld [tilespmem:s20+$0x4310];
	v19 =	vmul.f32 v37, v34;
	[tilespmem:s20+$0x2E0] =	vst v24  }
0x19f: {  	v45 =	vld [tilespmem:s20+$0x42F0];
	v23 =	vmul.f32 v38, v34;
	[tilespmem:s20+$0x2B0] =	vst v20  }
0x1a0: {  	v46 =	vld [tilespmem:s20+$0x300];
	v18 =	vmul.f32 v39, v34;
	[tilespmem:s20+$0x42B0] =	vst v19  }
0x1a1: {  	v47 =	vld [tilespmem:s20+$0x4300];
	v51 =	vperm.xlane v16, v4;
	v21 =	vmul.f32 v40, v34;
	[tilespmem:s20+$0x2C0] =	vst v23  }
0x1a2: {  	v56 =	vld [tilespmem:s20+$0x4340];
	v22 =	vmul.f32 v41, v34;
	[tilespmem:s20+$0x42C0] =	vst v18  }
0x1a3: {  	v50 =	vld [tilespmem:s20+$0x320];
	v24 =	vmul.f32 v49, v51;
	[tilespmem:s20+$0x2D0] =	vst v21  }
0x1a4: {  	v52 =	vld [tilespmem:s20+$0x4320];
	[tilespmem:s20+$0x42D0] =	vst v22;
	v20 =	vmul.f32 v43, v34  }
0x1a5: {  	v57 =	vld [tilespmem:s20+$0x350];
	v19 =	vmul.f32 v44, v34;
	[tilespmem:s20+$0x4310] =	vst v24  }
0x1a6: {  	v54 =	vld [tilespmem:s20+$0x4330];
	v23 =	vmul.f32 v45, v34;
	[tilespmem:s20+$0x42E0] =	vst v20  }
0x1a7: {  	v55 =	vld [tilespmem:s20+$0x340];
	v18 =	vmul.f32 v46, v51;
	[tilespmem:s20+$0x2F0] =	vst v19  }
0x1a8: {  	v53 =	vld [tilespmem:s20+$0x330];
	v21 =	vmul.f32 v47, v51;
	[tilespmem:s20+$0x42F0] =	vst v23  }
0x1a9: {  	v63 =	vld [tilespmem:s20+$0x380];
	v22 =	vmul.f32 v48, v51;
	[tilespmem:s20+$0x300] =	vst v18  }
0x1aa: {  	v58 =	vld [tilespmem:s20+$0x4350];
	v24 =	vmul.f32 v57, v51;
	[tilespmem:s20+$0x4300] =	vst v21  }
0x1ab: {  	v59 =	vld [tilespmem:s20+$0x360];
	[tilespmem:s20+$0x310] =	vst v22;
	v20 =	vmul.f32 v50, v51  }
0x1ac: {  	v28 =	vld [tilespmem:s20+$0x4380];
	v19 =	vmul.f32 v52, v51;
	[tilespmem:s20+$0x350] =	vst v24  }
0x1ad: {  	v60 =	vld [tilespmem:s20+$0x4360];
	v23 =	vmul.f32 v53, v51;
	[tilespmem:s20+$0x320] =	vst v20  }
0x1ae: {  	v61 =	vld [tilespmem:s20+$0x370];
	v18 =	vmul.f32 v54, v51;
	[tilespmem:s20+$0x4320] =	vst v19  }
0x1af: {  	v62 =	vld [tilespmem:s20+$0x4370];
	v32 =	vperm.xlane v16, v5;
	v21 =	vmul.f32 v55, v51;
	[tilespmem:s20+$0x330] =	vst v23  }
0x1b0: {  	v35 =	vld [tilespmem:s20+$0x43B0];
	v22 =	vmul.f32 v56, v51;
	[tilespmem:s20+$0x4330] =	vst v18  }
0x1b1: {  	v29 =	vld [tilespmem:s20+$0x390];
	v24 =	vmul.f32 v28, v32;
	[tilespmem:s20+$0x340] =	vst v21  }
0x1b2: {  	v30 =	vld [tilespmem:s20+$0x4390];
	[tilespmem:s20+$0x4340] =	vst v22;
	v20 =	vmul.f32 v58, v51  }
0x1b3: {  	v36 =	vld [tilespmem:s20+$0x3C0];
	v19 =	vmul.f32 v59, v51;
	[tilespmem:s20+$0x4380] =	vst v24  }
0x1b4: {  	v31 =	vld [tilespmem:s20+$0x3A0];
	v23 =	vmul.f32 v60, v51;
	[tilespmem:s20+$0x4350] =	vst v20  }
0x1b5: {  	v33 =	vld [tilespmem:s20+$0x43A0];
	v18 =	vmul.f32 v61, v51;
	[tilespmem:s20+$0x360] =	vst v19  }
0x1b6: {  	v42 =	vld [tilespmem:s20+$0x3F0];
	v21 =	vmul.f32 v62, v51;
	[tilespmem:s20+$0x4360] =	vst v23  }
0x1b7: {  	v37 =	vld [tilespmem:s20+$0x43C0];
	v22 =	vmul.f32 v63, v32;
	[tilespmem:s20+$0x370] =	vst v18  }
0x1b8: {  	v34 =	vld [tilespmem:s20+$0x3B0];
	v24 =	vmul.f32 v36, v32;
	[tilespmem:s20+$0x4370] =	vst v21  }
0x1b9: {  	v38 =	vld [tilespmem:s20+$0x3D0];
	[tilespmem:s20+$0x380] =	vst v22;
	v20 =	vmul.f32 v29, v32  }
0x1ba: {  	v43 =	vld [tilespmem:s20+$0x43F0];
	v19 =	vmul.f32 v30, v32;
	[tilespmem:s20+$0x3C0] =	vst v24  }
0x1bb: {  	v39 =	vld [tilespmem:s20+$0x43D0];
	v23 =	vmul.f32 v31, v32;
	[tilespmem:s20+$0x390] =	vst v20  }
0x1bc: {  	v40 =	vld [tilespmem:s20+$0x3E0];
	v18 =	vmul.f32 v33, v32;
	[tilespmem:s20+$0x4390] =	vst v19  }
0x1bd: {  	v41 =	vld [tilespmem:s20+$0x43E0];
	v21 =	vmul.f32 v34, v32;
	[tilespmem:s20+$0x3A0] =	vst v23  }
0x1be: {  	v44 =	vld [tilespmem:s20+$0x400];
	v22 =	vmul.f32 v35, v32;
	[tilespmem:s20+$0x43A0] =	vst v18  }
0x1bf: {  	v45 =	vld [tilespmem:s20+$0x4400];
	v24 =	vmul.f32 v43, v32;
	[tilespmem:s20+$0x3B0] =	vst v21  }
0x1c0: {  	v46 =	vld [tilespmem:s20+$0x410];
	[tilespmem:s20+$0x43B0] =	vst v22;
	v20 =	vmul.f32 v37, v32  }
0x1c1: {  	v51 =	vld [tilespmem:s20+$0x430];
	v19 =	vmul.f32 v38, v32;
	[tilespmem:s20+$0x43F0] =	vst v24  }
0x1c2: {  	v47 =	vld [tilespmem:s20+$0x4410];
	v23 =	vmul.f32 v39, v32;
	[tilespmem:s20+$0x43C0] =	vst v20  }
0x1c3: {  	v48 =	vld [tilespmem:s20+$0x420];
	v18 =	vmul.f32 v40, v32;
	[tilespmem:s20+$0x3D0] =	vst v19  }
0x1c4: {  	v49 =	vperm.xlane v16, v6;
	v57 =	vld [tilespmem:s20+$0x460];
	v21 =	vmul.f32 v41, v32;
	[tilespmem:s20+$0x43D0] =	vst v23  }
0x1c5: {  	v50 =	vld [tilespmem:s20+$0x4420];
	v22 =	vmul.f32 v42, v32;
	[tilespmem:s20+$0x3E0] =	vst v18  }
0x1c6: {  	v52 =	vld [tilespmem:s20+$0x4430];
	v24 =	vmul.f32 v51, v49;
	[tilespmem:s20+$0x43E0] =	vst v21  }
0x1c7: {  	v53 =	vld [tilespmem:s20+$0x440];
	[tilespmem:s20+$0x3F0] =	vst v22;
	v20 =	vmul.f32 v44, v49  }
0x1c8: {  	v58 =	vld [tilespmem:s20+$0x4460];
	v19 =	vmul.f32 v45, v49;
	[tilespmem:s20+$0x430] =	vst v24  }
0x1c9: {  	v54 =	vld [tilespmem:s20+$0x4440];
	v23 =	vmul.f32 v46, v49;
	[tilespmem:s20+$0x400] =	vst v20  }
0x1ca: {  	v55 =	vld [tilespmem:s20+$0x450];
	v18 =	vmul.f32 v47, v49;
	[tilespmem:s20+$0x4400] =	vst v19  }
0x1cb: {  	v56 =	vld [tilespmem:s20+$0x4450];
	v21 =	vmul.f32 v48, v49;
	[tilespmem:s20+$0x410] =	vst v23  }
0x1cc: {  	v28 =	vld [tilespmem:s20+$0x4490];
	v22 =	vmul.f32 v50, v49;
	[tilespmem:s20+$0x4410] =	vst v18  }
0x1cd: {  	v59 =	vld [tilespmem:s20+$0x470];
	v24 =	vmul.f32 v58, v49;
	[tilespmem:s20+$0x420] =	vst v21  }
0x1ce: {  	v60 =	vld [tilespmem:s20+$0x4470];
	[tilespmem:s20+$0x4420] =	vst v22;
	v20 =	vmul.f32 v52, v49  }
0x1cf: {  	v29 =	vld [tilespmem:s20+$0x4A0];
	v19 =	vmul.f32 v53, v49;
	[tilespmem:s20+$0x4460] =	vst v24  }
0x1d0: {  	v61 =	vld [tilespmem:s20+$0x480];
	v23 =	vmul.f32 v54, v49;
	[tilespmem:s20+$0x4430] =	vst v20  }
0x1d1: {  	v62 =	vld [tilespmem:s20+$0x4480];
	v18 =	vmul.f32 v55, v49;
	[tilespmem:s20+$0x440] =	vst v19  }
0x1d2: {  	v63 =	vld [tilespmem:s20+$0x490];
	v30 =	vperm.xlane v16, v7;
	v21 =	vmul.f32 v56, v49;
	[tilespmem:s20+$0x4440] =	vst v23  }
0x1d3: {  	v36 =	vld [tilespmem:s20+$0x4D0];
	v22 =	vmul.f32 v57, v49;
	[tilespmem:s20+$0x450] =	vst v18  }
0x1d4: {  	v31 =	vld [tilespmem:s20+$0x44A0];
	v24 =	vmul.f32 v29, v30;
	[tilespmem:s20+$0x4450] =	vst v21  }
0x1d5: {  	v33 =	vld [tilespmem:s20+$0x44B0];
	[tilespmem:s20+$0x460] =	vst v22;
	v20 =	vmul.f32 v59, v49  }
0x1d6: {  	v37 =	vld [tilespmem:s20+$0x44D0];
	v19 =	vmul.f32 v60, v49;
	[tilespmem:s20+$0x4A0] =	vst v24  }
0x1d7: {  	v34 =	vld [tilespmem:s20+$0x4C0];
	v23 =	vmul.f32 v61, v30;
	[tilespmem:s20+$0x470] =	vst v20  }
0x1d8: {  	v32 =	vld [tilespmem:s20+$0x4B0];
	v18 =	vmul.f32 v62, v30;
	[tilespmem:s20+$0x4470] =	vst v19  }
0x1d9: {  	v35 =	vld [tilespmem:s20+$0x44C0];
	v21 =	vmul.f32 v63, v30;
	[tilespmem:s20+$0x480] =	vst v23  }
0x1da: {  	v43 =	vld [tilespmem:s20+$0x4500];
	v22 =	vmul.f32 v28, v30;
	[tilespmem:s20+$0x4480] =	vst v18  }
0x1db: {  	v38 =	vld [tilespmem:s20+$0x4E0];
	v24 =	vmul.f32 v37, v30;
	[tilespmem:s20+$0x490] =	vst v21  }
0x1dc: {  	v39 =	vld [tilespmem:s20+$0x44E0];
	[tilespmem:s20+$0x4490] =	vst v22;
	v20 =	vmul.f32 v31, v30  }
0x1dd: {  	v44 =	vld [tilespmem:s20+$0x510];
	v19 =	vmul.f32 v32, v30;
	[tilespmem:s20+$0x44D0] =	vst v24  }
0x1de: {  	v40 =	vld [tilespmem:s20+$0x4F0];
	v23 =	vmul.f32 v33, v30;
	[tilespmem:s20+$0x44A0] =	vst v20  }
0x1df: {  	v41 =	vld [tilespmem:s20+$0x44F0];
	v18 =	vmul.f32 v34, v30;
	[tilespmem:s20+$0x4B0] =	vst v19  }
0x1e0: {  	v42 =	vld [tilespmem:s20+$0x500];
	v47 =	vperm.xlane v16, v8;
	v21 =	vmul.f32 v35, v30;
	[tilespmem:s20+$0x44B0] =	vst v23  }
0x1e1: {  	v51 =	vld [tilespmem:s20+$0x540];
	v22 =	vmul.f32 v36, v30;
	[tilespmem:s20+$0x4C0] =	vst v18  }
0x1e2: {  	v45 =	vld [tilespmem:s20+$0x4510];
	v24 =	vmul.f32 v44, v47;
	[tilespmem:s20+$0x44C0] =	vst v21  }
0x1e3: {  	v46 =	vld [tilespmem:s20+$0x520];
	[tilespmem:s20+$0x4D0] =	vst v22;
	v20 =	vmul.f32 v38, v30  }
0x1e4: {  	v52 =	vld [tilespmem:s20+$0x4540];
	v19 =	vmul.f32 v39, v30;
	[tilespmem:s20+$0x510] =	vst v24  }
0x1e5: {  	v48 =	vld [tilespmem:s20+$0x4520];
	v23 =	vmul.f32 v40, v30;
	[tilespmem:s20+$0x4E0] =	vst v20  }
0x1e6: {  	v50 =	vld [tilespmem:s20+$0x4530];
	v18 =	vmul.f32 v41, v30;
	[tilespmem:s20+$0x44E0] =	vst v19  }
0x1e7: {  	v58 =	vld [tilespmem:s20+$0x4570];
	v21 =	vmul.f32 v42, v47;
	[tilespmem:s20+$0x4F0] =	vst v23  }
0x1e8: {  	v49 =	vld [tilespmem:s20+$0x530];
	v22 =	vmul.f32 v43, v47;
	[tilespmem:s20+$0x44F0] =	vst v18  }
0x1e9: {  	v53 =	vld [tilespmem:s20+$0x550];
	v24 =	vmul.f32 v52, v47;
	[tilespmem:s20+$0x500] =	vst v21  }
0x1ea: {  	v54 =	vld [tilespmem:s20+$0x4550];
	[tilespmem:s20+$0x4500] =	vst v22;
	v20 =	vmul.f32 v45, v47  }
0x1eb: {  	v59 =	vld [tilespmem:s20+$0x580];
	v19 =	vmul.f32 v46, v47;
	[tilespmem:s20+$0x4540] =	vst v24  }
0x1ec: {  	v55 =	vld [tilespmem:s20+$0x560];
	v23 =	vmul.f32 v48, v47;
	[tilespmem:s20+$0x4510] =	vst v20  }
0x1ed: {  	v56 =	vld [tilespmem:s20+$0x4560];
	v18 =	vmul.f32 v49, v47;
	[tilespmem:s20+$0x520] =	vst v19  }
0x1ee: {  	v57 =	vld [tilespmem:s20+$0x570];
	v28 =	vperm.xlane v16, v9;
	v21 =	vmul.f32 v50, v47;
	[tilespmem:s20+$0x4520] =	vst v23  }
0x1ef: {  	v29 =	vld [tilespmem:s20+$0x45A0];
	v22 =	vmul.f32 v51, v47;
	[tilespmem:s20+$0x530] =	vst v18  }
0x1f0: {  	v60 =	vld [tilespmem:s20+$0x4580];
	v24 =	vmul.f32 v59, v28;
	[tilespmem:s20+$0x4530] =	vst v21  }
0x1f1: {  	v61 =	vld [tilespmem:s20+$0x590];
	[tilespmem:s20+$0x540] =	vst v22;
	v20 =	vmul.f32 v53, v47  }
0x1f2: {  	v31 =	vld [tilespmem:s20+$0x45B0];
	v19 =	vmul.f32 v54, v47;
	[tilespmem:s20+$0x580] =	vst v24  }
0x1f3: {  	v62 =	vld [tilespmem:s20+$0x4590];
	v23 =	vmul.f32 v55, v47;
	[tilespmem:s20+$0x550] =	vst v20  }
0x1f4: {  	v63 =	vld [tilespmem:s20+$0x5A0];
	v18 =	vmul.f32 v56, v47;
	[tilespmem:s20+$0x4550] =	vst v19  }
0x1f5: {  	v37 =	vld [tilespmem:s20+$0x45E0];
	v21 =	vmul.f32 v57, v47;
	[tilespmem:s20+$0x560] =	vst v23  }
0x1f6: {  	v32 =	vld [tilespmem:s20+$0x5C0];
	v22 =	vmul.f32 v58, v47;
	[tilespmem:s20+$0x4560] =	vst v18  }
0x1f7: {  	v33 =	vld [tilespmem:s20+$0x45C0];
	v24 =	vmul.f32 v31, v28;
	[tilespmem:s20+$0x570] =	vst v21  }
0x1f8: {  	v30 =	vld [tilespmem:s20+$0x5B0];
	[tilespmem:s20+$0x4570] =	vst v22;
	v20 =	vmul.f32 v60, v28  }
0x1f9: {  	v38 =	vld [tilespmem:s20+$0x5F0];
	v19 =	vmul.f32 v61, v28;
	[tilespmem:s20+$0x45B0] =	vst v24  }
0x1fa: {  	v34 =	vld [tilespmem:s20+$0x5D0];
	v23 =	vmul.f32 v62, v28;
	[tilespmem:s20+$0x4580] =	vst v20  }
0x1fb: {  	v35 =	vld [tilespmem:s20+$0x45D0];
	v18 =	vmul.f32 v63, v28;
	[tilespmem:s20+$0x590] =	vst v19  }
0x1fc: {  	v36 =	vld [tilespmem:s20+$0x5E0];
	v21 =	vmul.f32 v29, v28;
	[tilespmem:s20+$0x4590] =	vst v23  }
0x1fd: {  	v44 =	vld [tilespmem:s20+$0x620];
	v22 =	vmul.f32 v30, v28;
	[tilespmem:s20+$0x5A0] =	vst v18  }
0x1fe: {  	v39 =	vld [tilespmem:s20+$0x45F0];
	v24 =	vmul.f32 v38, v28;
	[tilespmem:s20+$0x45A0] =	vst v21  }
0x1ff: {  	v40 =	vld [tilespmem:s20+$0x600];
	[tilespmem:s20+$0x5B0] =	vst v22;
	v20 =	vmul.f32 v32, v28  }
0x200: {  	v46 =	vld [tilespmem:s20+$0x4620];
	v19 =	vmul.f32 v33, v28;
	[tilespmem:s20+$0x5F0] =	vst v24  }
0x201: {  	v41 =	vld [tilespmem:s20+$0x4600];
	v23 =	vmul.f32 v34, v28;
	[tilespmem:s20+$0x5C0] =	vst v20  }
0x202: {  	v42 =	vld [tilespmem:s20+$0x610];
	v18 =	vmul.f32 v35, v28;
	[tilespmem:s20+$0x45C0] =	vst v19  }
0x203: {  	v43 =	vld [tilespmem:s20+$0x4610];
	v45 =	vperm.xlane v16, v10;
	v21 =	vmul.f32 v36, v28;
	[tilespmem:s20+$0x5D0] =	vst v23  }
0x204: {  	v52 =	vld [tilespmem:s20+$0x4650];
	v22 =	vmul.f32 v37, v28;
	[tilespmem:s20+$0x45D0] =	vst v18  }
0x205: {  	v48 =	vld [tilespmem:s20+$0x4630];
	v24 =	vmul.f32 v46, v45;
	[tilespmem:s20+$0x5E0] =	vst v21  }
0x206: {  	v49 =	vld [tilespmem:s20+$0x640];
	[tilespmem:s20+$0x45E0] =	vst v22;
	v20 =	vmul.f32 v39, v28  }
0x207: {  	v53 =	vld [tilespmem:s20+$0x660];
	v19 =	vmul.f32 v40, v45;
	[tilespmem:s20+$0x4620] =	vst v24  }
0x208: {  	v47 =	vld [tilespmem:s20+$0x630];
	v23 =	vmul.f32 v41, v45;
	[tilespmem:s20+$0x45F0] =	vst v20  }
0x209: {  	v50 =	vld [tilespmem:s20+$0x4640];
	v18 =	vmul.f32 v42, v45;
	[tilespmem:s20+$0x600] =	vst v19  }
0x20a: {  	v51 =	vld [tilespmem:s20+$0x650];
	v21 =	vmul.f32 v43, v45;
	[tilespmem:s20+$0x4600] =	vst v23  }
0x20b: {  	v59 =	vld [tilespmem:s20+$0x690];
	v22 =	vmul.f32 v44, v45;
	[tilespmem:s20+$0x610] =	vst v18  }
0x20c: {  	v54 =	vld [tilespmem:s20+$0x4660];
	v24 =	vmul.f32 v53, v45;
	[tilespmem:s20+$0x4610] =	vst v21  }
0x20d: {  	v55 =	vld [tilespmem:s20+$0x670];
	[tilespmem:s20+$0x620] =	vst v22;
	v20 =	vmul.f32 v47, v45  }
0x20e: {  	v60 =	vld [tilespmem:s20+$0x4690];
	v19 =	vmul.f32 v48, v45;
	[tilespmem:s20+$0x660] =	vst v24  }
0x20f: {  	v56 =	vld [tilespmem:s20+$0x4670];
	v23 =	vmul.f32 v49, v45;
	[tilespmem:s20+$0x630] =	vst v20  }
0x210: {  	v57 =	vld [tilespmem:s20+$0x680];
	v18 =	vmul.f32 v50, v45;
	[tilespmem:s20+$0x4630] =	vst v19  }
0x211: {  	v58 =	vld [tilespmem:s20+$0x4680];
	v62 =	vperm.xlane v16, v11;
	v21 =	vmul.f32 v51, v45;
	[tilespmem:s20+$0x640] =	vst v23  }
0x212: {  	v31 =	vld [tilespmem:s20+$0x46C0];
	v22 =	vmul.f32 v52, v45;
	[tilespmem:s20+$0x4640] =	vst v18  }
0x213: {  	v61 =	vld [tilespmem:s20+$0x6A0];
	v24 =	vmul.f32 v60, v62;
	[tilespmem:s20+$0x650] =	vst v21  }
0x214: {  	v63 =	vld [tilespmem:s20+$0x46A0];
	[tilespmem:s20+$0x4650] =	vst v22;
	v20 =	vmul.f32 v54, v45  }
0x215: {  	v32 =	vld [tilespmem:s20+$0x6D0];
	v19 =	vmul.f32 v55, v45;
	[tilespmem:s20+$0x4690] =	vst v24  }
0x216: {  	v29 =	vld [tilespmem:s20+$0x46B0];
	v23 =	vmul.f32 v56, v45;
	[tilespmem:s20+$0x4660] =	vst v20  }
0x217: {  	v30 =	vld [tilespmem:s20+$0x6C0];
	v18 =	vmul.f32 v57, v62;
	[tilespmem:s20+$0x670] =	vst v19  }
0x218: {  	v28 =	vld [tilespmem:s20+$0x6B0];
	v21 =	vmul.f32 v58, v62;
	[tilespmem:s20+$0x4670] =	vst v23  }
0x219: {  	v38 =	vld [tilespmem:s20+$0x700];
	v22 =	vmul.f32 v59, v62;
	[tilespmem:s20+$0x680] =	vst v18  }
0x21a: {  	v33 =	vld [tilespmem:s20+$0x46D0];
	v24 =	vmul.f32 v32, v62;
	[tilespmem:s20+$0x4680] =	vst v21  }
0x21b: {  	v34 =	vld [tilespmem:s20+$0x6E0];
	[tilespmem:s20+$0x690] =	vst v22;
	v20 =	vmul.f32 v61, v62  }
0x21c: {  	v39 =	vld [tilespmem:s20+$0x4700];
	v19 =	vmul.f32 v63, v62;
	[tilespmem:s20+$0x6D0] =	vst v24  }
0x21d: {  	v35 =	vld [tilespmem:s20+$0x46E0];
	v23 =	vmul.f32 v28, v62;
	[tilespmem:s20+$0x6A0] =	vst v20  }
0x21e: {  	v36 =	vld [tilespmem:s20+$0x6F0];
	v18 =	vmul.f32 v29, v62;
	[tilespmem:s20+$0x46A0] =	vst v19  }
0x21f: {  	v16 =	vperm.xlane v16, v12;
	v37 =	vld [tilespmem:s20+$0x46F0];
	v21 =	vmul.f32 v30, v62;
	[tilespmem:s20+$0x6B0] =	vst v23  }
0x220: {  	v46 =	vld [tilespmem:s20+$0x740];
	v22 =	vmul.f32 v31, v62;
	[tilespmem:s20+$0x46B0] =	vst v18  }
0x221: {  	v40 =	vld [tilespmem:s20+$0x710];
	v24 =	vmul.f32 v39, v16;
	[tilespmem:s20+$0x6C0] =	vst v21  }
0x222: {  	v41 =	vld [tilespmem:s20+$0x4710];
	[tilespmem:s20+$0x46C0] =	vst v22;
	v20 =	vmul.f32 v33, v62  }
0x223: {  	v42 =	vld [tilespmem:s20+$0x720];
	v19 =	vmul.f32 v34, v62;
	[tilespmem:s20+$0x4700] =	vst v24  }
0x224: {  	v56 =	vld [tilespmem:s20+$0x790];
	v23 =	vmul.f32 v35, v62;
	[tilespmem:s20+$0x46D0] =	vst v20  }
0x225: {  	v58 =	vld [tilespmem:s20+$0x7A0];
	v18 =	vmul.f32 v36, v62;
	[tilespmem:s20+$0x6E0] =	vst v19  }
0x226: {  	v59 =	vld [tilespmem:s20+$0x47A0];
	v21 =	vmul.f32 v37, v62;
	[tilespmem:s20+$0x46E0] =	vst v23  }
0x227: {  	v43 =	vld [tilespmem:s20+$0x4720];
	v22 =	vmul.f32 v38, v16;
	[tilespmem:s20+$0x6F0] =	vst v18  }
0x228: {  	v44 =	vld [tilespmem:s20+$0x730];
	v24 =	vmul.f32 v46, v16;
	[tilespmem:s20+$0x46F0] =	vst v21  }
0x229: {  	v53 =	vld [tilespmem:s20+$0x4770];
	v60 =	vmul.f32 v56, v17;
	[tilespmem:s20+$0x700] =	vst v22  }
0x22a: {  	v47 =	vld [tilespmem:s20+$0x4740];
	v62 =	vmul.f32 v58, v17;
	[tilespmem:s20+$0x740] =	vst v24  }
0x22b: {  	v48 =	vld [tilespmem:s20+$0x750];
	v63 =	vmul.f32 v59, v17;
	[tilespmem:s20+$0x790] =	vst v60  }
0x22c: {  	v45 =	vld [tilespmem:s20+$0x4730];
	v20 =	vmul.f32 v40, v16;
	[tilespmem:s20+$0x7A0] =	vst v62  }
0x22d: {  	v49 =	vld [tilespmem:s20+$0x4750];
	v19 =	vmul.f32 v41, v16;
	[tilespmem:s20+$0x47A0] =	vst v63  }
0x22e: {  	v50 =	vld [tilespmem:s20+$0x760];
	v23 =	vmul.f32 v42, v16;
	[tilespmem:s20+$0x710] =	vst v20  }
0x22f: {  	v51 =	vld [tilespmem:s20+$0x4760];
	v18 =	vmul.f32 v43, v16;
	[tilespmem:s20+$0x4710] =	vst v19  }
0x230: {  	v52 =	vld [tilespmem:s20+$0x770];
	v21 =	vmul.f32 v44, v16;
	[tilespmem:s20+$0x720] =	vst v23  }
0x231: {  	v22 =	vmul.f32 v45, v16;
	[tilespmem:s20+$0x4720] =	vst v18  }
0x232: {  	[tilespmem:s20+$0x730] =	vst v21;
	v20 =	vmul.f32 v47, v16  }
0x233: {  	[tilespmem:s20+$0x4730] =	vst v22;
	v19 =	vmul.f32 v48, v16;
	v23 =	vmul.f32 v49, v16  }
0x234: {  	v54 =	vld [tilespmem:s20+$0x780];
	v18 =	vmul.f32 v50, v16;
	v21 =	vmul.f32 v51, v16;
	[tilespmem:s20+$0x4740] =	vst v20  }
0x235: {  	v55 =	vld [tilespmem:s20+$0x4780];
	v22 =	vmul.f32 v52, v16;
	v16 =	vmul.f32 v53, v16;
	[tilespmem:s20+$0x750] =	vst v19  }
0x236: {  	v57 =	vld [tilespmem:s20+$0x4790];
	[tilespmem:s20+$0x4750] =	vst v23  }
0x237: {  	[tilespmem:s20+$0x4770] =	vst v16;
	v16 =	vld [tilespmem:s20+$0x7B0]  }
0x238: {  	v61 =	vld [tilespmem:s20+$0x47B0];
	[tilespmem:s20+$0x760] =	vst v18  }
0x239: {  	[tilespmem:s20+$0x4760] =	vst v21;
	v20 =	vmul.f32 v54, v17  }
0x23a: {  	[tilespmem:s20+$0x770] =	vst v22;
	v19 =	vmul.f32 v55, v17  }
0x23b: {  	v18 =	vmul.f32 v57, v17;
	[tilespmem:s20+$0x780] =	vst v20  }
0x23c: {  	[tilespmem:s20+$0x4780] =	vst v19;
	v16 =	vmul.f32 v16, v17  }
0x23d: {  	[tilespmem:s20+$0x4790] =	vst v18;
	v17 =	vmul.f32 v61, v17  }
0x23e: {  	s19 =	sshll.u32 s19, $0x5;
	[tilespmem:s20+$0x7B0] =	vst v16  }
0x23f: {  	s31 =	sadd.s32 s3, s19;
	[tilespmem:s20+$0x47B0] =	vst v17  }
0x240: {  	[hbm4b:s31+s16] =	stream.strided.scatter [tilespmem:s13], [sflag:$0x1], $0x4000, s17, s16, $0x38;
	[tilespmem:$0x8100] =	vst v63  }
0x241: {  	s18 =	sadd.s32 $0x1, s18;
	s19 =	sadd.s32 s19, s9  }
0x242: {  	[hbm4b:s19+s16] =	stream.strided.scatter [tilespmem:s14], [sflag:$0x1], $0x4000, s17, s16, $0x38;
	[tilespmem:$0x8100] =	vst v63  }
0x243: {  	p0 =	sne.s32 s18, $0x32;
	_ =	swait.ge [sflag:s15], $0x4000  }
.Ltmp1:
0x244: {  	[sflag:s15] =	ssyncset.done $0x0;
	(pc) =	sbr.rel @p0 .LBB2_2-.Ltmp1, $4  }
0x245: {  	[sflag:s15] =	ssyncadd.s32 $0xFFFFC000  }
0x246: {  	_ =	swait.ge [sflag:s15], $0x4000  }
0x247: {  	[sflag:s15] =	ssyncset.done $0x0  }
0x248: {  	[sflag:s15] =	ssyncadd.s32 $0xFFFFC000  }
0x249: {  	s5 =	sadd.s32 $0x1, s5  }
0x24a: {  	p0 =	sne.s32 s5, s10  }
.Ltmp2:
0x24b: {  	_ = 	snop;
	(pc) =	sbr.rel @p0 .LBB2_1-.Ltmp2, $1  }
0x24c: {  	_ =	sdelay $0x3  }
0x24d: {  	_ =	sfence.sel $0x180000  }
0x24e: {  	[bflag:$0x0] =	sbarrier.arrive $0xFFFF  }
0x24f: {  	p0 =	sne.s32 s4, $0x0;
	_ =	strace $0x90000047  }
0x250: {  	s0 =	sadd.s32 @!p0 $0x100000, s0;
	[bflag:$0x2] =	sbarrier.arrive $0xFFFF  }
0x251: {  	[sflag:s0] =	ssyncadd.tile.s32 @!p0 $0x1;
	_ =	shalt  }
.Lfunc_end2:
_tile_overlayer_lowered:
.L_overlay_start_2:
0x252: {  	(tag) =	ssettag $0x2  }
0x253: {  	s0 =	rddreg [dreg:$0x0];
	s2 =	stileid.u32  }
0x254: {  	s1 =	rddreg [dreg:$0x1];
	p0 =	sne.s32 s2, $0x0  }
0x255: {  	s3 =	rddreg [dreg:$0x2];
	[bflag:$0x3] =	sbarrier.arrive $0xFFFF;
	s2 =	simm.s32 @!p0 $0x1C02  }
0x256: {  	[timem:s3], [sflag:s2] =	dma.local @!p0 [hbm:s0], s1  }
0x257: {  	s0 =	simm.s32 @!p0 $0x2  }
0x258: {  	_ =	swait.ge @!p0 [sflag:s0], s1  }
0x259: {  	s1 =	ssub.s32 @!p0 $0x0, s1;
	[sflag:s0] =	ssyncset.done @!p0 $0x0  }
0x25a: {  	[sflag:s0] =	ssyncadd.s32 @!p0 s1  }
0x25b: {  	[bflag:$0x3] =	sbarrier.arrive $0xFFFF  }
0x25c: {  	_ =	shalt  }

// kernel: sparse-core-data-format-call.cloned.1.call-start
scs
called_computation_lowered:
.L_overlay_start_0:
0x0: {  	s2 =	sld [smem:$0x3FD9]  }
0x1: {  	s3 =	sld [smem:$0x3FFE];
	_ =	sdelay $0x1  }
0x2: {  	s1 =	srdreg.scid  }
0x3: {  	s0 =	sand.u32 $0x1, s1  }
0x4: {  	s18 =	sshll.u32 s0, $0xA;
	s2 =	sadd.s32 s3, s2  }
0x5: {  	s2 =	sadd.s32 s2, s18  }
0x6: {  	[smem:$0x3FC4] =	sst s2  }
0x7: {  	_ = 	snop  }
0x8: {  	s2 =	sld [smem:$0x3FD0];
	(tm) =	ssettm $0x1  }
0x9: {  	s19 =	sld [smem:$0x3FFB];
	_ =	sdelay $0x3  }
0xa: {  	_ =	strace s19  }
0xb: {  	s3 =	sld [smem:$0x3FFC];
	_ =	sdelay $0x3  }
0xc: {  	_ =	strace s3  }
0xd: {  	s3 =	sld [smem:$0x3FFD];
	_ =	sdelay $0x3  }
0xe: {  	_ =	strace s3  }
0xf: {  	_ =	strace $0x8FFFFFFF  }
0x10: {  	s20 =	sld [smem:$0x3FDB];
	_ =	sdelay $0x1  }
0x11: {  	s4 =	simm.s32 $_scs_section_size  }
0x12: {  	s5 =	simm.s32 $_size__tile_overlayer_lowered;
	s6 =	simm.s32 $_tile_overlayer_lowered  }
0x13: {  	s23 =	simm.s32 $0x1BFF;
	s22 =	sshll.u32 s6, $0x1;
	s3 =	sadd.s32 s4, s20  }
0x14: {  	s7 =	simm.s32 $0x0;
	s21 =	sshll.u32 s5, $0x1;
	s5 =	sadd.s32 s22, s3  }
0x15: {  	[timem:s7], [sflag:s23] =	dma.local [hbm:s5], s21  }
0x16: {  	_ =	swait.ge [sflag:s23], s21  }
0x17: {  	s4 =	ssub.s32 $0x0, s21;
	[sflag:s23] =	ssyncset.done $0x0  }
0x18: {  	[sflag:s23] =	ssyncadd.s32 s4;
	_ =	sdelay $0x1  }
0x19: {  	s24 =	simm.s32 $0x1B8B  }
0x1a: {  	_ =	swait.ge [sflag:s24], $0x1  }
0x1b: {  	[sflag:s24] =	ssyncset.done $0x0  }
0x1c: {  	s26 =	simm.s32 $0x1B8E;
	s25 =	sld [smem:$0x3FFE];
	[sflag:s24] =	ssyncadd.s32 $0xFFFFFFFF  }
0x1d: {  	s27 =	simm.s32 $execute0_lowered;
	[smem:$0x3FD2] =	sst s26  }
0x1e: {  	s5 =	sshll.u32 s27, $0x1;
	_ =	strace $0x80000049;
	[dreg:$0x1] =	wrdreg $0xFFFFFFFF  }
0x1f: {  	s28 =	simm.s32 $_size_execute0_lowered;
	s3 =	sadd.s32 s3, s5;
	[dreg:$0x0] =	wrdreg $0x0  }
0x20: {  	s5 =	sshll.u32 s28, $0x1;
	[dreg:$0x2] =	wrdreg s3  }
0x21: {  	[dreg:$0x3] =	wrdreg s5  }
0x22: {  	[dreg:$0x4] =	wrdreg $0xC0  }
0x23: {  	_ =	task [dreg:s7], $0x5FFFF  }
0x24: {  	[dreg:$0x1] =	wrdreg $0xFFFFFFFF  }
0x25: {  	[dreg:$0x0] =	wrdreg $0x60  }
0x26: {  	[dreg:$0x2] =	wrdreg s25  }
0x27: {  	[dreg:$0x3] =	wrdreg s2  }
0x28: {  	[dreg:$0x4] =	wrdreg $0x9  }
0x29: {  	_ =	task.clear_ibuf [dreg:s7], $0x5FFFF;
	_ =	strace $0x90000049  }
0x2a: {  	s29 =	simm.s32 $0x9;
	_ =	strace $0x8000004B  }
0x2b: {  	_ =	swait.ge [sflag:s29], $0x1  }
0x2c: {  	[sflag:s29] =	ssyncadd.s32 $0xFFFFFFFF  }
0x2d: {  	_ =	strace $0x9000004B  }
0x2e: {  	_ =	sfence  }
0x2f: {  	s30 =	sld [smem:$0x0];
	_ =	sdelay $0x2  }
0x30: {  	s31 =	sshll.u32 s1, $0xD;
	s1 =	sshrl.u32 s1, $0x2  }
0x31: {  	s3 =	sand.u32 $0x4000, s31;
	s1 =	sadd.s32 s1, s30  }
0x32: {  	s0 =	sor.u32 s3, s0;
	s1 =	sshll.u32 s1, $0x11  }
0x33: {  	s0 =	sor.u32 s1, s0  }
0x34: {  	s0 =	sadd.s32 $0x8F2B, s0  }
0x35: {  	[sflag:s0] =	ssyncadd.remote.s32 $0x1  }
0x36: {  	_ =	sfence.sel $0xFFFF  }
0x37: {  	[dreg:$0x0] =	wrdreg $0xFFFFFFFF;
	(pc) =	sbr.abs _section_cstart, $3  }
0x38: {  	[dreg:$0x1] =	wrdreg $0xFFFFFFFF  }
0x39: {  	_ =	task.clear_ibuf [dreg:s7], $0x2FFFF;
	_ =	strace $0x9FFFFFFF  }
0x3a: {  	(tm) =	ssettm $0x7FFFFFFF  }
0x3b: {  	_ =	shalt  }
tec
execute0_lowered:
.L_overlay_start_1:
0x0: {  	(tag) =	ssettag $0x1  }
0x1: {  	s0 =	srdreg.scid  }
0x2: {  	s1 =	sshll.u32 s0, $0x4  }
0x3: {  	s6 =	rddreg [dreg:$0x0];
	s0 =	stileid.u32;
	s1 =	sand.u32 $0x10, s1  }
0x4: {  	s3 =	rddreg [dreg:$0x1];
	s1 =	sor.u32 s0, s1  }
0x5: {  	s5 =	simm.s32 $0x1;
	s31 =	simm.s32 $0x2;
	s2 =	sshll.u32 s1, $0x7  }
0x6: {  	s14 =	simm.s32 $0x0;
	s8 =	simm.s32 $0x800;
	s4 =	ssub.s32 $0x1000, s2  }
0x7: {  	s9 =	simm.s32 $0x0;
	s15 =	simm.s32 $0x0;
	s30 =	sand.u32 $0xF80, s4  }
0x8: {  	s16 =	simm.s32 $0x0;
	s10 =	simm.s32 $0x0;
	p0 =	sne.s32 s30, $0x0  }
.Ltmp0:
0x9: {  	s7 =	sshrl.u32 s4, $0xC;
	s5 =	simm.s32 @!p0 $0x0;
	(pc) =	sbr.rel .LBB1_1-.Ltmp0, $4  }
0xa: {  	s11 =	simm.s32 $0x0;
	s1 =	rddreg [dreg:$0x2];
	s5 =	sadd.s32 s5, s7  }
0xb: {  	_ =	strace $0x8000004A;
	s4 =	simm.s32 $0x1;
	s5 =	smul.u32 $0x64, s5  }
0xc: {  	s13 =	simm.s32 $0x0;
	s6 =	sadd.s32 $0x800, s6;
	[sflag:s4] =	ssyncpa.u1 $0x0  }
0xd: {  	s12 =	smov.u32 s2;
	[sflag:s31] =	ssyncpa.u1 $0x0;
	s7 =	sor.u32 $0x1, s5  }
.LBB1_4:
0xe: {  	_ =	sdelay $0x3  }
0xf: {  	[tilespmem:v0+s19+$0xFFFFFFD0 ss:$0x1] =	vst.idx.msk $0xffff, v6  }
0x10: {  	v56 =	vld.idx.msk [tilespmem:v1+s18+$0x0 ss:$0x1], $0xffff;
	[tilespmem:v0+s19+$0xFFFFFFE0 ss:$0x1] =	vst.idx.msk $0xffff, v4  }
0x11: {  	v57 =	vld.idx.msk [tilespmem:v1+s18+$0xFFFFFF90 ss:$0x1], $0xffff;
	[tilespmem:v0+s19+$0xFFFFFFF0 ss:$0x1] =	vst.idx.msk $0xffff, v2  }
0x12: {  	v58 =	vld.idx.msk [tilespmem:v1+s18+$0xFFFFFFA0 ss:$0x1], $0xffff;
	[tilespmem:v0+s19+$0x0 ss:$0x1] =	vst.idx.msk $0xffff, v3  }
0x13: {  	v59 =	vld.idx.msk [tilespmem:v1+s18+$0xFFFFFFB0 ss:$0x1], $0xffff;
	[tilespmem:v0+s19+$0x10 ss:$0x1] =	vst.idx.msk $0xffff, v5  }
0x14: {  	v60 =	vld.idx.msk [tilespmem:v1+s18+$0xFFFFFFC0 ss:$0x1], $0xffff;
	[tilespmem:v0+s19+$0x20 ss:$0x1] =	vst.idx.msk $0xffff, v7  }
0x15: {  	v61 =	vld.idx.msk [tilespmem:v1+s18+$0xFFFFFFD0 ss:$0x1], $0xffff;
	s27 =	sshll.u32 s16, $0x8;
	[tilespmem:v0+s18+$0x30 ss:$0x1] =	vst.idx.msk $0xffff, v56  }
0x16: {  	s20 =	sshll.u32 s14, $0x3;
	v62 =	vld.idx.msk [tilespmem:v1+s18+$0xFFFFFFE0 ss:$0x1], $0xffff;
	s28 =	sshll.u32 s16, $0x7;
	s30 =	sand.u32 $0x78, s14;
	[tilespmem:v0+s18+$0xFFFFFFC0 ss:$0x1] =	vst.idx.msk $0xffff, v57  }
0x17: {  	v63 =	vld.idx.msk [tilespmem:v1+s18+$0xFFFFFFF0 ss:$0x1], $0xffff;
	s15 =	sshll.u32 s15, $0x11;
	s19 =	sand.u32 $0xFF800, s27;
	s20 =	sand.u32 $0xFFC00, s20;
	[tilespmem:v0+s18+$0xFFFFFFD0 ss:$0x1] =	vst.idx.msk $0xffff, v58  }
0x18: {  	s29 =	sand.u32 $0x300, s28;
	s16 =	sand.u32 $0x80, s28;
	s19 =	sadd.s32 s19, s20;
	[tilespmem:v0+s18+$0xFFFFFFE0 ss:$0x1] =	vst.idx.msk $0xffff, v59  }
0x19: {  	s31 =	sand.u32 $0x7, s14;
	s16 =	sor.u32 s16, s30;
	s19 =	sor.u32 s29, s19;
	[tilespmem:v0+s18+$0xFFFFFFF0 ss:$0x1] =	vst.idx.msk $0xffff, v60  }
0x1a: {  	s15 =	sadd.s32 s3, s15;
	s16 =	sshrl.u32 s16, $0x3;
	s19 =	sshrl.u32 s19, $0x3;
	[tilespmem:v0+s18+$0x0 ss:$0x1] =	vst.idx.msk $0xffff, v61  }
0x1b: {  	s14 =	sshll.u32 s31, $0x12;
	s15 =	sadd.s32 s16, s15;
	[tilespmem:v0+s18+$0x10 ss:$0x1] =	vst.idx.msk $0xffff, v62;
	s19 =	sand.u32 $0x1FFE0, s19  }
0x1c: {  	s14 =	sor.u32 $0x400, s14;
	[tilespmem:v0+s18+$0x20 ss:$0x1] =	vst.idx.msk $0xffff, v63;
	s15 =	sadd.s32 s19, s15  }
0x1d: {  	[hbm4b:s15+s14] =	stream.strided.scatter [tilespmem:s17], [sflag:$0x2], $0x4000, s8, s14, $0x38;
	[tilespmem:$0x10000] =	vst v63  }
.LBB1_5:
0x1e: {  	s17 =	sadd.s32 $0x80, s10  }
0x1f: {  	s14 =	simm.s32 $0x1;
	p1 =	sgt.s32 s17, $0xFF  }
0x20: {  	s14 =	simm.s32 @!p1 $0x0  }
0x21: {  	s18 =	sadd.s32 s14, s11  }
0x22: {  	s20 =	smov.u32 s12;
	s14 =	sadd.s32 $0x1000, s12;
	p2 =	sgt.s32 s18, $0x31  }
0x23: {  	s20 =	smov.u32 @p2 s14  }
0x24: {  	p0 =	slt.u32 s13, $0x2;
	s17 =	simm.s32 @p1 $0x0;
	p1 =	sgt.s32 s20, $0xFFF  }
0x25: {  	s19 =	simm.s32 @!p0 $0x2;
	s20 =	smov.u32 @p1 s2;
	p1 =	sne.s32 s13, s7  }
.Ltmp1:
0x26: {  	_ =	swait.ge @!p0 [sflag:s19], $0x4000;
	(pc) =	sbr.rel @!p1 .LBB1_6-.Ltmp1, $4  }
0x27: {  	s15 =	smov.u32 s11;
	[sflag:s19] =	ssyncset.done @!p0 $0x0  }
0x28: {  	s16 =	smov.u32 s12;
	s9 =	sadd.s32 $0x4000, s9;
	[sflag:s19] =	ssyncadd.s32 @!p0 $0xFFFFC000  }
0x29: {  	s18 =	simm.s32 @p2 $0x0;
	s14 =	smov.u32 s10;
	s10 =	smov.u32 s17  }
0x2a: {  	s11 =	smov.u32 s18;
	s13 =	sadd.s32 $0x1, s13;
	s12 =	smov.u32 s20  }
.LBB1_1:
0x2b: {  	p0 =	sge.u32 s13, s5  }
0x2c: {  	s17 =	sshll.u32 @!p0 s11, $0x8;
	s18 =	sshll.u32 @!p0 s10, $0x3  }
0x2d: {  	s19 =	sshll.u32 @!p0 s11, $0x7;
	s17 =	sand.u32 @!p0 $0xFFFFF800, s17;
	s18 =	sand.u32 @!p0 $0xFFFFFC00, s18  }
0x2e: {  	s17 =	sadd.s32 @!p0 s17, s18;
	s18 =	sand.u32 @!p0 $0x300, s19  }
0x2f: {  	s17 =	sor.u32 @!p0 s18, s17  }
0x30: {  	s17 =	sshrl.u32 @!p0 s17, $0x8  }
0x31: {  	s31 =	sadd.s32 $0xFFFFFFFF, s13;
	s18 =	smulhi.u32 @!p0 $0x4924925, s17  }
0x32: {  	s20 =	sxor.u32 @!p0 $0xFFFFFFFF, s13;
	s21 =	sand.u32 @!p0 $0x78, s10;
	s22 =	smul.u32 @!p0 $0x700, s12  }
0x33: {  	s20 =	sshll.u32 @!p0 s20, $0xE;
	s19 =	sand.u32 @!p0 $0x80, s19;
	s18 =	smul.u32 @!p0 $0x38, s18  }
0x34: {  	s20 =	sand.u32 @!p0 $0x4000, s20;
	s19 =	sor.u32 @!p0 s21, s19;
	s21 =	sand.u32 @!p0 $0x7, s10  }
0x35: {  	s17 =	ssub.s32 @!p0 s17, s18;
	s18 =	sshrl.u32 @!p0 s19, $0x3;
	s19 =	sadd.s32 @!p0 s6, s22  }
0x36: {  	s17 =	sshll.u32 @!p0 s17, $0x5;
	s18 =	sadd.s32 @!p0 s18, s19;
	s19 =	sshll.u32 @!p0 s21, $0x12  }
0x37: {  	s17 =	sadd.s32 @!p0 s17, s18;
	s18 =	sor.u32 @!p0 $0x80, s19;
	s19 =	simm.s32 @!p0 $0x3800  }
0x38: {  	[tilespmem:s20], [sflag:$0x1] =	stream.strided.gather @!p0 [hbm4b:s17+s18], $0x4000, s19, s18, $0x38;
	[tilespmem:$0x10000] =	vst v63  }
0x39: {  	p0 =	sge.u32 s31, s5  }
.Ltmp2:
0x3a: {  	_ = 	snop;
	(pc) =	sbr.rel @p0 .LBB1_5-.Ltmp2, $1  }
0x3b: {  	_ =	sdelay $0x3  }
0x3c: {  	s17 =	sand.u32 $0x4000, s9  }
0x3d: {  	s18 =	sor.u32 $0x70, s17  }
0x3e: {  	v1 =	vmov s18;
	_ =	sdelay $0x1  }
0x3f: {  	_ =	swait.ge [sflag:s4], $0x4000  }
0x40: {  	[sflag:s4] =	ssyncset.done $0x0  }
0x41: {  	s19 =	simm.s32 $0x0;
	[sflag:s4] =	ssyncadd.s32 $0xFFFFC000  }
0x42: {  	s17 =	sor.u32 $0x8040, s17;
	v7 =	vld.idx.msk [tilespmem:v1+s19+$0x0 ss:$0x1], $0xffff  }
0x43: {  	v0 =	vmov s17;
	v8 =	vld.idx.msk [tilespmem:v1+s19+$0xFFFFFF90 ss:$0x1], $0xffff  }
0x44: {  	v6 =	vld.idx.msk [tilespmem:v1+s19+$0xFFFFFFA0 ss:$0x1], $0xffff  }
0x45: {  	v4 =	vld.idx.msk [tilespmem:v1+s19+$0xFFFFFFB0 ss:$0x1], $0xffff  }
0x46: {  	v2 =	vld.idx.msk [tilespmem:v1+s19+$0xFFFFFFC0 ss:$0x1], $0xffff  }
0x47: {  	s31 =	sshll.u32 s13, $0xE;
	v3 =	vld.idx.msk [tilespmem:v1+s19+$0xFFFFFFD0 ss:$0x1], $0xffff  }
0x48: {  	s17 =	sand.u32 $0x4000, s31;
	v5 =	vld.idx.msk [tilespmem:v1+s19+$0xFFFFFFE0 ss:$0x1], $0xffff;
	[tilespmem:v0+s19+$0x30 ss:$0x1] =	vst.idx.msk $0xffff, v7  }
0x49: {  	s20 =	simm.s32 $0x400;
	s18 =	simm.s32 $0x80;
	s17 =	sor.u32 $0x8000, s17;
	[tilespmem:v0+s19+$0xFFFFFFC0 ss:$0x1] =	vst.idx.msk $0xffff, v8;
	v7 =	vld.idx.msk [tilespmem:v1+s19+$0xFFFFFFF0 ss:$0x1], $0xffff  }
.LBB1_3:
0x4a: {  	p0 =	sne.s32 s20, $0xFE00;
	v8 =	vld.idx.msk [tilespmem:v1+s18+$0x0 ss:$0x1], $0xffff;
	[tilespmem:v0+s19+$0xFFFFFFD0 ss:$0x1] =	vst.idx.msk $0xffff, v6  }
0x4b: {  	v9 =	vld.idx.msk [tilespmem:v1+s18+$0xFFFFFF90 ss:$0x1], $0xffff;
	[tilespmem:v0+s19+$0xFFFFFFE0 ss:$0x1] =	vst.idx.msk $0xffff, v4  }
0x4c: {  	v6 =	vld.idx.msk [tilespmem:v1+s18+$0xFFFFFFA0 ss:$0x1], $0xffff;
	[tilespmem:v0+s19+$0xFFFFFFF0 ss:$0x1] =	vst.idx.msk $0xffff, v2  }
.Ltmp3:
0x4d: {  	v4 =	vld.idx.msk [tilespmem:v1+s18+$0xFFFFFFB0 ss:$0x1], $0xffff;
	[tilespmem:v0+s19+$0x0 ss:$0x1] =	vst.idx.msk $0xffff, v3;
	(pc) =	sbr.rel @p0 .LBB1_3-.Ltmp3, $4  }
0x4e: {  	v2 =	vld.idx.msk [tilespmem:v1+s18+$0xFFFFFFC0 ss:$0x1], $0xffff;
	[tilespmem:v0+s19+$0x10 ss:$0x1] =	vst.idx.msk $0xffff, v5  }
0x4f: {  	v3 =	vld.idx.msk [tilespmem:v1+s18+$0xFFFFFFD0 ss:$0x1], $0xffff;
	[tilespmem:v0+s19+$0x20 ss:$0x1] =	vst.idx.msk $0xffff, v7;
	s19 =	smov.u32 s18  }
0x50: {  	v5 =	vld.idx.msk [tilespmem:v1+s19+$0xFFFFFFE0 ss:$0x1], $0xffff;
	[tilespmem:v0+s19+$0x30 ss:$0x1] =	vst.idx.msk $0xffff, v8  }
0x51: {  	s18 =	sshra.s32 s20, $0x2;
	s20 =	sadd.s32 $0x200, s20;
	[tilespmem:v0+s19+$0xFFFFFFC0 ss:$0x1] =	vst.idx.msk $0xffff, v9;
	v7 =	vld.idx.msk [tilespmem:v1+s19+$0xFFFFFFF0 ss:$0x1], $0xffff  }
.Ltmp4:
0x52: {  	_ = 	snop;
	(pc) =	sbr.rel .LBB1_4-.Ltmp4, $1  }
0x53: {  	_ =	sdelay $0x3  }
.LBB1_6:
0x54: {  	_ =	sfence.sel $0x180000  }
0x55: {  	s2 =	simm.s32 $0x1;
	[bflag:$0x0] =	sbarrier.arrive $0xFFFF  }
0x56: {  	s31 =	simm.s32 $0x2;
	[sflag:s2] =	ssyncpa.u1 $0x1  }
0x57: {  	[sflag:s31] =	ssyncpa.u1 $0x1  }
0x58: {  	p0 =	sne.s32 s0, $0x0;
	_ =	strace $0x9000004A  }
0x59: {  	s0 =	sadd.s32 @!p0 $0x100000, s1;
	[bflag:$0x2] =	sbarrier.arrive $0xFFFF  }
0x5a: {  	[sflag:s0] =	ssyncadd.tile.s32 @!p0 $0x1;
	_ =	shalt  }
.Lfunc_end1:
_tile_overlayer_lowered:
.L_overlay_start_2:
0x5b: {  	(tag) =	ssettag $0x2  }
0x5c: {  	s0 =	rddreg [dreg:$0x0];
	s2 =	stileid.u32  }
0x5d: {  	s1 =	rddreg [dreg:$0x1];
	p0 =	sne.s32 s2, $0x0  }
0x5e: {  	s3 =	rddreg [dreg:$0x2];
	[bflag:$0x3] =	sbarrier.arrive $0xFFFF;
	s2 =	simm.s32 @!p0 $0x1C01  }
0x5f: {  	[timem:s3], [sflag:s2] =	dma.local @!p0 [hbm:s0], s1  }
0x60: {  	s0 =	simm.s32 @!p0 $0x1  }
0x61: {  	_ =	swait.ge @!p0 [sflag:s0], s1  }
0x62: {  	s1 =	ssub.s32 @!p0 $0x0, s1;
	[sflag:s0] =	ssyncset.done @!p0 $0x0  }
0x63: {  	[sflag:s0] =	ssyncadd.s32 @!p0 s1  }
0x64: {  	[bflag:$0x3] =	sbarrier.arrive $0xFFFF  }
0x65: {  	_ =	shalt  }

</sc_bundles>
